<compile_context>
chip_gen: v7x
topology: tpu7x:2x2x1
jax: 0.10.2.dev20260603
libtpu: 0.0.44.dev20260713+nightly
codegen_flags: <defaults>
</compile_context>

<pallas_src>
import jax
import jax.numpy as jnp
from jax import lax
from jax.experimental import pallas as pl
from jax.experimental.pallas import tpu as pltpu
from jax.experimental.pallas import tpu_sc as plsc

B = 16384
NC = 2
NS = 16
NW = NC * NS
CHUNK = B // NW
L = 16
GSLICE = 128
NG = CHUNK // GSLICE


_LN2 = 0.6931471805599453


def _decode_bf16(t):
    s = lax.shift_right_logical(t, jnp.int32(15))
    e = lax.shift_right_logical(t, jnp.int32(7)) & jnp.int32(0xFF)
    m = t & jnp.int32(0x7F)
    mf = m.astype(jnp.float32)
    mant = jnp.where(e == 0, mf * (1.0 / 64.0), mf * (1.0 / 128.0) + 1.0)
    val = mant * jnp.exp((e - 127).astype(jnp.float32) * _LN2)
    return jnp.where(s == 1, -val, val)


def _tsbrnn_body(x_hbm, xid_hbm, z_hbm, p_hbm, pair_hbm,
                 y_hbm, zn_hbm, pn_hbm,
                 idx_v, pr_v, x_v, z_v, p_v,
                 y_v, zn_v, pn_v, sem_g, sem_s, sem_o):
    wid = lax.axis_index("s") * NC + lax.axis_index("c")
    base = wid * CHUNK
    blk = pl.ds(base, CHUNK)

    pltpu.sync_copy(xid_hbm.at[blk], idx_v)
    gathers = []
    for g in range(NG):
        sl = pl.ds(g * GSLICE, GSLICE)
        gathers.append(pltpu.async_copy(pair_hbm.at[idx_v.at[sl]], pr_v.at[sl], sem_g))
    stages = [pltpu.async_copy(x_hbm.at[blk], x_v, sem_s),
              pltpu.async_copy(z_hbm.at[blk], z_v, sem_s),
              pltpu.async_copy(p_hbm.at[blk], p_v, sem_s)]
    for cp in stages:
        cp.wait()
    for cp in gathers:
        cp.wait()

    for i in range(CHUNK // L):
        sl = pl.ds(i * L, L)
        t = pr_v[sl]
        a = _decode_bf16(lax.shift_right_logical(t, jnp.int32(16)))
        b = _decode_bf16(t & jnp.int32(0xFFFF))
        x = x_v[sl]
        z = z_v[sl]
        p = p_v[sl]
        nz = x != 0.0
        zn = jnp.where(nz, a * x + (1.0 - a) * z, z)
        pn = jnp.where(nz, b, 0.0) + (1.0 - b) * p
        y_v[sl] = zn * pn
        zn_v[sl] = zn
        pn_v[sl] = pn

    outs = [pltpu.async_copy(y_v, y_hbm.at[blk], sem_o),
            pltpu.async_copy(zn_v, zn_hbm.at[blk], sem_o),
            pltpu.async_copy(pn_v, pn_hbm.at[blk], sem_o)]
    for cp in outs:
        cp.wait()


@jax.jit
def _tsbrnn(x, xid, z, p, pair):
    mesh = plsc.VectorSubcoreMesh(
        core_axis_name="c", subcore_axis_name="s",
        num_cores=NC, num_subcores=NS)
    vec = jax.ShapeDtypeStruct((B,), jnp.float32)
    run = pl.kernel(
        _tsbrnn_body,
        out_type=(vec, vec, vec),
        mesh=mesh,
        scratch_types=[
            pltpu.VMEM((CHUNK,), jnp.int32),
            pltpu.VMEM((CHUNK,), jnp.int32),
            pltpu.VMEM((CHUNK,), jnp.float32),
            pltpu.VMEM((CHUNK,), jnp.float32),
            pltpu.VMEM((CHUNK,), jnp.float32),
            pltpu.VMEM((CHUNK,), jnp.float32),
            pltpu.VMEM((CHUNK,), jnp.float32),
            pltpu.VMEM((CHUNK,), jnp.float32),
            pltpu.SemaphoreType.DMA,
            pltpu.SemaphoreType.DMA,
            pltpu.SemaphoreType.DMA,
        ],
    )
    return run(x, xid, z, p, pair)


def kernel(X, X_id, Z, P, alpha, beta):
    a32 = lax.bitcast_convert_type(alpha[:, 0], jnp.uint32)
    b32 = lax.bitcast_convert_type(beta[:, 0], jnp.uint32)
    sh = jnp.uint32(16)
    a16 = lax.shift_right_logical(a32 + jnp.uint32(0x8000), sh)
    b16 = lax.shift_right_logical(b32 + jnp.uint32(0x8000), sh)
    pair = lax.bitcast_convert_type(
        lax.shift_left(a16, sh) | b16, jnp.int32)
    y, zn, pn = _tsbrnn(X[:, 0], X_id[:, 0], Z[:, 0], P[:, 0], pair)
    shp = X.shape
    return (y.reshape(shp), zn.reshape(shp), pn.reshape(shp))

# --- scband reference (transcript-rebuilt; emitter-appended) ---
"""Pipeline reference for scband-tsbrnn-44246753083693 (READ-ONLY COPY).

The authoritative reference and input builder live on the scoring server;
editing this copy changes nothing except your own understanding.
"""

import jax, jax.numpy as jnp
import numpy as np

N_TS = 1000000
B = 16384

def setup_inputs(seed: int = 0):
    key = jax.random.key(seed)
    k1, k2, k3, k4 = jax.random.split(key, 4)
    X = jax.random.normal(k1, (B, 1), dtype=jnp.float32)
    X_id = jax.random.randint(k2, (B, 1), 0, N_TS, dtype=jnp.int32)
    Z = jax.random.normal(k3, (B, 1), dtype=jnp.float32)
    P = jax.random.uniform(k4, (B, 1), dtype=jnp.float32)
    # learned parameters, initialized per the keras constant(0.05) initializer
    alpha = jnp.full((N_TS, 1), 0.05, dtype=jnp.float32)
    beta = jnp.full((N_TS, 1), 0.05, dtype=jnp.float32)
    return {"X": X, "X_id": X_id, "Z": Z, "P": P, "alpha": alpha, "beta": beta}

def reference(X, X_id, Z, P, alpha, beta):
    xid = X_id[:, 0]
    zeros_bool = jnp.equal(X, 0.0)
    zeros = zeros_bool.astype(jnp.float32)
    non_zeros = (~zeros_bool).astype(jnp.float32)
    a = jnp.take(alpha, xid, axis=0)
    b = jnp.take(beta, xid, axis=0)
    Z_next = a * X + (1.0 - a) * Z
    Z_next = Z_next * non_zeros + Z * zeros
    P_next = non_zeros * b + (1.0 - b) * P
    return (P_next * Z_next, Z_next, P_next)

if __name__ == "__main__":
    import jax
    _d = setup_inputs()
    print(jax.jit(kernel)(*tuple(_d.values())))

</pallas_src>

<mosaic_0001>
#map = affine_map<(d0, d1) -> (0)>
module attributes {stable_mosaic.version = 14 : i64} {
  func.func @_tsbrnn_body(%arg0: i32, %arg1: i32, %arg2: memref<16384xf32, #tpu.memory_space<hbm>>, %arg3: memref<16384xi32, #tpu.memory_space<hbm>>, %arg4: memref<16384xf32, #tpu.memory_space<hbm>>, %arg5: memref<16384xf32, #tpu.memory_space<hbm>>, %arg6: memref<1000000xi32, #tpu.memory_space<hbm>>, %arg7: memref<16384xf32, #tpu.memory_space<hbm>>, %arg8: memref<16384xf32, #tpu.memory_space<hbm>>, %arg9: memref<16384xf32, #tpu.memory_space<hbm>>, %arg10: memref<512xi32, #tpu.memory_space<vmem>>, %arg11: memref<512xi32, #tpu.memory_space<vmem>>, %arg12: memref<512xf32, #tpu.memory_space<vmem>>, %arg13: memref<512xf32, #tpu.memory_space<vmem>>, %arg14: memref<512xf32, #tpu.memory_space<vmem>>, %arg15: memref<512xf32, #tpu.memory_space<vmem>>, %arg16: memref<512xf32, #tpu.memory_space<vmem>>, %arg17: memref<512xf32, #tpu.memory_space<vmem>>, %arg18: memref<!tpu.dma_semaphore, #tpu.memory_space<semaphore_mem>>, %arg19: memref<!tpu.dma_semaphore, #tpu.memory_space<semaphore_mem>>, %arg20: memref<!tpu.dma_semaphore, #tpu.memory_space<semaphore_mem>>) attributes {dimension_semantics = [#tpu.dimension_semantics<core_parallel>, #tpu.dimension_semantics<subcore_parallel>], iteration_bounds = array<i64: 2, 16>, scalar_prefetch = 0 : i64, scratch_operands = 11 : i64, tpu.core_type = #tpu.core_type<sc_vector_subcore>, window_params = [{transform_indices = #map}, {transform_indices = #map}, {transform_indices = #map}, {transform_indices = #map}, {transform_indices = #map}, {transform_indices = #map}, {transform_indices = #map}, {transform_indices = #map}]} {
    %mul3A = arith.constant 2 : i32
    %mul3A_0 = arith.muli %arg1, %mul3A : i32
    %add3A = arith.addi %mul3A_0, %arg0 : i32
    %mul3A_1 = arith.constant 512 : i32
    %mul3A_2 = arith.muli %add3A, %mul3A_1 : i32
    "tpu.region"() ({
      %run_scoped3A = tpu.sem_alloc : memref<!tpu.dma_semaphore, #tpu.memory_space<semaphore_mem>>
      %dma_start3A_4316 = tpu.memref_slice %arg3[%mul3A_2] : memref<16384xi32, #tpu.memory_space<hbm>> -> memref<512xi32, #tpu.memory_space<hbm>>
      %dma_start3A_4317 = tpu.memref_slice %arg3[%mul3A_2] : memref<16384xi32, #tpu.memory_space<hbm>> -> memref<512xi32, #tpu.memory_space<hbm>>
      tpu.enqueue_dma source(%dma_start3A_4317 : memref<512xi32, #tpu.memory_space<hbm>>) target(%arg10 : memref<512xi32, #tpu.memory_space<vmem>>) target_semaphore(%run_scoped3A : memref<!tpu.dma_semaphore, #tpu.memory_space<semaphore_mem>>)
      %dma_wait3A_4318 = tpu.memref_slice %arg3[%mul3A_2] : memref<16384xi32, #tpu.memory_space<hbm>> -> memref<512xi32, #tpu.memory_space<hbm>>
      %dma_wait3A_4319 = tpu.memref_slice %arg3[%mul3A_2] : memref<16384xi32, #tpu.memory_space<hbm>> -> memref<512xi32, #tpu.memory_space<hbm>>
      tpu.wait_dma2 semaphore(%run_scoped3A : memref<!tpu.dma_semaphore, #tpu.memory_space<semaphore_mem>>) src(%dma_wait3A_4319 : memref<512xi32, #tpu.memory_space<hbm>>) dst(%arg10 : memref<512xi32, #tpu.memory_space<vmem>>)
      tpu.yield
    }) : () -> ()
    %dma_start3A = arith.constant 0 : i32
    %dma_start3A_3 = tpu.memref_slice %arg11[%dma_start3A] : memref<512xi32, #tpu.memory_space<vmem>> -> memref<128xi32, #tpu.memory_space<vmem>>
    %dma_start3A_4 = arith.constant 0 : i32
    %dma_start3A_5 = tpu.memref_slice %arg10[%dma_start3A_4] : memref<512xi32, #tpu.memory_space<vmem>> -> memref<128xi32, #tpu.memory_space<vmem>>
    %dma_start3A_6 = arith.constant 0 : i32
    %dma_start3A_7 = tpu.memref_slice %arg6[%dma_start3A_6] : memref<1000000xi32, #tpu.memory_space<hbm>> -> memref<1000000xi32, #tpu.memory_space<hbm>>
    tpu.enqueue_indirect_dma source(%dma_start3A_7 : memref<1000000xi32, #tpu.memory_space<hbm>>) target(%dma_start3A_3 : memref<128xi32, #tpu.memory_space<vmem>>) offsets(%dma_start3A_5 : memref<128xi32, #tpu.memory_space<vmem>>) semaphore(%arg18 : memref<!tpu.dma_semaphore, #tpu.memory_space<semaphore_mem>>)
    %dma_start3A_8 = arith.constant 128 : i32
    %dma_start3A_9 = tpu.memref_slice %arg11[%dma_start3A_8] : memref<512xi32, #tpu.memory_space<vmem>> -> memref<128xi32, #tpu.memory_space<vmem>>
    %dma_start3A_10 = arith.constant 128 : i32
    %dma_start3A_11 = tpu.memref_slice %arg10[%dma_start3A_10] : memref<512xi32, #tpu.memory_space<vmem>> -> memref<128xi32, #tpu.memory_space<vmem>>
    %dma_start3A_12 = arith.constant 0 : i32
    %dma_start3A_13 = tpu.memref_slice %arg6[%dma_start3A_12] : memref<1000000xi32, #tpu.memory_space<hbm>> -> memref<1000000xi32, #tpu.memory_space<hbm>>
    tpu.enqueue_indirect_dma source(%dma_start3A_13 : memref<1000000xi32, #tpu.memory_space<hbm>>) target(%dma_start3A_9 : memref<128xi32, #tpu.memory_space<vmem>>) offsets(%dma_start3A_11 : memref<128xi32, #tpu.memory_space<vmem>>) semaphore(%arg18 : memref<!tpu.dma_semaphore, #tpu.memory_space<semaphore_mem>>)
    %dma_start3A_14 = arith.constant 256 : i32
    %dma_start3A_15 = tpu.memref_slice %arg11[%dma_start3A_14] : memref<512xi32, #tpu.memory_space<vmem>> -> memref<128xi32, #tpu.memory_space<vmem>>
    %dma_start3A_16 = arith.constant 256 : i32
    %dma_start3A_17 = tpu.memref_slice %arg10[%dma_start3A_16] : memref<512xi32, #tpu.memory_space<vmem>> -> memref<128xi32, #tpu.memory_space<vmem>>
    %dma_start3A_18 = arith.constant 0 : i32
    %dma_start3A_19 = tpu.memref_slice %arg6[%dma_start3A_18] : memref<1000000xi32, #tpu.memory_space<hbm>> -> memref<1000000xi32, #tpu.memory_space<hbm>>
    tpu.enqueue_indirect_dma source(%dma_start3A_19 : memref<1000000xi32, #tpu.memory_space<hbm>>) target(%dma_start3A_15 : memref<128xi32, #tpu.memory_space<vmem>>) offsets(%dma_start3A_17 : memref<128xi32, #tpu.memory_space<vmem>>) semaphore(%arg18 : memref<!tpu.dma_semaphore, #tpu.memory_space<semaphore_mem>>)
    %dma_start3A_20 = arith.constant 384 : i32
    %dma_start3A_21 = tpu.memref_slice %arg11[%dma_start3A_20] : memref<512xi32, #tpu.memory_space<vmem>> -> memref<128xi32, #tpu.memory_space<vmem>>
    %dma_start3A_22 = arith.constant 384 : i32
    %dma_start3A_23 = tpu.memref_slice %arg10[%dma_start3A_22] : memref<512xi32, #tpu.memory_space<vmem>> -> memref<128xi32, #tpu.memory_space<vmem>>
    %dma_start3A_24 = arith.constant 0 : i32
    %dma_start3A_25 = tpu.memref_slice %arg6[%dma_start3A_24] : memref<1000000xi32, #tpu.memory_space<hbm>> -> memref<1000000xi32, #tpu.memory_space<hbm>>
    tpu.enqueue_indirect_dma source(%dma_start3A_25 : memref<1000000xi32, #tpu.memory_space<hbm>>) target(%dma_start3A_21 : memref<128xi32, #tpu.memory_space<vmem>>) offsets(%dma_start3A_23 : memref<128xi32, #tpu.memory_space<vmem>>) semaphore(%arg18 : memref<!tpu.dma_semaphore, #tpu.memory_space<semaphore_mem>>)
    %dma_start3A_26 = tpu.memref_slice %arg2[%mul3A_2] : memref<16384xf32, #tpu.memory_space<hbm>> -> memref<512xf32, #tpu.memory_space<hbm>>
    %dma_start3A_27 = tpu.memref_slice %arg2[%mul3A_2] : memref<16384xf32, #tpu.memory_space<hbm>> -> memref<512xf32, #tpu.memory_space<hbm>>
    tpu.enqueue_dma source(%dma_start3A_27 : memref<512xf32, #tpu.memory_space<hbm>>) target(%arg12 : memref<512xf32, #tpu.memory_space<vmem>>) target_semaphore(%arg19 : memref<!tpu.dma_semaphore, #tpu.memory_space<semaphore_mem>>)
    %dma_start3A_28 = tpu.memref_slice %arg4[%mul3A_2] : memref<16384xf32, #tpu.memory_space<hbm>> -> memref<512xf32, #tpu.memory_space<hbm>>
    %dma_start3A_29 = tpu.memref_slice %arg4[%mul3A_2] : memref<16384xf32, #tpu.memory_space<hbm>> -> memref<512xf32, #tpu.memory_space<hbm>>
    tpu.enqueue_dma source(%dma_start3A_29 : memref<512xf32, #tpu.memory_space<hbm>>) target(%arg13 : memref<512xf32, #tpu.memory_space<vmem>>) target_semaphore(%arg19 : memref<!tpu.dma_semaphore, #tpu.memory_space<semaphore_mem>>)
    %dma_start3A_30 = tpu.memref_slice %arg5[%mul3A_2] : memref<16384xf32, #tpu.memory_space<hbm>> -> memref<512xf32, #tpu.memory_space<hbm>>
    %dma_start3A_31 = tpu.memref_slice %arg5[%mul3A_2] : memref<16384xf32, #tpu.memory_space<hbm>> -> memref<512xf32, #tpu.memory_space<hbm>>
    tpu.enqueue_dma source(%dma_start3A_31 : memref<512xf32, #tpu.memory_space<hbm>>) target(%arg14 : memref<512xf32, #tpu.memory_space<vmem>>) target_semaphore(%arg19 : memref<!tpu.dma_semaphore, #tpu.memory_space<semaphore_mem>>)
    %dma_wait3A = tpu.memref_slice %arg2[%mul3A_2] : memref<16384xf32, #tpu.memory_space<hbm>> -> memref<512xf32, #tpu.memory_space<hbm>>
    %dma_wait3A_32 = tpu.memref_slice %arg2[%mul3A_2] : memref<16384xf32, #tpu.memory_space<hbm>> -> memref<512xf32, #tpu.memory_space<hbm>>
    tpu.wait_dma2 semaphore(%arg19 : memref<!tpu.dma_semaphore, #tpu.memory_space<semaphore_mem>>) src(%dma_wait3A_32 : memref<512xf32, #tpu.memory_space<hbm>>) dst(%arg12 : memref<512xf32, #tpu.memory_space<vmem>>)
    %dma_wait3A_33 = tpu.memref_slice %arg4[%mul3A_2] : memref<16384xf32, #tpu.memory_space<hbm>> -> memref<512xf32, #tpu.memory_space<hbm>>
    %dma_wait3A_34 = tpu.memref_slice %arg4[%mul3A_2] : memref<16384xf32, #tpu.memory_space<hbm>> -> memref<512xf32, #tpu.memory_space<hbm>>
    tpu.wait_dma2 semaphore(%arg19 : memref<!tpu.dma_semaphore, #tpu.memory_space<semaphore_mem>>) src(%dma_wait3A_34 : memref<512xf32, #tpu.memory_space<hbm>>) dst(%arg13 : memref<512xf32, #tpu.memory_space<vmem>>)
    %dma_wait3A_35 = tpu.memref_slice %arg5[%mul3A_2] : memref<16384xf32, #tpu.memory_space<hbm>> -> memref<512xf32, #tpu.memory_space<hbm>>
    %dma_wait3A_36 = tpu.memref_slice %arg5[%mul3A_2] : memref<16384xf32, #tpu.memory_space<hbm>> -> memref<512xf32, #tpu.memory_space<hbm>>
    tpu.wait_dma2 semaphore(%arg19 : memref<!tpu.dma_semaphore, #tpu.memory_space<semaphore_mem>>) src(%dma_wait3A_36 : memref<512xf32, #tpu.memory_space<hbm>>) dst(%arg14 : memref<512xf32, #tpu.memory_space<vmem>>)
    %dma_wait3A_37 = arith.constant 0 : i32
    %dma_wait3A_38 = tpu.memref_slice %arg11[%dma_wait3A_37] : memref<512xi32, #tpu.memory_space<vmem>> -> memref<128xi32, #tpu.memory_space<vmem>>
    %dma_wait3A_39 = arith.constant 0 : i32
    %dma_wait3A_40 = tpu.memref_slice %arg10[%dma_wait3A_39] : memref<512xi32, #tpu.memory_space<vmem>> -> memref<128xi32, #tpu.memory_space<vmem>>
    %dma_wait3A_41 = arith.constant 0 : i32
    %dma_wait3A_42 = tpu.memref_slice %arg6[%dma_wait3A_41] : memref<1000000xi32, #tpu.memory_space<hbm>> -> memref<1000000xi32, #tpu.memory_space<hbm>>
    tpu.wait_indirect_dma semaphore(%arg18 : memref<!tpu.dma_semaphore, #tpu.memory_space<semaphore_mem>>) src(%dma_wait3A_42 : memref<1000000xi32, #tpu.memory_space<hbm>>) dst(%dma_wait3A_38 : memref<128xi32, #tpu.memory_space<vmem>>)
    %dma_wait3A_43 = arith.constant 128 : i32
    %dma_wait3A_44 = tpu.memref_slice %arg11[%dma_wait3A_43] : memref<512xi32, #tpu.memory_space<vmem>> -> memref<128xi32, #tpu.memory_space<vmem>>
    %dma_wait3A_45 = arith.constant 128 : i32
    %dma_wait3A_46 = tpu.memref_slice %arg10[%dma_wait3A_45] : memref<512xi32, #tpu.memory_space<vmem>> -> memref<128xi32, #tpu.memory_space<vmem>>
    %dma_wait3A_47 = arith.constant 0 : i32
    %dma_wait3A_48 = tpu.memref_slice %arg6[%dma_wait3A_47] : memref<1000000xi32, #tpu.memory_space<hbm>> -> memref<1000000xi32, #tpu.memory_space<hbm>>
    tpu.wait_indirect_dma semaphore(%arg18 : memref<!tpu.dma_semaphore, #tpu.memory_space<semaphore_mem>>) src(%dma_wait3A_48 : memref<1000000xi32, #tpu.memory_space<hbm>>) dst(%dma_wait3A_44 : memref<128xi32, #tpu.memory_space<vmem>>)
    %dma_wait3A_49 = arith.constant 256 : i32
    %dma_wait3A_50 = tpu.memref_slice %arg11[%dma_wait3A_49] : memref<512xi32, #tpu.memory_space<vmem>> -> memref<128xi32, #tpu.memory_space<vmem>>
    %dma_wait3A_51 = arith.constant 256 : i32
    %dma_wait3A_52 = tpu.memref_slice %arg10[%dma_wait3A_51] : memref<512xi32, #tpu.memory_space<vmem>> -> memref<128xi32, #tpu.memory_space<vmem>>
    %dma_wait3A_53 = arith.constant 0 : i32
    %dma_wait3A_54 = tpu.memref_slice %arg6[%dma_wait3A_53] : memref<1000000xi32, #tpu.memory_space<hbm>> -> memref<1000000xi32, #tpu.memory_space<hbm>>
    tpu.wait_indirect_dma semaphore(%arg18 : memref<!tpu.dma_semaphore, #tpu.memory_space<semaphore_mem>>) src(%dma_wait3A_54 : memref<1000000xi32, #tpu.memory_space<hbm>>) dst(%dma_wait3A_50 : memref<128xi32, #tpu.memory_space<vmem>>)
    %dma_wait3A_55 = arith.constant 384 : i32
    %dma_wait3A_56 = tpu.memref_slice %arg11[%dma_wait3A_55] : memref<512xi32, #tpu.memory_space<vmem>> -> memref<128xi32, #tpu.memory_space<vmem>>
    %dma_wait3A_57 = arith.constant 384 : i32
    %dma_wait3A_58 = tpu.memref_slice %arg10[%dma_wait3A_57] : memref<512xi32, #tpu.memory_space<vmem>> -> memref<128xi32, #tpu.memory_space<vmem>>
    %dma_wait3A_59 = arith.constant 0 : i32
    %dma_wait3A_60 = tpu.memref_slice %arg6[%dma_wait3A_59] : memref<1000000xi32, #tpu.memory_space<hbm>> -> memref<1000000xi32, #tpu.memory_space<hbm>>
    tpu.wait_indirect_dma semaphore(%arg18 : memref<!tpu.dma_semaphore, #tpu.memory_space<semaphore_mem>>) src(%dma_wait3A_60 : memref<1000000xi32, #tpu.memory_space<hbm>>) dst(%dma_wait3A_56 : memref<128xi32, #tpu.memory_space<vmem>>)
    %get3A = arith.constant 0 : index
    %get3A_61 = tpu.vector_load %arg11[%get3A] {strides = array<i32>} : memref<512xi32, #tpu.memory_space<vmem>>, vector<16xi32>,
    %get3A_62 = vector.shape_cast %get3A_61 : vector<16xi32> to vector<16xi32>
    %shift_right_logical3A = arith.constant 16 : i32
    %shift_right_logical3A_63 = vector.broadcast %shift_right_logical3A : i32 to vector<16xi32>
    %shift_right_logical3A_64 = arith.shrui %get3A_62, %shift_right_logical3A_63 : vector<16xi32>
    %shift_right_logical3A_65 = arith.constant 15 : i32
    %shift_right_logical3A_66 = vector.broadcast %shift_right_logical3A_65 : i32 to vector<16xi32>
    %shift_right_logical3A_67 = arith.shrui %shift_right_logical3A_64, %shift_right_logical3A_66 : vector<16xi32>
    %shift_right_logical3A_68 = arith.constant 7 : i32
    %shift_right_logical3A_69 = vector.broadcast %shift_right_logical3A_68 : i32 to vector<16xi32>
    %shift_right_logical3A_70 = arith.shrui %shift_right_logical3A_64, %shift_right_logical3A_69 : vector<16xi32>
    %and3A = arith.constant 255 : i32
    %and3A_71 = vector.broadcast %and3A : i32 to vector<16xi32>
    %and3A_72 = arith.andi %shift_right_logical3A_70, %and3A_71 : vector<16xi32>
    %and3A_73 = arith.constant 127 : i32
    %and3A_74 = vector.broadcast %and3A_73 : i32 to vector<16xi32>
    %and3A_75 = arith.andi %shift_right_logical3A_64, %and3A_74 : vector<16xi32>
    %convert_element_type3A = arith.sitofp %and3A_75 : vector<16xi32> to vector<16xf32>
    %eq3A = arith.constant 0 : i32
    %eq3A_76 = vector.broadcast %eq3A : i32 to vector<16xi32>
    %eq3A_77 = arith.cmpi eq, %and3A_72, %eq3A_76 : vector<16xi32>
    %mul3A_78 = arith.constant 1.562500e-02 : f32
    %mul3A_79 = vector.broadcast %mul3A_78 : f32 to vector<16xf32>
    %mul3A_80 = arith.mulf %convert_element_type3A, %mul3A_79 : vector<16xf32>
    %mul3A_81 = arith.constant 7.812500e-03 : f32
    %mul3A_82 = vector.broadcast %mul3A_81 : f32 to vector<16xf32>
    %mul3A_83 = arith.mulf %convert_element_type3A, %mul3A_82 : vector<16xf32>
    %add3A_84 = arith.constant 1.000000e+00 : f32
    %add3A_85 = vector.broadcast %add3A_84 : f32 to vector<16xf32>
    %add3A_86 = arith.addf %mul3A_83, %add3A_85 : vector<16xf32>
    %select_n3A = arith.select %eq3A_77, %mul3A_80, %add3A_86 : vector<16xi1>, vector<16xf32>
    %sub3A = arith.constant 127 : i32
    %sub3A_87 = vector.broadcast %sub3A : i32 to vector<16xi32>
    %sub3A_88 = arith.subi %and3A_72, %sub3A_87 : vector<16xi32>
    %convert_element_type3A_89 = arith.sitofp %sub3A_88 : vector<16xi32> to vector<16xf32>
    %mul3A_90 = arith.constant 0.693147182 : f32
    %mul3A_91 = vector.broadcast %mul3A_90 : f32 to vector<16xf32>
    %mul3A_92 = arith.mulf %convert_element_type3A_89, %mul3A_91 : vector<16xf32>
    %exp3A = math.exp %mul3A_92 : vector<16xf32>
    %mul3A_93 = arith.mulf %select_n3A, %exp3A : vector<16xf32>
    %eq3A_94 = arith.constant 1 : i32
    %eq3A_95 = vector.broadcast %eq3A_94 : i32 to vector<16xi32>
    %eq3A_96 = arith.cmpi eq, %shift_right_logical3A_67, %eq3A_95 : vector<16xi32>
    %neg3A = arith.constant 0.000000e+00 : f32
    %neg3A_97 = vector.broadcast %neg3A : f32 to vector<16xf32>
    %neg3A_98 = arith.subf %neg3A_97, %mul3A_93 : vector<16xf32>
    %select_n3A_99 = arith.select %eq3A_96, %neg3A_98, %mul3A_93 : vector<16xi1>, vector<16xf32>
    %and3A_100 = arith.constant 65535 : i32
    %and3A_101 = vector.broadcast %and3A_100 : i32 to vector<16xi32>
    %and3A_102 = arith.andi %get3A_62, %and3A_101 : vector<16xi32>
    %shift_right_logical3A_103 = arith.constant 15 : i32
    %shift_right_logical3A_104 = vector.broadcast %shift_right_logical3A_103 : i32 to vector<16xi32>
    %shift_right_logical3A_105 = arith.shrui %and3A_102, %shift_right_logical3A_104 : vector<16xi32>
    %shift_right_logical3A_106 = arith.constant 7 : i32
    %shift_right_logical3A_107 = vector.broadcast %shift_right_logical3A_106 : i32 to vector<16xi32>
    %shift_right_logical3A_108 = arith.shrui %and3A_102, %shift_right_logical3A_107 : vector<16xi32>
    %and3A_109 = arith.constant 255 : i32
    %and3A_110 = vector.broadcast %and3A_109 : i32 to vector<16xi32>
    %and3A_111 = arith.andi %shift_right_logical3A_108, %and3A_110 : vector<16xi32>
    %and3A_112 = arith.constant 127 : i32
    %and3A_113 = vector.broadcast %and3A_112 : i32 to vector<16xi32>
    %and3A_114 = arith.andi %and3A_102, %and3A_113 : vector<16xi32>
    %convert_element_type3A_115 = arith.sitofp %and3A_114 : vector<16xi32> to vector<16xf32>
    %eq3A_116 = arith.constant 0 : i32
    %eq3A_117 = vector.broadcast %eq3A_116 : i32 to vector<16xi32>
    %eq3A_118 = arith.cmpi eq, %and3A_111, %eq3A_117 : vector<16xi32>
    %mul3A_119 = arith.constant 1.562500e-02 : f32
    %mul3A_120 = vector.broadcast %mul3A_119 : f32 to vector<16xf32>
    %mul3A_121 = arith.mulf %convert_element_type3A_115, %mul3A_120 : vector<16xf32>
    %mul3A_122 = arith.constant 7.812500e-03 : f32
    %mul3A_123 = vector.broadcast %mul3A_122 : f32 to vector<16xf32>
    %mul3A_124 = arith.mulf %convert_element_type3A_115, %mul3A_123 : vector<16xf32>
    %add3A_125 = arith.constant 1.000000e+00 : f32
    %add3A_126 = vector.broadcast %add3A_125 : f32 to vector<16xf32>
    %add3A_127 = arith.addf %mul3A_124, %add3A_126 : vector<16xf32>
    %select_n3A_128 = arith.select %eq3A_118, %mul3A_121, %add3A_127 : vector<16xi1>, vector<16xf32>
    %sub3A_129 = arith.constant 127 : i32
    %sub3A_130 = vector.broadcast %sub3A_129 : i32 to vector<16xi32>
    %sub3A_131 = arith.subi %and3A_111, %sub3A_130 : vector<16xi32>
    %convert_element_type3A_132 = arith.sitofp %sub3A_131 : vector<16xi32> to vector<16xf32>
    %mul3A_133 = arith.constant 0.693147182 : f32
    %mul3A_134 = vector.broadcast %mul3A_133 : f32 to vector<16xf32>
    %mul3A_135 = arith.mulf %convert_element_type3A_132, %mul3A_134 : vector<16xf32>
    %exp3A_136 = math.exp %mul3A_135 : vector<16xf32>
    %mul3A_137 = arith.mulf %select_n3A_128, %exp3A_136 : vector<16xf32>
    %eq3A_138 = arith.constant 1 : i32
    %eq3A_139 = vector.broadcast %eq3A_138 : i32 to vector<16xi32>
    %eq3A_140 = arith.cmpi eq, %shift_right_logical3A_105, %eq3A_139 : vector<16xi32>
    %neg3A_141 = arith.constant 0.000000e+00 : f32
    %neg3A_142 = vector.broadcast %neg3A_141 : f32 to vector<16xf32>
    %neg3A_143 = arith.subf %neg3A_142, %mul3A_137 : vector<16xf32>
    %select_n3A_144 = arith.select %eq3A_140, %neg3A_143, %mul3A_137 : vector<16xi1>, vector<16xf32>
    %get3A_145 = arith.constant 0 : index
    %get3A_146 = tpu.vector_load %arg12[%get3A_145] {strides = array<i32>} : memref<512xf32, #tpu.memory_space<vmem>>, vector<16xf32>,
    %get3A_147 = vector.shape_cast %get3A_146 : vector<16xf32> to vector<16xf32>
    %get3A_148 = arith.constant 0 : index
    %get3A_149 = tpu.vector_load %arg13[%get3A_148] {strides = array<i32>} : memref<512xf32, #tpu.memory_space<vmem>>, vector<16xf32>,
    %get3A_150 = vector.shape_cast %get3A_149 : vector<16xf32> to vector<16xf32>
    %get3A_151 = arith.constant 0 : index
    %get3A_152 = tpu.vector_load %arg14[%get3A_151] {strides = array<i32>} : memref<512xf32, #tpu.memory_space<vmem>>, vector<16xf32>,
    %get3A_153 = vector.shape_cast %get3A_152 : vector<16xf32> to vector<16xf32>
    %ne3A = arith.constant 0.000000e+00 : f32
    %ne3A_154 = vector.broadcast %ne3A : f32 to vector<16xf32>
    %ne3A_155 = arith.cmpf one, %get3A_147, %ne3A_154 : vector<16xf32>
    %mul3A_156 = arith.mulf %select_n3A_99, %get3A_147 : vector<16xf32>
    %sub3A_157 = arith.constant 1.000000e+00 : f32
    %sub3A_158 = vector.broadcast %sub3A_157 : f32 to vector<16xf32>
    %sub3A_159 = arith.subf %sub3A_158, %select_n3A_99 : vector<16xf32>
    %mul3A_160 = arith.mulf %sub3A_159, %get3A_150 : vector<16xf32>
    %add3A_161 = arith.addf %mul3A_156, %mul3A_160 : vector<16xf32>
    %select_n3A_162 = arith.select %ne3A_155, %add3A_161, %get3A_150 : vector<16xi1>, vector<16xf32>
    %jit3A = arith.constant 0.000000e+00 : f32
    %broadcast_in_dim3A = vector.broadcast %jit3A : f32 to vector<16xf32>
    %select_n3A_163 = arith.select %ne3A_155, %select_n3A_144, %broadcast_in_dim3A : vector<16xi1>, vector<16xf32>
    %sub3A_164 = arith.constant 1.000000e+00 : f32
    %sub3A_165 = vector.broadcast %sub3A_164 : f32 to vector<16xf32>
    %sub3A_166 = arith.subf %sub3A_165, %select_n3A_144 : vector<16xf32>
    %mul3A_167 = arith.mulf %sub3A_166, %get3A_153 : vector<16xf32>
    %add3A_168 = arith.addf %select_n3A_163, %mul3A_167 : vector<16xf32>
    %mul3A_169 = arith.mulf %select_n3A_162, %add3A_168 : vector<16xf32>
    %swap3A = arith.constant 0 : index
    %swap3A_170 = tpu.vector_load %arg15[%swap3A] {strides = array<i32>} : memref<512xf32, #tpu.memory_space<vmem>>, vector<16xf32>,
    %swap3A_171 = vector.shape_cast %swap3A_170 : vector<16xf32> to vector<16xf32>
    %swap3A_172 = vector.shape_cast %mul3A_169 : vector<16xf32> to vector<16xf32>
    tpu.vector_store %arg15[%swap3A], %swap3A_172 {strides = array<i32>} : memref<512xf32, #tpu.memory_space<vmem>>, vector<16xf32>,
    %swap3A_173 = arith.constant 0 : index
    %swap3A_174 = tpu.vector_load %arg16[%swap3A_173] {strides = array<i32>} : memref<512xf32, #tpu.memory_space<vmem>>, vector<16xf32>,
    %swap3A_175 = vector.shape_cast %swap3A_174 : vector<16xf32> to vector<16xf32>
    %swap3A_176 = vector.shape_cast %select_n3A_162 : vector<16xf32> to vector<16xf32>
    tpu.vector_store %arg16[%swap3A_173], %swap3A_176 {strides = array<i32>} : memref<512xf32, #tpu.memory_space<vmem>>, vector<16xf32>,
    %swap3A_177 = arith.constant 0 : index
    %swap3A_178 = tpu.vector_load %arg17[%swap3A_177] {strides = array<i32>} : memref<512xf32, #tpu.memory_space<vmem>>, vector<16xf32>,
    %swap3A_179 = vector.shape_cast %swap3A_178 : vector<16xf32> to vector<16xf32>
    %swap3A_180 = vector.shape_cast %add3A_168 : vector<16xf32> to vector<16xf32>
    tpu.vector_store %arg17[%swap3A_177], %swap3A_180 {strides = array<i32>} : memref<512xf32, #tpu.memory_space<vmem>>, vector<16xf32>,
    %get3A_181 = arith.constant 16 : index
    %get3A_182 = tpu.vector_load %arg11[%get3A_181] {strides = array<i32>} : memref<512xi32, #tpu.memory_space<vmem>>, vector<16xi32>,
    %get3A_183 = vector.shape_cast %get3A_182 : vector<16xi32> to vector<16xi32>
    %shift_right_logical3A_184 = arith.constant 16 : i32
    %shift_right_logical3A_185 = vector.broadcast %shift_right_logical3A_184 : i32 to vector<16xi32>
    %shift_right_logical3A_186 = arith.shrui %get3A_183, %shift_right_logical3A_185 : vector<16xi32>
    %shift_right_logical3A_187 = arith.constant 15 : i32
    %shift_right_logical3A_188 = vector.broadcast %shift_right_logical3A_187 : i32 to vector<16xi32>
    %shift_right_logical3A_189 = arith.shrui %shift_right_logical3A_186, %shift_right_logical3A_188 : vector<16xi32>
    %shift_right_logical3A_190 = arith.constant 7 : i32
    %shift_right_logical3A_191 = vector.broadcast %shift_right_logical3A_190 : i32 to vector<16xi32>
    %shift_right_logical3A_192 = arith.shrui %shift_right_logical3A_186, %shift_right_logical3A_191 : vector<16xi32>
    %and3A_193 = arith.constant 255 : i32
    %and3A_194 = vector.broadcast %and3A_193 : i32 to vector<16xi32>
    %and3A_195 = arith.andi %shift_right_logical3A_192, %and3A_194 : vector<16xi32>
    %and3A_196 = arith.constant 127 : i32
    %and3A_197 = vector.broadcast %and3A_196 : i32 to vector<16xi32>
    %and3A_198 = arith.andi %shift_right_logical3A_186, %and3A_197 : vector<16xi32>
    %convert_element_type3A_199 = arith.sitofp %and3A_198 : vector<16xi32> to vector<16xf32>
    %eq3A_200 = arith.constant 0 : i32
    %eq3A_201 = vector.broadcast %eq3A_200 : i32 to vector<16xi32>
    %eq3A_202 = arith.cmpi eq, %and3A_195, %eq3A_201 : vector<16xi32>
    %mul3A_203 = arith.constant 1.562500e-02 : f32
    %mul3A_204 = vector.broadcast %mul3A_203 : f32 to vector<16xf32>
    %mul3A_205 = arith.mulf %convert_element_type3A_199, %mul3A_204 : vector<16xf32>
    %mul3A_206 = arith.constant 7.812500e-03 : f32
    %mul3A_207 = vector.broadcast %mul3A_206 : f32 to vector<16xf32>
    %mul3A_208 = arith.mulf %convert_element_type3A_199, %mul3A_207 : vector<16xf32>
    %add3A_209 = arith.constant 1.000000e+00 : f32
    %add3A_210 = vector.broadcast %add3A_209 : f32 to vector<16xf32>
    %add3A_211 = arith.addf %mul3A_208, %add3A_210 : vector<16xf32>
    %select_n3A_212 = arith.select %eq3A_202, %mul3A_205, %add3A_211 : vector<16xi1>, vector<16xf32>
    %sub3A_213 = arith.constant 127 : i32
    %sub3A_214 = vector.broadcast %sub3A_213 : i32 to vector<16xi32>
    %sub3A_215 = arith.subi %and3A_195, %sub3A_214 : vector<16xi32>
    %convert_element_type3A_216 = arith.sitofp %sub3A_215 : vector<16xi32> to vector<16xf32>
    %mul3A_217 = arith.constant 0.693147182 : f32
    %mul3A_218 = vector.broadcast %mul3A_217 : f32 to vector<16xf32>
    %mul3A_219 = arith.mulf %convert_element_type3A_216, %mul3A_218 : vector<16xf32>
    %exp3A_220 = math.exp %mul3A_219 : vector<16xf32>
    %mul3A_221 = arith.mulf %select_n3A_212, %exp3A_220 : vector<16xf32>
    %eq3A_222 = arith.constant 1 : i32
    %eq3A_223 = vector.broadcast %eq3A_222 : i32 to vector<16xi32>
    %eq3A_224 = arith.cmpi eq, %shift_right_logical3A_189, %eq3A_223 : vector<16xi32>
    %neg3A_225 = arith.constant 0.000000e+00 : f32
    %neg3A_226 = vector.broadcast %neg3A_225 : f32 to vector<16xf32>
    %neg3A_227 = arith.subf %neg3A_226, %mul3A_221 : vector<16xf32>
    %select_n3A_228 = arith.select %eq3A_224, %neg3A_227, %mul3A_221 : vector<16xi1>, vector<16xf32>
    %and3A_229 = arith.constant 65535 : i32
    %and3A_230 = vector.broadcast %and3A_229 : i32 to vector<16xi32>
    %and3A_231 = arith.andi %get3A_183, %and3A_230 : vector<16xi32>
    %shift_right_logical3A_232 = arith.constant 15 : i32
    %shift_right_logical3A_233 = vector.broadcast %shift_right_logical3A_232 : i32 to vector<16xi32>
    %shift_right_logical3A_234 = arith.shrui %and3A_231, %shift_right_logical3A_233 : vector<16xi32>
    %shift_right_logical3A_235 = arith.constant 7 : i32
    %shift_right_logical3A_236 = vector.broadcast %shift_right_logical3A_235 : i32 to vector<16xi32>
    %shift_right_logical3A_237 = arith.shrui %and3A_231, %shift_right_logical3A_236 : vector<16xi32>
    %and3A_238 = arith.constant 255 : i32
    %and3A_239 = vector.broadcast %and3A_238 : i32 to vector<16xi32>
    %and3A_240 = arith.andi %shift_right_logical3A_237, %and3A_239 : vector<16xi32>
    %and3A_241 = arith.constant 127 : i32
    %and3A_242 = vector.broadcast %and3A_241 : i32 to vector<16xi32>
    %and3A_243 = arith.andi %and3A_231, %and3A_242 : vector<16xi32>
    %convert_element_type3A_244 = arith.sitofp %and3A_243 : vector<16xi32> to vector<16xf32>
    %eq3A_245 = arith.constant 0 : i32
    %eq3A_246 = vector.broadcast %eq3A_245 : i32 to vector<16xi32>
    %eq3A_247 = arith.cmpi eq, %and3A_240, %eq3A_246 : vector<16xi32>
    %mul3A_248 = arith.constant 1.562500e-02 : f32
    %mul3A_249 = vector.broadcast %mul3A_248 : f32 to vector<16xf32>
    %mul3A_250 = arith.mulf %convert_element_type3A_244, %mul3A_249 : vector<16xf32>
    %mul3A_251 = arith.constant 7.812500e-03 : f32
    %mul3A_252 = vector.broadcast %mul3A_251 : f32 to vector<16xf32>
    %mul3A_253 = arith.mulf %convert_element_type3A_244, %mul3A_252 : vector<16xf32>
    %add3A_254 = arith.constant 1.000000e+00 : f32
    %add3A_255 = vector.broadcast %add3A_254 : f32 to vector<16xf32>
    %add3A_256 = arith.addf %mul3A_253, %add3A_255 : vector<16xf32>
    %select_n3A_257 = arith.select %eq3A_247, %mul3A_250, %add3A_256 : vector<16xi1>, vector<16xf32>
    %sub3A_258 = arith.constant 127 : i32
    %sub3A_259 = vector.broadcast %sub3A_258 : i32 to vector<16xi32>
    %sub3A_260 = arith.subi %and3A_240, %sub3A_259 : vector<16xi32>
    %convert_element_type3A_261 = arith.sitofp %sub3A_260 : vector<16xi32> to vector<16xf32>
    %mul3A_262 = arith.constant 0.693147182 : f32
    %mul3A_263 = vector.broadcast %mul3A_262 : f32 to vector<16xf32>
    %mul3A_264 = arith.mulf %convert_element_type3A_261, %mul3A_263 : vector<16xf32>
    %exp3A_265 = math.exp %mul3A_264 : vector<16xf32>
    %mul3A_266 = arith.mulf %select_n3A_257, %exp3A_265 : vector<16xf32>
    %eq3A_267 = arith.constant 1 : i32
    %eq3A_268 = vector.broadcast %eq3A_267 : i32 to vector<16xi32>
    %eq3A_269 = arith.cmpi eq, %shift_right_logical3A_234, %eq3A_268 : vector<16xi32>
    %neg3A_270 = arith.constant 0.000000e+00 : f32
    %neg3A_271 = vector.broadcast %neg3A_270 : f32 to vector<16xf32>
    %neg3A_272 = arith.subf %neg3A_271, %mul3A_266 : vector<16xf32>
    %select_n3A_273 = arith.select %eq3A_269, %neg3A_272, %mul3A_266 : vector<16xi1>, vector<16xf32>
    %get3A_274 = arith.constant 16 : index
    %get3A_275 = tpu.vector_load %arg12[%get3A_274] {strides = array<i32>} : memref<512xf32, #tpu.memory_space<vmem>>, vector<16xf32>,
    %get3A_276 = vector.shape_cast %get3A_275 : vector<16xf32> to vector<16xf32>
    %get3A_277 = arith.constant 16 : index
    %get3A_278 = tpu.vector_load %arg13[%get3A_277] {strides = array<i32>} : memref<512xf32, #tpu.memory_space<vmem>>, vector<16xf32>,
    %get3A_279 = vector.shape_cast %get3A_278 : vector<16xf32> to vector<16xf32>
    %get3A_280 = arith.constant 16 : index
    %get3A_281 = tpu.vector_load %arg14[%get3A_280] {strides = array<i32>} : memref<512xf32, #tpu.memory_space<vmem>>, vector<16xf32>,
    %get3A_282 = vector.shape_cast %get3A_281 : vector<16xf32> to vector<16xf32>
    %ne3A_283 = arith.constant 0.000000e+00 : f32
    %ne3A_284 = vector.broadcast %ne3A_283 : f32 to vector<16xf32>
    %ne3A_285 = arith.cmpf one, %get3A_276, %ne3A_284 : vector<16xf32>
    %mul3A_286 = arith.mulf %select_n3A_228, %get3A_276 : vector<16xf32>
    %sub3A_287 = arith.constant 1.000000e+00 : f32
    %sub3A_288 = vector.broadcast %sub3A_287 : f32 to vector<16xf32>
    %sub3A_289 = arith.subf %sub3A_288, %select_n3A_228 : vector<16xf32>
    %mul3A_290 = arith.mulf %sub3A_289, %get3A_279 : vector<16xf32>
    %add3A_291 = arith.addf %mul3A_286, %mul3A_290 : vector<16xf32>
    %select_n3A_292 = arith.select %ne3A_285, %add3A_291, %get3A_279 : vector<16xi1>, vector<16xf32>
    %jit3A_293 = arith.constant 0.000000e+00 : f32
    %broadcast_in_dim3A_294 = vector.broadcast %jit3A_293 : f32 to vector<16xf32>
    %select_n3A_295 = arith.select %ne3A_285, %select_n3A_273, %broadcast_in_dim3A_294 : vector<16xi1>, vector<16xf32>
    %sub3A_296 = arith.constant 1.000000e+00 : f32
    %sub3A_297 = vector.broadcast %sub3A_296 : f32 to vector<16xf32>
    %sub3A_298 = arith.subf %sub3A_297, %select_n3A_273 : vector<16xf32>
    %mul3A_299 = arith.mulf %sub3A_298, %get3A_282 : vector<16xf32>
    %add3A_300 = arith.addf %select_n3A_295, %mul3A_299 : vector<16xf32>
    %mul3A_301 = arith.mulf %select_n3A_292, %add3A_300 : vector<16xf32>
    %swap3A_302 = arith.constant 16 : index
    %swap3A_303 = tpu.vector_load %arg15[%swap3A_302] {strides = array<i32>} : memref<512xf32, #tpu.memory_space<vmem>>, vector<16xf32>,
    %swap3A_304 = vector.shape_cast %swap3A_303 : vector<16xf32> to vector<16xf32>
    %swap3A_305 = vector.shape_cast %mul3A_301 : vector<16xf32> to vector<16xf32>
    tpu.vector_store %arg15[%swap3A_302], %swap3A_305 {strides = array<i32>} : memref<512xf32, #tpu.memory_space<vmem>>, vector<16xf32>,
    %swap3A_306 = arith.constant 16 : index
    %swap3A_307 = tpu.vector_load %arg16[%swap3A_306] {strides = array<i32>} : memref<512xf32, #tpu.memory_space<vmem>>, vector<16xf32>,
    %swap3A_308 = vector.shape_cast %swap3A_307 : vector<16xf32> to vector<16xf32>
    %swap3A_309 = vector.shape_cast %select_n3A_292 : vector<16xf32> to vector<16xf32>
    tpu.vector_store %arg16[%swap3A_306], %swap3A_309 {strides = array<i32>} : memref<512xf32, #tpu.memory_space<vmem>>, vector<16xf32>,
    %swap3A_310 = arith.constant 16 : index
    %swap3A_311 = tpu.vector_load %arg17[%swap3A_310] {strides = array<i32>} : memref<512xf32, #tpu.memory_space<vmem>>, vector<16xf32>,
    %swap3A_312 = vector.shape_cast %swap3A_311 : vector<16xf32> to vector<16xf32>
    %swap3A_313 = vector.shape_cast %add3A_300 : vector<16xf32> to vector<16xf32>
    tpu.vector_store %arg17[%swap3A_310], %swap3A_313 {strides = array<i32>} : memref<512xf32, #tpu.memory_space<vmem>>, vector<16xf32>,
    %get3A_314 = arith.constant 32 : index
    %get3A_315 = tpu.vector_load %arg11[%get3A_314] {strides = array<i32>} : memref<512xi32, #tpu.memory_space<vmem>>, vector<16xi32>,
    %get3A_316 = vector.shape_cast %get3A_315 : vector<16xi32> to vector<16xi32>
    %shift_right_logical3A_317 = arith.constant 16 : i32
    %shift_right_logical3A_318 = vector.broadcast %shift_right_logical3A_317 : i32 to vector<16xi32>
    %shift_right_logical3A_319 = arith.shrui %get3A_316, %shift_right_logical3A_318 : vector<16xi32>
    %shift_right_logical3A_320 = arith.constant 15 : i32
    %shift_right_logical3A_321 = vector.broadcast %shift_right_logical3A_320 : i32 to vector<16xi32>
    %shift_right_logical3A_322 = arith.shrui %shift_right_logical3A_319, %shift_right_logical3A_321 : vector<16xi32>
    %shift_right_logical3A_323 = arith.constant 7 : i32
    %shift_right_logical3A_324 = vector.broadcast %shift_right_logical3A_323 : i32 to vector<16xi32>
    %shift_right_logical3A_325 = arith.shrui %shift_right_logical3A_319, %shift_right_logical3A_324 : vector<16xi32>
    %and3A_326 = arith.constant 255 : i32
    %and3A_327 = vector.broadcast %and3A_326 : i32 to vector<16xi32>
    %and3A_328 = arith.andi %shift_right_logical3A_325, %and3A_327 : vector<16xi32>
    %and3A_329 = arith.constant 127 : i32
    %and3A_330 = vector.broadcast %and3A_329 : i32 to vector<16xi32>
    %and3A_331 = arith.andi %shift_right_logical3A_319, %and3A_330 : vector<16xi32>
    %convert_element_type3A_332 = arith.sitofp %and3A_331 : vector<16xi32> to vector<16xf32>
    %eq3A_333 = arith.constant 0 : i32
    %eq3A_334 = vector.broadcast %eq3A_333 : i32 to vector<16xi32>
    %eq3A_335 = arith.cmpi eq, %and3A_328, %eq3A_334 : vector<16xi32>
    %mul3A_336 = arith.constant 1.562500e-02 : f32
    %mul3A_337 = vector.broadcast %mul3A_336 : f32 to vector<16xf32>
    %mul3A_338 = arith.mulf %convert_element_type3A_332, %mul3A_337 : vector<16xf32>
    %mul3A_339 = arith.constant 7.812500e-03 : f32
    %mul3A_340 = vector.broadcast %mul3A_339 : f32 to vector<16xf32>
    %mul3A_341 = arith.mulf %convert_element_type3A_332, %mul3A_340 : vector<16xf32>
    %add3A_342 = arith.constant 1.000000e+00 : f32
    %add3A_343 = vector.broadcast %add3A_342 : f32 to vector<16xf32>
    %add3A_344 = arith.addf %mul3A_341, %add3A_343 : vector<16xf32>
    %select_n3A_345 = arith.select %eq3A_335, %mul3A_338, %add3A_344 : vector<16xi1>, vector<16xf32>
    %sub3A_346 = arith.constant 127 : i32
    %sub3A_347 = vector.broadcast %sub3A_346 : i32 to vector<16xi32>
    %sub3A_348 = arith.subi %and3A_328, %sub3A_347 : vector<16xi32>
    %convert_element_type3A_349 = arith.sitofp %sub3A_348 : vector<16xi32> to vector<16xf32>
    %mul3A_350 = arith.constant 0.693147182 : f32
    %mul3A_351 = vector.broadcast %mul3A_350 : f32 to vector<16xf32>
    %mul3A_352 = arith.mulf %convert_element_type3A_349, %mul3A_351 : vector<16xf32>
    %exp3A_353 = math.exp %mul3A_352 : vector<16xf32>
    %mul3A_354 = arith.mulf %select_n3A_345, %exp3A_353 : vector<16xf32>
    %eq3A_355 = arith.constant 1 : i32
    %eq3A_356 = vector.broadcast %eq3A_355 : i32 to vector<16xi32>
    %eq3A_357 = arith.cmpi eq, %shift_right_logical3A_322, %eq3A_356 : vector<16xi32>
    %neg3A_358 = arith.constant 0.000000e+00 : f32
    %neg3A_359 = vector.broadcast %neg3A_358 : f32 to vector<16xf32>
    %neg3A_360 = arith.subf %neg3A_359, %mul3A_354 : vector<16xf32>
    %select_n3A_361 = arith.select %eq3A_357, %neg3A_360, %mul3A_354 : vector<16xi1>, vector<16xf32>
    %and3A_362 = arith.constant 65535 : i32
    %and3A_363 = vector.broadcast %and3A_362 : i32 to vector<16xi32>
    %and3A_364 = arith.andi %get3A_316, %and3A_363 : vector<16xi32>
    %shift_right_logical3A_365 = arith.constant 15 : i32
    %shift_right_logical3A_366 = vector.broadcast %shift_right_logical3A_365 : i32 to vector<16xi32>
    %shift_right_logical3A_367 = arith.shrui %and3A_364, %shift_right_logical3A_366 : vector<16xi32>
    %shift_right_logical3A_368 = arith.constant 7 : i32
    %shift_right_logical3A_369 = vector.broadcast %shift_right_logical3A_368 : i32 to vector<16xi32>
    %shift_right_logical3A_370 = arith.shrui %and3A_364, %shift_right_logical3A_369 : vector<16xi32>
    %and3A_371 = arith.constant 255 : i32
    %and3A_372 = vector.broadcast %and3A_371 : i32 to vector<16xi32>
    %and3A_373 = arith.andi %shift_right_logical3A_370, %and3A_372 : vector<16xi32>
    %and3A_374 = arith.constant 127 : i32
    %and3A_375 = vector.broadcast %and3A_374 : i32 to vector<16xi32>
    %and3A_376 = arith.andi %and3A_364, %and3A_375 : vector<16xi32>
    %convert_element_type3A_377 = arith.sitofp %and3A_376 : vector<16xi32> to vector<16xf32>
    %eq3A_378 = arith.constant 0 : i32
    %eq3A_379 = vector.broadcast %eq3A_378 : i32 to vector<16xi32>
    %eq3A_380 = arith.cmpi eq, %and3A_373, %eq3A_379 : vector<16xi32>
    %mul3A_381 = arith.constant 1.562500e-02 : f32
    %mul3A_382 = vector.broadcast %mul3A_381 : f32 to vector<16xf32>
    %mul3A_383 = arith.mulf %convert_element_type3A_377, %mul3A_382 : vector<16xf32>
    %mul3A_384 = arith.constant 7.812500e-03 : f32
    %mul3A_385 = vector.broadcast %mul3A_384 : f32 to vector<16xf32>
    %mul3A_386 = arith.mulf %convert_element_type3A_377, %mul3A_385 : vector<16xf32>
    %add3A_387 = arith.constant 1.000000e+00 : f32
    %add3A_388 = vector.broadcast %add3A_387 : f32 to vector<16xf32>
    %add3A_389 = arith.addf %mul3A_386, %add3A_388 : vector<16xf32>
    %select_n3A_390 = arith.select %eq3A_380, %mul3A_383, %add3A_389 : vector<16xi1>, vector<16xf32>
    %sub3A_391 = arith.constant 127 : i32
    %sub3A_392 = vector.broadcast %sub3A_391 : i32 to vector<16xi32>
    %sub3A_393 = arith.subi %and3A_373, %sub3A_392 : vector<16xi32>
    %convert_element_type3A_394 = arith.sitofp %sub3A_393 : vector<16xi32> to vector<16xf32>
    %mul3A_395 = arith.constant 0.693147182 : f32
    %mul3A_396 = vector.broadcast %mul3A_395 : f32 to vector<16xf32>
    %mul3A_397 = arith.mulf %convert_element_type3A_394, %mul3A_396 : vector<16xf32>
    %exp3A_398 = math.exp %mul3A_397 : vector<16xf32>
    %mul3A_399 = arith.mulf %select_n3A_390, %exp3A_398 : vector<16xf32>
    %eq3A_400 = arith.constant 1 : i32
    %eq3A_401 = vector.broadcast %eq3A_400 : i32 to vector<16xi32>
    %eq3A_402 = arith.cmpi eq, %shift_right_logical3A_367, %eq3A_401 : vector<16xi32>
    %neg3A_403 = arith.constant 0.000000e+00 : f32
    %neg3A_404 = vector.broadcast %neg3A_403 : f32 to vector<16xf32>
    %neg3A_405 = arith.subf %neg3A_404, %mul3A_399 : vector<16xf32>
    %select_n3A_406 = arith.select %eq3A_402, %neg3A_405, %mul3A_399 : vector<16xi1>, vector<16xf32>
    %get3A_407 = arith.constant 32 : index
    %get3A_408 = tpu.vector_load %arg12[%get3A_407] {strides = array<i32>} : memref<512xf32, #tpu.memory_space<vmem>>, vector<16xf32>,
    %get3A_409 = vector.shape_cast %get3A_408 : vector<16xf32> to vector<16xf32>
    %get3A_410 = arith.constant 32 : index
    %get3A_411 = tpu.vector_load %arg13[%get3A_410] {strides = array<i32>} : memref<512xf32, #tpu.memory_space<vmem>>, vector<16xf32>,
    %get3A_412 = vector.shape_cast %get3A_411 : vector<16xf32> to vector<16xf32>
    %get3A_413 = arith.constant 32 : index
    %get3A_414 = tpu.vector_load %arg14[%get3A_413] {strides = array<i32>} : memref<512xf32, #tpu.memory_space<vmem>>, vector<16xf32>,
    %get3A_415 = vector.shape_cast %get3A_414 : vector<16xf32> to vector<16xf32>
    %ne3A_416 = arith.constant 0.000000e+00 : f32
    %ne3A_417 = vector.broadcast %ne3A_416 : f32 to vector<16xf32>
    %ne3A_418 = arith.cmpf one, %get3A_409, %ne3A_417 : vector<16xf32>
    %mul3A_419 = arith.mulf %select_n3A_361, %get3A_409 : vector<16xf32>
    %sub3A_420 = arith.constant 1.000000e+00 : f32
    %sub3A_421 = vector.broadcast %sub3A_420 : f32 to vector<16xf32>
    %sub3A_422 = arith.subf %sub3A_421, %select_n3A_361 : vector<16xf32>
    %mul3A_423 = arith.mulf %sub3A_422, %get3A_412 : vector<16xf32>
    %add3A_424 = arith.addf %mul3A_419, %mul3A_423 : vector<16xf32>
    %select_n3A_425 = arith.select %ne3A_418, %add3A_424, %get3A_412 : vector<16xi1>, vector<16xf32>
    %jit3A_426 = arith.constant 0.000000e+00 : f32
    %broadcast_in_dim3A_427 = vector.broadcast %jit3A_426 : f32 to vector<16xf32>
    %select_n3A_428 = arith.select %ne3A_418, %select_n3A_406, %broadcast_in_dim3A_427 : vector<16xi1>, vector<16xf32>
    %sub3A_429 = arith.constant 1.000000e+00 : f32
    %sub3A_430 = vector.broadcast %sub3A_429 : f32 to vector<16xf32>
    %sub3A_431 = arith.subf %sub3A_430, %select_n3A_406 : vector<16xf32>
    %mul3A_432 = arith.mulf %sub3A_431, %get3A_415 : vector<16xf32>
    %add3A_433 = arith.addf %select_n3A_428, %mul3A_432 : vector<16xf32>
    %mul3A_434 = arith.mulf %select_n3A_425, %add3A_433 : vector<16xf32>
    %swap3A_435 = arith.constant 32 : index
    %swap3A_436 = tpu.vector_load %arg15[%swap3A_435] {strides = array<i32>} : memref<512xf32, #tpu.memory_space<vmem>>, vector<16xf32>,
    %swap3A_437 = vector.shape_cast %swap3A_436 : vector<16xf32> to vector<16xf32>
    %swap3A_438 = vector.shape_cast %mul3A_434 : vector<16xf32> to vector<16xf32>
    tpu.vector_store %arg15[%swap3A_435], %swap3A_438 {strides = array<i32>} : memref<512xf32, #tpu.memory_space<vmem>>, vector<16xf32>,
    %swap3A_439 = arith.constant 32 : index
    %swap3A_440 = tpu.vector_load %arg16[%swap3A_439] {strides = array<i32>} : memref<512xf32, #tpu.memory_space<vmem>>, vector<16xf32>,
    %swap3A_441 = vector.shape_cast %swap3A_440 : vector<16xf32> to vector<16xf32>
    %swap3A_442 = vector.shape_cast %select_n3A_425 : vector<16xf32> to vector<16xf32>
    tpu.vector_store %arg16[%swap3A_439], %swap3A_442 {strides = array<i32>} : memref<512xf32, #tpu.memory_space<vmem>>, vector<16xf32>,
    %swap3A_443 = arith.constant 32 : index
    %swap3A_444 = tpu.vector_load %arg17[%swap3A_443] {strides = array<i32>} : memref<512xf32, #tpu.memory_space<vmem>>, vector<16xf32>,
    %swap3A_445 = vector.shape_cast %swap3A_444 : vector<16xf32> to vector<16xf32>
    %swap3A_446 = vector.shape_cast %add3A_433 : vector<16xf32> to vector<16xf32>
    tpu.vector_store %arg17[%swap3A_443], %swap3A_446 {strides = array<i32>} : memref<512xf32, #tpu.memory_space<vmem>>, vector<16xf32>,
    %get3A_447 = arith.constant 48 : index
    %get3A_448 = tpu.vector_load %arg11[%get3A_447] {strides = array<i32>} : memref<512xi32, #tpu.memory_space<vmem>>, vector<16xi32>,
    %get3A_449 = vector.shape_cast %get3A_448 : vector<16xi32> to vector<16xi32>
    %shift_right_logical3A_450 = arith.constant 16 : i32
    %shift_right_logical3A_451 = vector.broadcast %shift_right_logical3A_450 : i32 to vector<16xi32>
    %shift_right_logical3A_452 = arith.shrui %get3A_449, %shift_right_logical3A_451 : vector<16xi32>
    %shift_right_logical3A_453 = arith.constant 15 : i32
    %shift_right_logical3A_454 = vector.broadcast %shift_right_logical3A_453 : i32 to vector<16xi32>
    %shift_right_logical3A_455 = arith.shrui %shift_right_logical3A_452, %shift_right_logical3A_454 : vector<16xi32>
    %shift_right_logical3A_456 = arith.constant 7 : i32
    %shift_right_logical3A_457 = vector.broadcast %shift_right_logical3A_456 : i32 to vector<16xi32>
    %shift_right_logical3A_458 = arith.shrui %shift_right_logical3A_452, %shift_right_logical3A_457 : vector<16xi32>
    %and3A_459 = arith.constant 255 : i32
    %and3A_460 = vector.broadcast %and3A_459 : i32 to vector<16xi32>
    %and3A_461 = arith.andi %shift_right_logical3A_458, %and3A_460 : vector<16xi32>
    %and3A_462 = arith.constant 127 : i32
    %and3A_463 = vector.broadcast %and3A_462 : i32 to vector<16xi32>
    %and3A_464 = arith.andi %shift_right_logical3A_452, %and3A_463 : vector<16xi32>
    %convert_element_type3A_465 = arith.sitofp %and3A_464 : vector<16xi32> to vector<16xf32>
    %eq3A_466 = arith.constant 0 : i32
    %eq3A_467 = vector.broadcast %eq3A_466 : i32 to vector<16xi32>
    %eq3A_468 = arith.cmpi eq, %and3A_461, %eq3A_467 : vector<16xi32>
    %mul3A_469 = arith.constant 1.562500e-02 : f32
    %mul3A_470 = vector.broadcast %mul3A_469 : f32 to vector<16xf32>
    %mul3A_471 = arith.mulf %convert_element_type3A_465, %mul3A_470 : vector<16xf32>
    %mul3A_472 = arith.constant 7.812500e-03 : f32
    %mul3A_473 = vector.broadcast %mul3A_472 : f32 to vector<16xf32>
    %mul3A_474 = arith.mulf %convert_element_type3A_465, %mul3A_473 : vector<16xf32>
    %add3A_475 = arith.constant 1.000000e+00 : f32
    %add3A_476 = vector.broadcast %add3A_475 : f32 to vector<16xf32>
    %add3A_477 = arith.addf %mul3A_474, %add3A_476 : vector<16xf32>
    %select_n3A_478 = arith.select %eq3A_468, %mul3A_471, %add3A_477 : vector<16xi1>, vector<16xf32>
    %sub3A_479 = arith.constant 127 : i32
    %sub3A_480 = vector.broadcast %sub3A_479 : i32 to vector<16xi32>
    %sub3A_481 = arith.subi %and3A_461, %sub3A_480 : vector<16xi32>
    %convert_element_type3A_482 = arith.sitofp %sub3A_481 : vector<16xi32> to vector<16xf32>
    %mul3A_483 = arith.constant 0.693147182 : f32
    %mul3A_484 = vector.broadcast %mul3A_483 : f32 to vector<16xf32>
    %mul3A_485 = arith.mulf %convert_element_type3A_482, %mul3A_484 : vector<16xf32>
    %exp3A_486 = math.exp %mul3A_485 : vector<16xf32>
    %mul3A_487 = arith.mulf %select_n3A_478, %exp3A_486 : vector<16xf32>
    %eq3A_488 = arith.constant 1 : i32
    %eq3A_489 = vector.broadcast %eq3A_488 : i32 to vector<16xi32>
    %eq3A_490 = arith.cmpi eq, %shift_right_logical3A_455, %eq3A_489 : vector<16xi32>
    %neg3A_491 = arith.constant 0.000000e+00 : f32
    %neg3A_492 = vector.broadcast %neg3A_491 : f32 to vector<16xf32>
    %neg3A_493 = arith.subf %neg3A_492, %mul3A_487 : vector<16xf32>
    %select_n3A_494 = arith.select %eq3A_490, %neg3A_493, %mul3A_487 : vector<16xi1>, vector<16xf32>
    %and3A_495 = arith.constant 65535 : i32
    %and3A_496 = vector.broadcast %and3A_495 : i32 to vector<16xi32>
    %and3A_497 = arith.andi %get3A_449, %and3A_496 : vector<16xi32>
    %shift_right_logical3A_498 = arith.constant 15 : i32
    %shift_right_logical3A_499 = vector.broadcast %shift_right_logical3A_498 : i32 to vector<16xi32>
    %shift_right_logical3A_500 = arith.shrui %and3A_497, %shift_right_logical3A_499 : vector<16xi32>
    %shift_right_logical3A_501 = arith.constant 7 : i32
    %shift_right_logical3A_502 = vector.broadcast %shift_right_logical3A_501 : i32 to vector<16xi32>
    %shift_right_logical3A_503 = arith.shrui %and3A_497, %shift_right_logical3A_502 : vector<16xi32>
    %and3A_504 = arith.constant 255 : i32
    %and3A_505 = vector.broadcast %and3A_504 : i32 to vector<16xi32>
    %and3A_506 = arith.andi %shift_right_logical3A_503, %and3A_505 : vector<16xi32>
    %and3A_507 = arith.constant 127 : i32
    %and3A_508 = vector.broadcast %and3A_507 : i32 to vector<16xi32>
    %and3A_509 = arith.andi %and3A_497, %and3A_508 : vector<16xi32>
    %convert_element_type3A_510 = arith.sitofp %and3A_509 : vector<16xi32> to vector<16xf32>
    %eq3A_511 = arith.constant 0 : i32
    %eq3A_512 = vector.broadcast %eq3A_511 : i32 to vector<16xi32>
    %eq3A_513 = arith.cmpi eq, %and3A_506, %eq3A_512 : vector<16xi32>
    %mul3A_514 = arith.constant 1.562500e-02 : f32
    %mul3A_515 = vector.broadcast %mul3A_514 : f32 to vector<16xf32>
    %mul3A_516 = arith.mulf %convert_element_type3A_510, %mul3A_515 : vector<16xf32>
    %mul3A_517 = arith.constant 7.812500e-03 : f32
    %mul3A_518 = vector.broadcast %mul3A_517 : f32 to vector<16xf32>
    %mul3A_519 = arith.mulf %convert_element_type3A_510, %mul3A_518 : vector<16xf32>
    %add3A_520 = arith.constant 1.000000e+00 : f32
    %add3A_521 = vector.broadcast %add3A_520 : f32 to vector<16xf32>
    %add3A_522 = arith.addf %mul3A_519, %add3A_521 : vector<16xf32>
    %select_n3A_523 = arith.select %eq3A_513, %mul3A_516, %add3A_522 : vector<16xi1>, vector<16xf32>
    %sub3A_524 = arith.constant 127 : i32
    %sub3A_525 = vector.broadcast %sub3A_524 : i32 to vector<16xi32>
    %sub3A_526 = arith.subi %and3A_506, %sub3A_525 : vector<16xi32>
    %convert_element_type3A_527 = arith.sitofp %sub3A_526 : vector<16xi32> to vector<16xf32>
    %mul3A_528 = arith.constant 0.693147182 : f32
    %mul3A_529 = vector.broadcast %mul3A_528 : f32 to vector<16xf32>
    %mul3A_530 = arith.mulf %convert_element_type3A_527, %mul3A_529 : vector<16xf32>
    %exp3A_531 = math.exp %mul3A_530 : vector<16xf32>
    %mul3A_532 = arith.mulf %select_n3A_523, %exp3A_531 : vector<16xf32>
    %eq3A_533 = arith.constant 1 : i32
    %eq3A_534 = vector.broadcast %eq3A_533 : i32 to vector<16xi32>
    %eq3A_535 = arith.cmpi eq, %shift_right_logical3A_500, %eq3A_534 : vector<16xi32>
    %neg3A_536 = arith.constant 0.000000e+00 : f32
    %neg3A_537 = vector.broadcast %neg3A_536 : f32 to vector<16xf32>
    %neg3A_538 = arith.subf %neg3A_537, %mul3A_532 : vector<16xf32>
    %select_n3A_539 = arith.select %eq3A_535, %neg3A_538, %mul3A_532 : vector<16xi1>, vector<16xf32>
    %get3A_540 = arith.constant 48 : index
    %get3A_541 = tpu.vector_load %arg12[%get3A_540] {strides = array<i32>} : memref<512xf32, #tpu.memory_space<vmem>>, vector<16xf32>,
    %get3A_542 = vector.shape_cast %get3A_541 : vector<16xf32> to vector<16xf32>
    %get3A_543 = arith.constant 48 : index
    %get3A_544 = tpu.vector_load %arg13[%get3A_543] {strides = array<i32>} : memref<512xf32, #tpu.memory_space<vmem>>, vector<16xf32>,
    %get3A_545 = vector.shape_cast %get3A_544 : vector<16xf32> to vector<16xf32>
    %get3A_546 = arith.constant 48 : index
    %get3A_547 = tpu.vector_load %arg14[%get3A_546] {strides = array<i32>} : memref<512xf32, #tpu.memory_space<vmem>>, vector<16xf32>,
    %get3A_548 = vector.shape_cast %get3A_547 : vector<16xf32> to vector<16xf32>
    %ne3A_549 = arith.constant 0.000000e+00 : f32
    %ne3A_550 = vector.broadcast %ne3A_549 : f32 to vector<16xf32>
    %ne3A_551 = arith.cmpf one, %get3A_542, %ne3A_550 : vector<16xf32>
    %mul3A_552 = arith.mulf %select_n3A_494, %get3A_542 : vector<16xf32>
    %sub3A_553 = arith.constant 1.000000e+00 : f32
    %sub3A_554 = vector.broadcast %sub3A_553 : f32 to vector<16xf32>
    %sub3A_555 = arith.subf %sub3A_554, %select_n3A_494 : vector<16xf32>
    %mul3A_556 = arith.mulf %sub3A_555, %get3A_545 : vector<16xf32>
    %add3A_557 = arith.addf %mul3A_552, %mul3A_556 : vector<16xf32>
    %select_n3A_558 = arith.select %ne3A_551, %add3A_557, %get3A_545 : vector<16xi1>, vector<16xf32>
    %jit3A_559 = arith.constant 0.000000e+00 : f32
    %broadcast_in_dim3A_560 = vector.broadcast %jit3A_559 : f32 to vector<16xf32>
    %select_n3A_561 = arith.select %ne3A_551, %select_n3A_539, %broadcast_in_dim3A_560 : vector<16xi1>, vector<16xf32>
    %sub3A_562 = arith.constant 1.000000e+00 : f32
    %sub3A_563 = vector.broadcast %sub3A_562 : f32 to vector<16xf32>
    %sub3A_564 = arith.subf %sub3A_563, %select_n3A_539 : vector<16xf32>
    %mul3A_565 = arith.mulf %sub3A_564, %get3A_548 : vector<16xf32>
    %add3A_566 = arith.addf %select_n3A_561, %mul3A_565 : vector<16xf32>
    %mul3A_567 = arith.mulf %select_n3A_558, %add3A_566 : vector<16xf32>
    %swap3A_568 = arith.constant 48 : index
    %swap3A_569 = tpu.vector_load %arg15[%swap3A_568] {strides = array<i32>} : memref<512xf32, #tpu.memory_space<vmem>>, vector<16xf32>,
    %swap3A_570 = vector.shape_cast %swap3A_569 : vector<16xf32> to vector<16xf32>
    %swap3A_571 = vector.shape_cast %mul3A_567 : vector<16xf32> to vector<16xf32>
    tpu.vector_store %arg15[%swap3A_568], %swap3A_571 {strides = array<i32>} : memref<512xf32, #tpu.memory_space<vmem>>, vector<16xf32>,
    %swap3A_572 = arith.constant 48 : index
    %swap3A_573 = tpu.vector_load %arg16[%swap3A_572] {strides = array<i32>} : memref<512xf32, #tpu.memory_space<vmem>>, vector<16xf32>,
    %swap3A_574 = vector.shape_cast %swap3A_573 : vector<16xf32> to vector<16xf32>
    %swap3A_575 = vector.shape_cast %select_n3A_558 : vector<16xf32> to vector<16xf32>
    tpu.vector_store %arg16[%swap3A_572], %swap3A_575 {strides = array<i32>} : memref<512xf32, #tpu.memory_space<vmem>>, vector<16xf32>,
    %swap3A_576 = arith.constant 48 : index
    %swap3A_577 = tpu.vector_load %arg17[%swap3A_576] {strides = array<i32>} : memref<512xf32, #tpu.memory_space<vmem>>, vector<16xf32>,
    %swap3A_578 = vector.shape_cast %swap3A_577 : vector<16xf32> to vector<16xf32>
    %swap3A_579 = vector.shape_cast %add3A_566 : vector<16xf32> to vector<16xf32>
    tpu.vector_store %arg17[%swap3A_576], %swap3A_579 {strides = array<i32>} : memref<512xf32, #tpu.memory_space<vmem>>, vector<16xf32>,
    %get3A_580 = arith.constant 64 : index
    %get3A_581 = tpu.vector_load %arg11[%get3A_580] {strides = array<i32>} : memref<512xi32, #tpu.memory_space<vmem>>, vector<16xi32>,
    %get3A_582 = vector.shape_cast %get3A_581 : vector<16xi32> to vector<16xi32>
    %shift_right_logical3A_583 = arith.constant 16 : i32
    %shift_right_logical3A_584 = vector.broadcast %shift_right_logical3A_583 : i32 to vector<16xi32>
    %shift_right_logical3A_585 = arith.shrui %get3A_582, %shift_right_logical3A_584 : vector<16xi32>
    %shift_right_logical3A_586 = arith.constant 15 : i32
    %shift_right_logical3A_587 = vector.broadcast %shift_right_logical3A_586 : i32 to vector<16xi32>
    %shift_right_logical3A_588 = arith.shrui %shift_right_logical3A_585, %shift_right_logical3A_587 : vector<16xi32>
    %shift_right_logical3A_589 = arith.constant 7 : i32
    %shift_right_logical3A_590 = vector.broadcast %shift_right_logical3A_589 : i32 to vector<16xi32>
    %shift_right_logical3A_591 = arith.shrui %shift_right_logical3A_585, %shift_right_logical3A_590 : vector<16xi32>
    %and3A_592 = arith.constant 255 : i32
    %and3A_593 = vector.broadcast %and3A_592 : i32 to vector<16xi32>
    %and3A_594 = arith.andi %shift_right_logical3A_591, %and3A_593 : vector<16xi32>
    %and3A_595 = arith.constant 127 : i32
    %and3A_596 = vector.broadcast %and3A_595 : i32 to vector<16xi32>
    %and3A_597 = arith.andi %shift_right_logical3A_585, %and3A_596 : vector<16xi32>
    %convert_element_type3A_598 = arith.sitofp %and3A_597 : vector<16xi32> to vector<16xf32>
    %eq3A_599 = arith.constant 0 : i32
    %eq3A_600 = vector.broadcast %eq3A_599 : i32 to vector<16xi32>
    %eq3A_601 = arith.cmpi eq, %and3A_594, %eq3A_600 : vector<16xi32>
    %mul3A_602 = arith.constant 1.562500e-02 : f32
    %mul3A_603 = vector.broadcast %mul3A_602 : f32 to vector<16xf32>
    %mul3A_604 = arith.mulf %convert_element_type3A_598, %mul3A_603 : vector<16xf32>
    %mul3A_605 = arith.constant 7.812500e-03 : f32
    %mul3A_606 = vector.broadcast %mul3A_605 : f32 to vector<16xf32>
    %mul3A_607 = arith.mulf %convert_element_type3A_598, %mul3A_606 : vector<16xf32>
    %add3A_608 = arith.constant 1.000000e+00 : f32
    %add3A_609 = vector.broadcast %add3A_608 : f32 to vector<16xf32>
    %add3A_610 = arith.addf %mul3A_607, %add3A_609 : vector<16xf32>
    %select_n3A_611 = arith.select %eq3A_601, %mul3A_604, %add3A_610 : vector<16xi1>, vector<16xf32>
    %sub3A_612 = arith.constant 127 : i32
    %sub3A_613 = vector.broadcast %sub3A_612 : i32 to vector<16xi32>
    %sub3A_614 = arith.subi %and3A_594, %sub3A_613 : vector<16xi32>
    %convert_element_type3A_615 = arith.sitofp %sub3A_614 : vector<16xi32> to vector<16xf32>
    %mul3A_616 = arith.constant 0.693147182 : f32
    %mul3A_617 = vector.broadcast %mul3A_616 : f32 to vector<16xf32>
    %mul3A_618 = arith.mulf %convert_element_type3A_615, %mul3A_617 : vector<16xf32>
    %exp3A_619 = math.exp %mul3A_618 : vector<16xf32>
    %mul3A_620 = arith.mulf %select_n3A_611, %exp3A_619 : vector<16xf32>
    %eq3A_621 = arith.constant 1 : i32
    %eq3A_622 = vector.broadcast %eq3A_621 : i32 to vector<16xi32>
    %eq3A_623 = arith.cmpi eq, %shift_right_logical3A_588, %eq3A_622 : vector<16xi32>
    %neg3A_624 = arith.constant 0.000000e+00 : f32
    %neg3A_625 = vector.broadcast %neg3A_624 : f32 to vector<16xf32>
    %neg3A_626 = arith.subf %neg3A_625, %mul3A_620 : vector<16xf32>
    %select_n3A_627 = arith.select %eq3A_623, %neg3A_626, %mul3A_620 : vector<16xi1>, vector<16xf32>
    %and3A_628 = arith.constant 65535 : i32
    %and3A_629 = vector.broadcast %and3A_628 : i32 to vector<16xi32>
    %and3A_630 = arith.andi %get3A_582, %and3A_629 : vector<16xi32>
    %shift_right_logical3A_631 = arith.constant 15 : i32
    %shift_right_logical3A_632 = vector.broadcast %shift_right_logical3A_631 : i32 to vector<16xi32>
    %shift_right_logical3A_633 = arith.shrui %and3A_630, %shift_right_logical3A_632 : vector<16xi32>
    %shift_right_logical3A_634 = arith.constant 7 : i32
    %shift_right_logical3A_635 = vector.broadcast %shift_right_logical3A_634 : i32 to vector<16xi32>
    %shift_right_logical3A_636 = arith.shrui %and3A_630, %shift_right_logical3A_635 : vector<16xi32>
    %and3A_637 = arith.constant 255 : i32
    %and3A_638 = vector.broadcast %and3A_637 : i32 to vector<16xi32>
    %and3A_639 = arith.andi %shift_right_logical3A_636, %and3A_638 : vector<16xi32>
    %and3A_640 = arith.constant 127 : i32
    %and3A_641 = vector.broadcast %and3A_640 : i32 to vector<16xi32>
    %and3A_642 = arith.andi %and3A_630, %and3A_641 : vector<16xi32>
    %convert_element_type3A_643 = arith.sitofp %and3A_642 : vector<16xi32> to vector<16xf32>
    %eq3A_644 = arith.constant 0 : i32
    %eq3A_645 = vector.broadcast %eq3A_644 : i32 to vector<16xi32>
    %eq3A_646 = arith.cmpi eq, %and3A_639, %eq3A_645 : vector<16xi32>
    %mul3A_647 = arith.constant 1.562500e-02 : f32
    %mul3A_648 = vector.broadcast %mul3A_647 : f32 to vector<16xf32>
    %mul3A_649 = arith.mulf %convert_element_type3A_643, %mul3A_648 : vector<16xf32>
    %mul3A_650 = arith.constant 7.812500e-03 : f32
    %mul3A_651 = vector.broadcast %mul3A_650 : f32 to vector<16xf32>
    %mul3A_652 = arith.mulf %convert_element_type3A_643, %mul3A_651 : vector<16xf32>
    %add3A_653 = arith.constant 1.000000e+00 : f32
    %add3A_654 = vector.broadcast %add3A_653 : f32 to vector<16xf32>
    %add3A_655 = arith.addf %mul3A_652, %add3A_654 : vector<16xf32>
    %select_n3A_656 = arith.select %eq3A_646, %mul3A_649, %add3A_655 : vector<16xi1>, vector<16xf32>
    %sub3A_657 = arith.constant 127 : i32
    %sub3A_658 = vector.broadcast %sub3A_657 : i32 to vector<16xi32>
    %sub3A_659 = arith.subi %and3A_639, %sub3A_658 : vector<16xi32>
    %convert_element_type3A_660 = arith.sitofp %sub3A_659 : vector<16xi32> to vector<16xf32>
    %mul3A_661 = arith.constant 0.693147182 : f32
    %mul3A_662 = vector.broadcast %mul3A_661 : f32 to vector<16xf32>
    %mul3A_663 = arith.mulf %convert_element_type3A_660, %mul3A_662 : vector<16xf32>
    %exp3A_664 = math.exp %mul3A_663 : vector<16xf32>
    %mul3A_665 = arith.mulf %select_n3A_656, %exp3A_664 : vector<16xf32>
    %eq3A_666 = arith.constant 1 : i32
    %eq3A_667 = vector.broadcast %eq3A_666 : i32 to vector<16xi32>
    %eq3A_668 = arith.cmpi eq, %shift_right_logical3A_633, %eq3A_667 : vector<16xi32>
    %neg3A_669 = arith.constant 0.000000e+00 : f32
    %neg3A_670 = vector.broadcast %neg3A_669 : f32 to vector<16xf32>
    %neg3A_671 = arith.subf %neg3A_670, %mul3A_665 : vector<16xf32>
    %select_n3A_672 = arith.select %eq3A_668, %neg3A_671, %mul3A_665 : vector<16xi1>, vector<16xf32>
    %get3A_673 = arith.constant 64 : index
    %get3A_674 = tpu.vector_load %arg12[%get3A_673] {strides = array<i32>} : memref<512xf32, #tpu.memory_space<vmem>>, vector<16xf32>,
    %get3A_675 = vector.shape_cast %get3A_674 : vector<16xf32> to vector<16xf32>
    %get3A_676 = arith.constant 64 : index
    %get3A_677 = tpu.vector_load %arg13[%get3A_676] {strides = array<i32>} : memref<512xf32, #tpu.memory_space<vmem>>, vector<16xf32>,
    %get3A_678 = vector.shape_cast %get3A_677 : vector<16xf32> to vector<16xf32>
    %get3A_679 = arith.constant 64 : index
    %get3A_680 = tpu.vector_load %arg14[%get3A_679] {strides = array<i32>} : memref<512xf32, #tpu.memory_space<vmem>>, vector<16xf32>,
    %get3A_681 = vector.shape_cast %get3A_680 : vector<16xf32> to vector<16xf32>
    %ne3A_682 = arith.constant 0.000000e+00 : f32
    %ne3A_683 = vector.broadcast %ne3A_682 : f32 to vector<16xf32>
    %ne3A_684 = arith.cmpf one, %get3A_675, %ne3A_683 : vector<16xf32>
    %mul3A_685 = arith.mulf %select_n3A_627, %get3A_675 : vector<16xf32>
    %sub3A_686 = arith.constant 1.000000e+00 : f32
    %sub3A_687 = vector.broadcast %sub3A_686 : f32 to vector<16xf32>
    %sub3A_688 = arith.subf %sub3A_687, %select_n3A_627 : vector<16xf32>
    %mul3A_689 = arith.mulf %sub3A_688, %get3A_678 : vector<16xf32>
    %add3A_690 = arith.addf %mul3A_685, %mul3A_689 : vector<16xf32>
    %select_n3A_691 = arith.select %ne3A_684, %add3A_690, %get3A_678 : vector<16xi1>, vector<16xf32>
    %jit3A_692 = arith.constant 0.000000e+00 : f32
    %broadcast_in_dim3A_693 = vector.broadcast %jit3A_692 : f32 to vector<16xf32>
    %select_n3A_694 = arith.select %ne3A_684, %select_n3A_672, %broadcast_in_dim3A_693 : vector<16xi1>, vector<16xf32>
    %sub3A_695 = arith.constant 1.000000e+00 : f32
    %sub3A_696 = vector.broadcast %sub3A_695 : f32 to vector<16xf32>
    %sub3A_697 = arith.subf %sub3A_696, %select_n3A_672 : vector<16xf32>
    %mul3A_698 = arith.mulf %sub3A_697, %get3A_681 : vector<16xf32>
    %add3A_699 = arith.addf %select_n3A_694, %mul3A_698 : vector<16xf32>
    %mul3A_700 = arith.mulf %select_n3A_691, %add3A_699 : vector<16xf32>
    %swap3A_701 = arith.constant 64 : index
    %swap3A_702 = tpu.vector_load %arg15[%swap3A_701] {strides = array<i32>} : memref<512xf32, #tpu.memory_space<vmem>>, vector<16xf32>,
    %swap3A_703 = vector.shape_cast %swap3A_702 : vector<16xf32> to vector<16xf32>
    %swap3A_704 = vector.shape_cast %mul3A_700 : vector<16xf32> to vector<16xf32>
    tpu.vector_store %arg15[%swap3A_701], %swap3A_704 {strides = array<i32>} : memref<512xf32, #tpu.memory_space<vmem>>, vector<16xf32>,
    %swap3A_705 = arith.constant 64 : index
    %swap3A_706 = tpu.vector_load %arg16[%swap3A_705] {strides = array<i32>} : memref<512xf32, #tpu.memory_space<vmem>>, vector<16xf32>,
    %swap3A_707 = vector.shape_cast %swap3A_706 : vector<16xf32> to vector<16xf32>
    %swap3A_708 = vector.shape_cast %select_n3A_691 : vector<16xf32> to vector<16xf32>
    tpu.vector_store %arg16[%swap3A_705], %swap3A_708 {strides = array<i32>} : memref<512xf32, #tpu.memory_space<vmem>>, vector<16xf32>,
    %swap3A_709 = arith.constant 64 : index
    %swap3A_710 = tpu.vector_load %arg17[%swap3A_709] {strides = array<i32>} : memref<512xf32, #tpu.memory_space<vmem>>, vector<16xf32>,
    %swap3A_711 = vector.shape_cast %swap3A_710 : vector<16xf32> to vector<16xf32>
    %swap3A_712 = vector.shape_cast %add3A_699 : vector<16xf32> to vector<16xf32>
    tpu.vector_store %arg17[%swap3A_709], %swap3A_712 {strides = array<i32>} : memref<512xf32, #tpu.memory_space<vmem>>, vector<16xf32>,
    %get3A_713 = arith.constant 80 : index
    %get3A_714 = tpu.vector_load %arg11[%get3A_713] {strides = array<i32>} : memref<512xi32, #tpu.memory_space<vmem>>, vector<16xi32>,
    %get3A_715 = vector.shape_cast %get3A_714 : vector<16xi32> to vector<16xi32>
    %shift_right_logical3A_716 = arith.constant 16 : i32
    %shift_right_logical3A_717 = vector.broadcast %shift_right_logical3A_716 : i32 to vector<16xi32>
    %shift_right_logical3A_718 = arith.shrui %get3A_715, %shift_right_logical3A_717 : vector<16xi32>
    %shift_right_logical3A_719 = arith.constant 15 : i32
    %shift_right_logical3A_720 = vector.broadcast %shift_right_logical3A_719 : i32 to vector<16xi32>
    %shift_right_logical3A_721 = arith.shrui %shift_right_logical3A_718, %shift_right_logical3A_720 : vector<16xi32>
    %shift_right_logical3A_722 = arith.constant 7 : i32
    %shift_right_logical3A_723 = vector.broadcast %shift_right_logical3A_722 : i32 to vector<16xi32>
    %shift_right_logical3A_724 = arith.shrui %shift_right_logical3A_718, %shift_right_logical3A_723 : vector<16xi32>
    %and3A_725 = arith.constant 255 : i32
    %and3A_726 = vector.broadcast %and3A_725 : i32 to vector<16xi32>
    %and3A_727 = arith.andi %shift_right_logical3A_724, %and3A_726 : vector<16xi32>
    %and3A_728 = arith.constant 127 : i32
    %and3A_729 = vector.broadcast %and3A_728 : i32 to vector<16xi32>
    %and3A_730 = arith.andi %shift_right_logical3A_718, %and3A_729 : vector<16xi32>
    %convert_element_type3A_731 = arith.sitofp %and3A_730 : vector<16xi32> to vector<16xf32>
    %eq3A_732 = arith.constant 0 : i32
    %eq3A_733 = vector.broadcast %eq3A_732 : i32 to vector<16xi32>
    %eq3A_734 = arith.cmpi eq, %and3A_727, %eq3A_733 : vector<16xi32>
    %mul3A_735 = arith.constant 1.562500e-02 : f32
    %mul3A_736 = vector.broadcast %mul3A_735 : f32 to vector<16xf32>
    %mul3A_737 = arith.mulf %convert_element_type3A_731, %mul3A_736 : vector<16xf32>
    %mul3A_738 = arith.constant 7.812500e-03 : f32
    %mul3A_739 = vector.broadcast %mul3A_738 : f32 to vector<16xf32>
    %mul3A_740 = arith.mulf %convert_element_type3A_731, %mul3A_739 : vector<16xf32>
    %add3A_741 = arith.constant 1.000000e+00 : f32
    %add3A_742 = vector.broadcast %add3A_741 : f32 to vector<16xf32>
    %add3A_743 = arith.addf %mul3A_740, %add3A_742 : vector<16xf32>
    %select_n3A_744 = arith.select %eq3A_734, %mul3A_737, %add3A_743 : vector<16xi1>, vector<16xf32>
    %sub3A_745 = arith.constant 127 : i32
    %sub3A_746 = vector.broadcast %sub3A_745 : i32 to vector<16xi32>
    %sub3A_747 = arith.subi %and3A_727, %sub3A_746 : vector<16xi32>
    %convert_element_type3A_748 = arith.sitofp %sub3A_747 : vector<16xi32> to vector<16xf32>
    %mul3A_749 = arith.constant 0.693147182 : f32
    %mul3A_750 = vector.broadcast %mul3A_749 : f32 to vector<16xf32>
    %mul3A_751 = arith.mulf %convert_element_type3A_748, %mul3A_750 : vector<16xf32>
    %exp3A_752 = math.exp %mul3A_751 : vector<16xf32>
    %mul3A_753 = arith.mulf %select_n3A_744, %exp3A_752 : vector<16xf32>
    %eq3A_754 = arith.constant 1 : i32
    %eq3A_755 = vector.broadcast %eq3A_754 : i32 to vector<16xi32>
    %eq3A_756 = arith.cmpi eq, %shift_right_logical3A_721, %eq3A_755 : vector<16xi32>
    %neg3A_757 = arith.constant 0.000000e+00 : f32
    %neg3A_758 = vector.broadcast %neg3A_757 : f32 to vector<16xf32>
    %neg3A_759 = arith.subf %neg3A_758, %mul3A_753 : vector<16xf32>
    %select_n3A_760 = arith.select %eq3A_756, %neg3A_759, %mul3A_753 : vector<16xi1>, vector<16xf32>
    %and3A_761 = arith.constant 65535 : i32
    %and3A_762 = vector.broadcast %and3A_761 : i32 to vector<16xi32>
    %and3A_763 = arith.andi %get3A_715, %and3A_762 : vector<16xi32>
    %shift_right_logical3A_764 = arith.constant 15 : i32
    %shift_right_logical3A_765 = vector.broadcast %shift_right_logical3A_764 : i32 to vector<16xi32>
    %shift_right_logical3A_766 = arith.shrui %and3A_763, %shift_right_logical3A_765 : vector<16xi32>
    %shift_right_logical3A_767 = arith.constant 7 : i32
    %shift_right_logical3A_768 = vector.broadcast %shift_right_logical3A_767 : i32 to vector<16xi32>
    %shift_right_logical3A_769 = arith.shrui %and3A_763, %shift_right_logical3A_768 : vector<16xi32>
    %and3A_770 = arith.constant 255 : i32
    %and3A_771 = vector.broadcast %and3A_770 : i32 to vector<16xi32>
    %and3A_772 = arith.andi %shift_right_logical3A_769, %and3A_771 : vector<16xi32>
    %and3A_773 = arith.constant 127 : i32
    %and3A_774 = vector.broadcast %and3A_773 : i32 to vector<16xi32>
    %and3A_775 = arith.andi %and3A_763, %and3A_774 : vector<16xi32>
    %convert_element_type3A_776 = arith.sitofp %and3A_775 : vector<16xi32> to vector<16xf32>
    %eq3A_777 = arith.constant 0 : i32
    %eq3A_778 = vector.broadcast %eq3A_777 : i32 to vector<16xi32>
    %eq3A_779 = arith.cmpi eq, %and3A_772, %eq3A_778 : vector<16xi32>
    %mul3A_780 = arith.constant 1.562500e-02 : f32
    %mul3A_781 = vector.broadcast %mul3A_780 : f32 to vector<16xf32>
    %mul3A_782 = arith.mulf %convert_element_type3A_776, %mul3A_781 : vector<16xf32>
    %mul3A_783 = arith.constant 7.812500e-03 : f32
    %mul3A_784 = vector.broadcast %mul3A_783 : f32 to vector<16xf32>
    %mul3A_785 = arith.mulf %convert_element_type3A_776, %mul3A_784 : vector<16xf32>
    %add3A_786 = arith.constant 1.000000e+00 : f32
    %add3A_787 = vector.broadcast %add3A_786 : f32 to vector<16xf32>
    %add3A_788 = arith.addf %mul3A_785, %add3A_787 : vector<16xf32>
    %select_n3A_789 = arith.select %eq3A_779, %mul3A_782, %add3A_788 : vector<16xi1>, vector<16xf32>
    %sub3A_790 = arith.constant 127 : i32
    %sub3A_791 = vector.broadcast %sub3A_790 : i32 to vector<16xi32>
    %sub3A_792 = arith.subi %and3A_772, %sub3A_791 : vector<16xi32>
    %convert_element_type3A_793 = arith.sitofp %sub3A_792 : vector<16xi32> to vector<16xf32>
    %mul3A_794 = arith.constant 0.693147182 : f32
    %mul3A_795 = vector.broadcast %mul3A_794 : f32 to vector<16xf32>
    %mul3A_796 = arith.mulf %convert_element_type3A_793, %mul3A_795 : vector<16xf32>
    %exp3A_797 = math.exp %mul3A_796 : vector<16xf32>
    %mul3A_798 = arith.mulf %select_n3A_789, %exp3A_797 : vector<16xf32>
    %eq3A_799 = arith.constant 1 : i32
    %eq3A_800 = vector.broadcast %eq3A_799 : i32 to vector<16xi32>
    %eq3A_801 = arith.cmpi eq, %shift_right_logical3A_766, %eq3A_800 : vector<16xi32>
    %neg3A_802 = arith.constant 0.000000e+00 : f32
    %neg3A_803 = vector.broadcast %neg3A_802 : f32 to vector<16xf32>
    %neg3A_804 = arith.subf %neg3A_803, %mul3A_798 : vector<16xf32>
    %select_n3A_805 = arith.select %eq3A_801, %neg3A_804, %mul3A_798 : vector<16xi1>, vector<16xf32>
    %get3A_806 = arith.constant 80 : index
    %get3A_807 = tpu.vector_load %arg12[%get3A_806] {strides = array<i32>} : memref<512xf32, #tpu.memory_space<vmem>>, vector<16xf32>,
    %get3A_808 = vector.shape_cast %get3A_807 : vector<16xf32> to vector<16xf32>
    %get3A_809 = arith.constant 80 : index
    %get3A_810 = tpu.vector_load %arg13[%get3A_809] {strides = array<i32>} : memref<512xf32, #tpu.memory_space<vmem>>, vector<16xf32>,
    %get3A_811 = vector.shape_cast %get3A_810 : vector<16xf32> to vector<16xf32>
    %get3A_812 = arith.constant 80 : index
    %get3A_813 = tpu.vector_load %arg14[%get3A_812] {strides = array<i32>} : memref<512xf32, #tpu.memory_space<vmem>>, vector<16xf32>,
    %get3A_814 = vector.shape_cast %get3A_813 : vector<16xf32> to vector<16xf32>
    %ne3A_815 = arith.constant 0.000000e+00 : f32
    %ne3A_816 = vector.broadcast %ne3A_815 : f32 to vector<16xf32>
    %ne3A_817 = arith.cmpf one, %get3A_808, %ne3A_816 : vector<16xf32>
    %mul3A_818 = arith.mulf %select_n3A_760, %get3A_808 : vector<16xf32>
    %sub3A_819 = arith.constant 1.000000e+00 : f32
    %sub3A_820 = vector.broadcast %sub3A_819 : f32 to vector<16xf32>
    %sub3A_821 = arith.subf %sub3A_820, %select_n3A_760 : vector<16xf32>
    %mul3A_822 = arith.mulf %sub3A_821, %get3A_811 : vector<16xf32>
    %add3A_823 = arith.addf %mul3A_818, %mul3A_822 : vector<16xf32>
    %select_n3A_824 = arith.select %ne3A_817, %add3A_823, %get3A_811 : vector<16xi1>, vector<16xf32>
    %jit3A_825 = arith.constant 0.000000e+00 : f32
    %broadcast_in_dim3A_826 = vector.broadcast %jit3A_825 : f32 to vector<16xf32>
    %select_n3A_827 = arith.select %ne3A_817, %select_n3A_805, %broadcast_in_dim3A_826 : vector<16xi1>, vector<16xf32>
    %sub3A_828 = arith.constant 1.000000e+00 : f32
    %sub3A_829 = vector.broadcast %sub3A_828 : f32 to vector<16xf32>
    %sub3A_830 = arith.subf %sub3A_829, %select_n3A_805 : vector<16xf32>
    %mul3A_831 = arith.mulf %sub3A_830, %get3A_814 : vector<16xf32>
    %add3A_832 = arith.addf %select_n3A_827, %mul3A_831 : vector<16xf32>
    %mul3A_833 = arith.mulf %select_n3A_824, %add3A_832 : vector<16xf32>
    %swap3A_834 = arith.constant 80 : index
    %swap3A_835 = tpu.vector_load %arg15[%swap3A_834] {strides = array<i32>} : memref<512xf32, #tpu.memory_space<vmem>>, vector<16xf32>,
    %swap3A_836 = vector.shape_cast %swap3A_835 : vector<16xf32> to vector<16xf32>
    %swap3A_837 = vector.shape_cast %mul3A_833 : vector<16xf32> to vector<16xf32>
    tpu.vector_store %arg15[%swap3A_834], %swap3A_837 {strides = array<i32>} : memref<512xf32, #tpu.memory_space<vmem>>, vector<16xf32>,
    %swap3A_838 = arith.constant 80 : index
    %swap3A_839 = tpu.vector_load %arg16[%swap3A_838] {strides = array<i32>} : memref<512xf32, #tpu.memory_space<vmem>>, vector<16xf32>,
    %swap3A_840 = vector.shape_cast %swap3A_839 : vector<16xf32> to vector<16xf32>
    %swap3A_841 = vector.shape_cast %select_n3A_824 : vector<16xf32> to vector<16xf32>
    tpu.vector_store %arg16[%swap3A_838], %swap3A_841 {strides = array<i32>} : memref<512xf32, #tpu.memory_space<vmem>>, vector<16xf32>,
    %swap3A_842 = arith.constant 80 : index
    %swap3A_843 = tpu.vector_load %arg17[%swap3A_842] {strides = array<i32>} : memref<512xf32, #tpu.memory_space<vmem>>, vector<16xf32>,
    %swap3A_844 = vector.shape_cast %swap3A_843 : vector<16xf32> to vector<16xf32>
    %swap3A_845 = vector.shape_cast %add3A_832 : vector<16xf32> to vector<16xf32>
    tpu.vector_store %arg17[%swap3A_842], %swap3A_845 {strides = array<i32>} : memref<512xf32, #tpu.memory_space<vmem>>, vector<16xf32>,
    %get3A_846 = arith.constant 96 : index
    %get3A_847 = tpu.vector_load %arg11[%get3A_846] {strides = array<i32>} : memref<512xi32, #tpu.memory_space<vmem>>, vector<16xi32>,
    %get3A_848 = vector.shape_cast %get3A_847 : vector<16xi32> to vector<16xi32>
    %shift_right_logical3A_849 = arith.constant 16 : i32
    %shift_right_logical3A_850 = vector.broadcast %shift_right_logical3A_849 : i32 to vector<16xi32>
    %shift_right_logical3A_851 = arith.shrui %get3A_848, %shift_right_logical3A_850 : vector<16xi32>
    %shift_right_logical3A_852 = arith.constant 15 : i32
    %shift_right_logical3A_853 = vector.broadcast %shift_right_logical3A_852 : i32 to vector<16xi32>
    %shift_right_logical3A_854 = arith.shrui %shift_right_logical3A_851, %shift_right_logical3A_853 : vector<16xi32>
    %shift_right_logical3A_855 = arith.constant 7 : i32
    %shift_right_logical3A_856 = vector.broadcast %shift_right_logical3A_855 : i32 to vector<16xi32>
    %shift_right_logical3A_857 = arith.shrui %shift_right_logical3A_851, %shift_right_logical3A_856 : vector<16xi32>
    %and3A_858 = arith.constant 255 : i32
    %and3A_859 = vector.broadcast %and3A_858 : i32 to vector<16xi32>
    %and3A_860 = arith.andi %shift_right_logical3A_857, %and3A_859 : vector<16xi32>
    %and3A_861 = arith.constant 127 : i32
    %and3A_862 = vector.broadcast %and3A_861 : i32 to vector<16xi32>
    %and3A_863 = arith.andi %shift_right_logical3A_851, %and3A_862 : vector<16xi32>
    %convert_element_type3A_864 = arith.sitofp %and3A_863 : vector<16xi32> to vector<16xf32>
    %eq3A_865 = arith.constant 0 : i32
    %eq3A_866 = vector.broadcast %eq3A_865 : i32 to vector<16xi32>
    %eq3A_867 = arith.cmpi eq, %and3A_860, %eq3A_866 : vector<16xi32>
    %mul3A_868 = arith.constant 1.562500e-02 : f32
    %mul3A_869 = vector.broadcast %mul3A_868 : f32 to vector<16xf32>
    %mul3A_870 = arith.mulf %convert_element_type3A_864, %mul3A_869 : vector<16xf32>
    %mul3A_871 = arith.constant 7.812500e-03 : f32
    %mul3A_872 = vector.broadcast %mul3A_871 : f32 to vector<16xf32>
    %mul3A_873 = arith.mulf %convert_element_type3A_864, %mul3A_872 : vector<16xf32>
    %add3A_874 = arith.constant 1.000000e+00 : f32
    %add3A_875 = vector.broadcast %add3A_874 : f32 to vector<16xf32>
    %add3A_876 = arith.addf %mul3A_873, %add3A_875 : vector<16xf32>
    %select_n3A_877 = arith.select %eq3A_867, %mul3A_870, %add3A_876 : vector<16xi1>, vector<16xf32>
    %sub3A_878 = arith.constant 127 : i32
    %sub3A_879 = vector.broadcast %sub3A_878 : i32 to vector<16xi32>
    %sub3A_880 = arith.subi %and3A_860, %sub3A_879 : vector<16xi32>
    %convert_element_type3A_881 = arith.sitofp %sub3A_880 : vector<16xi32> to vector<16xf32>
    %mul3A_882 = arith.constant 0.693147182 : f32
    %mul3A_883 = vector.broadcast %mul3A_882 : f32 to vector<16xf32>
    %mul3A_884 = arith.mulf %convert_element_type3A_881, %mul3A_883 : vector<16xf32>
    %exp3A_885 = math.exp %mul3A_884 : vector<16xf32>
    %mul3A_886 = arith.mulf %select_n3A_877, %exp3A_885 : vector<16xf32>
    %eq3A_887 = arith.constant 1 : i32
    %eq3A_888 = vector.broadcast %eq3A_887 : i32 to vector<16xi32>
    %eq3A_889 = arith.cmpi eq, %shift_right_logical3A_854, %eq3A_888 : vector<16xi32>
    %neg3A_890 = arith.constant 0.000000e+00 : f32
    %neg3A_891 = vector.broadcast %neg3A_890 : f32 to vector<16xf32>
    %neg3A_892 = arith.subf %neg3A_891, %mul3A_886 : vector<16xf32>
    %select_n3A_893 = arith.select %eq3A_889, %neg3A_892, %mul3A_886 : vector<16xi1>, vector<16xf32>
    %and3A_894 = arith.constant 65535 : i32
    %and3A_895 = vector.broadcast %and3A_894 : i32 to vector<16xi32>
    %and3A_896 = arith.andi %get3A_848, %and3A_895 : vector<16xi32>
    %shift_right_logical3A_897 = arith.constant 15 : i32
    %shift_right_logical3A_898 = vector.broadcast %shift_right_logical3A_897 : i32 to vector<16xi32>
    %shift_right_logical3A_899 = arith.shrui %and3A_896, %shift_right_logical3A_898 : vector<16xi32>
    %shift_right_logical3A_900 = arith.constant 7 : i32
    %shift_right_logical3A_901 = vector.broadcast %shift_right_logical3A_900 : i32 to vector<16xi32>
    %shift_right_logical3A_902 = arith.shrui %and3A_896, %shift_right_logical3A_901 : vector<16xi32>
    %and3A_903 = arith.constant 255 : i32
    %and3A_904 = vector.broadcast %and3A_903 : i32 to vector<16xi32>
    %and3A_905 = arith.andi %shift_right_logical3A_902, %and3A_904 : vector<16xi32>
    %and3A_906 = arith.constant 127 : i32
    %and3A_907 = vector.broadcast %and3A_906 : i32 to vector<16xi32>
    %and3A_908 = arith.andi %and3A_896, %and3A_907 : vector<16xi32>
    %convert_element_type3A_909 = arith.sitofp %and3A_908 : vector<16xi32> to vector<16xf32>
    %eq3A_910 = arith.constant 0 : i32
    %eq3A_911 = vector.broadcast %eq3A_910 : i32 to vector<16xi32>
    %eq3A_912 = arith.cmpi eq, %and3A_905, %eq3A_911 : vector<16xi32>
    %mul3A_913 = arith.constant 1.562500e-02 : f32
    %mul3A_914 = vector.broadcast %mul3A_913 : f32 to vector<16xf32>
    %mul3A_915 = arith.mulf %convert_element_type3A_909, %mul3A_914 : vector<16xf32>
    %mul3A_916 = arith.constant 7.812500e-03 : f32
    %mul3A_917 = vector.broadcast %mul3A_916 : f32 to vector<16xf32>
    %mul3A_918 = arith.mulf %convert_element_type3A_909, %mul3A_917 : vector<16xf32>
    %add3A_919 = arith.constant 1.000000e+00 : f32
    %add3A_920 = vector.broadcast %add3A_919 : f32 to vector<16xf32>
    %add3A_921 = arith.addf %mul3A_918, %add3A_920 : vector<16xf32>
    %select_n3A_922 = arith.select %eq3A_912, %mul3A_915, %add3A_921 : vector<16xi1>, vector<16xf32>
    %sub3A_923 = arith.constant 127 : i32
    %sub3A_924 = vector.broadcast %sub3A_923 : i32 to vector<16xi32>
    %sub3A_925 = arith.subi %and3A_905, %sub3A_924 : vector<16xi32>
    %convert_element_type3A_926 = arith.sitofp %sub3A_925 : vector<16xi32> to vector<16xf32>
    %mul3A_927 = arith.constant 0.693147182 : f32
    %mul3A_928 = vector.broadcast %mul3A_927 : f32 to vector<16xf32>
    %mul3A_929 = arith.mulf %convert_element_type3A_926, %mul3A_928 : vector<16xf32>
    %exp3A_930 = math.exp %mul3A_929 : vector<16xf32>
    %mul3A_931 = arith.mulf %select_n3A_922, %exp3A_930 : vector<16xf32>
    %eq3A_932 = arith.constant 1 : i32
    %eq3A_933 = vector.broadcast %eq3A_932 : i32 to vector<16xi32>
    %eq3A_934 = arith.cmpi eq, %shift_right_logical3A_899, %eq3A_933 : vector<16xi32>
    %neg3A_935 = arith.constant 0.000000e+00 : f32
    %neg3A_936 = vector.broadcast %neg3A_935 : f32 to vector<16xf32>
    %neg3A_937 = arith.subf %neg3A_936, %mul3A_931 : vector<16xf32>
    %select_n3A_938 = arith.select %eq3A_934, %neg3A_937, %mul3A_931 : vector<16xi1>, vector<16xf32>
    %get3A_939 = arith.constant 96 : index
    %get3A_940 = tpu.vector_load %arg12[%get3A_939] {strides = array<i32>} : memref<512xf32, #tpu.memory_space<vmem>>, vector<16xf32>,
    %get3A_941 = vector.shape_cast %get3A_940 : vector<16xf32> to vector<16xf32>
    %get3A_942 = arith.constant 96 : index
    %get3A_943 = tpu.vector_load %arg13[%get3A_942] {strides = array<i32>} : memref<512xf32, #tpu.memory_space<vmem>>, vector<16xf32>,
    %get3A_944 = vector.shape_cast %get3A_943 : vector<16xf32> to vector<16xf32>
    %get3A_945 = arith.constant 96 : index
    %get3A_946 = tpu.vector_load %arg14[%get3A_945] {strides = array<i32>} : memref<512xf32, #tpu.memory_space<vmem>>, vector<16xf32>,
    %get3A_947 = vector.shape_cast %get3A_946 : vector<16xf32> to vector<16xf32>
    %ne3A_948 = arith.constant 0.000000e+00 : f32
    %ne3A_949 = vector.broadcast %ne3A_948 : f32 to vector<16xf32>
    %ne3A_950 = arith.cmpf one, %get3A_941, %ne3A_949 : vector<16xf32>
    %mul3A_951 = arith.mulf %select_n3A_893, %get3A_941 : vector<16xf32>
    %sub3A_952 = arith.constant 1.000000e+00 : f32
    %sub3A_953 = vector.broadcast %sub3A_952 : f32 to vector<16xf32>
    %sub3A_954 = arith.subf %sub3A_953, %select_n3A_893 : vector<16xf32>
    %mul3A_955 = arith.mulf %sub3A_954, %get3A_944 : vector<16xf32>
    %add3A_956 = arith.addf %mul3A_951, %mul3A_955 : vector<16xf32>
    %select_n3A_957 = arith.select %ne3A_950, %add3A_956, %get3A_944 : vector<16xi1>, vector<16xf32>
    %jit3A_958 = arith.constant 0.000000e+00 : f32
    %broadcast_in_dim3A_959 = vector.broadcast %jit3A_958 : f32 to vector<16xf32>
    %select_n3A_960 = arith.select %ne3A_950, %select_n3A_938, %broadcast_in_dim3A_959 : vector<16xi1>, vector<16xf32>
    %sub3A_961 = arith.constant 1.000000e+00 : f32
    %sub3A_962 = vector.broadcast %sub3A_961 : f32 to vector<16xf32>
    %sub3A_963 = arith.subf %sub3A_962, %select_n3A_938 : vector<16xf32>
    %mul3A_964 = arith.mulf %sub3A_963, %get3A_947 : vector<16xf32>
    %add3A_965 = arith.addf %select_n3A_960, %mul3A_964 : vector<16xf32>
    %mul3A_966 = arith.mulf %select_n3A_957, %add3A_965 : vector<16xf32>
    %swap3A_967 = arith.constant 96 : index
    %swap3A_968 = tpu.vector_load %arg15[%swap3A_967] {strides = array<i32>} : memref<512xf32, #tpu.memory_space<vmem>>, vector<16xf32>,
    %swap3A_969 = vector.shape_cast %swap3A_968 : vector<16xf32> to vector<16xf32>
    %swap3A_970 = vector.shape_cast %mul3A_966 : vector<16xf32> to vector<16xf32>
    tpu.vector_store %arg15[%swap3A_967], %swap3A_970 {strides = array<i32>} : memref<512xf32, #tpu.memory_space<vmem>>, vector<16xf32>,
    %swap3A_971 = arith.constant 96 : index
    %swap3A_972 = tpu.vector_load %arg16[%swap3A_971] {strides = array<i32>} : memref<512xf32, #tpu.memory_space<vmem>>, vector<16xf32>,
    %swap3A_973 = vector.shape_cast %swap3A_972 : vector<16xf32> to vector<16xf32>
    %swap3A_974 = vector.shape_cast %select_n3A_957 : vector<16xf32> to vector<16xf32>
    tpu.vector_store %arg16[%swap3A_971], %swap3A_974 {strides = array<i32>} : memref<512xf32, #tpu.memory_space<vmem>>, vector<16xf32>,
    %swap3A_975 = arith.constant 96 : index
    %swap3A_976 = tpu.vector_load %arg17[%swap3A_975] {strides = array<i32>} : memref<512xf32, #tpu.memory_space<vmem>>, vector<16xf32>,
    %swap3A_977 = vector.shape_cast %swap3A_976 : vector<16xf32> to vector<16xf32>
    %swap3A_978 = vector.shape_cast %add3A_965 : vector<16xf32> to vector<16xf32>
    tpu.vector_store %arg17[%swap3A_975], %swap3A_978 {strides = array<i32>} : memref<512xf32, #tpu.memory_space<vmem>>, vector<16xf32>,
    %get3A_979 = arith.constant 112 : index
    %get3A_980 = tpu.vector_load %arg11[%get3A_979] {strides = array<i32>} : memref<512xi32, #tpu.memory_space<vmem>>, vector<16xi32>,
    %get3A_981 = vector.shape_cast %get3A_980 : vector<16xi32> to vector<16xi32>
    %shift_right_logical3A_982 = arith.constant 16 : i32
    %shift_right_logical3A_983 = vector.broadcast %shift_right_logical3A_982 : i32 to vector<16xi32>
    %shift_right_logical3A_984 = arith.shrui %get3A_981, %shift_right_logical3A_983 : vector<16xi32>
    %shift_right_logical3A_985 = arith.constant 15 : i32
    %shift_right_logical3A_986 = vector.broadcast %shift_right_logical3A_985 : i32 to vector<16xi32>
    %shift_right_logical3A_987 = arith.shrui %shift_right_logical3A_984, %shift_right_logical3A_986 : vector<16xi32>
    %shift_right_logical3A_988 = arith.constant 7 : i32
    %shift_right_logical3A_989 = vector.broadcast %shift_right_logical3A_988 : i32 to vector<16xi32>
    %shift_right_logical3A_990 = arith.shrui %shift_right_logical3A_984, %shift_right_logical3A_989 : vector<16xi32>
    %and3A_991 = arith.constant 255 : i32
    %and3A_992 = vector.broadcast %and3A_991 : i32 to vector<16xi32>
    %and3A_993 = arith.andi %shift_right_logical3A_990, %and3A_992 : vector<16xi32>
    %and3A_994 = arith.constant 127 : i32
    %and3A_995 = vector.broadcast %and3A_994 : i32 to vector<16xi32>
    %and3A_996 = arith.andi %shift_right_logical3A_984, %and3A_995 : vector<16xi32>
    %convert_element_type3A_997 = arith.sitofp %and3A_996 : vector<16xi32> to vector<16xf32>
    %eq3A_998 = arith.constant 0 : i32
    %eq3A_999 = vector.broadcast %eq3A_998 : i32 to vector<16xi32>
    %eq3A_1000 = arith.cmpi eq, %and3A_993, %eq3A_999 : vector<16xi32>
    %mul3A_1001 = arith.constant 1.562500e-02 : f32
    %mul3A_1002 = vector.broadcast %mul3A_1001 : f32 to vector<16xf32>
    %mul3A_1003 = arith.mulf %convert_element_type3A_997, %mul3A_1002 : vector<16xf32>
    %mul3A_1004 = arith.constant 7.812500e-03 : f32
    %mul3A_1005 = vector.broadcast %mul3A_1004 : f32 to vector<16xf32>
    %mul3A_1006 = arith.mulf %convert_element_type3A_997, %mul3A_1005 : vector<16xf32>
    %add3A_1007 = arith.constant 1.000000e+00 : f32
    %add3A_1008 = vector.broadcast %add3A_1007 : f32 to vector<16xf32>
    %add3A_1009 = arith.addf %mul3A_1006, %add3A_1008 : vector<16xf32>
    %select_n3A_1010 = arith.select %eq3A_1000, %mul3A_1003, %add3A_1009 : vector<16xi1>, vector<16xf32>
    %sub3A_1011 = arith.constant 127 : i32
    %sub3A_1012 = vector.broadcast %sub3A_1011 : i32 to vector<16xi32>
    %sub3A_1013 = arith.subi %and3A_993, %sub3A_1012 : vector<16xi32>
    %convert_element_type3A_1014 = arith.sitofp %sub3A_1013 : vector<16xi32> to vector<16xf32>
    %mul3A_1015 = arith.constant 0.693147182 : f32
    %mul3A_1016 = vector.broadcast %mul3A_1015 : f32 to vector<16xf32>
    %mul3A_1017 = arith.mulf %convert_element_type3A_1014, %mul3A_1016 : vector<16xf32>
    %exp3A_1018 = math.exp %mul3A_1017 : vector<16xf32>
    %mul3A_1019 = arith.mulf %select_n3A_1010, %exp3A_1018 : vector<16xf32>
    %eq3A_1020 = arith.constant 1 : i32
    %eq3A_1021 = vector.broadcast %eq3A_1020 : i32 to vector<16xi32>
    %eq3A_1022 = arith.cmpi eq, %shift_right_logical3A_987, %eq3A_1021 : vector<16xi32>
    %neg3A_1023 = arith.constant 0.000000e+00 : f32
    %neg3A_1024 = vector.broadcast %neg3A_1023 : f32 to vector<16xf32>
    %neg3A_1025 = arith.subf %neg3A_1024, %mul3A_1019 : vector<16xf32>
    %select_n3A_1026 = arith.select %eq3A_1022, %neg3A_1025, %mul3A_1019 : vector<16xi1>, vector<16xf32>
    %and3A_1027 = arith.constant 65535 : i32
    %and3A_1028 = vector.broadcast %and3A_1027 : i32 to vector<16xi32>
    %and3A_1029 = arith.andi %get3A_981, %and3A_1028 : vector<16xi32>
    %shift_right_logical3A_1030 = arith.constant 15 : i32
    %shift_right_logical3A_1031 = vector.broadcast %shift_right_logical3A_1030 : i32 to vector<16xi32>
    %shift_right_logical3A_1032 = arith.shrui %and3A_1029, %shift_right_logical3A_1031 : vector<16xi32>
    %shift_right_logical3A_1033 = arith.constant 7 : i32
    %shift_right_logical3A_1034 = vector.broadcast %shift_right_logical3A_1033 : i32 to vector<16xi32>
    %shift_right_logical3A_1035 = arith.shrui %and3A_1029, %shift_right_logical3A_1034 : vector<16xi32>
    %and3A_1036 = arith.constant 255 : i32
    %and3A_1037 = vector.broadcast %and3A_1036 : i32 to vector<16xi32>
    %and3A_1038 = arith.andi %shift_right_logical3A_1035, %and3A_1037 : vector<16xi32>
    %and3A_1039 = arith.constant 127 : i32
    %and3A_1040 = vector.broadcast %and3A_1039 : i32 to vector<16xi32>
    %and3A_1041 = arith.andi %and3A_1029, %and3A_1040 : vector<16xi32>
    %convert_element_type3A_1042 = arith.sitofp %and3A_1041 : vector<16xi32> to vector<16xf32>
    %eq3A_1043 = arith.constant 0 : i32
    %eq3A_1044 = vector.broadcast %eq3A_1043 : i32 to vector<16xi32>
    %eq3A_1045 = arith.cmpi eq, %and3A_1038, %eq3A_1044 : vector<16xi32>
    %mul3A_1046 = arith.constant 1.562500e-02 : f32
    %mul3A_1047 = vector.broadcast %mul3A_1046 : f32 to vector<16xf32>
    %mul3A_1048 = arith.mulf %convert_element_type3A_1042, %mul3A_1047 : vector<16xf32>
    %mul3A_1049 = arith.constant 7.812500e-03 : f32
    %mul3A_1050 = vector.broadcast %mul3A_1049 : f32 to vector<16xf32>
    %mul3A_1051 = arith.mulf %convert_element_type3A_1042, %mul3A_1050 : vector<16xf32>
    %add3A_1052 = arith.constant 1.000000e+00 : f32
    %add3A_1053 = vector.broadcast %add3A_1052 : f32 to vector<16xf32>
    %add3A_1054 = arith.addf %mul3A_1051, %add3A_1053 : vector<16xf32>
    %select_n3A_1055 = arith.select %eq3A_1045, %mul3A_1048, %add3A_1054 : vector<16xi1>, vector<16xf32>
    %sub3A_1056 = arith.constant 127 : i32
    %sub3A_1057 = vector.broadcast %sub3A_1056 : i32 to vector<16xi32>
    %sub3A_1058 = arith.subi %and3A_1038, %sub3A_1057 : vector<16xi32>
    %convert_element_type3A_1059 = arith.sitofp %sub3A_1058 : vector<16xi32> to vector<16xf32>
    %mul3A_1060 = arith.constant 0.693147182 : f32
    %mul3A_1061 = vector.broadcast %mul3A_1060 : f32 to vector<16xf32>
    %mul3A_1062 = arith.mulf %convert_element_type3A_1059, %mul3A_1061 : vector<16xf32>
    %exp3A_1063 = math.exp %mul3A_1062 : vector<16xf32>
    %mul3A_1064 = arith.mulf %select_n3A_1055, %exp3A_1063 : vector<16xf32>
    %eq3A_1065 = arith.constant 1 : i32
    %eq3A_1066 = vector.broadcast %eq3A_1065 : i32 to vector<16xi32>
    %eq3A_1067 = arith.cmpi eq, %shift_right_logical3A_1032, %eq3A_1066 : vector<16xi32>
    %neg3A_1068 = arith.constant 0.000000e+00 : f32
    %neg3A_1069 = vector.broadcast %neg3A_1068 : f32 to vector<16xf32>
    %neg3A_1070 = arith.subf %neg3A_1069, %mul3A_1064 : vector<16xf32>
    %select_n3A_1071 = arith.select %eq3A_1067, %neg3A_1070, %mul3A_1064 : vector<16xi1>, vector<16xf32>
    %get3A_1072 = arith.constant 112 : index
    %get3A_1073 = tpu.vector_load %arg12[%get3A_1072] {strides = array<i32>} : memref<512xf32, #tpu.memory_space<vmem>>, vector<16xf32>,
    %get3A_1074 = vector.shape_cast %get3A_1073 : vector<16xf32> to vector<16xf32>
    %get3A_1075 = arith.constant 112 : index
    %get3A_1076 = tpu.vector_load %arg13[%get3A_1075] {strides = array<i32>} : memref<512xf32, #tpu.memory_space<vmem>>, vector<16xf32>,
    %get3A_1077 = vector.shape_cast %get3A_1076 : vector<16xf32> to vector<16xf32>
    %get3A_1078 = arith.constant 112 : index
    %get3A_1079 = tpu.vector_load %arg14[%get3A_1078] {strides = array<i32>} : memref<512xf32, #tpu.memory_space<vmem>>, vector<16xf32>,
    %get3A_1080 = vector.shape_cast %get3A_1079 : vector<16xf32> to vector<16xf32>
    %ne3A_1081 = arith.constant 0.000000e+00 : f32
    %ne3A_1082 = vector.broadcast %ne3A_1081 : f32 to vector<16xf32>
    %ne3A_1083 = arith.cmpf one, %get3A_1074, %ne3A_1082 : vector<16xf32>
    %mul3A_1084 = arith.mulf %select_n3A_1026, %get3A_1074 : vector<16xf32>
    %sub3A_1085 = arith.constant 1.000000e+00 : f32
    %sub3A_1086 = vector.broadcast %sub3A_1085 : f32 to vector<16xf32>
    %sub3A_1087 = arith.subf %sub3A_1086, %select_n3A_1026 : vector<16xf32>
    %mul3A_1088 = arith.mulf %sub3A_1087, %get3A_1077 : vector<16xf32>
    %add3A_1089 = arith.addf %mul3A_1084, %mul3A_1088 : vector<16xf32>
    %select_n3A_1090 = arith.select %ne3A_1083, %add3A_1089, %get3A_1077 : vector<16xi1>, vector<16xf32>
    %jit3A_1091 = arith.constant 0.000000e+00 : f32
    %broadcast_in_dim3A_1092 = vector.broadcast %jit3A_1091 : f32 to vector<16xf32>
    %select_n3A_1093 = arith.select %ne3A_1083, %select_n3A_1071, %broadcast_in_dim3A_1092 : vector<16xi1>, vector<16xf32>
    %sub3A_1094 = arith.constant 1.000000e+00 : f32
    %sub3A_1095 = vector.broadcast %sub3A_1094 : f32 to vector<16xf32>
    %sub3A_1096 = arith.subf %sub3A_1095, %select_n3A_1071 : vector<16xf32>
    %mul3A_1097 = arith.mulf %sub3A_1096, %get3A_1080 : vector<16xf32>
    %add3A_1098 = arith.addf %select_n3A_1093, %mul3A_1097 : vector<16xf32>
    %mul3A_1099 = arith.mulf %select_n3A_1090, %add3A_1098 : vector<16xf32>
    %swap3A_1100 = arith.constant 112 : index
    %swap3A_1101 = tpu.vector_load %arg15[%swap3A_1100] {strides = array<i32>} : memref<512xf32, #tpu.memory_space<vmem>>, vector<16xf32>,
    %swap3A_1102 = vector.shape_cast %swap3A_1101 : vector<16xf32> to vector<16xf32>
    %swap3A_1103 = vector.shape_cast %mul3A_1099 : vector<16xf32> to vector<16xf32>
    tpu.vector_store %arg15[%swap3A_1100], %swap3A_1103 {strides = array<i32>} : memref<512xf32, #tpu.memory_space<vmem>>, vector<16xf32>,
    %swap3A_1104 = arith.constant 112 : index
    %swap3A_1105 = tpu.vector_load %arg16[%swap3A_1104] {strides = array<i32>} : memref<512xf32, #tpu.memory_space<vmem>>, vector<16xf32>,
    %swap3A_1106 = vector.shape_cast %swap3A_1105 : vector<16xf32> to vector<16xf32>
    %swap3A_1107 = vector.shape_cast %select_n3A_1090 : vector<16xf32> to vector<16xf32>
    tpu.vector_store %arg16[%swap3A_1104], %swap3A_1107 {strides = array<i32>} : memref<512xf32, #tpu.memory_space<vmem>>, vector<16xf32>,
    %swap3A_1108 = arith.constant 112 : index
    %swap3A_1109 = tpu.vector_load %arg17[%swap3A_1108] {strides = array<i32>} : memref<512xf32, #tpu.memory_space<vmem>>, vector<16xf32>,
    %swap3A_1110 = vector.shape_cast %swap3A_1109 : vector<16xf32> to vector<16xf32>
    %swap3A_1111 = vector.shape_cast %add3A_1098 : vector<16xf32> to vector<16xf32>
    tpu.vector_store %arg17[%swap3A_1108], %swap3A_1111 {strides = array<i32>} : memref<512xf32, #tpu.memory_space<vmem>>, vector<16xf32>,
    %get3A_1112 = arith.constant 128 : index
    %get3A_1113 = tpu.vector_load %arg11[%get3A_1112] {strides = array<i32>} : memref<512xi32, #tpu.memory_space<vmem>>, vector<16xi32>,
    %get3A_1114 = vector.shape_cast %get3A_1113 : vector<16xi32> to vector<16xi32>
    %shift_right_logical3A_1115 = arith.constant 16 : i32
    %shift_right_logical3A_1116 = vector.broadcast %shift_right_logical3A_1115 : i32 to vector<16xi32>
    %shift_right_logical3A_1117 = arith.shrui %get3A_1114, %shift_right_logical3A_1116 : vector<16xi32>
    %shift_right_logical3A_1118 = arith.constant 15 : i32
    %shift_right_logical3A_1119 = vector.broadcast %shift_right_logical3A_1118 : i32 to vector<16xi32>
    %shift_right_logical3A_1120 = arith.shrui %shift_right_logical3A_1117, %shift_right_logical3A_1119 : vector<16xi32>
    %shift_right_logical3A_1121 = arith.constant 7 : i32
    %shift_right_logical3A_1122 = vector.broadcast %shift_right_logical3A_1121 : i32 to vector<16xi32>
    %shift_right_logical3A_1123 = arith.shrui %shift_right_logical3A_1117, %shift_right_logical3A_1122 : vector<16xi32>
    %and3A_1124 = arith.constant 255 : i32
    %and3A_1125 = vector.broadcast %and3A_1124 : i32 to vector<16xi32>
    %and3A_1126 = arith.andi %shift_right_logical3A_1123, %and3A_1125 : vector<16xi32>
    %and3A_1127 = arith.constant 127 : i32
    %and3A_1128 = vector.broadcast %and3A_1127 : i32 to vector<16xi32>
    %and3A_1129 = arith.andi %shift_right_logical3A_1117, %and3A_1128 : vector<16xi32>
    %convert_element_type3A_1130 = arith.sitofp %and3A_1129 : vector<16xi32> to vector<16xf32>
    %eq3A_1131 = arith.constant 0 : i32
    %eq3A_1132 = vector.broadcast %eq3A_1131 : i32 to vector<16xi32>
    %eq3A_1133 = arith.cmpi eq, %and3A_1126, %eq3A_1132 : vector<16xi32>
    %mul3A_1134 = arith.constant 1.562500e-02 : f32
    %mul3A_1135 = vector.broadcast %mul3A_1134 : f32 to vector<16xf32>
    %mul3A_1136 = arith.mulf %convert_element_type3A_1130, %mul3A_1135 : vector<16xf32>
    %mul3A_1137 = arith.constant 7.812500e-03 : f32
    %mul3A_1138 = vector.broadcast %mul3A_1137 : f32 to vector<16xf32>
    %mul3A_1139 = arith.mulf %convert_element_type3A_1130, %mul3A_1138 : vector<16xf32>
    %add3A_1140 = arith.constant 1.000000e+00 : f32
    %add3A_1141 = vector.broadcast %add3A_1140 : f32 to vector<16xf32>
    %add3A_1142 = arith.addf %mul3A_1139, %add3A_1141 : vector<16xf32>
    %select_n3A_1143 = arith.select %eq3A_1133, %mul3A_1136, %add3A_1142 : vector<16xi1>, vector<16xf32>
    %sub3A_1144 = arith.constant 127 : i32
    %sub3A_1145 = vector.broadcast %sub3A_1144 : i32 to vector<16xi32>
    %sub3A_1146 = arith.subi %and3A_1126, %sub3A_1145 : vector<16xi32>
    %convert_element_type3A_1147 = arith.sitofp %sub3A_1146 : vector<16xi32> to vector<16xf32>
    %mul3A_1148 = arith.constant 0.693147182 : f32
    %mul3A_1149 = vector.broadcast %mul3A_1148 : f32 to vector<16xf32>
    %mul3A_1150 = arith.mulf %convert_element_type3A_1147, %mul3A_1149 : vector<16xf32>
    %exp3A_1151 = math.exp %mul3A_1150 : vector<16xf32>
    %mul3A_1152 = arith.mulf %select_n3A_1143, %exp3A_1151 : vector<16xf32>
    %eq3A_1153 = arith.constant 1 : i32
    %eq3A_1154 = vector.broadcast %eq3A_1153 : i32 to vector<16xi32>
    %eq3A_1155 = arith.cmpi eq, %shift_right_logical3A_1120, %eq3A_1154 : vector<16xi32>
    %neg3A_1156 = arith.constant 0.000000e+00 : f32
    %neg3A_1157 = vector.broadcast %neg3A_1156 : f32 to vector<16xf32>
    %neg3A_1158 = arith.subf %neg3A_1157, %mul3A_1152 : vector<16xf32>
    %select_n3A_1159 = arith.select %eq3A_1155, %neg3A_1158, %mul3A_1152 : vector<16xi1>, vector<16xf32>
    %and3A_1160 = arith.constant 65535 : i32
    %and3A_1161 = vector.broadcast %and3A_1160 : i32 to vector<16xi32>
    %and3A_1162 = arith.andi %get3A_1114, %and3A_1161 : vector<16xi32>
    %shift_right_logical3A_1163 = arith.constant 15 : i32
    %shift_right_logical3A_1164 = vector.broadcast %shift_right_logical3A_1163 : i32 to vector<16xi32>
    %shift_right_logical3A_1165 = arith.shrui %and3A_1162, %shift_right_logical3A_1164 : vector<16xi32>
    %shift_right_logical3A_1166 = arith.constant 7 : i32
    %shift_right_logical3A_1167 = vector.broadcast %shift_right_logical3A_1166 : i32 to vector<16xi32>
    %shift_right_logical3A_1168 = arith.shrui %and3A_1162, %shift_right_logical3A_1167 : vector<16xi32>
    %and3A_1169 = arith.constant 255 : i32
    %and3A_1170 = vector.broadcast %and3A_1169 : i32 to vector<16xi32>
    %and3A_1171 = arith.andi %shift_right_logical3A_1168, %and3A_1170 : vector<16xi32>
    %and3A_1172 = arith.constant 127 : i32
    %and3A_1173 = vector.broadcast %and3A_1172 : i32 to vector<16xi32>
    %and3A_1174 = arith.andi %and3A_1162, %and3A_1173 : vector<16xi32>
    %convert_element_type3A_1175 = arith.sitofp %and3A_1174 : vector<16xi32> to vector<16xf32>
    %eq3A_1176 = arith.constant 0 : i32
    %eq3A_1177 = vector.broadcast %eq3A_1176 : i32 to vector<16xi32>
    %eq3A_1178 = arith.cmpi eq, %and3A_1171, %eq3A_1177 : vector<16xi32>
    %mul3A_1179 = arith.constant 1.562500e-02 : f32
    %mul3A_1180 = vector.broadcast %mul3A_1179 : f32 to vector<16xf32>
    %mul3A_1181 = arith.mulf %convert_element_type3A_1175, %mul3A_1180 : vector<16xf32>
    %mul3A_1182 = arith.constant 7.812500e-03 : f32
    %mul3A_1183 = vector.broadcast %mul3A_1182 : f32 to vector<16xf32>
    %mul3A_1184 = arith.mulf %convert_element_type3A_1175, %mul3A_1183 : vector<16xf32>
    %add3A_1185 = arith.constant 1.000000e+00 : f32
    %add3A_1186 = vector.broadcast %add3A_1185 : f32 to vector<16xf32>
    %add3A_1187 = arith.addf %mul3A_1184, %add3A_1186 : vector<16xf32>
    %select_n3A_1188 = arith.select %eq3A_1178, %mul3A_1181, %add3A_1187 : vector<16xi1>, vector<16xf32>
    %sub3A_1189 = arith.constant 127 : i32
    %sub3A_1190 = vector.broadcast %sub3A_1189 : i32 to vector<16xi32>
    %sub3A_1191 = arith.subi %and3A_1171, %sub3A_1190 : vector<16xi32>
    %convert_element_type3A_1192 = arith.sitofp %sub3A_1191 : vector<16xi32> to vector<16xf32>
    %mul3A_1193 = arith.constant 0.693147182 : f32
    %mul3A_1194 = vector.broadcast %mul3A_1193 : f32 to vector<16xf32>
    %mul3A_1195 = arith.mulf %convert_element_type3A_1192, %mul3A_1194 : vector<16xf32>
    %exp3A_1196 = math.exp %mul3A_1195 : vector<16xf32>
    %mul3A_1197 = arith.mulf %select_n3A_1188, %exp3A_1196 : vector<16xf32>
    %eq3A_1198 = arith.constant 1 : i32
    %eq3A_1199 = vector.broadcast %eq3A_1198 : i32 to vector<16xi32>
    %eq3A_1200 = arith.cmpi eq, %shift_right_logical3A_1165, %eq3A_1199 : vector<16xi32>
    %neg3A_1201 = arith.constant 0.000000e+00 : f32
    %neg3A_1202 = vector.broadcast %neg3A_1201 : f32 to vector<16xf32>
    %neg3A_1203 = arith.subf %neg3A_1202, %mul3A_1197 : vector<16xf32>
    %select_n3A_1204 = arith.select %eq3A_1200, %neg3A_1203, %mul3A_1197 : vector<16xi1>, vector<16xf32>
    %get3A_1205 = arith.constant 128 : index
    %get3A_1206 = tpu.vector_load %arg12[%get3A_1205] {strides = array<i32>} : memref<512xf32, #tpu.memory_space<vmem>>, vector<16xf32>,
    %get3A_1207 = vector.shape_cast %get3A_1206 : vector<16xf32> to vector<16xf32>
    %get3A_1208 = arith.constant 128 : index
    %get3A_1209 = tpu.vector_load %arg13[%get3A_1208] {strides = array<i32>} : memref<512xf32, #tpu.memory_space<vmem>>, vector<16xf32>,
    %get3A_1210 = vector.shape_cast %get3A_1209 : vector<16xf32> to vector<16xf32>
    %get3A_1211 = arith.constant 128 : index
    %get3A_1212 = tpu.vector_load %arg14[%get3A_1211] {strides = array<i32>} : memref<512xf32, #tpu.memory_space<vmem>>, vector<16xf32>,
    %get3A_1213 = vector.shape_cast %get3A_1212 : vector<16xf32> to vector<16xf32>
    %ne3A_1214 = arith.constant 0.000000e+00 : f32
    %ne3A_1215 = vector.broadcast %ne3A_1214 : f32 to vector<16xf32>
    %ne3A_1216 = arith.cmpf one, %get3A_1207, %ne3A_1215 : vector<16xf32>
    %mul3A_1217 = arith.mulf %select_n3A_1159, %get3A_1207 : vector<16xf32>
    %sub3A_1218 = arith.constant 1.000000e+00 : f32
    %sub3A_1219 = vector.broadcast %sub3A_1218 : f32 to vector<16xf32>
    %sub3A_1220 = arith.subf %sub3A_1219, %select_n3A_1159 : vector<16xf32>
    %mul3A_1221 = arith.mulf %sub3A_1220, %get3A_1210 : vector<16xf32>
    %add3A_1222 = arith.addf %mul3A_1217, %mul3A_1221 : vector<16xf32>
    %select_n3A_1223 = arith.select %ne3A_1216, %add3A_1222, %get3A_1210 : vector<16xi1>, vector<16xf32>
    %jit3A_1224 = arith.constant 0.000000e+00 : f32
    %broadcast_in_dim3A_1225 = vector.broadcast %jit3A_1224 : f32 to vector<16xf32>
    %select_n3A_1226 = arith.select %ne3A_1216, %select_n3A_1204, %broadcast_in_dim3A_1225 : vector<16xi1>, vector<16xf32>
    %sub3A_1227 = arith.constant 1.000000e+00 : f32
    %sub3A_1228 = vector.broadcast %sub3A_1227 : f32 to vector<16xf32>
    %sub3A_1229 = arith.subf %sub3A_1228, %select_n3A_1204 : vector<16xf32>
    %mul3A_1230 = arith.mulf %sub3A_1229, %get3A_1213 : vector<16xf32>
    %add3A_1231 = arith.addf %select_n3A_1226, %mul3A_1230 : vector<16xf32>
    %mul3A_1232 = arith.mulf %select_n3A_1223, %add3A_1231 : vector<16xf32>
    %swap3A_1233 = arith.constant 128 : index
    %swap3A_1234 = tpu.vector_load %arg15[%swap3A_1233] {strides = array<i32>} : memref<512xf32, #tpu.memory_space<vmem>>, vector<16xf32>,
    %swap3A_1235 = vector.shape_cast %swap3A_1234 : vector<16xf32> to vector<16xf32>
    %swap3A_1236 = vector.shape_cast %mul3A_1232 : vector<16xf32> to vector<16xf32>
    tpu.vector_store %arg15[%swap3A_1233], %swap3A_1236 {strides = array<i32>} : memref<512xf32, #tpu.memory_space<vmem>>, vector<16xf32>,
    %swap3A_1237 = arith.constant 128 : index
    %swap3A_1238 = tpu.vector_load %arg16[%swap3A_1237] {strides = array<i32>} : memref<512xf32, #tpu.memory_space<vmem>>, vector<16xf32>,
    %swap3A_1239 = vector.shape_cast %swap3A_1238 : vector<16xf32> to vector<16xf32>
    %swap3A_1240 = vector.shape_cast %select_n3A_1223 : vector<16xf32> to vector<16xf32>
    tpu.vector_store %arg16[%swap3A_1237], %swap3A_1240 {strides = array<i32>} : memref<512xf32, #tpu.memory_space<vmem>>, vector<16xf32>,
    %swap3A_1241 = arith.constant 128 : index
    %swap3A_1242 = tpu.vector_load %arg17[%swap3A_1241] {strides = array<i32>} : memref<512xf32, #tpu.memory_space<vmem>>, vector<16xf32>,
    %swap3A_1243 = vector.shape_cast %swap3A_1242 : vector<16xf32> to vector<16xf32>
    %swap3A_1244 = vector.shape_cast %add3A_1231 : vector<16xf32> to vector<16xf32>
    tpu.vector_store %arg17[%swap3A_1241], %swap3A_1244 {strides = array<i32>} : memref<512xf32, #tpu.memory_space<vmem>>, vector<16xf32>,
    %get3A_1245 = arith.constant 144 : index
    %get3A_1246 = tpu.vector_load %arg11[%get3A_1245] {strides = array<i32>} : memref<512xi32, #tpu.memory_space<vmem>>, vector<16xi32>,
    %get3A_1247 = vector.shape_cast %get3A_1246 : vector<16xi32> to vector<16xi32>
    %shift_right_logical3A_1248 = arith.constant 16 : i32
    %shift_right_logical3A_1249 = vector.broadcast %shift_right_logical3A_1248 : i32 to vector<16xi32>
    %shift_right_logical3A_1250 = arith.shrui %get3A_1247, %shift_right_logical3A_1249 : vector<16xi32>
    %shift_right_logical3A_1251 = arith.constant 15 : i32
    %shift_right_logical3A_1252 = vector.broadcast %shift_right_logical3A_1251 : i32 to vector<16xi32>
    %shift_right_logical3A_1253 = arith.shrui %shift_right_logical3A_1250, %shift_right_logical3A_1252 : vector<16xi32>
    %shift_right_logical3A_1254 = arith.constant 7 : i32
    %shift_right_logical3A_1255 = vector.broadcast %shift_right_logical3A_1254 : i32 to vector<16xi32>
    %shift_right_logical3A_1256 = arith.shrui %shift_right_logical3A_1250, %shift_right_logical3A_1255 : vector<16xi32>
    %and3A_1257 = arith.constant 255 : i32
    %and3A_1258 = vector.broadcast %and3A_1257 : i32 to vector<16xi32>
    %and3A_1259 = arith.andi %shift_right_logical3A_1256, %and3A_1258 : vector<16xi32>
    %and3A_1260 = arith.constant 127 : i32
    %and3A_1261 = vector.broadcast %and3A_1260 : i32 to vector<16xi32>
    %and3A_1262 = arith.andi %shift_right_logical3A_1250, %and3A_1261 : vector<16xi32>
    %convert_element_type3A_1263 = arith.sitofp %and3A_1262 : vector<16xi32> to vector<16xf32>
    %eq3A_1264 = arith.constant 0 : i32
    %eq3A_1265 = vector.broadcast %eq3A_1264 : i32 to vector<16xi32>
    %eq3A_1266 = arith.cmpi eq, %and3A_1259, %eq3A_1265 : vector<16xi32>
    %mul3A_1267 = arith.constant 1.562500e-02 : f32
    %mul3A_1268 = vector.broadcast %mul3A_1267 : f32 to vector<16xf32>
    %mul3A_1269 = arith.mulf %convert_element_type3A_1263, %mul3A_1268 : vector<16xf32>
    %mul3A_1270 = arith.constant 7.812500e-03 : f32
    %mul3A_1271 = vector.broadcast %mul3A_1270 : f32 to vector<16xf32>
    %mul3A_1272 = arith.mulf %convert_element_type3A_1263, %mul3A_1271 : vector<16xf32>
    %add3A_1273 = arith.constant 1.000000e+00 : f32
    %add3A_1274 = vector.broadcast %add3A_1273 : f32 to vector<16xf32>
    %add3A_1275 = arith.addf %mul3A_1272, %add3A_1274 : vector<16xf32>
    %select_n3A_1276 = arith.select %eq3A_1266, %mul3A_1269, %add3A_1275 : vector<16xi1>, vector<16xf32>
    %sub3A_1277 = arith.constant 127 : i32
    %sub3A_1278 = vector.broadcast %sub3A_1277 : i32 to vector<16xi32>
    %sub3A_1279 = arith.subi %and3A_1259, %sub3A_1278 : vector<16xi32>
    %convert_element_type3A_1280 = arith.sitofp %sub3A_1279 : vector<16xi32> to vector<16xf32>
    %mul3A_1281 = arith.constant 0.693147182 : f32
    %mul3A_1282 = vector.broadcast %mul3A_1281 : f32 to vector<16xf32>
    %mul3A_1283 = arith.mulf %convert_element_type3A_1280, %mul3A_1282 : vector<16xf32>
    %exp3A_1284 = math.exp %mul3A_1283 : vector<16xf32>
    %mul3A_1285 = arith.mulf %select_n3A_1276, %exp3A_1284 : vector<16xf32>
    %eq3A_1286 = arith.constant 1 : i32
    %eq3A_1287 = vector.broadcast %eq3A_1286 : i32 to vector<16xi32>
    %eq3A_1288 = arith.cmpi eq, %shift_right_logical3A_1253, %eq3A_1287 : vector<16xi32>
    %neg3A_1289 = arith.constant 0.000000e+00 : f32
    %neg3A_1290 = vector.broadcast %neg3A_1289 : f32 to vector<16xf32>
    %neg3A_1291 = arith.subf %neg3A_1290, %mul3A_1285 : vector<16xf32>
    %select_n3A_1292 = arith.select %eq3A_1288, %neg3A_1291, %mul3A_1285 : vector<16xi1>, vector<16xf32>
    %and3A_1293 = arith.constant 65535 : i32
    %and3A_1294 = vector.broadcast %and3A_1293 : i32 to vector<16xi32>
    %and3A_1295 = arith.andi %get3A_1247, %and3A_1294 : vector<16xi32>
    %shift_right_logical3A_1296 = arith.constant 15 : i32
    %shift_right_logical3A_1297 = vector.broadcast %shift_right_logical3A_1296 : i32 to vector<16xi32>
    %shift_right_logical3A_1298 = arith.shrui %and3A_1295, %shift_right_logical3A_1297 : vector<16xi32>
    %shift_right_logical3A_1299 = arith.constant 7 : i32
    %shift_right_logical3A_1300 = vector.broadcast %shift_right_logical3A_1299 : i32 to vector<16xi32>
    %shift_right_logical3A_1301 = arith.shrui %and3A_1295, %shift_right_logical3A_1300 : vector<16xi32>
    %and3A_1302 = arith.constant 255 : i32
    %and3A_1303 = vector.broadcast %and3A_1302 : i32 to vector<16xi32>
    %and3A_1304 = arith.andi %shift_right_logical3A_1301, %and3A_1303 : vector<16xi32>
    %and3A_1305 = arith.constant 127 : i32
    %and3A_1306 = vector.broadcast %and3A_1305 : i32 to vector<16xi32>
    %and3A_1307 = arith.andi %and3A_1295, %and3A_1306 : vector<16xi32>
    %convert_element_type3A_1308 = arith.sitofp %and3A_1307 : vector<16xi32> to vector<16xf32>
    %eq3A_1309 = arith.constant 0 : i32
    %eq3A_1310 = vector.broadcast %eq3A_1309 : i32 to vector<16xi32>
    %eq3A_1311 = arith.cmpi eq, %and3A_1304, %eq3A_1310 : vector<16xi32>
    %mul3A_1312 = arith.constant 1.562500e-02 : f32
    %mul3A_1313 = vector.broadcast %mul3A_1312 : f32 to vector<16xf32>
    %mul3A_1314 = arith.mulf %convert_element_type3A_1308, %mul3A_1313 : vector<16xf32>
    %mul3A_1315 = arith.constant 7.812500e-03 : f32
    %mul3A_1316 = vector.broadcast %mul3A_1315 : f32 to vector<16xf32>
    %mul3A_1317 = arith.mulf %convert_element_type3A_1308, %mul3A_1316 : vector<16xf32>
    %add3A_1318 = arith.constant 1.000000e+00 : f32
    %add3A_1319 = vector.broadcast %add3A_1318 : f32 to vector<16xf32>
    %add3A_1320 = arith.addf %mul3A_1317, %add3A_1319 : vector<16xf32>
    %select_n3A_1321 = arith.select %eq3A_1311, %mul3A_1314, %add3A_1320 : vector<16xi1>, vector<16xf32>
    %sub3A_1322 = arith.constant 127 : i32
    %sub3A_1323 = vector.broadcast %sub3A_1322 : i32 to vector<16xi32>
    %sub3A_1324 = arith.subi %and3A_1304, %sub3A_1323 : vector<16xi32>
    %convert_element_type3A_1325 = arith.sitofp %sub3A_1324 : vector<16xi32> to vector<16xf32>
    %mul3A_1326 = arith.constant 0.693147182 : f32
    %mul3A_1327 = vector.broadcast %mul3A_1326 : f32 to vector<16xf32>
    %mul3A_1328 = arith.mulf %convert_element_type3A_1325, %mul3A_1327 : vector<16xf32>
    %exp3A_1329 = math.exp %mul3A_1328 : vector<16xf32>
    %mul3A_1330 = arith.mulf %select_n3A_1321, %exp3A_1329 : vector<16xf32>
    %eq3A_1331 = arith.constant 1 : i32
    %eq3A_1332 = vector.broadcast %eq3A_1331 : i32 to vector<16xi32>
    %eq3A_1333 = arith.cmpi eq, %shift_right_logical3A_1298, %eq3A_1332 : vector<16xi32>
    %neg3A_1334 = arith.constant 0.000000e+00 : f32
    %neg3A_1335 = vector.broadcast %neg3A_1334 : f32 to vector<16xf32>
    %neg3A_1336 = arith.subf %neg3A_1335, %mul3A_1330 : vector<16xf32>
    %select_n3A_1337 = arith.select %eq3A_1333, %neg3A_1336, %mul3A_1330 : vector<16xi1>, vector<16xf32>
    %get3A_1338 = arith.constant 144 : index
    %get3A_1339 = tpu.vector_load %arg12[%get3A_1338] {strides = array<i32>} : memref<512xf32, #tpu.memory_space<vmem>>, vector<16xf32>,
    %get3A_1340 = vector.shape_cast %get3A_1339 : vector<16xf32> to vector<16xf32>
    %get3A_1341 = arith.constant 144 : index
    %get3A_1342 = tpu.vector_load %arg13[%get3A_1341] {strides = array<i32>} : memref<512xf32, #tpu.memory_space<vmem>>, vector<16xf32>,
    %get3A_1343 = vector.shape_cast %get3A_1342 : vector<16xf32> to vector<16xf32>
    %get3A_1344 = arith.constant 144 : index
    %get3A_1345 = tpu.vector_load %arg14[%get3A_1344] {strides = array<i32>} : memref<512xf32, #tpu.memory_space<vmem>>, vector<16xf32>,
    %get3A_1346 = vector.shape_cast %get3A_1345 : vector<16xf32> to vector<16xf32>
    %ne3A_1347 = arith.constant 0.000000e+00 : f32
    %ne3A_1348 = vector.broadcast %ne3A_1347 : f32 to vector<16xf32>
    %ne3A_1349 = arith.cmpf one, %get3A_1340, %ne3A_1348 : vector<16xf32>
    %mul3A_1350 = arith.mulf %select_n3A_1292, %get3A_1340 : vector<16xf32>
    %sub3A_1351 = arith.constant 1.000000e+00 : f32
    %sub3A_1352 = vector.broadcast %sub3A_1351 : f32 to vector<16xf32>
    %sub3A_1353 = arith.subf %sub3A_1352, %select_n3A_1292 : vector<16xf32>
    %mul3A_1354 = arith.mulf %sub3A_1353, %get3A_1343 : vector<16xf32>
    %add3A_1355 = arith.addf %mul3A_1350, %mul3A_1354 : vector<16xf32>
    %select_n3A_1356 = arith.select %ne3A_1349, %add3A_1355, %get3A_1343 : vector<16xi1>, vector<16xf32>
    %jit3A_1357 = arith.constant 0.000000e+00 : f32
    %broadcast_in_dim3A_1358 = vector.broadcast %jit3A_1357 : f32 to vector<16xf32>
    %select_n3A_1359 = arith.select %ne3A_1349, %select_n3A_1337, %broadcast_in_dim3A_1358 : vector<16xi1>, vector<16xf32>
    %sub3A_1360 = arith.constant 1.000000e+00 : f32
    %sub3A_1361 = vector.broadcast %sub3A_1360 : f32 to vector<16xf32>
    %sub3A_1362 = arith.subf %sub3A_1361, %select_n3A_1337 : vector<16xf32>
    %mul3A_1363 = arith.mulf %sub3A_1362, %get3A_1346 : vector<16xf32>
    %add3A_1364 = arith.addf %select_n3A_1359, %mul3A_1363 : vector<16xf32>
    %mul3A_1365 = arith.mulf %select_n3A_1356, %add3A_1364 : vector<16xf32>
    %swap3A_1366 = arith.constant 144 : index
    %swap3A_1367 = tpu.vector_load %arg15[%swap3A_1366] {strides = array<i32>} : memref<512xf32, #tpu.memory_space<vmem>>, vector<16xf32>,
    %swap3A_1368 = vector.shape_cast %swap3A_1367 : vector<16xf32> to vector<16xf32>
    %swap3A_1369 = vector.shape_cast %mul3A_1365 : vector<16xf32> to vector<16xf32>
    tpu.vector_store %arg15[%swap3A_1366], %swap3A_1369 {strides = array<i32>} : memref<512xf32, #tpu.memory_space<vmem>>, vector<16xf32>,
    %swap3A_1370 = arith.constant 144 : index
    %swap3A_1371 = tpu.vector_load %arg16[%swap3A_1370] {strides = array<i32>} : memref<512xf32, #tpu.memory_space<vmem>>, vector<16xf32>,
    %swap3A_1372 = vector.shape_cast %swap3A_1371 : vector<16xf32> to vector<16xf32>
    %swap3A_1373 = vector.shape_cast %select_n3A_1356 : vector<16xf32> to vector<16xf32>
    tpu.vector_store %arg16[%swap3A_1370], %swap3A_1373 {strides = array<i32>} : memref<512xf32, #tpu.memory_space<vmem>>, vector<16xf32>,
    %swap3A_1374 = arith.constant 144 : index
    %swap3A_1375 = tpu.vector_load %arg17[%swap3A_1374] {strides = array<i32>} : memref<512xf32, #tpu.memory_space<vmem>>, vector<16xf32>,
    %swap3A_1376 = vector.shape_cast %swap3A_1375 : vector<16xf32> to vector<16xf32>
    %swap3A_1377 = vector.shape_cast %add3A_1364 : vector<16xf32> to vector<16xf32>
    tpu.vector_store %arg17[%swap3A_1374], %swap3A_1377 {strides = array<i32>} : memref<512xf32, #tpu.memory_space<vmem>>, vector<16xf32>,
    %get3A_1378 = arith.constant 160 : index
    %get3A_1379 = tpu.vector_load %arg11[%get3A_1378] {strides = array<i32>} : memref<512xi32, #tpu.memory_space<vmem>>, vector<16xi32>,
    %get3A_1380 = vector.shape_cast %get3A_1379 : vector<16xi32> to vector<16xi32>
    %shift_right_logical3A_1381 = arith.constant 16 : i32
    %shift_right_logical3A_1382 = vector.broadcast %shift_right_logical3A_1381 : i32 to vector<16xi32>
    %shift_right_logical3A_1383 = arith.shrui %get3A_1380, %shift_right_logical3A_1382 : vector<16xi32>
    %shift_right_logical3A_1384 = arith.constant 15 : i32
    %shift_right_logical3A_1385 = vector.broadcast %shift_right_logical3A_1384 : i32 to vector<16xi32>
    %shift_right_logical3A_1386 = arith.shrui %shift_right_logical3A_1383, %shift_right_logical3A_1385 : vector<16xi32>
    %shift_right_logical3A_1387 = arith.constant 7 : i32
    %shift_right_logical3A_1388 = vector.broadcast %shift_right_logical3A_1387 : i32 to vector<16xi32>
    %shift_right_logical3A_1389 = arith.shrui %shift_right_logical3A_1383, %shift_right_logical3A_1388 : vector<16xi32>
    %and3A_1390 = arith.constant 255 : i32
    %and3A_1391 = vector.broadcast %and3A_1390 : i32 to vector<16xi32>
    %and3A_1392 = arith.andi %shift_right_logical3A_1389, %and3A_1391 : vector<16xi32>
    %and3A_1393 = arith.constant 127 : i32
    %and3A_1394 = vector.broadcast %and3A_1393 : i32 to vector<16xi32>
    %and3A_1395 = arith.andi %shift_right_logical3A_1383, %and3A_1394 : vector<16xi32>
    %convert_element_type3A_1396 = arith.sitofp %and3A_1395 : vector<16xi32> to vector<16xf32>
    %eq3A_1397 = arith.constant 0 : i32
    %eq3A_1398 = vector.broadcast %eq3A_1397 : i32 to vector<16xi32>
    %eq3A_1399 = arith.cmpi eq, %and3A_1392, %eq3A_1398 : vector<16xi32>
    %mul3A_1400 = arith.constant 1.562500e-02 : f32
    %mul3A_1401 = vector.broadcast %mul3A_1400 : f32 to vector<16xf32>
    %mul3A_1402 = arith.mulf %convert_element_type3A_1396, %mul3A_1401 : vector<16xf32>
    %mul3A_1403 = arith.constant 7.812500e-03 : f32
    %mul3A_1404 = vector.broadcast %mul3A_1403 : f32 to vector<16xf32>
    %mul3A_1405 = arith.mulf %convert_element_type3A_1396, %mul3A_1404 : vector<16xf32>
    %add3A_1406 = arith.constant 1.000000e+00 : f32
    %add3A_1407 = vector.broadcast %add3A_1406 : f32 to vector<16xf32>
    %add3A_1408 = arith.addf %mul3A_1405, %add3A_1407 : vector<16xf32>
    %select_n3A_1409 = arith.select %eq3A_1399, %mul3A_1402, %add3A_1408 : vector<16xi1>, vector<16xf32>
    %sub3A_1410 = arith.constant 127 : i32
    %sub3A_1411 = vector.broadcast %sub3A_1410 : i32 to vector<16xi32>
    %sub3A_1412 = arith.subi %and3A_1392, %sub3A_1411 : vector<16xi32>
    %convert_element_type3A_1413 = arith.sitofp %sub3A_1412 : vector<16xi32> to vector<16xf32>
    %mul3A_1414 = arith.constant 0.693147182 : f32
    %mul3A_1415 = vector.broadcast %mul3A_1414 : f32 to vector<16xf32>
    %mul3A_1416 = arith.mulf %convert_element_type3A_1413, %mul3A_1415 : vector<16xf32>
    %exp3A_1417 = math.exp %mul3A_1416 : vector<16xf32>
    %mul3A_1418 = arith.mulf %select_n3A_1409, %exp3A_1417 : vector<16xf32>
    %eq3A_1419 = arith.constant 1 : i32
    %eq3A_1420 = vector.broadcast %eq3A_1419 : i32 to vector<16xi32>
    %eq3A_1421 = arith.cmpi eq, %shift_right_logical3A_1386, %eq3A_1420 : vector<16xi32>
    %neg3A_1422 = arith.constant 0.000000e+00 : f32
    %neg3A_1423 = vector.broadcast %neg3A_1422 : f32 to vector<16xf32>
    %neg3A_1424 = arith.subf %neg3A_1423, %mul3A_1418 : vector<16xf32>
    %select_n3A_1425 = arith.select %eq3A_1421, %neg3A_1424, %mul3A_1418 : vector<16xi1>, vector<16xf32>
    %and3A_1426 = arith.constant 65535 : i32
    %and3A_1427 = vector.broadcast %and3A_1426 : i32 to vector<16xi32>
    %and3A_1428 = arith.andi %get3A_1380, %and3A_1427 : vector<16xi32>
    %shift_right_logical3A_1429 = arith.constant 15 : i32
    %shift_right_logical3A_1430 = vector.broadcast %shift_right_logical3A_1429 : i32 to vector<16xi32>
    %shift_right_logical3A_1431 = arith.shrui %and3A_1428, %shift_right_logical3A_1430 : vector<16xi32>
    %shift_right_logical3A_1432 = arith.constant 7 : i32
    %shift_right_logical3A_1433 = vector.broadcast %shift_right_logical3A_1432 : i32 to vector<16xi32>
    %shift_right_logical3A_1434 = arith.shrui %and3A_1428, %shift_right_logical3A_1433 : vector<16xi32>
    %and3A_1435 = arith.constant 255 : i32
    %and3A_1436 = vector.broadcast %and3A_1435 : i32 to vector<16xi32>
    %and3A_1437 = arith.andi %shift_right_logical3A_1434, %and3A_1436 : vector<16xi32>
    %and3A_1438 = arith.constant 127 : i32
    %and3A_1439 = vector.broadcast %and3A_1438 : i32 to vector<16xi32>
    %and3A_1440 = arith.andi %and3A_1428, %and3A_1439 : vector<16xi32>
    %convert_element_type3A_1441 = arith.sitofp %and3A_1440 : vector<16xi32> to vector<16xf32>
    %eq3A_1442 = arith.constant 0 : i32
    %eq3A_1443 = vector.broadcast %eq3A_1442 : i32 to vector<16xi32>
    %eq3A_1444 = arith.cmpi eq, %and3A_1437, %eq3A_1443 : vector<16xi32>
    %mul3A_1445 = arith.constant 1.562500e-02 : f32
    %mul3A_1446 = vector.broadcast %mul3A_1445 : f32 to vector<16xf32>
    %mul3A_1447 = arith.mulf %convert_element_type3A_1441, %mul3A_1446 : vector<16xf32>
    %mul3A_1448 = arith.constant 7.812500e-03 : f32
    %mul3A_1449 = vector.broadcast %mul3A_1448 : f32 to vector<16xf32>
    %mul3A_1450 = arith.mulf %convert_element_type3A_1441, %mul3A_1449 : vector<16xf32>
    %add3A_1451 = arith.constant 1.000000e+00 : f32
    %add3A_1452 = vector.broadcast %add3A_1451 : f32 to vector<16xf32>
    %add3A_1453 = arith.addf %mul3A_1450, %add3A_1452 : vector<16xf32>
    %select_n3A_1454 = arith.select %eq3A_1444, %mul3A_1447, %add3A_1453 : vector<16xi1>, vector<16xf32>
    %sub3A_1455 = arith.constant 127 : i32
    %sub3A_1456 = vector.broadcast %sub3A_1455 : i32 to vector<16xi32>
    %sub3A_1457 = arith.subi %and3A_1437, %sub3A_1456 : vector<16xi32>
    %convert_element_type3A_1458 = arith.sitofp %sub3A_1457 : vector<16xi32> to vector<16xf32>
    %mul3A_1459 = arith.constant 0.693147182 : f32
    %mul3A_1460 = vector.broadcast %mul3A_1459 : f32 to vector<16xf32>
    %mul3A_1461 = arith.mulf %convert_element_type3A_1458, %mul3A_1460 : vector<16xf32>
    %exp3A_1462 = math.exp %mul3A_1461 : vector<16xf32>
    %mul3A_1463 = arith.mulf %select_n3A_1454, %exp3A_1462 : vector<16xf32>
    %eq3A_1464 = arith.constant 1 : i32
    %eq3A_1465 = vector.broadcast %eq3A_1464 : i32 to vector<16xi32>
    %eq3A_1466 = arith.cmpi eq, %shift_right_logical3A_1431, %eq3A_1465 : vector<16xi32>
    %neg3A_1467 = arith.constant 0.000000e+00 : f32
    %neg3A_1468 = vector.broadcast %neg3A_1467 : f32 to vector<16xf32>
    %neg3A_1469 = arith.subf %neg3A_1468, %mul3A_1463 : vector<16xf32>
    %select_n3A_1470 = arith.select %eq3A_1466, %neg3A_1469, %mul3A_1463 : vector<16xi1>, vector<16xf32>
    %get3A_1471 = arith.constant 160 : index
    %get3A_1472 = tpu.vector_load %arg12[%get3A_1471] {strides = array<i32>} : memref<512xf32, #tpu.memory_space<vmem>>, vector<16xf32>,
    %get3A_1473 = vector.shape_cast %get3A_1472 : vector<16xf32> to vector<16xf32>
    %get3A_1474 = arith.constant 160 : index
    %get3A_1475 = tpu.vector_load %arg13[%get3A_1474] {strides = array<i32>} : memref<512xf32, #tpu.memory_space<vmem>>, vector<16xf32>,
    %get3A_1476 = vector.shape_cast %get3A_1475 : vector<16xf32> to vector<16xf32>
    %get3A_1477 = arith.constant 160 : index
    %get3A_1478 = tpu.vector_load %arg14[%get3A_1477] {strides = array<i32>} : memref<512xf32, #tpu.memory_space<vmem>>, vector<16xf32>,
    %get3A_1479 = vector.shape_cast %get3A_1478 : vector<16xf32> to vector<16xf32>
    %ne3A_1480 = arith.constant 0.000000e+00 : f32
    %ne3A_1481 = vector.broadcast %ne3A_1480 : f32 to vector<16xf32>
    %ne3A_1482 = arith.cmpf one, %get3A_1473, %ne3A_1481 : vector<16xf32>
    %mul3A_1483 = arith.mulf %select_n3A_1425, %get3A_1473 : vector<16xf32>
    %sub3A_1484 = arith.constant 1.000000e+00 : f32
    %sub3A_1485 = vector.broadcast %sub3A_1484 : f32 to vector<16xf32>
    %sub3A_1486 = arith.subf %sub3A_1485, %select_n3A_1425 : vector<16xf32>
    %mul3A_1487 = arith.mulf %sub3A_1486, %get3A_1476 : vector<16xf32>
    %add3A_1488 = arith.addf %mul3A_1483, %mul3A_1487 : vector<16xf32>
    %select_n3A_1489 = arith.select %ne3A_1482, %add3A_1488, %get3A_1476 : vector<16xi1>, vector<16xf32>
    %jit3A_1490 = arith.constant 0.000000e+00 : f32
    %broadcast_in_dim3A_1491 = vector.broadcast %jit3A_1490 : f32 to vector<16xf32>
    %select_n3A_1492 = arith.select %ne3A_1482, %select_n3A_1470, %broadcast_in_dim3A_1491 : vector<16xi1>, vector<16xf32>
    %sub3A_1493 = arith.constant 1.000000e+00 : f32
    %sub3A_1494 = vector.broadcast %sub3A_1493 : f32 to vector<16xf32>
    %sub3A_1495 = arith.subf %sub3A_1494, %select_n3A_1470 : vector<16xf32>
    %mul3A_1496 = arith.mulf %sub3A_1495, %get3A_1479 : vector<16xf32>
    %add3A_1497 = arith.addf %select_n3A_1492, %mul3A_1496 : vector<16xf32>
    %mul3A_1498 = arith.mulf %select_n3A_1489, %add3A_1497 : vector<16xf32>
    %swap3A_1499 = arith.constant 160 : index
    %swap3A_1500 = tpu.vector_load %arg15[%swap3A_1499] {strides = array<i32>} : memref<512xf32, #tpu.memory_space<vmem>>, vector<16xf32>,
    %swap3A_1501 = vector.shape_cast %swap3A_1500 : vector<16xf32> to vector<16xf32>
    %swap3A_1502 = vector.shape_cast %mul3A_1498 : vector<16xf32> to vector<16xf32>
    tpu.vector_store %arg15[%swap3A_1499], %swap3A_1502 {strides = array<i32>} : memref<512xf32, #tpu.memory_space<vmem>>, vector<16xf32>,
    %swap3A_1503 = arith.constant 160 : index
    %swap3A_1504 = tpu.vector_load %arg16[%swap3A_1503] {strides = array<i32>} : memref<512xf32, #tpu.memory_space<vmem>>, vector<16xf32>,
    %swap3A_1505 = vector.shape_cast %swap3A_1504 : vector<16xf32> to vector<16xf32>
    %swap3A_1506 = vector.shape_cast %select_n3A_1489 : vector<16xf32> to vector<16xf32>
    tpu.vector_store %arg16[%swap3A_1503], %swap3A_1506 {strides = array<i32>} : memref<512xf32, #tpu.memory_space<vmem>>, vector<16xf32>,
    %swap3A_1507 = arith.constant 160 : index
    %swap3A_1508 = tpu.vector_load %arg17[%swap3A_1507] {strides = array<i32>} : memref<512xf32, #tpu.memory_space<vmem>>, vector<16xf32>,
    %swap3A_1509 = vector.shape_cast %swap3A_1508 : vector<16xf32> to vector<16xf32>
    %swap3A_1510 = vector.shape_cast %add3A_1497 : vector<16xf32> to vector<16xf32>
    tpu.vector_store %arg17[%swap3A_1507], %swap3A_1510 {strides = array<i32>} : memref<512xf32, #tpu.memory_space<vmem>>, vector<16xf32>,
    %get3A_1511 = arith.constant 176 : index
    %get3A_1512 = tpu.vector_load %arg11[%get3A_1511] {strides = array<i32>} : memref<512xi32, #tpu.memory_space<vmem>>, vector<16xi32>,
    %get3A_1513 = vector.shape_cast %get3A_1512 : vector<16xi32> to vector<16xi32>
    %shift_right_logical3A_1514 = arith.constant 16 : i32
    %shift_right_logical3A_1515 = vector.broadcast %shift_right_logical3A_1514 : i32 to vector<16xi32>
    %shift_right_logical3A_1516 = arith.shrui %get3A_1513, %shift_right_logical3A_1515 : vector<16xi32>
    %shift_right_logical3A_1517 = arith.constant 15 : i32
    %shift_right_logical3A_1518 = vector.broadcast %shift_right_logical3A_1517 : i32 to vector<16xi32>
    %shift_right_logical3A_1519 = arith.shrui %shift_right_logical3A_1516, %shift_right_logical3A_1518 : vector<16xi32>
    %shift_right_logical3A_1520 = arith.constant 7 : i32
    %shift_right_logical3A_1521 = vector.broadcast %shift_right_logical3A_1520 : i32 to vector<16xi32>
    %shift_right_logical3A_1522 = arith.shrui %shift_right_logical3A_1516, %shift_right_logical3A_1521 : vector<16xi32>
    %and3A_1523 = arith.constant 255 : i32
    %and3A_1524 = vector.broadcast %and3A_1523 : i32 to vector<16xi32>
    %and3A_1525 = arith.andi %shift_right_logical3A_1522, %and3A_1524 : vector<16xi32>
    %and3A_1526 = arith.constant 127 : i32
    %and3A_1527 = vector.broadcast %and3A_1526 : i32 to vector<16xi32>
    %and3A_1528 = arith.andi %shift_right_logical3A_1516, %and3A_1527 : vector<16xi32>
    %convert_element_type3A_1529 = arith.sitofp %and3A_1528 : vector<16xi32> to vector<16xf32>
    %eq3A_1530 = arith.constant 0 : i32
    %eq3A_1531 = vector.broadcast %eq3A_1530 : i32 to vector<16xi32>
    %eq3A_1532 = arith.cmpi eq, %and3A_1525, %eq3A_1531 : vector<16xi32>
    %mul3A_1533 = arith.constant 1.562500e-02 : f32
    %mul3A_1534 = vector.broadcast %mul3A_1533 : f32 to vector<16xf32>
    %mul3A_1535 = arith.mulf %convert_element_type3A_1529, %mul3A_1534 : vector<16xf32>
    %mul3A_1536 = arith.constant 7.812500e-03 : f32
    %mul3A_1537 = vector.broadcast %mul3A_1536 : f32 to vector<16xf32>
    %mul3A_1538 = arith.mulf %convert_element_type3A_1529, %mul3A_1537 : vector<16xf32>
    %add3A_1539 = arith.constant 1.000000e+00 : f32
    %add3A_1540 = vector.broadcast %add3A_1539 : f32 to vector<16xf32>
    %add3A_1541 = arith.addf %mul3A_1538, %add3A_1540 : vector<16xf32>
    %select_n3A_1542 = arith.select %eq3A_1532, %mul3A_1535, %add3A_1541 : vector<16xi1>, vector<16xf32>
    %sub3A_1543 = arith.constant 127 : i32
    %sub3A_1544 = vector.broadcast %sub3A_1543 : i32 to vector<16xi32>
    %sub3A_1545 = arith.subi %and3A_1525, %sub3A_1544 : vector<16xi32>
    %convert_element_type3A_1546 = arith.sitofp %sub3A_1545 : vector<16xi32> to vector<16xf32>
    %mul3A_1547 = arith.constant 0.693147182 : f32
    %mul3A_1548 = vector.broadcast %mul3A_1547 : f32 to vector<16xf32>
    %mul3A_1549 = arith.mulf %convert_element_type3A_1546, %mul3A_1548 : vector<16xf32>
    %exp3A_1550 = math.exp %mul3A_1549 : vector<16xf32>
    %mul3A_1551 = arith.mulf %select_n3A_1542, %exp3A_1550 : vector<16xf32>
    %eq3A_1552 = arith.constant 1 : i32
    %eq3A_1553 = vector.broadcast %eq3A_1552 : i32 to vector<16xi32>
    %eq3A_1554 = arith.cmpi eq, %shift_right_logical3A_1519, %eq3A_1553 : vector<16xi32>
    %neg3A_1555 = arith.constant 0.000000e+00 : f32
    %neg3A_1556 = vector.broadcast %neg3A_1555 : f32 to vector<16xf32>
    %neg3A_1557 = arith.subf %neg3A_1556, %mul3A_1551 : vector<16xf32>
    %select_n3A_1558 = arith.select %eq3A_1554, %neg3A_1557, %mul3A_1551 : vector<16xi1>, vector<16xf32>
    %and3A_1559 = arith.constant 65535 : i32
    %and3A_1560 = vector.broadcast %and3A_1559 : i32 to vector<16xi32>
    %and3A_1561 = arith.andi %get3A_1513, %and3A_1560 : vector<16xi32>
    %shift_right_logical3A_1562 = arith.constant 15 : i32
    %shift_right_logical3A_1563 = vector.broadcast %shift_right_logical3A_1562 : i32 to vector<16xi32>
    %shift_right_logical3A_1564 = arith.shrui %and3A_1561, %shift_right_logical3A_1563 : vector<16xi32>
    %shift_right_logical3A_1565 = arith.constant 7 : i32
    %shift_right_logical3A_1566 = vector.broadcast %shift_right_logical3A_1565 : i32 to vector<16xi32>
    %shift_right_logical3A_1567 = arith.shrui %and3A_1561, %shift_right_logical3A_1566 : vector<16xi32>
    %and3A_1568 = arith.constant 255 : i32
    %and3A_1569 = vector.broadcast %and3A_1568 : i32 to vector<16xi32>
    %and3A_1570 = arith.andi %shift_right_logical3A_1567, %and3A_1569 : vector<16xi32>
    %and3A_1571 = arith.constant 127 : i32
    %and3A_1572 = vector.broadcast %and3A_1571 : i32 to vector<16xi32>
    %and3A_1573 = arith.andi %and3A_1561, %and3A_1572 : vector<16xi32>
    %convert_element_type3A_1574 = arith.sitofp %and3A_1573 : vector<16xi32> to vector<16xf32>
    %eq3A_1575 = arith.constant 0 : i32
    %eq3A_1576 = vector.broadcast %eq3A_1575 : i32 to vector<16xi32>
    %eq3A_1577 = arith.cmpi eq, %and3A_1570, %eq3A_1576 : vector<16xi32>
    %mul3A_1578 = arith.constant 1.562500e-02 : f32
    %mul3A_1579 = vector.broadcast %mul3A_1578 : f32 to vector<16xf32>
    %mul3A_1580 = arith.mulf %convert_element_type3A_1574, %mul3A_1579 : vector<16xf32>
    %mul3A_1581 = arith.constant 7.812500e-03 : f32
    %mul3A_1582 = vector.broadcast %mul3A_1581 : f32 to vector<16xf32>
    %mul3A_1583 = arith.mulf %convert_element_type3A_1574, %mul3A_1582 : vector<16xf32>
    %add3A_1584 = arith.constant 1.000000e+00 : f32
    %add3A_1585 = vector.broadcast %add3A_1584 : f32 to vector<16xf32>
    %add3A_1586 = arith.addf %mul3A_1583, %add3A_1585 : vector<16xf32>
    %select_n3A_1587 = arith.select %eq3A_1577, %mul3A_1580, %add3A_1586 : vector<16xi1>, vector<16xf32>
    %sub3A_1588 = arith.constant 127 : i32
    %sub3A_1589 = vector.broadcast %sub3A_1588 : i32 to vector<16xi32>
    %sub3A_1590 = arith.subi %and3A_1570, %sub3A_1589 : vector<16xi32>
    %convert_element_type3A_1591 = arith.sitofp %sub3A_1590 : vector<16xi32> to vector<16xf32>
    %mul3A_1592 = arith.constant 0.693147182 : f32
    %mul3A_1593 = vector.broadcast %mul3A_1592 : f32 to vector<16xf32>
    %mul3A_1594 = arith.mulf %convert_element_type3A_1591, %mul3A_1593 : vector<16xf32>
    %exp3A_1595 = math.exp %mul3A_1594 : vector<16xf32>
    %mul3A_1596 = arith.mulf %select_n3A_1587, %exp3A_1595 : vector<16xf32>
    %eq3A_1597 = arith.constant 1 : i32
    %eq3A_1598 = vector.broadcast %eq3A_1597 : i32 to vector<16xi32>
    %eq3A_1599 = arith.cmpi eq, %shift_right_logical3A_1564, %eq3A_1598 : vector<16xi32>
    %neg3A_1600 = arith.constant 0.000000e+00 : f32
    %neg3A_1601 = vector.broadcast %neg3A_1600 : f32 to vector<16xf32>
    %neg3A_1602 = arith.subf %neg3A_1601, %mul3A_1596 : vector<16xf32>
    %select_n3A_1603 = arith.select %eq3A_1599, %neg3A_1602, %mul3A_1596 : vector<16xi1>, vector<16xf32>
    %get3A_1604 = arith.constant 176 : index
    %get3A_1605 = tpu.vector_load %arg12[%get3A_1604] {strides = array<i32>} : memref<512xf32, #tpu.memory_space<vmem>>, vector<16xf32>,
    %get3A_1606 = vector.shape_cast %get3A_1605 : vector<16xf32> to vector<16xf32>
    %get3A_1607 = arith.constant 176 : index
    %get3A_1608 = tpu.vector_load %arg13[%get3A_1607] {strides = array<i32>} : memref<512xf32, #tpu.memory_space<vmem>>, vector<16xf32>,
    %get3A_1609 = vector.shape_cast %get3A_1608 : vector<16xf32> to vector<16xf32>
    %get3A_1610 = arith.constant 176 : index
    %get3A_1611 = tpu.vector_load %arg14[%get3A_1610] {strides = array<i32>} : memref<512xf32, #tpu.memory_space<vmem>>, vector<16xf32>,
    %get3A_1612 = vector.shape_cast %get3A_1611 : vector<16xf32> to vector<16xf32>
    %ne3A_1613 = arith.constant 0.000000e+00 : f32
    %ne3A_1614 = vector.broadcast %ne3A_1613 : f32 to vector<16xf32>
    %ne3A_1615 = arith.cmpf one, %get3A_1606, %ne3A_1614 : vector<16xf32>
    %mul3A_1616 = arith.mulf %select_n3A_1558, %get3A_1606 : vector<16xf32>
    %sub3A_1617 = arith.constant 1.000000e+00 : f32
    %sub3A_1618 = vector.broadcast %sub3A_1617 : f32 to vector<16xf32>
    %sub3A_1619 = arith.subf %sub3A_1618, %select_n3A_1558 : vector<16xf32>
    %mul3A_1620 = arith.mulf %sub3A_1619, %get3A_1609 : vector<16xf32>
    %add3A_1621 = arith.addf %mul3A_1616, %mul3A_1620 : vector<16xf32>
    %select_n3A_1622 = arith.select %ne3A_1615, %add3A_1621, %get3A_1609 : vector<16xi1>, vector<16xf32>
    %jit3A_1623 = arith.constant 0.000000e+00 : f32
    %broadcast_in_dim3A_1624 = vector.broadcast %jit3A_1623 : f32 to vector<16xf32>
    %select_n3A_1625 = arith.select %ne3A_1615, %select_n3A_1603, %broadcast_in_dim3A_1624 : vector<16xi1>, vector<16xf32>
    %sub3A_1626 = arith.constant 1.000000e+00 : f32
    %sub3A_1627 = vector.broadcast %sub3A_1626 : f32 to vector<16xf32>
    %sub3A_1628 = arith.subf %sub3A_1627, %select_n3A_1603 : vector<16xf32>
    %mul3A_1629 = arith.mulf %sub3A_1628, %get3A_1612 : vector<16xf32>
    %add3A_1630 = arith.addf %select_n3A_1625, %mul3A_1629 : vector<16xf32>
    %mul3A_1631 = arith.mulf %select_n3A_1622, %add3A_1630 : vector<16xf32>
    %swap3A_1632 = arith.constant 176 : index
    %swap3A_1633 = tpu.vector_load %arg15[%swap3A_1632] {strides = array<i32>} : memref<512xf32, #tpu.memory_space<vmem>>, vector<16xf32>,
    %swap3A_1634 = vector.shape_cast %swap3A_1633 : vector<16xf32> to vector<16xf32>
    %swap3A_1635 = vector.shape_cast %mul3A_1631 : vector<16xf32> to vector<16xf32>
    tpu.vector_store %arg15[%swap3A_1632], %swap3A_1635 {strides = array<i32>} : memref<512xf32, #tpu.memory_space<vmem>>, vector<16xf32>,
    %swap3A_1636 = arith.constant 176 : index
    %swap3A_1637 = tpu.vector_load %arg16[%swap3A_1636] {strides = array<i32>} : memref<512xf32, #tpu.memory_space<vmem>>, vector<16xf32>,
    %swap3A_1638 = vector.shape_cast %swap3A_1637 : vector<16xf32> to vector<16xf32>
    %swap3A_1639 = vector.shape_cast %select_n3A_1622 : vector<16xf32> to vector<16xf32>
    tpu.vector_store %arg16[%swap3A_1636], %swap3A_1639 {strides = array<i32>} : memref<512xf32, #tpu.memory_space<vmem>>, vector<16xf32>,
    %swap3A_1640 = arith.constant 176 : index
    %swap3A_1641 = tpu.vector_load %arg17[%swap3A_1640] {strides = array<i32>} : memref<512xf32, #tpu.memory_space<vmem>>, vector<16xf32>,
    %swap3A_1642 = vector.shape_cast %swap3A_1641 : vector<16xf32> to vector<16xf32>
    %swap3A_1643 = vector.shape_cast %add3A_1630 : vector<16xf32> to vector<16xf32>
    tpu.vector_store %arg17[%swap3A_1640], %swap3A_1643 {strides = array<i32>} : memref<512xf32, #tpu.memory_space<vmem>>, vector<16xf32>,
    %get3A_1644 = arith.constant 192 : index
    %get3A_1645 = tpu.vector_load %arg11[%get3A_1644] {strides = array<i32>} : memref<512xi32, #tpu.memory_space<vmem>>, vector<16xi32>,
    %get3A_1646 = vector.shape_cast %get3A_1645 : vector<16xi32> to vector<16xi32>
    %shift_right_logical3A_1647 = arith.constant 16 : i32
    %shift_right_logical3A_1648 = vector.broadcast %shift_right_logical3A_1647 : i32 to vector<16xi32>
    %shift_right_logical3A_1649 = arith.shrui %get3A_1646, %shift_right_logical3A_1648 : vector<16xi32>
    %shift_right_logical3A_1650 = arith.constant 15 : i32
    %shift_right_logical3A_1651 = vector.broadcast %shift_right_logical3A_1650 : i32 to vector<16xi32>
    %shift_right_logical3A_1652 = arith.shrui %shift_right_logical3A_1649, %shift_right_logical3A_1651 : vector<16xi32>
    %shift_right_logical3A_1653 = arith.constant 7 : i32
    %shift_right_logical3A_1654 = vector.broadcast %shift_right_logical3A_1653 : i32 to vector<16xi32>
    %shift_right_logical3A_1655 = arith.shrui %shift_right_logical3A_1649, %shift_right_logical3A_1654 : vector<16xi32>
    %and3A_1656 = arith.constant 255 : i32
    %and3A_1657 = vector.broadcast %and3A_1656 : i32 to vector<16xi32>
    %and3A_1658 = arith.andi %shift_right_logical3A_1655, %and3A_1657 : vector<16xi32>
    %and3A_1659 = arith.constant 127 : i32
    %and3A_1660 = vector.broadcast %and3A_1659 : i32 to vector<16xi32>
    %and3A_1661 = arith.andi %shift_right_logical3A_1649, %and3A_1660 : vector<16xi32>
    %convert_element_type3A_1662 = arith.sitofp %and3A_1661 : vector<16xi32> to vector<16xf32>
    %eq3A_1663 = arith.constant 0 : i32
    %eq3A_1664 = vector.broadcast %eq3A_1663 : i32 to vector<16xi32>
    %eq3A_1665 = arith.cmpi eq, %and3A_1658, %eq3A_1664 : vector<16xi32>
    %mul3A_1666 = arith.constant 1.562500e-02 : f32
    %mul3A_1667 = vector.broadcast %mul3A_1666 : f32 to vector<16xf32>
    %mul3A_1668 = arith.mulf %convert_element_type3A_1662, %mul3A_1667 : vector<16xf32>
    %mul3A_1669 = arith.constant 7.812500e-03 : f32
    %mul3A_1670 = vector.broadcast %mul3A_1669 : f32 to vector<16xf32>
    %mul3A_1671 = arith.mulf %convert_element_type3A_1662, %mul3A_1670 : vector<16xf32>
    %add3A_1672 = arith.constant 1.000000e+00 : f32
    %add3A_1673 = vector.broadcast %add3A_1672 : f32 to vector<16xf32>
    %add3A_1674 = arith.addf %mul3A_1671, %add3A_1673 : vector<16xf32>
    %select_n3A_1675 = arith.select %eq3A_1665, %mul3A_1668, %add3A_1674 : vector<16xi1>, vector<16xf32>
    %sub3A_1676 = arith.constant 127 : i32
    %sub3A_1677 = vector.broadcast %sub3A_1676 : i32 to vector<16xi32>
    %sub3A_1678 = arith.subi %and3A_1658, %sub3A_1677 : vector<16xi32>
    %convert_element_type3A_1679 = arith.sitofp %sub3A_1678 : vector<16xi32> to vector<16xf32>
    %mul3A_1680 = arith.constant 0.693147182 : f32
    %mul3A_1681 = vector.broadcast %mul3A_1680 : f32 to vector<16xf32>
    %mul3A_1682 = arith.mulf %convert_element_type3A_1679, %mul3A_1681 : vector<16xf32>
    %exp3A_1683 = math.exp %mul3A_1682 : vector<16xf32>
    %mul3A_1684 = arith.mulf %select_n3A_1675, %exp3A_1683 : vector<16xf32>
    %eq3A_1685 = arith.constant 1 : i32
    %eq3A_1686 = vector.broadcast %eq3A_1685 : i32 to vector<16xi32>
    %eq3A_1687 = arith.cmpi eq, %shift_right_logical3A_1652, %eq3A_1686 : vector<16xi32>
    %neg3A_1688 = arith.constant 0.000000e+00 : f32
    %neg3A_1689 = vector.broadcast %neg3A_1688 : f32 to vector<16xf32>
    %neg3A_1690 = arith.subf %neg3A_1689, %mul3A_1684 : vector<16xf32>
    %select_n3A_1691 = arith.select %eq3A_1687, %neg3A_1690, %mul3A_1684 : vector<16xi1>, vector<16xf32>
    %and3A_1692 = arith.constant 65535 : i32
    %and3A_1693 = vector.broadcast %and3A_1692 : i32 to vector<16xi32>
    %and3A_1694 = arith.andi %get3A_1646, %and3A_1693 : vector<16xi32>
    %shift_right_logical3A_1695 = arith.constant 15 : i32
    %shift_right_logical3A_1696 = vector.broadcast %shift_right_logical3A_1695 : i32 to vector<16xi32>
    %shift_right_logical3A_1697 = arith.shrui %and3A_1694, %shift_right_logical3A_1696 : vector<16xi32>
    %shift_right_logical3A_1698 = arith.constant 7 : i32
    %shift_right_logical3A_1699 = vector.broadcast %shift_right_logical3A_1698 : i32 to vector<16xi32>
    %shift_right_logical3A_1700 = arith.shrui %and3A_1694, %shift_right_logical3A_1699 : vector<16xi32>
    %and3A_1701 = arith.constant 255 : i32
    %and3A_1702 = vector.broadcast %and3A_1701 : i32 to vector<16xi32>
    %and3A_1703 = arith.andi %shift_right_logical3A_1700, %and3A_1702 : vector<16xi32>
    %and3A_1704 = arith.constant 127 : i32
    %and3A_1705 = vector.broadcast %and3A_1704 : i32 to vector<16xi32>
    %and3A_1706 = arith.andi %and3A_1694, %and3A_1705 : vector<16xi32>
    %convert_element_type3A_1707 = arith.sitofp %and3A_1706 : vector<16xi32> to vector<16xf32>
    %eq3A_1708 = arith.constant 0 : i32
    %eq3A_1709 = vector.broadcast %eq3A_1708 : i32 to vector<16xi32>
    %eq3A_1710 = arith.cmpi eq, %and3A_1703, %eq3A_1709 : vector<16xi32>
    %mul3A_1711 = arith.constant 1.562500e-02 : f32
    %mul3A_1712 = vector.broadcast %mul3A_1711 : f32 to vector<16xf32>
    %mul3A_1713 = arith.mulf %convert_element_type3A_1707, %mul3A_1712 : vector<16xf32>
    %mul3A_1714 = arith.constant 7.812500e-03 : f32
    %mul3A_1715 = vector.broadcast %mul3A_1714 : f32 to vector<16xf32>
    %mul3A_1716 = arith.mulf %convert_element_type3A_1707, %mul3A_1715 : vector<16xf32>
    %add3A_1717 = arith.constant 1.000000e+00 : f32
    %add3A_1718 = vector.broadcast %add3A_1717 : f32 to vector<16xf32>
    %add3A_1719 = arith.addf %mul3A_1716, %add3A_1718 : vector<16xf32>
    %select_n3A_1720 = arith.select %eq3A_1710, %mul3A_1713, %add3A_1719 : vector<16xi1>, vector<16xf32>
    %sub3A_1721 = arith.constant 127 : i32
    %sub3A_1722 = vector.broadcast %sub3A_1721 : i32 to vector<16xi32>
    %sub3A_1723 = arith.subi %and3A_1703, %sub3A_1722 : vector<16xi32>
    %convert_element_type3A_1724 = arith.sitofp %sub3A_1723 : vector<16xi32> to vector<16xf32>
    %mul3A_1725 = arith.constant 0.693147182 : f32
    %mul3A_1726 = vector.broadcast %mul3A_1725 : f32 to vector<16xf32>
    %mul3A_1727 = arith.mulf %convert_element_type3A_1724, %mul3A_1726 : vector<16xf32>
    %exp3A_1728 = math.exp %mul3A_1727 : vector<16xf32>
    %mul3A_1729 = arith.mulf %select_n3A_1720, %exp3A_1728 : vector<16xf32>
    %eq3A_1730 = arith.constant 1 : i32
    %eq3A_1731 = vector.broadcast %eq3A_1730 : i32 to vector<16xi32>
    %eq3A_1732 = arith.cmpi eq, %shift_right_logical3A_1697, %eq3A_1731 : vector<16xi32>
    %neg3A_1733 = arith.constant 0.000000e+00 : f32
    %neg3A_1734 = vector.broadcast %neg3A_1733 : f32 to vector<16xf32>
    %neg3A_1735 = arith.subf %neg3A_1734, %mul3A_1729 : vector<16xf32>
    %select_n3A_1736 = arith.select %eq3A_1732, %neg3A_1735, %mul3A_1729 : vector<16xi1>, vector<16xf32>
    %get3A_1737 = arith.constant 192 : index
    %get3A_1738 = tpu.vector_load %arg12[%get3A_1737] {strides = array<i32>} : memref<512xf32, #tpu.memory_space<vmem>>, vector<16xf32>,
    %get3A_1739 = vector.shape_cast %get3A_1738 : vector<16xf32> to vector<16xf32>
    %get3A_1740 = arith.constant 192 : index
    %get3A_1741 = tpu.vector_load %arg13[%get3A_1740] {strides = array<i32>} : memref<512xf32, #tpu.memory_space<vmem>>, vector<16xf32>,
    %get3A_1742 = vector.shape_cast %get3A_1741 : vector<16xf32> to vector<16xf32>
    %get3A_1743 = arith.constant 192 : index
    %get3A_1744 = tpu.vector_load %arg14[%get3A_1743] {strides = array<i32>} : memref<512xf32, #tpu.memory_space<vmem>>, vector<16xf32>,
    %get3A_1745 = vector.shape_cast %get3A_1744 : vector<16xf32> to vector<16xf32>
    %ne3A_1746 = arith.constant 0.000000e+00 : f32
    %ne3A_1747 = vector.broadcast %ne3A_1746 : f32 to vector<16xf32>
    %ne3A_1748 = arith.cmpf one, %get3A_1739, %ne3A_1747 : vector<16xf32>
    %mul3A_1749 = arith.mulf %select_n3A_1691, %get3A_1739 : vector<16xf32>
    %sub3A_1750 = arith.constant 1.000000e+00 : f32
    %sub3A_1751 = vector.broadcast %sub3A_1750 : f32 to vector<16xf32>
    %sub3A_1752 = arith.subf %sub3A_1751, %select_n3A_1691 : vector<16xf32>
    %mul3A_1753 = arith.mulf %sub3A_1752, %get3A_1742 : vector<16xf32>
    %add3A_1754 = arith.addf %mul3A_1749, %mul3A_1753 : vector<16xf32>
    %select_n3A_1755 = arith.select %ne3A_1748, %add3A_1754, %get3A_1742 : vector<16xi1>, vector<16xf32>
    %jit3A_1756 = arith.constant 0.000000e+00 : f32
    %broadcast_in_dim3A_1757 = vector.broadcast %jit3A_1756 : f32 to vector<16xf32>
    %select_n3A_1758 = arith.select %ne3A_1748, %select_n3A_1736, %broadcast_in_dim3A_1757 : vector<16xi1>, vector<16xf32>
    %sub3A_1759 = arith.constant 1.000000e+00 : f32
    %sub3A_1760 = vector.broadcast %sub3A_1759 : f32 to vector<16xf32>
    %sub3A_1761 = arith.subf %sub3A_1760, %select_n3A_1736 : vector<16xf32>
    %mul3A_1762 = arith.mulf %sub3A_1761, %get3A_1745 : vector<16xf32>
    %add3A_1763 = arith.addf %select_n3A_1758, %mul3A_1762 : vector<16xf32>
    %mul3A_1764 = arith.mulf %select_n3A_1755, %add3A_1763 : vector<16xf32>
    %swap3A_1765 = arith.constant 192 : index
    %swap3A_1766 = tpu.vector_load %arg15[%swap3A_1765] {strides = array<i32>} : memref<512xf32, #tpu.memory_space<vmem>>, vector<16xf32>,
    %swap3A_1767 = vector.shape_cast %swap3A_1766 : vector<16xf32> to vector<16xf32>
    %swap3A_1768 = vector.shape_cast %mul3A_1764 : vector<16xf32> to vector<16xf32>
    tpu.vector_store %arg15[%swap3A_1765], %swap3A_1768 {strides = array<i32>} : memref<512xf32, #tpu.memory_space<vmem>>, vector<16xf32>,
    %swap3A_1769 = arith.constant 192 : index
    %swap3A_1770 = tpu.vector_load %arg16[%swap3A_1769] {strides = array<i32>} : memref<512xf32, #tpu.memory_space<vmem>>, vector<16xf32>,
    %swap3A_1771 = vector.shape_cast %swap3A_1770 : vector<16xf32> to vector<16xf32>
    %swap3A_1772 = vector.shape_cast %select_n3A_1755 : vector<16xf32> to vector<16xf32>
    tpu.vector_store %arg16[%swap3A_1769], %swap3A_1772 {strides = array<i32>} : memref<512xf32, #tpu.memory_space<vmem>>, vector<16xf32>,
    %swap3A_1773 = arith.constant 192 : index
    %swap3A_1774 = tpu.vector_load %arg17[%swap3A_1773] {strides = array<i32>} : memref<512xf32, #tpu.memory_space<vmem>>, vector<16xf32>,
    %swap3A_1775 = vector.shape_cast %swap3A_1774 : vector<16xf32> to vector<16xf32>
    %swap3A_1776 = vector.shape_cast %add3A_1763 : vector<16xf32> to vector<16xf32>
    tpu.vector_store %arg17[%swap3A_1773], %swap3A_1776 {strides = array<i32>} : memref<512xf32, #tpu.memory_space<vmem>>, vector<16xf32>,
    %get3A_1777 = arith.constant 208 : index
    %get3A_1778 = tpu.vector_load %arg11[%get3A_1777] {strides = array<i32>} : memref<512xi32, #tpu.memory_space<vmem>>, vector<16xi32>,
    %get3A_1779 = vector.shape_cast %get3A_1778 : vector<16xi32> to vector<16xi32>
    %shift_right_logical3A_1780 = arith.constant 16 : i32
    %shift_right_logical3A_1781 = vector.broadcast %shift_right_logical3A_1780 : i32 to vector<16xi32>
    %shift_right_logical3A_1782 = arith.shrui %get3A_1779, %shift_right_logical3A_1781 : vector<16xi32>
    %shift_right_logical3A_1783 = arith.constant 15 : i32
    %shift_right_logical3A_1784 = vector.broadcast %shift_right_logical3A_1783 : i32 to vector<16xi32>
    %shift_right_logical3A_1785 = arith.shrui %shift_right_logical3A_1782, %shift_right_logical3A_1784 : vector<16xi32>
    %shift_right_logical3A_1786 = arith.constant 7 : i32
    %shift_right_logical3A_1787 = vector.broadcast %shift_right_logical3A_1786 : i32 to vector<16xi32>
    %shift_right_logical3A_1788 = arith.shrui %shift_right_logical3A_1782, %shift_right_logical3A_1787 : vector<16xi32>
    %and3A_1789 = arith.constant 255 : i32
    %and3A_1790 = vector.broadcast %and3A_1789 : i32 to vector<16xi32>
    %and3A_1791 = arith.andi %shift_right_logical3A_1788, %and3A_1790 : vector<16xi32>
    %and3A_1792 = arith.constant 127 : i32
    %and3A_1793 = vector.broadcast %and3A_1792 : i32 to vector<16xi32>
    %and3A_1794 = arith.andi %shift_right_logical3A_1782, %and3A_1793 : vector<16xi32>
    %convert_element_type3A_1795 = arith.sitofp %and3A_1794 : vector<16xi32> to vector<16xf32>
    %eq3A_1796 = arith.constant 0 : i32
    %eq3A_1797 = vector.broadcast %eq3A_1796 : i32 to vector<16xi32>
    %eq3A_1798 = arith.cmpi eq, %and3A_1791, %eq3A_1797 : vector<16xi32>
    %mul3A_1799 = arith.constant 1.562500e-02 : f32
    %mul3A_1800 = vector.broadcast %mul3A_1799 : f32 to vector<16xf32>
    %mul3A_1801 = arith.mulf %convert_element_type3A_1795, %mul3A_1800 : vector<16xf32>
    %mul3A_1802 = arith.constant 7.812500e-03 : f32
    %mul3A_1803 = vector.broadcast %mul3A_1802 : f32 to vector<16xf32>
    %mul3A_1804 = arith.mulf %convert_element_type3A_1795, %mul3A_1803 : vector<16xf32>
    %add3A_1805 = arith.constant 1.000000e+00 : f32
    %add3A_1806 = vector.broadcast %add3A_1805 : f32 to vector<16xf32>
    %add3A_1807 = arith.addf %mul3A_1804, %add3A_1806 : vector<16xf32>
    %select_n3A_1808 = arith.select %eq3A_1798, %mul3A_1801, %add3A_1807 : vector<16xi1>, vector<16xf32>
    %sub3A_1809 = arith.constant 127 : i32
    %sub3A_1810 = vector.broadcast %sub3A_1809 : i32 to vector<16xi32>
    %sub3A_1811 = arith.subi %and3A_1791, %sub3A_1810 : vector<16xi32>
    %convert_element_type3A_1812 = arith.sitofp %sub3A_1811 : vector<16xi32> to vector<16xf32>
    %mul3A_1813 = arith.constant 0.693147182 : f32
    %mul3A_1814 = vector.broadcast %mul3A_1813 : f32 to vector<16xf32>
    %mul3A_1815 = arith.mulf %convert_element_type3A_1812, %mul3A_1814 : vector<16xf32>
    %exp3A_1816 = math.exp %mul3A_1815 : vector<16xf32>
    %mul3A_1817 = arith.mulf %select_n3A_1808, %exp3A_1816 : vector<16xf32>
    %eq3A_1818 = arith.constant 1 : i32
    %eq3A_1819 = vector.broadcast %eq3A_1818 : i32 to vector<16xi32>
    %eq3A_1820 = arith.cmpi eq, %shift_right_logical3A_1785, %eq3A_1819 : vector<16xi32>
    %neg3A_1821 = arith.constant 0.000000e+00 : f32
    %neg3A_1822 = vector.broadcast %neg3A_1821 : f32 to vector<16xf32>
    %neg3A_1823 = arith.subf %neg3A_1822, %mul3A_1817 : vector<16xf32>
    %select_n3A_1824 = arith.select %eq3A_1820, %neg3A_1823, %mul3A_1817 : vector<16xi1>, vector<16xf32>
    %and3A_1825 = arith.constant 65535 : i32
    %and3A_1826 = vector.broadcast %and3A_1825 : i32 to vector<16xi32>
    %and3A_1827 = arith.andi %get3A_1779, %and3A_1826 : vector<16xi32>
    %shift_right_logical3A_1828 = arith.constant 15 : i32
    %shift_right_logical3A_1829 = vector.broadcast %shift_right_logical3A_1828 : i32 to vector<16xi32>
    %shift_right_logical3A_1830 = arith.shrui %and3A_1827, %shift_right_logical3A_1829 : vector<16xi32>
    %shift_right_logical3A_1831 = arith.constant 7 : i32
    %shift_right_logical3A_1832 = vector.broadcast %shift_right_logical3A_1831 : i32 to vector<16xi32>
    %shift_right_logical3A_1833 = arith.shrui %and3A_1827, %shift_right_logical3A_1832 : vector<16xi32>
    %and3A_1834 = arith.constant 255 : i32
    %and3A_1835 = vector.broadcast %and3A_1834 : i32 to vector<16xi32>
    %and3A_1836 = arith.andi %shift_right_logical3A_1833, %and3A_1835 : vector<16xi32>
    %and3A_1837 = arith.constant 127 : i32
    %and3A_1838 = vector.broadcast %and3A_1837 : i32 to vector<16xi32>
    %and3A_1839 = arith.andi %and3A_1827, %and3A_1838 : vector<16xi32>
    %convert_element_type3A_1840 = arith.sitofp %and3A_1839 : vector<16xi32> to vector<16xf32>
    %eq3A_1841 = arith.constant 0 : i32
    %eq3A_1842 = vector.broadcast %eq3A_1841 : i32 to vector<16xi32>
    %eq3A_1843 = arith.cmpi eq, %and3A_1836, %eq3A_1842 : vector<16xi32>
    %mul3A_1844 = arith.constant 1.562500e-02 : f32
    %mul3A_1845 = vector.broadcast %mul3A_1844 : f32 to vector<16xf32>
    %mul3A_1846 = arith.mulf %convert_element_type3A_1840, %mul3A_1845 : vector<16xf32>
    %mul3A_1847 = arith.constant 7.812500e-03 : f32
    %mul3A_1848 = vector.broadcast %mul3A_1847 : f32 to vector<16xf32>
    %mul3A_1849 = arith.mulf %convert_element_type3A_1840, %mul3A_1848 : vector<16xf32>
    %add3A_1850 = arith.constant 1.000000e+00 : f32
    %add3A_1851 = vector.broadcast %add3A_1850 : f32 to vector<16xf32>
    %add3A_1852 = arith.addf %mul3A_1849, %add3A_1851 : vector<16xf32>
    %select_n3A_1853 = arith.select %eq3A_1843, %mul3A_1846, %add3A_1852 : vector<16xi1>, vector<16xf32>
    %sub3A_1854 = arith.constant 127 : i32
    %sub3A_1855 = vector.broadcast %sub3A_1854 : i32 to vector<16xi32>
    %sub3A_1856 = arith.subi %and3A_1836, %sub3A_1855 : vector<16xi32>
    %convert_element_type3A_1857 = arith.sitofp %sub3A_1856 : vector<16xi32> to vector<16xf32>
    %mul3A_1858 = arith.constant 0.693147182 : f32
    %mul3A_1859 = vector.broadcast %mul3A_1858 : f32 to vector<16xf32>
    %mul3A_1860 = arith.mulf %convert_element_type3A_1857, %mul3A_1859 : vector<16xf32>
    %exp3A_1861 = math.exp %mul3A_1860 : vector<16xf32>
    %mul3A_1862 = arith.mulf %select_n3A_1853, %exp3A_1861 : vector<16xf32>
    %eq3A_1863 = arith.constant 1 : i32
    %eq3A_1864 = vector.broadcast %eq3A_1863 : i32 to vector<16xi32>
    %eq3A_1865 = arith.cmpi eq, %shift_right_logical3A_1830, %eq3A_1864 : vector<16xi32>
    %neg3A_1866 = arith.constant 0.000000e+00 : f32
    %neg3A_1867 = vector.broadcast %neg3A_1866 : f32 to vector<16xf32>
    %neg3A_1868 = arith.subf %neg3A_1867, %mul3A_1862 : vector<16xf32>
    %select_n3A_1869 = arith.select %eq3A_1865, %neg3A_1868, %mul3A_1862 : vector<16xi1>, vector<16xf32>
    %get3A_1870 = arith.constant 208 : index
    %get3A_1871 = tpu.vector_load %arg12[%get3A_1870] {strides = array<i32>} : memref<512xf32, #tpu.memory_space<vmem>>, vector<16xf32>,
    %get3A_1872 = vector.shape_cast %get3A_1871 : vector<16xf32> to vector<16xf32>
    %get3A_1873 = arith.constant 208 : index
    %get3A_1874 = tpu.vector_load %arg13[%get3A_1873] {strides = array<i32>} : memref<512xf32, #tpu.memory_space<vmem>>, vector<16xf32>,
    %get3A_1875 = vector.shape_cast %get3A_1874 : vector<16xf32> to vector<16xf32>
    %get3A_1876 = arith.constant 208 : index
    %get3A_1877 = tpu.vector_load %arg14[%get3A_1876] {strides = array<i32>} : memref<512xf32, #tpu.memory_space<vmem>>, vector<16xf32>,
    %get3A_1878 = vector.shape_cast %get3A_1877 : vector<16xf32> to vector<16xf32>
    %ne3A_1879 = arith.constant 0.000000e+00 : f32
    %ne3A_1880 = vector.broadcast %ne3A_1879 : f32 to vector<16xf32>
    %ne3A_1881 = arith.cmpf one, %get3A_1872, %ne3A_1880 : vector<16xf32>
    %mul3A_1882 = arith.mulf %select_n3A_1824, %get3A_1872 : vector<16xf32>
    %sub3A_1883 = arith.constant 1.000000e+00 : f32
    %sub3A_1884 = vector.broadcast %sub3A_1883 : f32 to vector<16xf32>
    %sub3A_1885 = arith.subf %sub3A_1884, %select_n3A_1824 : vector<16xf32>
    %mul3A_1886 = arith.mulf %sub3A_1885, %get3A_1875 : vector<16xf32>
    %add3A_1887 = arith.addf %mul3A_1882, %mul3A_1886 : vector<16xf32>
    %select_n3A_1888 = arith.select %ne3A_1881, %add3A_1887, %get3A_1875 : vector<16xi1>, vector<16xf32>
    %jit3A_1889 = arith.constant 0.000000e+00 : f32
    %broadcast_in_dim3A_1890 = vector.broadcast %jit3A_1889 : f32 to vector<16xf32>
    %select_n3A_1891 = arith.select %ne3A_1881, %select_n3A_1869, %broadcast_in_dim3A_1890 : vector<16xi1>, vector<16xf32>
    %sub3A_1892 = arith.constant 1.000000e+00 : f32
    %sub3A_1893 = vector.broadcast %sub3A_1892 : f32 to vector<16xf32>
    %sub3A_1894 = arith.subf %sub3A_1893, %select_n3A_1869 : vector<16xf32>
    %mul3A_1895 = arith.mulf %sub3A_1894, %get3A_1878 : vector<16xf32>
    %add3A_1896 = arith.addf %select_n3A_1891, %mul3A_1895 : vector<16xf32>
    %mul3A_1897 = arith.mulf %select_n3A_1888, %add3A_1896 : vector<16xf32>
    %swap3A_1898 = arith.constant 208 : index
    %swap3A_1899 = tpu.vector_load %arg15[%swap3A_1898] {strides = array<i32>} : memref<512xf32, #tpu.memory_space<vmem>>, vector<16xf32>,
    %swap3A_1900 = vector.shape_cast %swap3A_1899 : vector<16xf32> to vector<16xf32>
    %swap3A_1901 = vector.shape_cast %mul3A_1897 : vector<16xf32> to vector<16xf32>
    tpu.vector_store %arg15[%swap3A_1898], %swap3A_1901 {strides = array<i32>} : memref<512xf32, #tpu.memory_space<vmem>>, vector<16xf32>,
    %swap3A_1902 = arith.constant 208 : index
    %swap3A_1903 = tpu.vector_load %arg16[%swap3A_1902] {strides = array<i32>} : memref<512xf32, #tpu.memory_space<vmem>>, vector<16xf32>,
    %swap3A_1904 = vector.shape_cast %swap3A_1903 : vector<16xf32> to vector<16xf32>
    %swap3A_1905 = vector.shape_cast %select_n3A_1888 : vector<16xf32> to vector<16xf32>
    tpu.vector_store %arg16[%swap3A_1902], %swap3A_1905 {strides = array<i32>} : memref<512xf32, #tpu.memory_space<vmem>>, vector<16xf32>,
    %swap3A_1906 = arith.constant 208 : index
    %swap3A_1907 = tpu.vector_load %arg17[%swap3A_1906] {strides = array<i32>} : memref<512xf32, #tpu.memory_space<vmem>>, vector<16xf32>,
    %swap3A_1908 = vector.shape_cast %swap3A_1907 : vector<16xf32> to vector<16xf32>
    %swap3A_1909 = vector.shape_cast %add3A_1896 : vector<16xf32> to vector<16xf32>
    tpu.vector_store %arg17[%swap3A_1906], %swap3A_1909 {strides = array<i32>} : memref<512xf32, #tpu.memory_space<vmem>>, vector<16xf32>,
    %get3A_1910 = arith.constant 224 : index
    %get3A_1911 = tpu.vector_load %arg11[%get3A_1910] {strides = array<i32>} : memref<512xi32, #tpu.memory_space<vmem>>, vector<16xi32>,
    %get3A_1912 = vector.shape_cast %get3A_1911 : vector<16xi32> to vector<16xi32>
    %shift_right_logical3A_1913 = arith.constant 16 : i32
    %shift_right_logical3A_1914 = vector.broadcast %shift_right_logical3A_1913 : i32 to vector<16xi32>
    %shift_right_logical3A_1915 = arith.shrui %get3A_1912, %shift_right_logical3A_1914 : vector<16xi32>
    %shift_right_logical3A_1916 = arith.constant 15 : i32
    %shift_right_logical3A_1917 = vector.broadcast %shift_right_logical3A_1916 : i32 to vector<16xi32>
    %shift_right_logical3A_1918 = arith.shrui %shift_right_logical3A_1915, %shift_right_logical3A_1917 : vector<16xi32>
    %shift_right_logical3A_1919 = arith.constant 7 : i32
    %shift_right_logical3A_1920 = vector.broadcast %shift_right_logical3A_1919 : i32 to vector<16xi32>
    %shift_right_logical3A_1921 = arith.shrui %shift_right_logical3A_1915, %shift_right_logical3A_1920 : vector<16xi32>
    %and3A_1922 = arith.constant 255 : i32
    %and3A_1923 = vector.broadcast %and3A_1922 : i32 to vector<16xi32>
    %and3A_1924 = arith.andi %shift_right_logical3A_1921, %and3A_1923 : vector<16xi32>
    %and3A_1925 = arith.constant 127 : i32
    %and3A_1926 = vector.broadcast %and3A_1925 : i32 to vector<16xi32>
    %and3A_1927 = arith.andi %shift_right_logical3A_1915, %and3A_1926 : vector<16xi32>
    %convert_element_type3A_1928 = arith.sitofp %and3A_1927 : vector<16xi32> to vector<16xf32>
    %eq3A_1929 = arith.constant 0 : i32
    %eq3A_1930 = vector.broadcast %eq3A_1929 : i32 to vector<16xi32>
    %eq3A_1931 = arith.cmpi eq, %and3A_1924, %eq3A_1930 : vector<16xi32>
    %mul3A_1932 = arith.constant 1.562500e-02 : f32
    %mul3A_1933 = vector.broadcast %mul3A_1932 : f32 to vector<16xf32>
    %mul3A_1934 = arith.mulf %convert_element_type3A_1928, %mul3A_1933 : vector<16xf32>
    %mul3A_1935 = arith.constant 7.812500e-03 : f32
    %mul3A_1936 = vector.broadcast %mul3A_1935 : f32 to vector<16xf32>
    %mul3A_1937 = arith.mulf %convert_element_type3A_1928, %mul3A_1936 : vector<16xf32>
    %add3A_1938 = arith.constant 1.000000e+00 : f32
    %add3A_1939 = vector.broadcast %add3A_1938 : f32 to vector<16xf32>
    %add3A_1940 = arith.addf %mul3A_1937, %add3A_1939 : vector<16xf32>
    %select_n3A_1941 = arith.select %eq3A_1931, %mul3A_1934, %add3A_1940 : vector<16xi1>, vector<16xf32>
    %sub3A_1942 = arith.constant 127 : i32
    %sub3A_1943 = vector.broadcast %sub3A_1942 : i32 to vector<16xi32>
    %sub3A_1944 = arith.subi %and3A_1924, %sub3A_1943 : vector<16xi32>
    %convert_element_type3A_1945 = arith.sitofp %sub3A_1944 : vector<16xi32> to vector<16xf32>
    %mul3A_1946 = arith.constant 0.693147182 : f32
    %mul3A_1947 = vector.broadcast %mul3A_1946 : f32 to vector<16xf32>
    %mul3A_1948 = arith.mulf %convert_element_type3A_1945, %mul3A_1947 : vector<16xf32>
    %exp3A_1949 = math.exp %mul3A_1948 : vector<16xf32>
    %mul3A_1950 = arith.mulf %select_n3A_1941, %exp3A_1949 : vector<16xf32>
    %eq3A_1951 = arith.constant 1 : i32
    %eq3A_1952 = vector.broadcast %eq3A_1951 : i32 to vector<16xi32>
    %eq3A_1953 = arith.cmpi eq, %shift_right_logical3A_1918, %eq3A_1952 : vector<16xi32>
    %neg3A_1954 = arith.constant 0.000000e+00 : f32
    %neg3A_1955 = vector.broadcast %neg3A_1954 : f32 to vector<16xf32>
    %neg3A_1956 = arith.subf %neg3A_1955, %mul3A_1950 : vector<16xf32>
    %select_n3A_1957 = arith.select %eq3A_1953, %neg3A_1956, %mul3A_1950 : vector<16xi1>, vector<16xf32>
    %and3A_1958 = arith.constant 65535 : i32
    %and3A_1959 = vector.broadcast %and3A_1958 : i32 to vector<16xi32>
    %and3A_1960 = arith.andi %get3A_1912, %and3A_1959 : vector<16xi32>
    %shift_right_logical3A_1961 = arith.constant 15 : i32
    %shift_right_logical3A_1962 = vector.broadcast %shift_right_logical3A_1961 : i32 to vector<16xi32>
    %shift_right_logical3A_1963 = arith.shrui %and3A_1960, %shift_right_logical3A_1962 : vector<16xi32>
    %shift_right_logical3A_1964 = arith.constant 7 : i32
    %shift_right_logical3A_1965 = vector.broadcast %shift_right_logical3A_1964 : i32 to vector<16xi32>
    %shift_right_logical3A_1966 = arith.shrui %and3A_1960, %shift_right_logical3A_1965 : vector<16xi32>
    %and3A_1967 = arith.constant 255 : i32
    %and3A_1968 = vector.broadcast %and3A_1967 : i32 to vector<16xi32>
    %and3A_1969 = arith.andi %shift_right_logical3A_1966, %and3A_1968 : vector<16xi32>
    %and3A_1970 = arith.constant 127 : i32
    %and3A_1971 = vector.broadcast %and3A_1970 : i32 to vector<16xi32>
    %and3A_1972 = arith.andi %and3A_1960, %and3A_1971 : vector<16xi32>
    %convert_element_type3A_1973 = arith.sitofp %and3A_1972 : vector<16xi32> to vector<16xf32>
    %eq3A_1974 = arith.constant 0 : i32
    %eq3A_1975 = vector.broadcast %eq3A_1974 : i32 to vector<16xi32>
    %eq3A_1976 = arith.cmpi eq, %and3A_1969, %eq3A_1975 : vector<16xi32>
    %mul3A_1977 = arith.constant 1.562500e-02 : f32
    %mul3A_1978 = vector.broadcast %mul3A_1977 : f32 to vector<16xf32>
    %mul3A_1979 = arith.mulf %convert_element_type3A_1973, %mul3A_1978 : vector<16xf32>
    %mul3A_1980 = arith.constant 7.812500e-03 : f32
    %mul3A_1981 = vector.broadcast %mul3A_1980 : f32 to vector<16xf32>
    %mul3A_1982 = arith.mulf %convert_element_type3A_1973, %mul3A_1981 : vector<16xf32>
    %add3A_1983 = arith.constant 1.000000e+00 : f32
    %add3A_1984 = vector.broadcast %add3A_1983 : f32 to vector<16xf32>
    %add3A_1985 = arith.addf %mul3A_1982, %add3A_1984 : vector<16xf32>
    %select_n3A_1986 = arith.select %eq3A_1976, %mul3A_1979, %add3A_1985 : vector<16xi1>, vector<16xf32>
    %sub3A_1987 = arith.constant 127 : i32
    %sub3A_1988 = vector.broadcast %sub3A_1987 : i32 to vector<16xi32>
    %sub3A_1989 = arith.subi %and3A_1969, %sub3A_1988 : vector<16xi32>
    %convert_element_type3A_1990 = arith.sitofp %sub3A_1989 : vector<16xi32> to vector<16xf32>
    %mul3A_1991 = arith.constant 0.693147182 : f32
    %mul3A_1992 = vector.broadcast %mul3A_1991 : f32 to vector<16xf32>
    %mul3A_1993 = arith.mulf %convert_element_type3A_1990, %mul3A_1992 : vector<16xf32>
    %exp3A_1994 = math.exp %mul3A_1993 : vector<16xf32>
    %mul3A_1995 = arith.mulf %select_n3A_1986, %exp3A_1994 : vector<16xf32>
    %eq3A_1996 = arith.constant 1 : i32
    %eq3A_1997 = vector.broadcast %eq3A_1996 : i32 to vector<16xi32>
    %eq3A_1998 = arith.cmpi eq, %shift_right_logical3A_1963, %eq3A_1997 : vector<16xi32>
    %neg3A_1999 = arith.constant 0.000000e+00 : f32
    %neg3A_2000 = vector.broadcast %neg3A_1999 : f32 to vector<16xf32>
    %neg3A_2001 = arith.subf %neg3A_2000, %mul3A_1995 : vector<16xf32>
    %select_n3A_2002 = arith.select %eq3A_1998, %neg3A_2001, %mul3A_1995 : vector<16xi1>, vector<16xf32>
    %get3A_2003 = arith.constant 224 : index
    %get3A_2004 = tpu.vector_load %arg12[%get3A_2003] {strides = array<i32>} : memref<512xf32, #tpu.memory_space<vmem>>, vector<16xf32>,
    %get3A_2005 = vector.shape_cast %get3A_2004 : vector<16xf32> to vector<16xf32>
    %get3A_2006 = arith.constant 224 : index
    %get3A_2007 = tpu.vector_load %arg13[%get3A_2006] {strides = array<i32>} : memref<512xf32, #tpu.memory_space<vmem>>, vector<16xf32>,
    %get3A_2008 = vector.shape_cast %get3A_2007 : vector<16xf32> to vector<16xf32>
    %get3A_2009 = arith.constant 224 : index
    %get3A_2010 = tpu.vector_load %arg14[%get3A_2009] {strides = array<i32>} : memref<512xf32, #tpu.memory_space<vmem>>, vector<16xf32>,
    %get3A_2011 = vector.shape_cast %get3A_2010 : vector<16xf32> to vector<16xf32>
    %ne3A_2012 = arith.constant 0.000000e+00 : f32
    %ne3A_2013 = vector.broadcast %ne3A_2012 : f32 to vector<16xf32>
    %ne3A_2014 = arith.cmpf one, %get3A_2005, %ne3A_2013 : vector<16xf32>
    %mul3A_2015 = arith.mulf %select_n3A_1957, %get3A_2005 : vector<16xf32>
    %sub3A_2016 = arith.constant 1.000000e+00 : f32
    %sub3A_2017 = vector.broadcast %sub3A_2016 : f32 to vector<16xf32>
    %sub3A_2018 = arith.subf %sub3A_2017, %select_n3A_1957 : vector<16xf32>
    %mul3A_2019 = arith.mulf %sub3A_2018, %get3A_2008 : vector<16xf32>
    %add3A_2020 = arith.addf %mul3A_2015, %mul3A_2019 : vector<16xf32>
    %select_n3A_2021 = arith.select %ne3A_2014, %add3A_2020, %get3A_2008 : vector<16xi1>, vector<16xf32>
    %jit3A_2022 = arith.constant 0.000000e+00 : f32
    %broadcast_in_dim3A_2023 = vector.broadcast %jit3A_2022 : f32 to vector<16xf32>
    %select_n3A_2024 = arith.select %ne3A_2014, %select_n3A_2002, %broadcast_in_dim3A_2023 : vector<16xi1>, vector<16xf32>
    %sub3A_2025 = arith.constant 1.000000e+00 : f32
    %sub3A_2026 = vector.broadcast %sub3A_2025 : f32 to vector<16xf32>
    %sub3A_2027 = arith.subf %sub3A_2026, %select_n3A_2002 : vector<16xf32>
    %mul3A_2028 = arith.mulf %sub3A_2027, %get3A_2011 : vector<16xf32>
    %add3A_2029 = arith.addf %select_n3A_2024, %mul3A_2028 : vector<16xf32>
    %mul3A_2030 = arith.mulf %select_n3A_2021, %add3A_2029 : vector<16xf32>
    %swap3A_2031 = arith.constant 224 : index
    %swap3A_2032 = tpu.vector_load %arg15[%swap3A_2031] {strides = array<i32>} : memref<512xf32, #tpu.memory_space<vmem>>, vector<16xf32>,
    %swap3A_2033 = vector.shape_cast %swap3A_2032 : vector<16xf32> to vector<16xf32>
    %swap3A_2034 = vector.shape_cast %mul3A_2030 : vector<16xf32> to vector<16xf32>
    tpu.vector_store %arg15[%swap3A_2031], %swap3A_2034 {strides = array<i32>} : memref<512xf32, #tpu.memory_space<vmem>>, vector<16xf32>,
    %swap3A_2035 = arith.constant 224 : index
    %swap3A_2036 = tpu.vector_load %arg16[%swap3A_2035] {strides = array<i32>} : memref<512xf32, #tpu.memory_space<vmem>>, vector<16xf32>,
    %swap3A_2037 = vector.shape_cast %swap3A_2036 : vector<16xf32> to vector<16xf32>
    %swap3A_2038 = vector.shape_cast %select_n3A_2021 : vector<16xf32> to vector<16xf32>
    tpu.vector_store %arg16[%swap3A_2035], %swap3A_2038 {strides = array<i32>} : memref<512xf32, #tpu.memory_space<vmem>>, vector<16xf32>,
    %swap3A_2039 = arith.constant 224 : index
    %swap3A_2040 = tpu.vector_load %arg17[%swap3A_2039] {strides = array<i32>} : memref<512xf32, #tpu.memory_space<vmem>>, vector<16xf32>,
    %swap3A_2041 = vector.shape_cast %swap3A_2040 : vector<16xf32> to vector<16xf32>
    %swap3A_2042 = vector.shape_cast %add3A_2029 : vector<16xf32> to vector<16xf32>
    tpu.vector_store %arg17[%swap3A_2039], %swap3A_2042 {strides = array<i32>} : memref<512xf32, #tpu.memory_space<vmem>>, vector<16xf32>,
    %get3A_2043 = arith.constant 240 : index
    %get3A_2044 = tpu.vector_load %arg11[%get3A_2043] {strides = array<i32>} : memref<512xi32, #tpu.memory_space<vmem>>, vector<16xi32>,
    %get3A_2045 = vector.shape_cast %get3A_2044 : vector<16xi32> to vector<16xi32>
    %shift_right_logical3A_2046 = arith.constant 16 : i32
    %shift_right_logical3A_2047 = vector.broadcast %shift_right_logical3A_2046 : i32 to vector<16xi32>
    %shift_right_logical3A_2048 = arith.shrui %get3A_2045, %shift_right_logical3A_2047 : vector<16xi32>
    %shift_right_logical3A_2049 = arith.constant 15 : i32
    %shift_right_logical3A_2050 = vector.broadcast %shift_right_logical3A_2049 : i32 to vector<16xi32>
    %shift_right_logical3A_2051 = arith.shrui %shift_right_logical3A_2048, %shift_right_logical3A_2050 : vector<16xi32>
    %shift_right_logical3A_2052 = arith.constant 7 : i32
    %shift_right_logical3A_2053 = vector.broadcast %shift_right_logical3A_2052 : i32 to vector<16xi32>
    %shift_right_logical3A_2054 = arith.shrui %shift_right_logical3A_2048, %shift_right_logical3A_2053 : vector<16xi32>
    %and3A_2055 = arith.constant 255 : i32
    %and3A_2056 = vector.broadcast %and3A_2055 : i32 to vector<16xi32>
    %and3A_2057 = arith.andi %shift_right_logical3A_2054, %and3A_2056 : vector<16xi32>
    %and3A_2058 = arith.constant 127 : i32
    %and3A_2059 = vector.broadcast %and3A_2058 : i32 to vector<16xi32>
    %and3A_2060 = arith.andi %shift_right_logical3A_2048, %and3A_2059 : vector<16xi32>
    %convert_element_type3A_2061 = arith.sitofp %and3A_2060 : vector<16xi32> to vector<16xf32>
    %eq3A_2062 = arith.constant 0 : i32
    %eq3A_2063 = vector.broadcast %eq3A_2062 : i32 to vector<16xi32>
    %eq3A_2064 = arith.cmpi eq, %and3A_2057, %eq3A_2063 : vector<16xi32>
    %mul3A_2065 = arith.constant 1.562500e-02 : f32
    %mul3A_2066 = vector.broadcast %mul3A_2065 : f32 to vector<16xf32>
    %mul3A_2067 = arith.mulf %convert_element_type3A_2061, %mul3A_2066 : vector<16xf32>
    %mul3A_2068 = arith.constant 7.812500e-03 : f32
    %mul3A_2069 = vector.broadcast %mul3A_2068 : f32 to vector<16xf32>
    %mul3A_2070 = arith.mulf %convert_element_type3A_2061, %mul3A_2069 : vector<16xf32>
    %add3A_2071 = arith.constant 1.000000e+00 : f32
    %add3A_2072 = vector.broadcast %add3A_2071 : f32 to vector<16xf32>
    %add3A_2073 = arith.addf %mul3A_2070, %add3A_2072 : vector<16xf32>
    %select_n3A_2074 = arith.select %eq3A_2064, %mul3A_2067, %add3A_2073 : vector<16xi1>, vector<16xf32>
    %sub3A_2075 = arith.constant 127 : i32
    %sub3A_2076 = vector.broadcast %sub3A_2075 : i32 to vector<16xi32>
    %sub3A_2077 = arith.subi %and3A_2057, %sub3A_2076 : vector<16xi32>
    %convert_element_type3A_2078 = arith.sitofp %sub3A_2077 : vector<16xi32> to vector<16xf32>
    %mul3A_2079 = arith.constant 0.693147182 : f32
    %mul3A_2080 = vector.broadcast %mul3A_2079 : f32 to vector<16xf32>
    %mul3A_2081 = arith.mulf %convert_element_type3A_2078, %mul3A_2080 : vector<16xf32>
    %exp3A_2082 = math.exp %mul3A_2081 : vector<16xf32>
    %mul3A_2083 = arith.mulf %select_n3A_2074, %exp3A_2082 : vector<16xf32>
    %eq3A_2084 = arith.constant 1 : i32
    %eq3A_2085 = vector.broadcast %eq3A_2084 : i32 to vector<16xi32>
    %eq3A_2086 = arith.cmpi eq, %shift_right_logical3A_2051, %eq3A_2085 : vector<16xi32>
    %neg3A_2087 = arith.constant 0.000000e+00 : f32
    %neg3A_2088 = vector.broadcast %neg3A_2087 : f32 to vector<16xf32>
    %neg3A_2089 = arith.subf %neg3A_2088, %mul3A_2083 : vector<16xf32>
    %select_n3A_2090 = arith.select %eq3A_2086, %neg3A_2089, %mul3A_2083 : vector<16xi1>, vector<16xf32>
    %and3A_2091 = arith.constant 65535 : i32
    %and3A_2092 = vector.broadcast %and3A_2091 : i32 to vector<16xi32>
    %and3A_2093 = arith.andi %get3A_2045, %and3A_2092 : vector<16xi32>
    %shift_right_logical3A_2094 = arith.constant 15 : i32
    %shift_right_logical3A_2095 = vector.broadcast %shift_right_logical3A_2094 : i32 to vector<16xi32>
    %shift_right_logical3A_2096 = arith.shrui %and3A_2093, %shift_right_logical3A_2095 : vector<16xi32>
    %shift_right_logical3A_2097 = arith.constant 7 : i32
    %shift_right_logical3A_2098 = vector.broadcast %shift_right_logical3A_2097 : i32 to vector<16xi32>
    %shift_right_logical3A_2099 = arith.shrui %and3A_2093, %shift_right_logical3A_2098 : vector<16xi32>
    %and3A_2100 = arith.constant 255 : i32
    %and3A_2101 = vector.broadcast %and3A_2100 : i32 to vector<16xi32>
    %and3A_2102 = arith.andi %shift_right_logical3A_2099, %and3A_2101 : vector<16xi32>
    %and3A_2103 = arith.constant 127 : i32
    %and3A_2104 = vector.broadcast %and3A_2103 : i32 to vector<16xi32>
    %and3A_2105 = arith.andi %and3A_2093, %and3A_2104 : vector<16xi32>
    %convert_element_type3A_2106 = arith.sitofp %and3A_2105 : vector<16xi32> to vector<16xf32>
    %eq3A_2107 = arith.constant 0 : i32
    %eq3A_2108 = vector.broadcast %eq3A_2107 : i32 to vector<16xi32>
    %eq3A_2109 = arith.cmpi eq, %and3A_2102, %eq3A_2108 : vector<16xi32>
    %mul3A_2110 = arith.constant 1.562500e-02 : f32
    %mul3A_2111 = vector.broadcast %mul3A_2110 : f32 to vector<16xf32>
    %mul3A_2112 = arith.mulf %convert_element_type3A_2106, %mul3A_2111 : vector<16xf32>
    %mul3A_2113 = arith.constant 7.812500e-03 : f32
    %mul3A_2114 = vector.broadcast %mul3A_2113 : f32 to vector<16xf32>
    %mul3A_2115 = arith.mulf %convert_element_type3A_2106, %mul3A_2114 : vector<16xf32>
    %add3A_2116 = arith.constant 1.000000e+00 : f32
    %add3A_2117 = vector.broadcast %add3A_2116 : f32 to vector<16xf32>
    %add3A_2118 = arith.addf %mul3A_2115, %add3A_2117 : vector<16xf32>
    %select_n3A_2119 = arith.select %eq3A_2109, %mul3A_2112, %add3A_2118 : vector<16xi1>, vector<16xf32>
    %sub3A_2120 = arith.constant 127 : i32
    %sub3A_2121 = vector.broadcast %sub3A_2120 : i32 to vector<16xi32>
    %sub3A_2122 = arith.subi %and3A_2102, %sub3A_2121 : vector<16xi32>
    %convert_element_type3A_2123 = arith.sitofp %sub3A_2122 : vector<16xi32> to vector<16xf32>
    %mul3A_2124 = arith.constant 0.693147182 : f32
    %mul3A_2125 = vector.broadcast %mul3A_2124 : f32 to vector<16xf32>
    %mul3A_2126 = arith.mulf %convert_element_type3A_2123, %mul3A_2125 : vector<16xf32>
    %exp3A_2127 = math.exp %mul3A_2126 : vector<16xf32>
    %mul3A_2128 = arith.mulf %select_n3A_2119, %exp3A_2127 : vector<16xf32>
    %eq3A_2129 = arith.constant 1 : i32
    %eq3A_2130 = vector.broadcast %eq3A_2129 : i32 to vector<16xi32>
    %eq3A_2131 = arith.cmpi eq, %shift_right_logical3A_2096, %eq3A_2130 : vector<16xi32>
    %neg3A_2132 = arith.constant 0.000000e+00 : f32
    %neg3A_2133 = vector.broadcast %neg3A_2132 : f32 to vector<16xf32>
    %neg3A_2134 = arith.subf %neg3A_2133, %mul3A_2128 : vector<16xf32>
    %select_n3A_2135 = arith.select %eq3A_2131, %neg3A_2134, %mul3A_2128 : vector<16xi1>, vector<16xf32>
    %get3A_2136 = arith.constant 240 : index
    %get3A_2137 = tpu.vector_load %arg12[%get3A_2136] {strides = array<i32>} : memref<512xf32, #tpu.memory_space<vmem>>, vector<16xf32>,
    %get3A_2138 = vector.shape_cast %get3A_2137 : vector<16xf32> to vector<16xf32>
    %get3A_2139 = arith.constant 240 : index
    %get3A_2140 = tpu.vector_load %arg13[%get3A_2139] {strides = array<i32>} : memref<512xf32, #tpu.memory_space<vmem>>, vector<16xf32>,
    %get3A_2141 = vector.shape_cast %get3A_2140 : vector<16xf32> to vector<16xf32>
    %get3A_2142 = arith.constant 240 : index
    %get3A_2143 = tpu.vector_load %arg14[%get3A_2142] {strides = array<i32>} : memref<512xf32, #tpu.memory_space<vmem>>, vector<16xf32>,
    %get3A_2144 = vector.shape_cast %get3A_2143 : vector<16xf32> to vector<16xf32>
    %ne3A_2145 = arith.constant 0.000000e+00 : f32
    %ne3A_2146 = vector.broadcast %ne3A_2145 : f32 to vector<16xf32>
    %ne3A_2147 = arith.cmpf one, %get3A_2138, %ne3A_2146 : vector<16xf32>
    %mul3A_2148 = arith.mulf %select_n3A_2090, %get3A_2138 : vector<16xf32>
    %sub3A_2149 = arith.constant 1.000000e+00 : f32
    %sub3A_2150 = vector.broadcast %sub3A_2149 : f32 to vector<16xf32>
    %sub3A_2151 = arith.subf %sub3A_2150, %select_n3A_2090 : vector<16xf32>
    %mul3A_2152 = arith.mulf %sub3A_2151, %get3A_2141 : vector<16xf32>
    %add3A_2153 = arith.addf %mul3A_2148, %mul3A_2152 : vector<16xf32>
    %select_n3A_2154 = arith.select %ne3A_2147, %add3A_2153, %get3A_2141 : vector<16xi1>, vector<16xf32>
    %jit3A_2155 = arith.constant 0.000000e+00 : f32
    %broadcast_in_dim3A_2156 = vector.broadcast %jit3A_2155 : f32 to vector<16xf32>
    %select_n3A_2157 = arith.select %ne3A_2147, %select_n3A_2135, %broadcast_in_dim3A_2156 : vector<16xi1>, vector<16xf32>
    %sub3A_2158 = arith.constant 1.000000e+00 : f32
    %sub3A_2159 = vector.broadcast %sub3A_2158 : f32 to vector<16xf32>
    %sub3A_2160 = arith.subf %sub3A_2159, %select_n3A_2135 : vector<16xf32>
    %mul3A_2161 = arith.mulf %sub3A_2160, %get3A_2144 : vector<16xf32>
    %add3A_2162 = arith.addf %select_n3A_2157, %mul3A_2161 : vector<16xf32>
    %mul3A_2163 = arith.mulf %select_n3A_2154, %add3A_2162 : vector<16xf32>
    %swap3A_2164 = arith.constant 240 : index
    %swap3A_2165 = tpu.vector_load %arg15[%swap3A_2164] {strides = array<i32>} : memref<512xf32, #tpu.memory_space<vmem>>, vector<16xf32>,
    %swap3A_2166 = vector.shape_cast %swap3A_2165 : vector<16xf32> to vector<16xf32>
    %swap3A_2167 = vector.shape_cast %mul3A_2163 : vector<16xf32> to vector<16xf32>
    tpu.vector_store %arg15[%swap3A_2164], %swap3A_2167 {strides = array<i32>} : memref<512xf32, #tpu.memory_space<vmem>>, vector<16xf32>,
    %swap3A_2168 = arith.constant 240 : index
    %swap3A_2169 = tpu.vector_load %arg16[%swap3A_2168] {strides = array<i32>} : memref<512xf32, #tpu.memory_space<vmem>>, vector<16xf32>,
    %swap3A_2170 = vector.shape_cast %swap3A_2169 : vector<16xf32> to vector<16xf32>
    %swap3A_2171 = vector.shape_cast %select_n3A_2154 : vector<16xf32> to vector<16xf32>
    tpu.vector_store %arg16[%swap3A_2168], %swap3A_2171 {strides = array<i32>} : memref<512xf32, #tpu.memory_space<vmem>>, vector<16xf32>,
    %swap3A_2172 = arith.constant 240 : index
    %swap3A_2173 = tpu.vector_load %arg17[%swap3A_2172] {strides = array<i32>} : memref<512xf32, #tpu.memory_space<vmem>>, vector<16xf32>,
    %swap3A_2174 = vector.shape_cast %swap3A_2173 : vector<16xf32> to vector<16xf32>
    %swap3A_2175 = vector.shape_cast %add3A_2162 : vector<16xf32> to vector<16xf32>
    tpu.vector_store %arg17[%swap3A_2172], %swap3A_2175 {strides = array<i32>} : memref<512xf32, #tpu.memory_space<vmem>>, vector<16xf32>,
    %get3A_2176 = arith.constant 256 : index
    %get3A_2177 = tpu.vector_load %arg11[%get3A_2176] {strides = array<i32>} : memref<512xi32, #tpu.memory_space<vmem>>, vector<16xi32>,
    %get3A_2178 = vector.shape_cast %get3A_2177 : vector<16xi32> to vector<16xi32>
    %shift_right_logical3A_2179 = arith.constant 16 : i32
    %shift_right_logical3A_2180 = vector.broadcast %shift_right_logical3A_2179 : i32 to vector<16xi32>
    %shift_right_logical3A_2181 = arith.shrui %get3A_2178, %shift_right_logical3A_2180 : vector<16xi32>
    %shift_right_logical3A_2182 = arith.constant 15 : i32
    %shift_right_logical3A_2183 = vector.broadcast %shift_right_logical3A_2182 : i32 to vector<16xi32>
    %shift_right_logical3A_2184 = arith.shrui %shift_right_logical3A_2181, %shift_right_logical3A_2183 : vector<16xi32>
    %shift_right_logical3A_2185 = arith.constant 7 : i32
    %shift_right_logical3A_2186 = vector.broadcast %shift_right_logical3A_2185 : i32 to vector<16xi32>
    %shift_right_logical3A_2187 = arith.shrui %shift_right_logical3A_2181, %shift_right_logical3A_2186 : vector<16xi32>
    %and3A_2188 = arith.constant 255 : i32
    %and3A_2189 = vector.broadcast %and3A_2188 : i32 to vector<16xi32>
    %and3A_2190 = arith.andi %shift_right_logical3A_2187, %and3A_2189 : vector<16xi32>
    %and3A_2191 = arith.constant 127 : i32
    %and3A_2192 = vector.broadcast %and3A_2191 : i32 to vector<16xi32>
    %and3A_2193 = arith.andi %shift_right_logical3A_2181, %and3A_2192 : vector<16xi32>
    %convert_element_type3A_2194 = arith.sitofp %and3A_2193 : vector<16xi32> to vector<16xf32>
    %eq3A_2195 = arith.constant 0 : i32
    %eq3A_2196 = vector.broadcast %eq3A_2195 : i32 to vector<16xi32>
    %eq3A_2197 = arith.cmpi eq, %and3A_2190, %eq3A_2196 : vector<16xi32>
    %mul3A_2198 = arith.constant 1.562500e-02 : f32
    %mul3A_2199 = vector.broadcast %mul3A_2198 : f32 to vector<16xf32>
    %mul3A_2200 = arith.mulf %convert_element_type3A_2194, %mul3A_2199 : vector<16xf32>
    %mul3A_2201 = arith.constant 7.812500e-03 : f32
    %mul3A_2202 = vector.broadcast %mul3A_2201 : f32 to vector<16xf32>
    %mul3A_2203 = arith.mulf %convert_element_type3A_2194, %mul3A_2202 : vector<16xf32>
    %add3A_2204 = arith.constant 1.000000e+00 : f32
    %add3A_2205 = vector.broadcast %add3A_2204 : f32 to vector<16xf32>
    %add3A_2206 = arith.addf %mul3A_2203, %add3A_2205 : vector<16xf32>
    %select_n3A_2207 = arith.select %eq3A_2197, %mul3A_2200, %add3A_2206 : vector<16xi1>, vector<16xf32>
    %sub3A_2208 = arith.constant 127 : i32
    %sub3A_2209 = vector.broadcast %sub3A_2208 : i32 to vector<16xi32>
    %sub3A_2210 = arith.subi %and3A_2190, %sub3A_2209 : vector<16xi32>
    %convert_element_type3A_2211 = arith.sitofp %sub3A_2210 : vector<16xi32> to vector<16xf32>
    %mul3A_2212 = arith.constant 0.693147182 : f32
    %mul3A_2213 = vector.broadcast %mul3A_2212 : f32 to vector<16xf32>
    %mul3A_2214 = arith.mulf %convert_element_type3A_2211, %mul3A_2213 : vector<16xf32>
    %exp3A_2215 = math.exp %mul3A_2214 : vector<16xf32>
    %mul3A_2216 = arith.mulf %select_n3A_2207, %exp3A_2215 : vector<16xf32>
    %eq3A_2217 = arith.constant 1 : i32
    %eq3A_2218 = vector.broadcast %eq3A_2217 : i32 to vector<16xi32>
    %eq3A_2219 = arith.cmpi eq, %shift_right_logical3A_2184, %eq3A_2218 : vector<16xi32>
    %neg3A_2220 = arith.constant 0.000000e+00 : f32
    %neg3A_2221 = vector.broadcast %neg3A_2220 : f32 to vector<16xf32>
    %neg3A_2222 = arith.subf %neg3A_2221, %mul3A_2216 : vector<16xf32>
    %select_n3A_2223 = arith.select %eq3A_2219, %neg3A_2222, %mul3A_2216 : vector<16xi1>, vector<16xf32>
    %and3A_2224 = arith.constant 65535 : i32
    %and3A_2225 = vector.broadcast %and3A_2224 : i32 to vector<16xi32>
    %and3A_2226 = arith.andi %get3A_2178, %and3A_2225 : vector<16xi32>
    %shift_right_logical3A_2227 = arith.constant 15 : i32
    %shift_right_logical3A_2228 = vector.broadcast %shift_right_logical3A_2227 : i32 to vector<16xi32>
    %shift_right_logical3A_2229 = arith.shrui %and3A_2226, %shift_right_logical3A_2228 : vector<16xi32>
    %shift_right_logical3A_2230 = arith.constant 7 : i32
    %shift_right_logical3A_2231 = vector.broadcast %shift_right_logical3A_2230 : i32 to vector<16xi32>
    %shift_right_logical3A_2232 = arith.shrui %and3A_2226, %shift_right_logical3A_2231 : vector<16xi32>
    %and3A_2233 = arith.constant 255 : i32
    %and3A_2234 = vector.broadcast %and3A_2233 : i32 to vector<16xi32>
    %and3A_2235 = arith.andi %shift_right_logical3A_2232, %and3A_2234 : vector<16xi32>
    %and3A_2236 = arith.constant 127 : i32
    %and3A_2237 = vector.broadcast %and3A_2236 : i32 to vector<16xi32>
    %and3A_2238 = arith.andi %and3A_2226, %and3A_2237 : vector<16xi32>
    %convert_element_type3A_2239 = arith.sitofp %and3A_2238 : vector<16xi32> to vector<16xf32>
    %eq3A_2240 = arith.constant 0 : i32
    %eq3A_2241 = vector.broadcast %eq3A_2240 : i32 to vector<16xi32>
    %eq3A_2242 = arith.cmpi eq, %and3A_2235, %eq3A_2241 : vector<16xi32>
    %mul3A_2243 = arith.constant 1.562500e-02 : f32
    %mul3A_2244 = vector.broadcast %mul3A_2243 : f32 to vector<16xf32>
    %mul3A_2245 = arith.mulf %convert_element_type3A_2239, %mul3A_2244 : vector<16xf32>
    %mul3A_2246 = arith.constant 7.812500e-03 : f32
    %mul3A_2247 = vector.broadcast %mul3A_2246 : f32 to vector<16xf32>
    %mul3A_2248 = arith.mulf %convert_element_type3A_2239, %mul3A_2247 : vector<16xf32>
    %add3A_2249 = arith.constant 1.000000e+00 : f32
    %add3A_2250 = vector.broadcast %add3A_2249 : f32 to vector<16xf32>
    %add3A_2251 = arith.addf %mul3A_2248, %add3A_2250 : vector<16xf32>
    %select_n3A_2252 = arith.select %eq3A_2242, %mul3A_2245, %add3A_2251 : vector<16xi1>, vector<16xf32>
    %sub3A_2253 = arith.constant 127 : i32
    %sub3A_2254 = vector.broadcast %sub3A_2253 : i32 to vector<16xi32>
    %sub3A_2255 = arith.subi %and3A_2235, %sub3A_2254 : vector<16xi32>
    %convert_element_type3A_2256 = arith.sitofp %sub3A_2255 : vector<16xi32> to vector<16xf32>
    %mul3A_2257 = arith.constant 0.693147182 : f32
    %mul3A_2258 = vector.broadcast %mul3A_2257 : f32 to vector<16xf32>
    %mul3A_2259 = arith.mulf %convert_element_type3A_2256, %mul3A_2258 : vector<16xf32>
    %exp3A_2260 = math.exp %mul3A_2259 : vector<16xf32>
    %mul3A_2261 = arith.mulf %select_n3A_2252, %exp3A_2260 : vector<16xf32>
    %eq3A_2262 = arith.constant 1 : i32
    %eq3A_2263 = vector.broadcast %eq3A_2262 : i32 to vector<16xi32>
    %eq3A_2264 = arith.cmpi eq, %shift_right_logical3A_2229, %eq3A_2263 : vector<16xi32>
    %neg3A_2265 = arith.constant 0.000000e+00 : f32
    %neg3A_2266 = vector.broadcast %neg3A_2265 : f32 to vector<16xf32>
    %neg3A_2267 = arith.subf %neg3A_2266, %mul3A_2261 : vector<16xf32>
    %select_n3A_2268 = arith.select %eq3A_2264, %neg3A_2267, %mul3A_2261 : vector<16xi1>, vector<16xf32>
    %get3A_2269 = arith.constant 256 : index
    %get3A_2270 = tpu.vector_load %arg12[%get3A_2269] {strides = array<i32>} : memref<512xf32, #tpu.memory_space<vmem>>, vector<16xf32>,
    %get3A_2271 = vector.shape_cast %get3A_2270 : vector<16xf32> to vector<16xf32>
    %get3A_2272 = arith.constant 256 : index
    %get3A_2273 = tpu.vector_load %arg13[%get3A_2272] {strides = array<i32>} : memref<512xf32, #tpu.memory_space<vmem>>, vector<16xf32>,
    %get3A_2274 = vector.shape_cast %get3A_2273 : vector<16xf32> to vector<16xf32>
    %get3A_2275 = arith.constant 256 : index
    %get3A_2276 = tpu.vector_load %arg14[%get3A_2275] {strides = array<i32>} : memref<512xf32, #tpu.memory_space<vmem>>, vector<16xf32>,
    %get3A_2277 = vector.shape_cast %get3A_2276 : vector<16xf32> to vector<16xf32>
    %ne3A_2278 = arith.constant 0.000000e+00 : f32
    %ne3A_2279 = vector.broadcast %ne3A_2278 : f32 to vector<16xf32>
    %ne3A_2280 = arith.cmpf one, %get3A_2271, %ne3A_2279 : vector<16xf32>
    %mul3A_2281 = arith.mulf %select_n3A_2223, %get3A_2271 : vector<16xf32>
    %sub3A_2282 = arith.constant 1.000000e+00 : f32
    %sub3A_2283 = vector.broadcast %sub3A_2282 : f32 to vector<16xf32>
    %sub3A_2284 = arith.subf %sub3A_2283, %select_n3A_2223 : vector<16xf32>
    %mul3A_2285 = arith.mulf %sub3A_2284, %get3A_2274 : vector<16xf32>
    %add3A_2286 = arith.addf %mul3A_2281, %mul3A_2285 : vector<16xf32>
    %select_n3A_2287 = arith.select %ne3A_2280, %add3A_2286, %get3A_2274 : vector<16xi1>, vector<16xf32>
    %jit3A_2288 = arith.constant 0.000000e+00 : f32
    %broadcast_in_dim3A_2289 = vector.broadcast %jit3A_2288 : f32 to vector<16xf32>
    %select_n3A_2290 = arith.select %ne3A_2280, %select_n3A_2268, %broadcast_in_dim3A_2289 : vector<16xi1>, vector<16xf32>
    %sub3A_2291 = arith.constant 1.000000e+00 : f32
    %sub3A_2292 = vector.broadcast %sub3A_2291 : f32 to vector<16xf32>
    %sub3A_2293 = arith.subf %sub3A_2292, %select_n3A_2268 : vector<16xf32>
    %mul3A_2294 = arith.mulf %sub3A_2293, %get3A_2277 : vector<16xf32>
    %add3A_2295 = arith.addf %select_n3A_2290, %mul3A_2294 : vector<16xf32>
    %mul3A_2296 = arith.mulf %select_n3A_2287, %add3A_2295 : vector<16xf32>
    %swap3A_2297 = arith.constant 256 : index
    %swap3A_2298 = tpu.vector_load %arg15[%swap3A_2297] {strides = array<i32>} : memref<512xf32, #tpu.memory_space<vmem>>, vector<16xf32>,
    %swap3A_2299 = vector.shape_cast %swap3A_2298 : vector<16xf32> to vector<16xf32>
    %swap3A_2300 = vector.shape_cast %mul3A_2296 : vector<16xf32> to vector<16xf32>
    tpu.vector_store %arg15[%swap3A_2297], %swap3A_2300 {strides = array<i32>} : memref<512xf32, #tpu.memory_space<vmem>>, vector<16xf32>,
    %swap3A_2301 = arith.constant 256 : index
    %swap3A_2302 = tpu.vector_load %arg16[%swap3A_2301] {strides = array<i32>} : memref<512xf32, #tpu.memory_space<vmem>>, vector<16xf32>,
    %swap3A_2303 = vector.shape_cast %swap3A_2302 : vector<16xf32> to vector<16xf32>
    %swap3A_2304 = vector.shape_cast %select_n3A_2287 : vector<16xf32> to vector<16xf32>
    tpu.vector_store %arg16[%swap3A_2301], %swap3A_2304 {strides = array<i32>} : memref<512xf32, #tpu.memory_space<vmem>>, vector<16xf32>,
    %swap3A_2305 = arith.constant 256 : index
    %swap3A_2306 = tpu.vector_load %arg17[%swap3A_2305] {strides = array<i32>} : memref<512xf32, #tpu.memory_space<vmem>>, vector<16xf32>,
    %swap3A_2307 = vector.shape_cast %swap3A_2306 : vector<16xf32> to vector<16xf32>
    %swap3A_2308 = vector.shape_cast %add3A_2295 : vector<16xf32> to vector<16xf32>
    tpu.vector_store %arg17[%swap3A_2305], %swap3A_2308 {strides = array<i32>} : memref<512xf32, #tpu.memory_space<vmem>>, vector<16xf32>,
    %get3A_2309 = arith.constant 272 : index
    %get3A_2310 = tpu.vector_load %arg11[%get3A_2309] {strides = array<i32>} : memref<512xi32, #tpu.memory_space<vmem>>, vector<16xi32>,
    %get3A_2311 = vector.shape_cast %get3A_2310 : vector<16xi32> to vector<16xi32>
    %shift_right_logical3A_2312 = arith.constant 16 : i32
    %shift_right_logical3A_2313 = vector.broadcast %shift_right_logical3A_2312 : i32 to vector<16xi32>
    %shift_right_logical3A_2314 = arith.shrui %get3A_2311, %shift_right_logical3A_2313 : vector<16xi32>
    %shift_right_logical3A_2315 = arith.constant 15 : i32
    %shift_right_logical3A_2316 = vector.broadcast %shift_right_logical3A_2315 : i32 to vector<16xi32>
    %shift_right_logical3A_2317 = arith.shrui %shift_right_logical3A_2314, %shift_right_logical3A_2316 : vector<16xi32>
    %shift_right_logical3A_2318 = arith.constant 7 : i32
    %shift_right_logical3A_2319 = vector.broadcast %shift_right_logical3A_2318 : i32 to vector<16xi32>
    %shift_right_logical3A_2320 = arith.shrui %shift_right_logical3A_2314, %shift_right_logical3A_2319 : vector<16xi32>
    %and3A_2321 = arith.constant 255 : i32
    %and3A_2322 = vector.broadcast %and3A_2321 : i32 to vector<16xi32>
    %and3A_2323 = arith.andi %shift_right_logical3A_2320, %and3A_2322 : vector<16xi32>
    %and3A_2324 = arith.constant 127 : i32
    %and3A_2325 = vector.broadcast %and3A_2324 : i32 to vector<16xi32>
    %and3A_2326 = arith.andi %shift_right_logical3A_2314, %and3A_2325 : vector<16xi32>
    %convert_element_type3A_2327 = arith.sitofp %and3A_2326 : vector<16xi32> to vector<16xf32>
    %eq3A_2328 = arith.constant 0 : i32
    %eq3A_2329 = vector.broadcast %eq3A_2328 : i32 to vector<16xi32>
    %eq3A_2330 = arith.cmpi eq, %and3A_2323, %eq3A_2329 : vector<16xi32>
    %mul3A_2331 = arith.constant 1.562500e-02 : f32
    %mul3A_2332 = vector.broadcast %mul3A_2331 : f32 to vector<16xf32>
    %mul3A_2333 = arith.mulf %convert_element_type3A_2327, %mul3A_2332 : vector<16xf32>
    %mul3A_2334 = arith.constant 7.812500e-03 : f32
    %mul3A_2335 = vector.broadcast %mul3A_2334 : f32 to vector<16xf32>
    %mul3A_2336 = arith.mulf %convert_element_type3A_2327, %mul3A_2335 : vector<16xf32>
    %add3A_2337 = arith.constant 1.000000e+00 : f32
    %add3A_2338 = vector.broadcast %add3A_2337 : f32 to vector<16xf32>
    %add3A_2339 = arith.addf %mul3A_2336, %add3A_2338 : vector<16xf32>
    %select_n3A_2340 = arith.select %eq3A_2330, %mul3A_2333, %add3A_2339 : vector<16xi1>, vector<16xf32>
    %sub3A_2341 = arith.constant 127 : i32
    %sub3A_2342 = vector.broadcast %sub3A_2341 : i32 to vector<16xi32>
    %sub3A_2343 = arith.subi %and3A_2323, %sub3A_2342 : vector<16xi32>
    %convert_element_type3A_2344 = arith.sitofp %sub3A_2343 : vector<16xi32> to vector<16xf32>
    %mul3A_2345 = arith.constant 0.693147182 : f32
    %mul3A_2346 = vector.broadcast %mul3A_2345 : f32 to vector<16xf32>
    %mul3A_2347 = arith.mulf %convert_element_type3A_2344, %mul3A_2346 : vector<16xf32>
    %exp3A_2348 = math.exp %mul3A_2347 : vector<16xf32>
    %mul3A_2349 = arith.mulf %select_n3A_2340, %exp3A_2348 : vector<16xf32>
    %eq3A_2350 = arith.constant 1 : i32
    %eq3A_2351 = vector.broadcast %eq3A_2350 : i32 to vector<16xi32>
    %eq3A_2352 = arith.cmpi eq, %shift_right_logical3A_2317, %eq3A_2351 : vector<16xi32>
    %neg3A_2353 = arith.constant 0.000000e+00 : f32
    %neg3A_2354 = vector.broadcast %neg3A_2353 : f32 to vector<16xf32>
    %neg3A_2355 = arith.subf %neg3A_2354, %mul3A_2349 : vector<16xf32>
    %select_n3A_2356 = arith.select %eq3A_2352, %neg3A_2355, %mul3A_2349 : vector<16xi1>, vector<16xf32>
    %and3A_2357 = arith.constant 65535 : i32
    %and3A_2358 = vector.broadcast %and3A_2357 : i32 to vector<16xi32>
    %and3A_2359 = arith.andi %get3A_2311, %and3A_2358 : vector<16xi32>
    %shift_right_logical3A_2360 = arith.constant 15 : i32
    %shift_right_logical3A_2361 = vector.broadcast %shift_right_logical3A_2360 : i32 to vector<16xi32>
    %shift_right_logical3A_2362 = arith.shrui %and3A_2359, %shift_right_logical3A_2361 : vector<16xi32>
    %shift_right_logical3A_2363 = arith.constant 7 : i32
    %shift_right_logical3A_2364 = vector.broadcast %shift_right_logical3A_2363 : i32 to vector<16xi32>
    %shift_right_logical3A_2365 = arith.shrui %and3A_2359, %shift_right_logical3A_2364 : vector<16xi32>
    %and3A_2366 = arith.constant 255 : i32
    %and3A_2367 = vector.broadcast %and3A_2366 : i32 to vector<16xi32>
    %and3A_2368 = arith.andi %shift_right_logical3A_2365, %and3A_2367 : vector<16xi32>
    %and3A_2369 = arith.constant 127 : i32
    %and3A_2370 = vector.broadcast %and3A_2369 : i32 to vector<16xi32>
    %and3A_2371 = arith.andi %and3A_2359, %and3A_2370 : vector<16xi32>
    %convert_element_type3A_2372 = arith.sitofp %and3A_2371 : vector<16xi32> to vector<16xf32>
    %eq3A_2373 = arith.constant 0 : i32
    %eq3A_2374 = vector.broadcast %eq3A_2373 : i32 to vector<16xi32>
    %eq3A_2375 = arith.cmpi eq, %and3A_2368, %eq3A_2374 : vector<16xi32>
    %mul3A_2376 = arith.constant 1.562500e-02 : f32
    %mul3A_2377 = vector.broadcast %mul3A_2376 : f32 to vector<16xf32>
    %mul3A_2378 = arith.mulf %convert_element_type3A_2372, %mul3A_2377 : vector<16xf32>
    %mul3A_2379 = arith.constant 7.812500e-03 : f32
    %mul3A_2380 = vector.broadcast %mul3A_2379 : f32 to vector<16xf32>
    %mul3A_2381 = arith.mulf %convert_element_type3A_2372, %mul3A_2380 : vector<16xf32>
    %add3A_2382 = arith.constant 1.000000e+00 : f32
    %add3A_2383 = vector.broadcast %add3A_2382 : f32 to vector<16xf32>
    %add3A_2384 = arith.addf %mul3A_2381, %add3A_2383 : vector<16xf32>
    %select_n3A_2385 = arith.select %eq3A_2375, %mul3A_2378, %add3A_2384 : vector<16xi1>, vector<16xf32>
    %sub3A_2386 = arith.constant 127 : i32
    %sub3A_2387 = vector.broadcast %sub3A_2386 : i32 to vector<16xi32>
    %sub3A_2388 = arith.subi %and3A_2368, %sub3A_2387 : vector<16xi32>
    %convert_element_type3A_2389 = arith.sitofp %sub3A_2388 : vector<16xi32> to vector<16xf32>
    %mul3A_2390 = arith.constant 0.693147182 : f32
    %mul3A_2391 = vector.broadcast %mul3A_2390 : f32 to vector<16xf32>
    %mul3A_2392 = arith.mulf %convert_element_type3A_2389, %mul3A_2391 : vector<16xf32>
    %exp3A_2393 = math.exp %mul3A_2392 : vector<16xf32>
    %mul3A_2394 = arith.mulf %select_n3A_2385, %exp3A_2393 : vector<16xf32>
    %eq3A_2395 = arith.constant 1 : i32
    %eq3A_2396 = vector.broadcast %eq3A_2395 : i32 to vector<16xi32>
    %eq3A_2397 = arith.cmpi eq, %shift_right_logical3A_2362, %eq3A_2396 : vector<16xi32>
    %neg3A_2398 = arith.constant 0.000000e+00 : f32
    %neg3A_2399 = vector.broadcast %neg3A_2398 : f32 to vector<16xf32>
    %neg3A_2400 = arith.subf %neg3A_2399, %mul3A_2394 : vector<16xf32>
    %select_n3A_2401 = arith.select %eq3A_2397, %neg3A_2400, %mul3A_2394 : vector<16xi1>, vector<16xf32>
    %get3A_2402 = arith.constant 272 : index
    %get3A_2403 = tpu.vector_load %arg12[%get3A_2402] {strides = array<i32>} : memref<512xf32, #tpu.memory_space<vmem>>, vector<16xf32>,
    %get3A_2404 = vector.shape_cast %get3A_2403 : vector<16xf32> to vector<16xf32>
    %get3A_2405 = arith.constant 272 : index
    %get3A_2406 = tpu.vector_load %arg13[%get3A_2405] {strides = array<i32>} : memref<512xf32, #tpu.memory_space<vmem>>, vector<16xf32>,
    %get3A_2407 = vector.shape_cast %get3A_2406 : vector<16xf32> to vector<16xf32>
    %get3A_2408 = arith.constant 272 : index
    %get3A_2409 = tpu.vector_load %arg14[%get3A_2408] {strides = array<i32>} : memref<512xf32, #tpu.memory_space<vmem>>, vector<16xf32>,
    %get3A_2410 = vector.shape_cast %get3A_2409 : vector<16xf32> to vector<16xf32>
    %ne3A_2411 = arith.constant 0.000000e+00 : f32
    %ne3A_2412 = vector.broadcast %ne3A_2411 : f32 to vector<16xf32>
    %ne3A_2413 = arith.cmpf one, %get3A_2404, %ne3A_2412 : vector<16xf32>
    %mul3A_2414 = arith.mulf %select_n3A_2356, %get3A_2404 : vector<16xf32>
    %sub3A_2415 = arith.constant 1.000000e+00 : f32
    %sub3A_2416 = vector.broadcast %sub3A_2415 : f32 to vector<16xf32>
    %sub3A_2417 = arith.subf %sub3A_2416, %select_n3A_2356 : vector<16xf32>
    %mul3A_2418 = arith.mulf %sub3A_2417, %get3A_2407 : vector<16xf32>
    %add3A_2419 = arith.addf %mul3A_2414, %mul3A_2418 : vector<16xf32>
    %select_n3A_2420 = arith.select %ne3A_2413, %add3A_2419, %get3A_2407 : vector<16xi1>, vector<16xf32>
    %jit3A_2421 = arith.constant 0.000000e+00 : f32
    %broadcast_in_dim3A_2422 = vector.broadcast %jit3A_2421 : f32 to vector<16xf32>
    %select_n3A_2423 = arith.select %ne3A_2413, %select_n3A_2401, %broadcast_in_dim3A_2422 : vector<16xi1>, vector<16xf32>
    %sub3A_2424 = arith.constant 1.000000e+00 : f32
    %sub3A_2425 = vector.broadcast %sub3A_2424 : f32 to vector<16xf32>
    %sub3A_2426 = arith.subf %sub3A_2425, %select_n3A_2401 : vector<16xf32>
    %mul3A_2427 = arith.mulf %sub3A_2426, %get3A_2410 : vector<16xf32>
    %add3A_2428 = arith.addf %select_n3A_2423, %mul3A_2427 : vector<16xf32>
    %mul3A_2429 = arith.mulf %select_n3A_2420, %add3A_2428 : vector<16xf32>
    %swap3A_2430 = arith.constant 272 : index
    %swap3A_2431 = tpu.vector_load %arg15[%swap3A_2430] {strides = array<i32>} : memref<512xf32, #tpu.memory_space<vmem>>, vector<16xf32>,
    %swap3A_2432 = vector.shape_cast %swap3A_2431 : vector<16xf32> to vector<16xf32>
    %swap3A_2433 = vector.shape_cast %mul3A_2429 : vector<16xf32> to vector<16xf32>
    tpu.vector_store %arg15[%swap3A_2430], %swap3A_2433 {strides = array<i32>} : memref<512xf32, #tpu.memory_space<vmem>>, vector<16xf32>,
    %swap3A_2434 = arith.constant 272 : index
    %swap3A_2435 = tpu.vector_load %arg16[%swap3A_2434] {strides = array<i32>} : memref<512xf32, #tpu.memory_space<vmem>>, vector<16xf32>,
    %swap3A_2436 = vector.shape_cast %swap3A_2435 : vector<16xf32> to vector<16xf32>
    %swap3A_2437 = vector.shape_cast %select_n3A_2420 : vector<16xf32> to vector<16xf32>
    tpu.vector_store %arg16[%swap3A_2434], %swap3A_2437 {strides = array<i32>} : memref<512xf32, #tpu.memory_space<vmem>>, vector<16xf32>,
    %swap3A_2438 = arith.constant 272 : index
    %swap3A_2439 = tpu.vector_load %arg17[%swap3A_2438] {strides = array<i32>} : memref<512xf32, #tpu.memory_space<vmem>>, vector<16xf32>,
    %swap3A_2440 = vector.shape_cast %swap3A_2439 : vector<16xf32> to vector<16xf32>
    %swap3A_2441 = vector.shape_cast %add3A_2428 : vector<16xf32> to vector<16xf32>
    tpu.vector_store %arg17[%swap3A_2438], %swap3A_2441 {strides = array<i32>} : memref<512xf32, #tpu.memory_space<vmem>>, vector<16xf32>,
    %get3A_2442 = arith.constant 288 : index
    %get3A_2443 = tpu.vector_load %arg11[%get3A_2442] {strides = array<i32>} : memref<512xi32, #tpu.memory_space<vmem>>, vector<16xi32>,
    %get3A_2444 = vector.shape_cast %get3A_2443 : vector<16xi32> to vector<16xi32>
    %shift_right_logical3A_2445 = arith.constant 16 : i32
    %shift_right_logical3A_2446 = vector.broadcast %shift_right_logical3A_2445 : i32 to vector<16xi32>
    %shift_right_logical3A_2447 = arith.shrui %get3A_2444, %shift_right_logical3A_2446 : vector<16xi32>
    %shift_right_logical3A_2448 = arith.constant 15 : i32
    %shift_right_logical3A_2449 = vector.broadcast %shift_right_logical3A_2448 : i32 to vector<16xi32>
    %shift_right_logical3A_2450 = arith.shrui %shift_right_logical3A_2447, %shift_right_logical3A_2449 : vector<16xi32>
    %shift_right_logical3A_2451 = arith.constant 7 : i32
    %shift_right_logical3A_2452 = vector.broadcast %shift_right_logical3A_2451 : i32 to vector<16xi32>
    %shift_right_logical3A_2453 = arith.shrui %shift_right_logical3A_2447, %shift_right_logical3A_2452 : vector<16xi32>
    %and3A_2454 = arith.constant 255 : i32
    %and3A_2455 = vector.broadcast %and3A_2454 : i32 to vector<16xi32>
    %and3A_2456 = arith.andi %shift_right_logical3A_2453, %and3A_2455 : vector<16xi32>
    %and3A_2457 = arith.constant 127 : i32
    %and3A_2458 = vector.broadcast %and3A_2457 : i32 to vector<16xi32>
    %and3A_2459 = arith.andi %shift_right_logical3A_2447, %and3A_2458 : vector<16xi32>
    %convert_element_type3A_2460 = arith.sitofp %and3A_2459 : vector<16xi32> to vector<16xf32>
    %eq3A_2461 = arith.constant 0 : i32
    %eq3A_2462 = vector.broadcast %eq3A_2461 : i32 to vector<16xi32>
    %eq3A_2463 = arith.cmpi eq, %and3A_2456, %eq3A_2462 : vector<16xi32>
    %mul3A_2464 = arith.constant 1.562500e-02 : f32
    %mul3A_2465 = vector.broadcast %mul3A_2464 : f32 to vector<16xf32>
    %mul3A_2466 = arith.mulf %convert_element_type3A_2460, %mul3A_2465 : vector<16xf32>
    %mul3A_2467 = arith.constant 7.812500e-03 : f32
    %mul3A_2468 = vector.broadcast %mul3A_2467 : f32 to vector<16xf32>
    %mul3A_2469 = arith.mulf %convert_element_type3A_2460, %mul3A_2468 : vector<16xf32>
    %add3A_2470 = arith.constant 1.000000e+00 : f32
    %add3A_2471 = vector.broadcast %add3A_2470 : f32 to vector<16xf32>
    %add3A_2472 = arith.addf %mul3A_2469, %add3A_2471 : vector<16xf32>
    %select_n3A_2473 = arith.select %eq3A_2463, %mul3A_2466, %add3A_2472 : vector<16xi1>, vector<16xf32>
    %sub3A_2474 = arith.constant 127 : i32
    %sub3A_2475 = vector.broadcast %sub3A_2474 : i32 to vector<16xi32>
    %sub3A_2476 = arith.subi %and3A_2456, %sub3A_2475 : vector<16xi32>
    %convert_element_type3A_2477 = arith.sitofp %sub3A_2476 : vector<16xi32> to vector<16xf32>
    %mul3A_2478 = arith.constant 0.693147182 : f32
    %mul3A_2479 = vector.broadcast %mul3A_2478 : f32 to vector<16xf32>
    %mul3A_2480 = arith.mulf %convert_element_type3A_2477, %mul3A_2479 : vector<16xf32>
    %exp3A_2481 = math.exp %mul3A_2480 : vector<16xf32>
    %mul3A_2482 = arith.mulf %select_n3A_2473, %exp3A_2481 : vector<16xf32>
    %eq3A_2483 = arith.constant 1 : i32
    %eq3A_2484 = vector.broadcast %eq3A_2483 : i32 to vector<16xi32>
    %eq3A_2485 = arith.cmpi eq, %shift_right_logical3A_2450, %eq3A_2484 : vector<16xi32>
    %neg3A_2486 = arith.constant 0.000000e+00 : f32
    %neg3A_2487 = vector.broadcast %neg3A_2486 : f32 to vector<16xf32>
    %neg3A_2488 = arith.subf %neg3A_2487, %mul3A_2482 : vector<16xf32>
    %select_n3A_2489 = arith.select %eq3A_2485, %neg3A_2488, %mul3A_2482 : vector<16xi1>, vector<16xf32>
    %and3A_2490 = arith.constant 65535 : i32
    %and3A_2491 = vector.broadcast %and3A_2490 : i32 to vector<16xi32>
    %and3A_2492 = arith.andi %get3A_2444, %and3A_2491 : vector<16xi32>
    %shift_right_logical3A_2493 = arith.constant 15 : i32
    %shift_right_logical3A_2494 = vector.broadcast %shift_right_logical3A_2493 : i32 to vector<16xi32>
    %shift_right_logical3A_2495 = arith.shrui %and3A_2492, %shift_right_logical3A_2494 : vector<16xi32>
    %shift_right_logical3A_2496 = arith.constant 7 : i32
    %shift_right_logical3A_2497 = vector.broadcast %shift_right_logical3A_2496 : i32 to vector<16xi32>
    %shift_right_logical3A_2498 = arith.shrui %and3A_2492, %shift_right_logical3A_2497 : vector<16xi32>
    %and3A_2499 = arith.constant 255 : i32
    %and3A_2500 = vector.broadcast %and3A_2499 : i32 to vector<16xi32>
    %and3A_2501 = arith.andi %shift_right_logical3A_2498, %and3A_2500 : vector<16xi32>
    %and3A_2502 = arith.constant 127 : i32
    %and3A_2503 = vector.broadcast %and3A_2502 : i32 to vector<16xi32>
    %and3A_2504 = arith.andi %and3A_2492, %and3A_2503 : vector<16xi32>
    %convert_element_type3A_2505 = arith.sitofp %and3A_2504 : vector<16xi32> to vector<16xf32>
    %eq3A_2506 = arith.constant 0 : i32
    %eq3A_2507 = vector.broadcast %eq3A_2506 : i32 to vector<16xi32>
    %eq3A_2508 = arith.cmpi eq, %and3A_2501, %eq3A_2507 : vector<16xi32>
    %mul3A_2509 = arith.constant 1.562500e-02 : f32
    %mul3A_2510 = vector.broadcast %mul3A_2509 : f32 to vector<16xf32>
    %mul3A_2511 = arith.mulf %convert_element_type3A_2505, %mul3A_2510 : vector<16xf32>
    %mul3A_2512 = arith.constant 7.812500e-03 : f32
    %mul3A_2513 = vector.broadcast %mul3A_2512 : f32 to vector<16xf32>
    %mul3A_2514 = arith.mulf %convert_element_type3A_2505, %mul3A_2513 : vector<16xf32>
    %add3A_2515 = arith.constant 1.000000e+00 : f32
    %add3A_2516 = vector.broadcast %add3A_2515 : f32 to vector<16xf32>
    %add3A_2517 = arith.addf %mul3A_2514, %add3A_2516 : vector<16xf32>
    %select_n3A_2518 = arith.select %eq3A_2508, %mul3A_2511, %add3A_2517 : vector<16xi1>, vector<16xf32>
    %sub3A_2519 = arith.constant 127 : i32
    %sub3A_2520 = vector.broadcast %sub3A_2519 : i32 to vector<16xi32>
    %sub3A_2521 = arith.subi %and3A_2501, %sub3A_2520 : vector<16xi32>
    %convert_element_type3A_2522 = arith.sitofp %sub3A_2521 : vector<16xi32> to vector<16xf32>
    %mul3A_2523 = arith.constant 0.693147182 : f32
    %mul3A_2524 = vector.broadcast %mul3A_2523 : f32 to vector<16xf32>
    %mul3A_2525 = arith.mulf %convert_element_type3A_2522, %mul3A_2524 : vector<16xf32>
    %exp3A_2526 = math.exp %mul3A_2525 : vector<16xf32>
    %mul3A_2527 = arith.mulf %select_n3A_2518, %exp3A_2526 : vector<16xf32>
    %eq3A_2528 = arith.constant 1 : i32
    %eq3A_2529 = vector.broadcast %eq3A_2528 : i32 to vector<16xi32>
    %eq3A_2530 = arith.cmpi eq, %shift_right_logical3A_2495, %eq3A_2529 : vector<16xi32>
    %neg3A_2531 = arith.constant 0.000000e+00 : f32
    %neg3A_2532 = vector.broadcast %neg3A_2531 : f32 to vector<16xf32>
    %neg3A_2533 = arith.subf %neg3A_2532, %mul3A_2527 : vector<16xf32>
    %select_n3A_2534 = arith.select %eq3A_2530, %neg3A_2533, %mul3A_2527 : vector<16xi1>, vector<16xf32>
    %get3A_2535 = arith.constant 288 : index
    %get3A_2536 = tpu.vector_load %arg12[%get3A_2535] {strides = array<i32>} : memref<512xf32, #tpu.memory_space<vmem>>, vector<16xf32>,
    %get3A_2537 = vector.shape_cast %get3A_2536 : vector<16xf32> to vector<16xf32>
    %get3A_2538 = arith.constant 288 : index
    %get3A_2539 = tpu.vector_load %arg13[%get3A_2538] {strides = array<i32>} : memref<512xf32, #tpu.memory_space<vmem>>, vector<16xf32>,
    %get3A_2540 = vector.shape_cast %get3A_2539 : vector<16xf32> to vector<16xf32>
    %get3A_2541 = arith.constant 288 : index
    %get3A_2542 = tpu.vector_load %arg14[%get3A_2541] {strides = array<i32>} : memref<512xf32, #tpu.memory_space<vmem>>, vector<16xf32>,
    %get3A_2543 = vector.shape_cast %get3A_2542 : vector<16xf32> to vector<16xf32>
    %ne3A_2544 = arith.constant 0.000000e+00 : f32
    %ne3A_2545 = vector.broadcast %ne3A_2544 : f32 to vector<16xf32>
    %ne3A_2546 = arith.cmpf one, %get3A_2537, %ne3A_2545 : vector<16xf32>
    %mul3A_2547 = arith.mulf %select_n3A_2489, %get3A_2537 : vector<16xf32>
    %sub3A_2548 = arith.constant 1.000000e+00 : f32
    %sub3A_2549 = vector.broadcast %sub3A_2548 : f32 to vector<16xf32>
    %sub3A_2550 = arith.subf %sub3A_2549, %select_n3A_2489 : vector<16xf32>
    %mul3A_2551 = arith.mulf %sub3A_2550, %get3A_2540 : vector<16xf32>
    %add3A_2552 = arith.addf %mul3A_2547, %mul3A_2551 : vector<16xf32>
    %select_n3A_2553 = arith.select %ne3A_2546, %add3A_2552, %get3A_2540 : vector<16xi1>, vector<16xf32>
    %jit3A_2554 = arith.constant 0.000000e+00 : f32
    %broadcast_in_dim3A_2555 = vector.broadcast %jit3A_2554 : f32 to vector<16xf32>
    %select_n3A_2556 = arith.select %ne3A_2546, %select_n3A_2534, %broadcast_in_dim3A_2555 : vector<16xi1>, vector<16xf32>
    %sub3A_2557 = arith.constant 1.000000e+00 : f32
    %sub3A_2558 = vector.broadcast %sub3A_2557 : f32 to vector<16xf32>
    %sub3A_2559 = arith.subf %sub3A_2558, %select_n3A_2534 : vector<16xf32>
    %mul3A_2560 = arith.mulf %sub3A_2559, %get3A_2543 : vector<16xf32>
    %add3A_2561 = arith.addf %select_n3A_2556, %mul3A_2560 : vector<16xf32>
    %mul3A_2562 = arith.mulf %select_n3A_2553, %add3A_2561 : vector<16xf32>
    %swap3A_2563 = arith.constant 288 : index
    %swap3A_2564 = tpu.vector_load %arg15[%swap3A_2563] {strides = array<i32>} : memref<512xf32, #tpu.memory_space<vmem>>, vector<16xf32>,
    %swap3A_2565 = vector.shape_cast %swap3A_2564 : vector<16xf32> to vector<16xf32>
    %swap3A_2566 = vector.shape_cast %mul3A_2562 : vector<16xf32> to vector<16xf32>
    tpu.vector_store %arg15[%swap3A_2563], %swap3A_2566 {strides = array<i32>} : memref<512xf32, #tpu.memory_space<vmem>>, vector<16xf32>,
    %swap3A_2567 = arith.constant 288 : index
    %swap3A_2568 = tpu.vector_load %arg16[%swap3A_2567] {strides = array<i32>} : memref<512xf32, #tpu.memory_space<vmem>>, vector<16xf32>,
    %swap3A_2569 = vector.shape_cast %swap3A_2568 : vector<16xf32> to vector<16xf32>
    %swap3A_2570 = vector.shape_cast %select_n3A_2553 : vector<16xf32> to vector<16xf32>
    tpu.vector_store %arg16[%swap3A_2567], %swap3A_2570 {strides = array<i32>} : memref<512xf32, #tpu.memory_space<vmem>>, vector<16xf32>,
    %swap3A_2571 = arith.constant 288 : index
    %swap3A_2572 = tpu.vector_load %arg17[%swap3A_2571] {strides = array<i32>} : memref<512xf32, #tpu.memory_space<vmem>>, vector<16xf32>,
    %swap3A_2573 = vector.shape_cast %swap3A_2572 : vector<16xf32> to vector<16xf32>
    %swap3A_2574 = vector.shape_cast %add3A_2561 : vector<16xf32> to vector<16xf32>
    tpu.vector_store %arg17[%swap3A_2571], %swap3A_2574 {strides = array<i32>} : memref<512xf32, #tpu.memory_space<vmem>>, vector<16xf32>,
    %get3A_2575 = arith.constant 304 : index
    %get3A_2576 = tpu.vector_load %arg11[%get3A_2575] {strides = array<i32>} : memref<512xi32, #tpu.memory_space<vmem>>, vector<16xi32>,
    %get3A_2577 = vector.shape_cast %get3A_2576 : vector<16xi32> to vector<16xi32>
    %shift_right_logical3A_2578 = arith.constant 16 : i32
    %shift_right_logical3A_2579 = vector.broadcast %shift_right_logical3A_2578 : i32 to vector<16xi32>
    %shift_right_logical3A_2580 = arith.shrui %get3A_2577, %shift_right_logical3A_2579 : vector<16xi32>
    %shift_right_logical3A_2581 = arith.constant 15 : i32
    %shift_right_logical3A_2582 = vector.broadcast %shift_right_logical3A_2581 : i32 to vector<16xi32>
    %shift_right_logical3A_2583 = arith.shrui %shift_right_logical3A_2580, %shift_right_logical3A_2582 : vector<16xi32>
    %shift_right_logical3A_2584 = arith.constant 7 : i32
    %shift_right_logical3A_2585 = vector.broadcast %shift_right_logical3A_2584 : i32 to vector<16xi32>
    %shift_right_logical3A_2586 = arith.shrui %shift_right_logical3A_2580, %shift_right_logical3A_2585 : vector<16xi32>
    %and3A_2587 = arith.constant 255 : i32
    %and3A_2588 = vector.broadcast %and3A_2587 : i32 to vector<16xi32>
    %and3A_2589 = arith.andi %shift_right_logical3A_2586, %and3A_2588 : vector<16xi32>
    %and3A_2590 = arith.constant 127 : i32
    %and3A_2591 = vector.broadcast %and3A_2590 : i32 to vector<16xi32>
    %and3A_2592 = arith.andi %shift_right_logical3A_2580, %and3A_2591 : vector<16xi32>
    %convert_element_type3A_2593 = arith.sitofp %and3A_2592 : vector<16xi32> to vector<16xf32>
    %eq3A_2594 = arith.constant 0 : i32
    %eq3A_2595 = vector.broadcast %eq3A_2594 : i32 to vector<16xi32>
    %eq3A_2596 = arith.cmpi eq, %and3A_2589, %eq3A_2595 : vector<16xi32>
    %mul3A_2597 = arith.constant 1.562500e-02 : f32
    %mul3A_2598 = vector.broadcast %mul3A_2597 : f32 to vector<16xf32>
    %mul3A_2599 = arith.mulf %convert_element_type3A_2593, %mul3A_2598 : vector<16xf32>
    %mul3A_2600 = arith.constant 7.812500e-03 : f32
    %mul3A_2601 = vector.broadcast %mul3A_2600 : f32 to vector<16xf32>
    %mul3A_2602 = arith.mulf %convert_element_type3A_2593, %mul3A_2601 : vector<16xf32>
    %add3A_2603 = arith.constant 1.000000e+00 : f32
    %add3A_2604 = vector.broadcast %add3A_2603 : f32 to vector<16xf32>
    %add3A_2605 = arith.addf %mul3A_2602, %add3A_2604 : vector<16xf32>
    %select_n3A_2606 = arith.select %eq3A_2596, %mul3A_2599, %add3A_2605 : vector<16xi1>, vector<16xf32>
    %sub3A_2607 = arith.constant 127 : i32
    %sub3A_2608 = vector.broadcast %sub3A_2607 : i32 to vector<16xi32>
    %sub3A_2609 = arith.subi %and3A_2589, %sub3A_2608 : vector<16xi32>
    %convert_element_type3A_2610 = arith.sitofp %sub3A_2609 : vector<16xi32> to vector<16xf32>
    %mul3A_2611 = arith.constant 0.693147182 : f32
    %mul3A_2612 = vector.broadcast %mul3A_2611 : f32 to vector<16xf32>
    %mul3A_2613 = arith.mulf %convert_element_type3A_2610, %mul3A_2612 : vector<16xf32>
    %exp3A_2614 = math.exp %mul3A_2613 : vector<16xf32>
    %mul3A_2615 = arith.mulf %select_n3A_2606, %exp3A_2614 : vector<16xf32>
    %eq3A_2616 = arith.constant 1 : i32
    %eq3A_2617 = vector.broadcast %eq3A_2616 : i32 to vector<16xi32>
    %eq3A_2618 = arith.cmpi eq, %shift_right_logical3A_2583, %eq3A_2617 : vector<16xi32>
    %neg3A_2619 = arith.constant 0.000000e+00 : f32
    %neg3A_2620 = vector.broadcast %neg3A_2619 : f32 to vector<16xf32>
    %neg3A_2621 = arith.subf %neg3A_2620, %mul3A_2615 : vector<16xf32>
    %select_n3A_2622 = arith.select %eq3A_2618, %neg3A_2621, %mul3A_2615 : vector<16xi1>, vector<16xf32>
    %and3A_2623 = arith.constant 65535 : i32
    %and3A_2624 = vector.broadcast %and3A_2623 : i32 to vector<16xi32>
    %and3A_2625 = arith.andi %get3A_2577, %and3A_2624 : vector<16xi32>
    %shift_right_logical3A_2626 = arith.constant 15 : i32
    %shift_right_logical3A_2627 = vector.broadcast %shift_right_logical3A_2626 : i32 to vector<16xi32>
    %shift_right_logical3A_2628 = arith.shrui %and3A_2625, %shift_right_logical3A_2627 : vector<16xi32>
    %shift_right_logical3A_2629 = arith.constant 7 : i32
    %shift_right_logical3A_2630 = vector.broadcast %shift_right_logical3A_2629 : i32 to vector<16xi32>
    %shift_right_logical3A_2631 = arith.shrui %and3A_2625, %shift_right_logical3A_2630 : vector<16xi32>
    %and3A_2632 = arith.constant 255 : i32
    %and3A_2633 = vector.broadcast %and3A_2632 : i32 to vector<16xi32>
    %and3A_2634 = arith.andi %shift_right_logical3A_2631, %and3A_2633 : vector<16xi32>
    %and3A_2635 = arith.constant 127 : i32
    %and3A_2636 = vector.broadcast %and3A_2635 : i32 to vector<16xi32>
    %and3A_2637 = arith.andi %and3A_2625, %and3A_2636 : vector<16xi32>
    %convert_element_type3A_2638 = arith.sitofp %and3A_2637 : vector<16xi32> to vector<16xf32>
    %eq3A_2639 = arith.constant 0 : i32
    %eq3A_2640 = vector.broadcast %eq3A_2639 : i32 to vector<16xi32>
    %eq3A_2641 = arith.cmpi eq, %and3A_2634, %eq3A_2640 : vector<16xi32>
    %mul3A_2642 = arith.constant 1.562500e-02 : f32
    %mul3A_2643 = vector.broadcast %mul3A_2642 : f32 to vector<16xf32>
    %mul3A_2644 = arith.mulf %convert_element_type3A_2638, %mul3A_2643 : vector<16xf32>
    %mul3A_2645 = arith.constant 7.812500e-03 : f32
    %mul3A_2646 = vector.broadcast %mul3A_2645 : f32 to vector<16xf32>
    %mul3A_2647 = arith.mulf %convert_element_type3A_2638, %mul3A_2646 : vector<16xf32>
    %add3A_2648 = arith.constant 1.000000e+00 : f32
    %add3A_2649 = vector.broadcast %add3A_2648 : f32 to vector<16xf32>
    %add3A_2650 = arith.addf %mul3A_2647, %add3A_2649 : vector<16xf32>
    %select_n3A_2651 = arith.select %eq3A_2641, %mul3A_2644, %add3A_2650 : vector<16xi1>, vector<16xf32>
    %sub3A_2652 = arith.constant 127 : i32
    %sub3A_2653 = vector.broadcast %sub3A_2652 : i32 to vector<16xi32>
    %sub3A_2654 = arith.subi %and3A_2634, %sub3A_2653 : vector<16xi32>
    %convert_element_type3A_2655 = arith.sitofp %sub3A_2654 : vector<16xi32> to vector<16xf32>
    %mul3A_2656 = arith.constant 0.693147182 : f32
    %mul3A_2657 = vector.broadcast %mul3A_2656 : f32 to vector<16xf32>
    %mul3A_2658 = arith.mulf %convert_element_type3A_2655, %mul3A_2657 : vector<16xf32>
    %exp3A_2659 = math.exp %mul3A_2658 : vector<16xf32>
    %mul3A_2660 = arith.mulf %select_n3A_2651, %exp3A_2659 : vector<16xf32>
    %eq3A_2661 = arith.constant 1 : i32
    %eq3A_2662 = vector.broadcast %eq3A_2661 : i32 to vector<16xi32>
    %eq3A_2663 = arith.cmpi eq, %shift_right_logical3A_2628, %eq3A_2662 : vector<16xi32>
    %neg3A_2664 = arith.constant 0.000000e+00 : f32
    %neg3A_2665 = vector.broadcast %neg3A_2664 : f32 to vector<16xf32>
    %neg3A_2666 = arith.subf %neg3A_2665, %mul3A_2660 : vector<16xf32>
    %select_n3A_2667 = arith.select %eq3A_2663, %neg3A_2666, %mul3A_2660 : vector<16xi1>, vector<16xf32>
    %get3A_2668 = arith.constant 304 : index
    %get3A_2669 = tpu.vector_load %arg12[%get3A_2668] {strides = array<i32>} : memref<512xf32, #tpu.memory_space<vmem>>, vector<16xf32>,
    %get3A_2670 = vector.shape_cast %get3A_2669 : vector<16xf32> to vector<16xf32>
    %get3A_2671 = arith.constant 304 : index
    %get3A_2672 = tpu.vector_load %arg13[%get3A_2671] {strides = array<i32>} : memref<512xf32, #tpu.memory_space<vmem>>, vector<16xf32>,
    %get3A_2673 = vector.shape_cast %get3A_2672 : vector<16xf32> to vector<16xf32>
    %get3A_2674 = arith.constant 304 : index
    %get3A_2675 = tpu.vector_load %arg14[%get3A_2674] {strides = array<i32>} : memref<512xf32, #tpu.memory_space<vmem>>, vector<16xf32>,
    %get3A_2676 = vector.shape_cast %get3A_2675 : vector<16xf32> to vector<16xf32>
    %ne3A_2677 = arith.constant 0.000000e+00 : f32
    %ne3A_2678 = vector.broadcast %ne3A_2677 : f32 to vector<16xf32>
    %ne3A_2679 = arith.cmpf one, %get3A_2670, %ne3A_2678 : vector<16xf32>
    %mul3A_2680 = arith.mulf %select_n3A_2622, %get3A_2670 : vector<16xf32>
    %sub3A_2681 = arith.constant 1.000000e+00 : f32
    %sub3A_2682 = vector.broadcast %sub3A_2681 : f32 to vector<16xf32>
    %sub3A_2683 = arith.subf %sub3A_2682, %select_n3A_2622 : vector<16xf32>
    %mul3A_2684 = arith.mulf %sub3A_2683, %get3A_2673 : vector<16xf32>
    %add3A_2685 = arith.addf %mul3A_2680, %mul3A_2684 : vector<16xf32>
    %select_n3A_2686 = arith.select %ne3A_2679, %add3A_2685, %get3A_2673 : vector<16xi1>, vector<16xf32>
    %jit3A_2687 = arith.constant 0.000000e+00 : f32
    %broadcast_in_dim3A_2688 = vector.broadcast %jit3A_2687 : f32 to vector<16xf32>
    %select_n3A_2689 = arith.select %ne3A_2679, %select_n3A_2667, %broadcast_in_dim3A_2688 : vector<16xi1>, vector<16xf32>
    %sub3A_2690 = arith.constant 1.000000e+00 : f32
    %sub3A_2691 = vector.broadcast %sub3A_2690 : f32 to vector<16xf32>
    %sub3A_2692 = arith.subf %sub3A_2691, %select_n3A_2667 : vector<16xf32>
    %mul3A_2693 = arith.mulf %sub3A_2692, %get3A_2676 : vector<16xf32>
    %add3A_2694 = arith.addf %select_n3A_2689, %mul3A_2693 : vector<16xf32>
    %mul3A_2695 = arith.mulf %select_n3A_2686, %add3A_2694 : vector<16xf32>
    %swap3A_2696 = arith.constant 304 : index
    %swap3A_2697 = tpu.vector_load %arg15[%swap3A_2696] {strides = array<i32>} : memref<512xf32, #tpu.memory_space<vmem>>, vector<16xf32>,
    %swap3A_2698 = vector.shape_cast %swap3A_2697 : vector<16xf32> to vector<16xf32>
    %swap3A_2699 = vector.shape_cast %mul3A_2695 : vector<16xf32> to vector<16xf32>
    tpu.vector_store %arg15[%swap3A_2696], %swap3A_2699 {strides = array<i32>} : memref<512xf32, #tpu.memory_space<vmem>>, vector<16xf32>,
    %swap3A_2700 = arith.constant 304 : index
    %swap3A_2701 = tpu.vector_load %arg16[%swap3A_2700] {strides = array<i32>} : memref<512xf32, #tpu.memory_space<vmem>>, vector<16xf32>,
    %swap3A_2702 = vector.shape_cast %swap3A_2701 : vector<16xf32> to vector<16xf32>
    %swap3A_2703 = vector.shape_cast %select_n3A_2686 : vector<16xf32> to vector<16xf32>
    tpu.vector_store %arg16[%swap3A_2700], %swap3A_2703 {strides = array<i32>} : memref<512xf32, #tpu.memory_space<vmem>>, vector<16xf32>,
    %swap3A_2704 = arith.constant 304 : index
    %swap3A_2705 = tpu.vector_load %arg17[%swap3A_2704] {strides = array<i32>} : memref<512xf32, #tpu.memory_space<vmem>>, vector<16xf32>,
    %swap3A_2706 = vector.shape_cast %swap3A_2705 : vector<16xf32> to vector<16xf32>
    %swap3A_2707 = vector.shape_cast %add3A_2694 : vector<16xf32> to vector<16xf32>
    tpu.vector_store %arg17[%swap3A_2704], %swap3A_2707 {strides = array<i32>} : memref<512xf32, #tpu.memory_space<vmem>>, vector<16xf32>,
    %get3A_2708 = arith.constant 320 : index
    %get3A_2709 = tpu.vector_load %arg11[%get3A_2708] {strides = array<i32>} : memref<512xi32, #tpu.memory_space<vmem>>, vector<16xi32>,
    %get3A_2710 = vector.shape_cast %get3A_2709 : vector<16xi32> to vector<16xi32>
    %shift_right_logical3A_2711 = arith.constant 16 : i32
    %shift_right_logical3A_2712 = vector.broadcast %shift_right_logical3A_2711 : i32 to vector<16xi32>
    %shift_right_logical3A_2713 = arith.shrui %get3A_2710, %shift_right_logical3A_2712 : vector<16xi32>
    %shift_right_logical3A_2714 = arith.constant 15 : i32
    %shift_right_logical3A_2715 = vector.broadcast %shift_right_logical3A_2714 : i32 to vector<16xi32>
    %shift_right_logical3A_2716 = arith.shrui %shift_right_logical3A_2713, %shift_right_logical3A_2715 : vector<16xi32>
    %shift_right_logical3A_2717 = arith.constant 7 : i32
    %shift_right_logical3A_2718 = vector.broadcast %shift_right_logical3A_2717 : i32 to vector<16xi32>
    %shift_right_logical3A_2719 = arith.shrui %shift_right_logical3A_2713, %shift_right_logical3A_2718 : vector<16xi32>
    %and3A_2720 = arith.constant 255 : i32
    %and3A_2721 = vector.broadcast %and3A_2720 : i32 to vector<16xi32>
    %and3A_2722 = arith.andi %shift_right_logical3A_2719, %and3A_2721 : vector<16xi32>
    %and3A_2723 = arith.constant 127 : i32
    %and3A_2724 = vector.broadcast %and3A_2723 : i32 to vector<16xi32>
    %and3A_2725 = arith.andi %shift_right_logical3A_2713, %and3A_2724 : vector<16xi32>
    %convert_element_type3A_2726 = arith.sitofp %and3A_2725 : vector<16xi32> to vector<16xf32>
    %eq3A_2727 = arith.constant 0 : i32
    %eq3A_2728 = vector.broadcast %eq3A_2727 : i32 to vector<16xi32>
    %eq3A_2729 = arith.cmpi eq, %and3A_2722, %eq3A_2728 : vector<16xi32>
    %mul3A_2730 = arith.constant 1.562500e-02 : f32
    %mul3A_2731 = vector.broadcast %mul3A_2730 : f32 to vector<16xf32>
    %mul3A_2732 = arith.mulf %convert_element_type3A_2726, %mul3A_2731 : vector<16xf32>
    %mul3A_2733 = arith.constant 7.812500e-03 : f32
    %mul3A_2734 = vector.broadcast %mul3A_2733 : f32 to vector<16xf32>
    %mul3A_2735 = arith.mulf %convert_element_type3A_2726, %mul3A_2734 : vector<16xf32>
    %add3A_2736 = arith.constant 1.000000e+00 : f32
    %add3A_2737 = vector.broadcast %add3A_2736 : f32 to vector<16xf32>
    %add3A_2738 = arith.addf %mul3A_2735, %add3A_2737 : vector<16xf32>
    %select_n3A_2739 = arith.select %eq3A_2729, %mul3A_2732, %add3A_2738 : vector<16xi1>, vector<16xf32>
    %sub3A_2740 = arith.constant 127 : i32
    %sub3A_2741 = vector.broadcast %sub3A_2740 : i32 to vector<16xi32>
    %sub3A_2742 = arith.subi %and3A_2722, %sub3A_2741 : vector<16xi32>
    %convert_element_type3A_2743 = arith.sitofp %sub3A_2742 : vector<16xi32> to vector<16xf32>
    %mul3A_2744 = arith.constant 0.693147182 : f32
    %mul3A_2745 = vector.broadcast %mul3A_2744 : f32 to vector<16xf32>
    %mul3A_2746 = arith.mulf %convert_element_type3A_2743, %mul3A_2745 : vector<16xf32>
    %exp3A_2747 = math.exp %mul3A_2746 : vector<16xf32>
    %mul3A_2748 = arith.mulf %select_n3A_2739, %exp3A_2747 : vector<16xf32>
    %eq3A_2749 = arith.constant 1 : i32
    %eq3A_2750 = vector.broadcast %eq3A_2749 : i32 to vector<16xi32>
    %eq3A_2751 = arith.cmpi eq, %shift_right_logical3A_2716, %eq3A_2750 : vector<16xi32>
    %neg3A_2752 = arith.constant 0.000000e+00 : f32
    %neg3A_2753 = vector.broadcast %neg3A_2752 : f32 to vector<16xf32>
    %neg3A_2754 = arith.subf %neg3A_2753, %mul3A_2748 : vector<16xf32>
    %select_n3A_2755 = arith.select %eq3A_2751, %neg3A_2754, %mul3A_2748 : vector<16xi1>, vector<16xf32>
    %and3A_2756 = arith.constant 65535 : i32
    %and3A_2757 = vector.broadcast %and3A_2756 : i32 to vector<16xi32>
    %and3A_2758 = arith.andi %get3A_2710, %and3A_2757 : vector<16xi32>
    %shift_right_logical3A_2759 = arith.constant 15 : i32
    %shift_right_logical3A_2760 = vector.broadcast %shift_right_logical3A_2759 : i32 to vector<16xi32>
    %shift_right_logical3A_2761 = arith.shrui %and3A_2758, %shift_right_logical3A_2760 : vector<16xi32>
    %shift_right_logical3A_2762 = arith.constant 7 : i32
    %shift_right_logical3A_2763 = vector.broadcast %shift_right_logical3A_2762 : i32 to vector<16xi32>
    %shift_right_logical3A_2764 = arith.shrui %and3A_2758, %shift_right_logical3A_2763 : vector<16xi32>
    %and3A_2765 = arith.constant 255 : i32
    %and3A_2766 = vector.broadcast %and3A_2765 : i32 to vector<16xi32>
    %and3A_2767 = arith.andi %shift_right_logical3A_2764, %and3A_2766 : vector<16xi32>
    %and3A_2768 = arith.constant 127 : i32
    %and3A_2769 = vector.broadcast %and3A_2768 : i32 to vector<16xi32>
    %and3A_2770 = arith.andi %and3A_2758, %and3A_2769 : vector<16xi32>
    %convert_element_type3A_2771 = arith.sitofp %and3A_2770 : vector<16xi32> to vector<16xf32>
    %eq3A_2772 = arith.constant 0 : i32
    %eq3A_2773 = vector.broadcast %eq3A_2772 : i32 to vector<16xi32>
    %eq3A_2774 = arith.cmpi eq, %and3A_2767, %eq3A_2773 : vector<16xi32>
    %mul3A_2775 = arith.constant 1.562500e-02 : f32
    %mul3A_2776 = vector.broadcast %mul3A_2775 : f32 to vector<16xf32>
    %mul3A_2777 = arith.mulf %convert_element_type3A_2771, %mul3A_2776 : vector<16xf32>
    %mul3A_2778 = arith.constant 7.812500e-03 : f32
    %mul3A_2779 = vector.broadcast %mul3A_2778 : f32 to vector<16xf32>
    %mul3A_2780 = arith.mulf %convert_element_type3A_2771, %mul3A_2779 : vector<16xf32>
    %add3A_2781 = arith.constant 1.000000e+00 : f32
    %add3A_2782 = vector.broadcast %add3A_2781 : f32 to vector<16xf32>
    %add3A_2783 = arith.addf %mul3A_2780, %add3A_2782 : vector<16xf32>
    %select_n3A_2784 = arith.select %eq3A_2774, %mul3A_2777, %add3A_2783 : vector<16xi1>, vector<16xf32>
    %sub3A_2785 = arith.constant 127 : i32
    %sub3A_2786 = vector.broadcast %sub3A_2785 : i32 to vector<16xi32>
    %sub3A_2787 = arith.subi %and3A_2767, %sub3A_2786 : vector<16xi32>
    %convert_element_type3A_2788 = arith.sitofp %sub3A_2787 : vector<16xi32> to vector<16xf32>
    %mul3A_2789 = arith.constant 0.693147182 : f32
    %mul3A_2790 = vector.broadcast %mul3A_2789 : f32 to vector<16xf32>
    %mul3A_2791 = arith.mulf %convert_element_type3A_2788, %mul3A_2790 : vector<16xf32>
    %exp3A_2792 = math.exp %mul3A_2791 : vector<16xf32>
    %mul3A_2793 = arith.mulf %select_n3A_2784, %exp3A_2792 : vector<16xf32>
    %eq3A_2794 = arith.constant 1 : i32
    %eq3A_2795 = vector.broadcast %eq3A_2794 : i32 to vector<16xi32>
    %eq3A_2796 = arith.cmpi eq, %shift_right_logical3A_2761, %eq3A_2795 : vector<16xi32>
    %neg3A_2797 = arith.constant 0.000000e+00 : f32
    %neg3A_2798 = vector.broadcast %neg3A_2797 : f32 to vector<16xf32>
    %neg3A_2799 = arith.subf %neg3A_2798, %mul3A_2793 : vector<16xf32>
    %select_n3A_2800 = arith.select %eq3A_2796, %neg3A_2799, %mul3A_2793 : vector<16xi1>, vector<16xf32>
    %get3A_2801 = arith.constant 320 : index
    %get3A_2802 = tpu.vector_load %arg12[%get3A_2801] {strides = array<i32>} : memref<512xf32, #tpu.memory_space<vmem>>, vector<16xf32>,
    %get3A_2803 = vector.shape_cast %get3A_2802 : vector<16xf32> to vector<16xf32>
    %get3A_2804 = arith.constant 320 : index
    %get3A_2805 = tpu.vector_load %arg13[%get3A_2804] {strides = array<i32>} : memref<512xf32, #tpu.memory_space<vmem>>, vector<16xf32>,
    %get3A_2806 = vector.shape_cast %get3A_2805 : vector<16xf32> to vector<16xf32>
    %get3A_2807 = arith.constant 320 : index
    %get3A_2808 = tpu.vector_load %arg14[%get3A_2807] {strides = array<i32>} : memref<512xf32, #tpu.memory_space<vmem>>, vector<16xf32>,
    %get3A_2809 = vector.shape_cast %get3A_2808 : vector<16xf32> to vector<16xf32>
    %ne3A_2810 = arith.constant 0.000000e+00 : f32
    %ne3A_2811 = vector.broadcast %ne3A_2810 : f32 to vector<16xf32>
    %ne3A_2812 = arith.cmpf one, %get3A_2803, %ne3A_2811 : vector<16xf32>
    %mul3A_2813 = arith.mulf %select_n3A_2755, %get3A_2803 : vector<16xf32>
    %sub3A_2814 = arith.constant 1.000000e+00 : f32
    %sub3A_2815 = vector.broadcast %sub3A_2814 : f32 to vector<16xf32>
    %sub3A_2816 = arith.subf %sub3A_2815, %select_n3A_2755 : vector<16xf32>
    %mul3A_2817 = arith.mulf %sub3A_2816, %get3A_2806 : vector<16xf32>
    %add3A_2818 = arith.addf %mul3A_2813, %mul3A_2817 : vector<16xf32>
    %select_n3A_2819 = arith.select %ne3A_2812, %add3A_2818, %get3A_2806 : vector<16xi1>, vector<16xf32>
    %jit3A_2820 = arith.constant 0.000000e+00 : f32
    %broadcast_in_dim3A_2821 = vector.broadcast %jit3A_2820 : f32 to vector<16xf32>
    %select_n3A_2822 = arith.select %ne3A_2812, %select_n3A_2800, %broadcast_in_dim3A_2821 : vector<16xi1>, vector<16xf32>
    %sub3A_2823 = arith.constant 1.000000e+00 : f32
    %sub3A_2824 = vector.broadcast %sub3A_2823 : f32 to vector<16xf32>
    %sub3A_2825 = arith.subf %sub3A_2824, %select_n3A_2800 : vector<16xf32>
    %mul3A_2826 = arith.mulf %sub3A_2825, %get3A_2809 : vector<16xf32>
    %add3A_2827 = arith.addf %select_n3A_2822, %mul3A_2826 : vector<16xf32>
    %mul3A_2828 = arith.mulf %select_n3A_2819, %add3A_2827 : vector<16xf32>
    %swap3A_2829 = arith.constant 320 : index
    %swap3A_2830 = tpu.vector_load %arg15[%swap3A_2829] {strides = array<i32>} : memref<512xf32, #tpu.memory_space<vmem>>, vector<16xf32>,
    %swap3A_2831 = vector.shape_cast %swap3A_2830 : vector<16xf32> to vector<16xf32>
    %swap3A_2832 = vector.shape_cast %mul3A_2828 : vector<16xf32> to vector<16xf32>
    tpu.vector_store %arg15[%swap3A_2829], %swap3A_2832 {strides = array<i32>} : memref<512xf32, #tpu.memory_space<vmem>>, vector<16xf32>,
    %swap3A_2833 = arith.constant 320 : index
    %swap3A_2834 = tpu.vector_load %arg16[%swap3A_2833] {strides = array<i32>} : memref<512xf32, #tpu.memory_space<vmem>>, vector<16xf32>,
    %swap3A_2835 = vector.shape_cast %swap3A_2834 : vector<16xf32> to vector<16xf32>
    %swap3A_2836 = vector.shape_cast %select_n3A_2819 : vector<16xf32> to vector<16xf32>
    tpu.vector_store %arg16[%swap3A_2833], %swap3A_2836 {strides = array<i32>} : memref<512xf32, #tpu.memory_space<vmem>>, vector<16xf32>,
    %swap3A_2837 = arith.constant 320 : index
    %swap3A_2838 = tpu.vector_load %arg17[%swap3A_2837] {strides = array<i32>} : memref<512xf32, #tpu.memory_space<vmem>>, vector<16xf32>,
    %swap3A_2839 = vector.shape_cast %swap3A_2838 : vector<16xf32> to vector<16xf32>
    %swap3A_2840 = vector.shape_cast %add3A_2827 : vector<16xf32> to vector<16xf32>
    tpu.vector_store %arg17[%swap3A_2837], %swap3A_2840 {strides = array<i32>} : memref<512xf32, #tpu.memory_space<vmem>>, vector<16xf32>,
    %get3A_2841 = arith.constant 336 : index
    %get3A_2842 = tpu.vector_load %arg11[%get3A_2841] {strides = array<i32>} : memref<512xi32, #tpu.memory_space<vmem>>, vector<16xi32>,
    %get3A_2843 = vector.shape_cast %get3A_2842 : vector<16xi32> to vector<16xi32>
    %shift_right_logical3A_2844 = arith.constant 16 : i32
    %shift_right_logical3A_2845 = vector.broadcast %shift_right_logical3A_2844 : i32 to vector<16xi32>
    %shift_right_logical3A_2846 = arith.shrui %get3A_2843, %shift_right_logical3A_2845 : vector<16xi32>
    %shift_right_logical3A_2847 = arith.constant 15 : i32
    %shift_right_logical3A_2848 = vector.broadcast %shift_right_logical3A_2847 : i32 to vector<16xi32>
    %shift_right_logical3A_2849 = arith.shrui %shift_right_logical3A_2846, %shift_right_logical3A_2848 : vector<16xi32>
    %shift_right_logical3A_2850 = arith.constant 7 : i32
    %shift_right_logical3A_2851 = vector.broadcast %shift_right_logical3A_2850 : i32 to vector<16xi32>
    %shift_right_logical3A_2852 = arith.shrui %shift_right_logical3A_2846, %shift_right_logical3A_2851 : vector<16xi32>
    %and3A_2853 = arith.constant 255 : i32
    %and3A_2854 = vector.broadcast %and3A_2853 : i32 to vector<16xi32>
    %and3A_2855 = arith.andi %shift_right_logical3A_2852, %and3A_2854 : vector<16xi32>
    %and3A_2856 = arith.constant 127 : i32
    %and3A_2857 = vector.broadcast %and3A_2856 : i32 to vector<16xi32>
    %and3A_2858 = arith.andi %shift_right_logical3A_2846, %and3A_2857 : vector<16xi32>
    %convert_element_type3A_2859 = arith.sitofp %and3A_2858 : vector<16xi32> to vector<16xf32>
    %eq3A_2860 = arith.constant 0 : i32
    %eq3A_2861 = vector.broadcast %eq3A_2860 : i32 to vector<16xi32>
    %eq3A_2862 = arith.cmpi eq, %and3A_2855, %eq3A_2861 : vector<16xi32>
    %mul3A_2863 = arith.constant 1.562500e-02 : f32
    %mul3A_2864 = vector.broadcast %mul3A_2863 : f32 to vector<16xf32>
    %mul3A_2865 = arith.mulf %convert_element_type3A_2859, %mul3A_2864 : vector<16xf32>
    %mul3A_2866 = arith.constant 7.812500e-03 : f32
    %mul3A_2867 = vector.broadcast %mul3A_2866 : f32 to vector<16xf32>
    %mul3A_2868 = arith.mulf %convert_element_type3A_2859, %mul3A_2867 : vector<16xf32>
    %add3A_2869 = arith.constant 1.000000e+00 : f32
    %add3A_2870 = vector.broadcast %add3A_2869 : f32 to vector<16xf32>
    %add3A_2871 = arith.addf %mul3A_2868, %add3A_2870 : vector<16xf32>
    %select_n3A_2872 = arith.select %eq3A_2862, %mul3A_2865, %add3A_2871 : vector<16xi1>, vector<16xf32>
    %sub3A_2873 = arith.constant 127 : i32
    %sub3A_2874 = vector.broadcast %sub3A_2873 : i32 to vector<16xi32>
    %sub3A_2875 = arith.subi %and3A_2855, %sub3A_2874 : vector<16xi32>
    %convert_element_type3A_2876 = arith.sitofp %sub3A_2875 : vector<16xi32> to vector<16xf32>
    %mul3A_2877 = arith.constant 0.693147182 : f32
    %mul3A_2878 = vector.broadcast %mul3A_2877 : f32 to vector<16xf32>
    %mul3A_2879 = arith.mulf %convert_element_type3A_2876, %mul3A_2878 : vector<16xf32>
    %exp3A_2880 = math.exp %mul3A_2879 : vector<16xf32>
    %mul3A_2881 = arith.mulf %select_n3A_2872, %exp3A_2880 : vector<16xf32>
    %eq3A_2882 = arith.constant 1 : i32
    %eq3A_2883 = vector.broadcast %eq3A_2882 : i32 to vector<16xi32>
    %eq3A_2884 = arith.cmpi eq, %shift_right_logical3A_2849, %eq3A_2883 : vector<16xi32>
    %neg3A_2885 = arith.constant 0.000000e+00 : f32
    %neg3A_2886 = vector.broadcast %neg3A_2885 : f32 to vector<16xf32>
    %neg3A_2887 = arith.subf %neg3A_2886, %mul3A_2881 : vector<16xf32>
    %select_n3A_2888 = arith.select %eq3A_2884, %neg3A_2887, %mul3A_2881 : vector<16xi1>, vector<16xf32>
    %and3A_2889 = arith.constant 65535 : i32
    %and3A_2890 = vector.broadcast %and3A_2889 : i32 to vector<16xi32>
    %and3A_2891 = arith.andi %get3A_2843, %and3A_2890 : vector<16xi32>
    %shift_right_logical3A_2892 = arith.constant 15 : i32
    %shift_right_logical3A_2893 = vector.broadcast %shift_right_logical3A_2892 : i32 to vector<16xi32>
    %shift_right_logical3A_2894 = arith.shrui %and3A_2891, %shift_right_logical3A_2893 : vector<16xi32>
    %shift_right_logical3A_2895 = arith.constant 7 : i32
    %shift_right_logical3A_2896 = vector.broadcast %shift_right_logical3A_2895 : i32 to vector<16xi32>
    %shift_right_logical3A_2897 = arith.shrui %and3A_2891, %shift_right_logical3A_2896 : vector<16xi32>
    %and3A_2898 = arith.constant 255 : i32
    %and3A_2899 = vector.broadcast %and3A_2898 : i32 to vector<16xi32>
    %and3A_2900 = arith.andi %shift_right_logical3A_2897, %and3A_2899 : vector<16xi32>
    %and3A_2901 = arith.constant 127 : i32
    %and3A_2902 = vector.broadcast %and3A_2901 : i32 to vector<16xi32>
    %and3A_2903 = arith.andi %and3A_2891, %and3A_2902 : vector<16xi32>
    %convert_element_type3A_2904 = arith.sitofp %and3A_2903 : vector<16xi32> to vector<16xf32>
    %eq3A_2905 = arith.constant 0 : i32
    %eq3A_2906 = vector.broadcast %eq3A_2905 : i32 to vector<16xi32>
    %eq3A_2907 = arith.cmpi eq, %and3A_2900, %eq3A_2906 : vector<16xi32>
    %mul3A_2908 = arith.constant 1.562500e-02 : f32
    %mul3A_2909 = vector.broadcast %mul3A_2908 : f32 to vector<16xf32>
    %mul3A_2910 = arith.mulf %convert_element_type3A_2904, %mul3A_2909 : vector<16xf32>
    %mul3A_2911 = arith.constant 7.812500e-03 : f32
    %mul3A_2912 = vector.broadcast %mul3A_2911 : f32 to vector<16xf32>
    %mul3A_2913 = arith.mulf %convert_element_type3A_2904, %mul3A_2912 : vector<16xf32>
    %add3A_2914 = arith.constant 1.000000e+00 : f32
    %add3A_2915 = vector.broadcast %add3A_2914 : f32 to vector<16xf32>
    %add3A_2916 = arith.addf %mul3A_2913, %add3A_2915 : vector<16xf32>
    %select_n3A_2917 = arith.select %eq3A_2907, %mul3A_2910, %add3A_2916 : vector<16xi1>, vector<16xf32>
    %sub3A_2918 = arith.constant 127 : i32
    %sub3A_2919 = vector.broadcast %sub3A_2918 : i32 to vector<16xi32>
    %sub3A_2920 = arith.subi %and3A_2900, %sub3A_2919 : vector<16xi32>
    %convert_element_type3A_2921 = arith.sitofp %sub3A_2920 : vector<16xi32> to vector<16xf32>
    %mul3A_2922 = arith.constant 0.693147182 : f32
    %mul3A_2923 = vector.broadcast %mul3A_2922 : f32 to vector<16xf32>
    %mul3A_2924 = arith.mulf %convert_element_type3A_2921, %mul3A_2923 : vector<16xf32>
    %exp3A_2925 = math.exp %mul3A_2924 : vector<16xf32>
    %mul3A_2926 = arith.mulf %select_n3A_2917, %exp3A_2925 : vector<16xf32>
    %eq3A_2927 = arith.constant 1 : i32
    %eq3A_2928 = vector.broadcast %eq3A_2927 : i32 to vector<16xi32>
    %eq3A_2929 = arith.cmpi eq, %shift_right_logical3A_2894, %eq3A_2928 : vector<16xi32>
    %neg3A_2930 = arith.constant 0.000000e+00 : f32
    %neg3A_2931 = vector.broadcast %neg3A_2930 : f32 to vector<16xf32>
    %neg3A_2932 = arith.subf %neg3A_2931, %mul3A_2926 : vector<16xf32>
    %select_n3A_2933 = arith.select %eq3A_2929, %neg3A_2932, %mul3A_2926 : vector<16xi1>, vector<16xf32>
    %get3A_2934 = arith.constant 336 : index
    %get3A_2935 = tpu.vector_load %arg12[%get3A_2934] {strides = array<i32>} : memref<512xf32, #tpu.memory_space<vmem>>, vector<16xf32>,
    %get3A_2936 = vector.shape_cast %get3A_2935 : vector<16xf32> to vector<16xf32>
    %get3A_2937 = arith.constant 336 : index
    %get3A_2938 = tpu.vector_load %arg13[%get3A_2937] {strides = array<i32>} : memref<512xf32, #tpu.memory_space<vmem>>, vector<16xf32>,
    %get3A_2939 = vector.shape_cast %get3A_2938 : vector<16xf32> to vector<16xf32>
    %get3A_2940 = arith.constant 336 : index
    %get3A_2941 = tpu.vector_load %arg14[%get3A_2940] {strides = array<i32>} : memref<512xf32, #tpu.memory_space<vmem>>, vector<16xf32>,
    %get3A_2942 = vector.shape_cast %get3A_2941 : vector<16xf32> to vector<16xf32>
    %ne3A_2943 = arith.constant 0.000000e+00 : f32
    %ne3A_2944 = vector.broadcast %ne3A_2943 : f32 to vector<16xf32>
    %ne3A_2945 = arith.cmpf one, %get3A_2936, %ne3A_2944 : vector<16xf32>
    %mul3A_2946 = arith.mulf %select_n3A_2888, %get3A_2936 : vector<16xf32>
    %sub3A_2947 = arith.constant 1.000000e+00 : f32
    %sub3A_2948 = vector.broadcast %sub3A_2947 : f32 to vector<16xf32>
    %sub3A_2949 = arith.subf %sub3A_2948, %select_n3A_2888 : vector<16xf32>
    %mul3A_2950 = arith.mulf %sub3A_2949, %get3A_2939 : vector<16xf32>
    %add3A_2951 = arith.addf %mul3A_2946, %mul3A_2950 : vector<16xf32>
    %select_n3A_2952 = arith.select %ne3A_2945, %add3A_2951, %get3A_2939 : vector<16xi1>, vector<16xf32>
    %jit3A_2953 = arith.constant 0.000000e+00 : f32
    %broadcast_in_dim3A_2954 = vector.broadcast %jit3A_2953 : f32 to vector<16xf32>
    %select_n3A_2955 = arith.select %ne3A_2945, %select_n3A_2933, %broadcast_in_dim3A_2954 : vector<16xi1>, vector<16xf32>
    %sub3A_2956 = arith.constant 1.000000e+00 : f32
    %sub3A_2957 = vector.broadcast %sub3A_2956 : f32 to vector<16xf32>
    %sub3A_2958 = arith.subf %sub3A_2957, %select_n3A_2933 : vector<16xf32>
    %mul3A_2959 = arith.mulf %sub3A_2958, %get3A_2942 : vector<16xf32>
    %add3A_2960 = arith.addf %select_n3A_2955, %mul3A_2959 : vector<16xf32>
    %mul3A_2961 = arith.mulf %select_n3A_2952, %add3A_2960 : vector<16xf32>
    %swap3A_2962 = arith.constant 336 : index
    %swap3A_2963 = tpu.vector_load %arg15[%swap3A_2962] {strides = array<i32>} : memref<512xf32, #tpu.memory_space<vmem>>, vector<16xf32>,
    %swap3A_2964 = vector.shape_cast %swap3A_2963 : vector<16xf32> to vector<16xf32>
    %swap3A_2965 = vector.shape_cast %mul3A_2961 : vector<16xf32> to vector<16xf32>
    tpu.vector_store %arg15[%swap3A_2962], %swap3A_2965 {strides = array<i32>} : memref<512xf32, #tpu.memory_space<vmem>>, vector<16xf32>,
    %swap3A_2966 = arith.constant 336 : index
    %swap3A_2967 = tpu.vector_load %arg16[%swap3A_2966] {strides = array<i32>} : memref<512xf32, #tpu.memory_space<vmem>>, vector<16xf32>,
    %swap3A_2968 = vector.shape_cast %swap3A_2967 : vector<16xf32> to vector<16xf32>
    %swap3A_2969 = vector.shape_cast %select_n3A_2952 : vector<16xf32> to vector<16xf32>
    tpu.vector_store %arg16[%swap3A_2966], %swap3A_2969 {strides = array<i32>} : memref<512xf32, #tpu.memory_space<vmem>>, vector<16xf32>,
    %swap3A_2970 = arith.constant 336 : index
    %swap3A_2971 = tpu.vector_load %arg17[%swap3A_2970] {strides = array<i32>} : memref<512xf32, #tpu.memory_space<vmem>>, vector<16xf32>,
    %swap3A_2972 = vector.shape_cast %swap3A_2971 : vector<16xf32> to vector<16xf32>
    %swap3A_2973 = vector.shape_cast %add3A_2960 : vector<16xf32> to vector<16xf32>
    tpu.vector_store %arg17[%swap3A_2970], %swap3A_2973 {strides = array<i32>} : memref<512xf32, #tpu.memory_space<vmem>>, vector<16xf32>,
    %get3A_2974 = arith.constant 352 : index
    %get3A_2975 = tpu.vector_load %arg11[%get3A_2974] {strides = array<i32>} : memref<512xi32, #tpu.memory_space<vmem>>, vector<16xi32>,
    %get3A_2976 = vector.shape_cast %get3A_2975 : vector<16xi32> to vector<16xi32>
    %shift_right_logical3A_2977 = arith.constant 16 : i32
    %shift_right_logical3A_2978 = vector.broadcast %shift_right_logical3A_2977 : i32 to vector<16xi32>
    %shift_right_logical3A_2979 = arith.shrui %get3A_2976, %shift_right_logical3A_2978 : vector<16xi32>
    %shift_right_logical3A_2980 = arith.constant 15 : i32
    %shift_right_logical3A_2981 = vector.broadcast %shift_right_logical3A_2980 : i32 to vector<16xi32>
    %shift_right_logical3A_2982 = arith.shrui %shift_right_logical3A_2979, %shift_right_logical3A_2981 : vector<16xi32>
    %shift_right_logical3A_2983 = arith.constant 7 : i32
    %shift_right_logical3A_2984 = vector.broadcast %shift_right_logical3A_2983 : i32 to vector<16xi32>
    %shift_right_logical3A_2985 = arith.shrui %shift_right_logical3A_2979, %shift_right_logical3A_2984 : vector<16xi32>
    %and3A_2986 = arith.constant 255 : i32
    %and3A_2987 = vector.broadcast %and3A_2986 : i32 to vector<16xi32>
    %and3A_2988 = arith.andi %shift_right_logical3A_2985, %and3A_2987 : vector<16xi32>
    %and3A_2989 = arith.constant 127 : i32
    %and3A_2990 = vector.broadcast %and3A_2989 : i32 to vector<16xi32>
    %and3A_2991 = arith.andi %shift_right_logical3A_2979, %and3A_2990 : vector<16xi32>
    %convert_element_type3A_2992 = arith.sitofp %and3A_2991 : vector<16xi32> to vector<16xf32>
    %eq3A_2993 = arith.constant 0 : i32
    %eq3A_2994 = vector.broadcast %eq3A_2993 : i32 to vector<16xi32>
    %eq3A_2995 = arith.cmpi eq, %and3A_2988, %eq3A_2994 : vector<16xi32>
    %mul3A_2996 = arith.constant 1.562500e-02 : f32
    %mul3A_2997 = vector.broadcast %mul3A_2996 : f32 to vector<16xf32>
    %mul3A_2998 = arith.mulf %convert_element_type3A_2992, %mul3A_2997 : vector<16xf32>
    %mul3A_2999 = arith.constant 7.812500e-03 : f32
    %mul3A_3000 = vector.broadcast %mul3A_2999 : f32 to vector<16xf32>
    %mul3A_3001 = arith.mulf %convert_element_type3A_2992, %mul3A_3000 : vector<16xf32>
    %add3A_3002 = arith.constant 1.000000e+00 : f32
    %add3A_3003 = vector.broadcast %add3A_3002 : f32 to vector<16xf32>
    %add3A_3004 = arith.addf %mul3A_3001, %add3A_3003 : vector<16xf32>
    %select_n3A_3005 = arith.select %eq3A_2995, %mul3A_2998, %add3A_3004 : vector<16xi1>, vector<16xf32>
    %sub3A_3006 = arith.constant 127 : i32
    %sub3A_3007 = vector.broadcast %sub3A_3006 : i32 to vector<16xi32>
    %sub3A_3008 = arith.subi %and3A_2988, %sub3A_3007 : vector<16xi32>
    %convert_element_type3A_3009 = arith.sitofp %sub3A_3008 : vector<16xi32> to vector<16xf32>
    %mul3A_3010 = arith.constant 0.693147182 : f32
    %mul3A_3011 = vector.broadcast %mul3A_3010 : f32 to vector<16xf32>
    %mul3A_3012 = arith.mulf %convert_element_type3A_3009, %mul3A_3011 : vector<16xf32>
    %exp3A_3013 = math.exp %mul3A_3012 : vector<16xf32>
    %mul3A_3014 = arith.mulf %select_n3A_3005, %exp3A_3013 : vector<16xf32>
    %eq3A_3015 = arith.constant 1 : i32
    %eq3A_3016 = vector.broadcast %eq3A_3015 : i32 to vector<16xi32>
    %eq3A_3017 = arith.cmpi eq, %shift_right_logical3A_2982, %eq3A_3016 : vector<16xi32>
    %neg3A_3018 = arith.constant 0.000000e+00 : f32
    %neg3A_3019 = vector.broadcast %neg3A_3018 : f32 to vector<16xf32>
    %neg3A_3020 = arith.subf %neg3A_3019, %mul3A_3014 : vector<16xf32>
    %select_n3A_3021 = arith.select %eq3A_3017, %neg3A_3020, %mul3A_3014 : vector<16xi1>, vector<16xf32>
    %and3A_3022 = arith.constant 65535 : i32
    %and3A_3023 = vector.broadcast %and3A_3022 : i32 to vector<16xi32>
    %and3A_3024 = arith.andi %get3A_2976, %and3A_3023 : vector<16xi32>
    %shift_right_logical3A_3025 = arith.constant 15 : i32
    %shift_right_logical3A_3026 = vector.broadcast %shift_right_logical3A_3025 : i32 to vector<16xi32>
    %shift_right_logical3A_3027 = arith.shrui %and3A_3024, %shift_right_logical3A_3026 : vector<16xi32>
    %shift_right_logical3A_3028 = arith.constant 7 : i32
    %shift_right_logical3A_3029 = vector.broadcast %shift_right_logical3A_3028 : i32 to vector<16xi32>
    %shift_right_logical3A_3030 = arith.shrui %and3A_3024, %shift_right_logical3A_3029 : vector<16xi32>
    %and3A_3031 = arith.constant 255 : i32
    %and3A_3032 = vector.broadcast %and3A_3031 : i32 to vector<16xi32>
    %and3A_3033 = arith.andi %shift_right_logical3A_3030, %and3A_3032 : vector<16xi32>
    %and3A_3034 = arith.constant 127 : i32
    %and3A_3035 = vector.broadcast %and3A_3034 : i32 to vector<16xi32>
    %and3A_3036 = arith.andi %and3A_3024, %and3A_3035 : vector<16xi32>
    %convert_element_type3A_3037 = arith.sitofp %and3A_3036 : vector<16xi32> to vector<16xf32>
    %eq3A_3038 = arith.constant 0 : i32
    %eq3A_3039 = vector.broadcast %eq3A_3038 : i32 to vector<16xi32>
    %eq3A_3040 = arith.cmpi eq, %and3A_3033, %eq3A_3039 : vector<16xi32>
    %mul3A_3041 = arith.constant 1.562500e-02 : f32
    %mul3A_3042 = vector.broadcast %mul3A_3041 : f32 to vector<16xf32>
    %mul3A_3043 = arith.mulf %convert_element_type3A_3037, %mul3A_3042 : vector<16xf32>
    %mul3A_3044 = arith.constant 7.812500e-03 : f32
    %mul3A_3045 = vector.broadcast %mul3A_3044 : f32 to vector<16xf32>
    %mul3A_3046 = arith.mulf %convert_element_type3A_3037, %mul3A_3045 : vector<16xf32>
    %add3A_3047 = arith.constant 1.000000e+00 : f32
    %add3A_3048 = vector.broadcast %add3A_3047 : f32 to vector<16xf32>
    %add3A_3049 = arith.addf %mul3A_3046, %add3A_3048 : vector<16xf32>
    %select_n3A_3050 = arith.select %eq3A_3040, %mul3A_3043, %add3A_3049 : vector<16xi1>, vector<16xf32>
    %sub3A_3051 = arith.constant 127 : i32
    %sub3A_3052 = vector.broadcast %sub3A_3051 : i32 to vector<16xi32>
    %sub3A_3053 = arith.subi %and3A_3033, %sub3A_3052 : vector<16xi32>
    %convert_element_type3A_3054 = arith.sitofp %sub3A_3053 : vector<16xi32> to vector<16xf32>
    %mul3A_3055 = arith.constant 0.693147182 : f32
    %mul3A_3056 = vector.broadcast %mul3A_3055 : f32 to vector<16xf32>
    %mul3A_3057 = arith.mulf %convert_element_type3A_3054, %mul3A_3056 : vector<16xf32>
    %exp3A_3058 = math.exp %mul3A_3057 : vector<16xf32>
    %mul3A_3059 = arith.mulf %select_n3A_3050, %exp3A_3058 : vector<16xf32>
    %eq3A_3060 = arith.constant 1 : i32
    %eq3A_3061 = vector.broadcast %eq3A_3060 : i32 to vector<16xi32>
    %eq3A_3062 = arith.cmpi eq, %shift_right_logical3A_3027, %eq3A_3061 : vector<16xi32>
    %neg3A_3063 = arith.constant 0.000000e+00 : f32
    %neg3A_3064 = vector.broadcast %neg3A_3063 : f32 to vector<16xf32>
    %neg3A_3065 = arith.subf %neg3A_3064, %mul3A_3059 : vector<16xf32>
    %select_n3A_3066 = arith.select %eq3A_3062, %neg3A_3065, %mul3A_3059 : vector<16xi1>, vector<16xf32>
    %get3A_3067 = arith.constant 352 : index
    %get3A_3068 = tpu.vector_load %arg12[%get3A_3067] {strides = array<i32>} : memref<512xf32, #tpu.memory_space<vmem>>, vector<16xf32>,
    %get3A_3069 = vector.shape_cast %get3A_3068 : vector<16xf32> to vector<16xf32>
    %get3A_3070 = arith.constant 352 : index
    %get3A_3071 = tpu.vector_load %arg13[%get3A_3070] {strides = array<i32>} : memref<512xf32, #tpu.memory_space<vmem>>, vector<16xf32>,
    %get3A_3072 = vector.shape_cast %get3A_3071 : vector<16xf32> to vector<16xf32>
    %get3A_3073 = arith.constant 352 : index
    %get3A_3074 = tpu.vector_load %arg14[%get3A_3073] {strides = array<i32>} : memref<512xf32, #tpu.memory_space<vmem>>, vector<16xf32>,
    %get3A_3075 = vector.shape_cast %get3A_3074 : vector<16xf32> to vector<16xf32>
    %ne3A_3076 = arith.constant 0.000000e+00 : f32
    %ne3A_3077 = vector.broadcast %ne3A_3076 : f32 to vector<16xf32>
    %ne3A_3078 = arith.cmpf one, %get3A_3069, %ne3A_3077 : vector<16xf32>
    %mul3A_3079 = arith.mulf %select_n3A_3021, %get3A_3069 : vector<16xf32>
    %sub3A_3080 = arith.constant 1.000000e+00 : f32
    %sub3A_3081 = vector.broadcast %sub3A_3080 : f32 to vector<16xf32>
    %sub3A_3082 = arith.subf %sub3A_3081, %select_n3A_3021 : vector<16xf32>
    %mul3A_3083 = arith.mulf %sub3A_3082, %get3A_3072 : vector<16xf32>
    %add3A_3084 = arith.addf %mul3A_3079, %mul3A_3083 : vector<16xf32>
    %select_n3A_3085 = arith.select %ne3A_3078, %add3A_3084, %get3A_3072 : vector<16xi1>, vector<16xf32>
    %jit3A_3086 = arith.constant 0.000000e+00 : f32
    %broadcast_in_dim3A_3087 = vector.broadcast %jit3A_3086 : f32 to vector<16xf32>
    %select_n3A_3088 = arith.select %ne3A_3078, %select_n3A_3066, %broadcast_in_dim3A_3087 : vector<16xi1>, vector<16xf32>
    %sub3A_3089 = arith.constant 1.000000e+00 : f32
    %sub3A_3090 = vector.broadcast %sub3A_3089 : f32 to vector<16xf32>
    %sub3A_3091 = arith.subf %sub3A_3090, %select_n3A_3066 : vector<16xf32>
    %mul3A_3092 = arith.mulf %sub3A_3091, %get3A_3075 : vector<16xf32>
    %add3A_3093 = arith.addf %select_n3A_3088, %mul3A_3092 : vector<16xf32>
    %mul3A_3094 = arith.mulf %select_n3A_3085, %add3A_3093 : vector<16xf32>
    %swap3A_3095 = arith.constant 352 : index
    %swap3A_3096 = tpu.vector_load %arg15[%swap3A_3095] {strides = array<i32>} : memref<512xf32, #tpu.memory_space<vmem>>, vector<16xf32>,
    %swap3A_3097 = vector.shape_cast %swap3A_3096 : vector<16xf32> to vector<16xf32>
    %swap3A_3098 = vector.shape_cast %mul3A_3094 : vector<16xf32> to vector<16xf32>
    tpu.vector_store %arg15[%swap3A_3095], %swap3A_3098 {strides = array<i32>} : memref<512xf32, #tpu.memory_space<vmem>>, vector<16xf32>,
    %swap3A_3099 = arith.constant 352 : index
    %swap3A_3100 = tpu.vector_load %arg16[%swap3A_3099] {strides = array<i32>} : memref<512xf32, #tpu.memory_space<vmem>>, vector<16xf32>,
    %swap3A_3101 = vector.shape_cast %swap3A_3100 : vector<16xf32> to vector<16xf32>
    %swap3A_3102 = vector.shape_cast %select_n3A_3085 : vector<16xf32> to vector<16xf32>
    tpu.vector_store %arg16[%swap3A_3099], %swap3A_3102 {strides = array<i32>} : memref<512xf32, #tpu.memory_space<vmem>>, vector<16xf32>,
    %swap3A_3103 = arith.constant 352 : index
    %swap3A_3104 = tpu.vector_load %arg17[%swap3A_3103] {strides = array<i32>} : memref<512xf32, #tpu.memory_space<vmem>>, vector<16xf32>,
    %swap3A_3105 = vector.shape_cast %swap3A_3104 : vector<16xf32> to vector<16xf32>
    %swap3A_3106 = vector.shape_cast %add3A_3093 : vector<16xf32> to vector<16xf32>
    tpu.vector_store %arg17[%swap3A_3103], %swap3A_3106 {strides = array<i32>} : memref<512xf32, #tpu.memory_space<vmem>>, vector<16xf32>,
    %get3A_3107 = arith.constant 368 : index
    %get3A_3108 = tpu.vector_load %arg11[%get3A_3107] {strides = array<i32>} : memref<512xi32, #tpu.memory_space<vmem>>, vector<16xi32>,
    %get3A_3109 = vector.shape_cast %get3A_3108 : vector<16xi32> to vector<16xi32>
    %shift_right_logical3A_3110 = arith.constant 16 : i32
    %shift_right_logical3A_3111 = vector.broadcast %shift_right_logical3A_3110 : i32 to vector<16xi32>
    %shift_right_logical3A_3112 = arith.shrui %get3A_3109, %shift_right_logical3A_3111 : vector<16xi32>
    %shift_right_logical3A_3113 = arith.constant 15 : i32
    %shift_right_logical3A_3114 = vector.broadcast %shift_right_logical3A_3113 : i32 to vector<16xi32>
    %shift_right_logical3A_3115 = arith.shrui %shift_right_logical3A_3112, %shift_right_logical3A_3114 : vector<16xi32>
    %shift_right_logical3A_3116 = arith.constant 7 : i32
    %shift_right_logical3A_3117 = vector.broadcast %shift_right_logical3A_3116 : i32 to vector<16xi32>
    %shift_right_logical3A_3118 = arith.shrui %shift_right_logical3A_3112, %shift_right_logical3A_3117 : vector<16xi32>
    %and3A_3119 = arith.constant 255 : i32
    %and3A_3120 = vector.broadcast %and3A_3119 : i32 to vector<16xi32>
    %and3A_3121 = arith.andi %shift_right_logical3A_3118, %and3A_3120 : vector<16xi32>
    %and3A_3122 = arith.constant 127 : i32
    %and3A_3123 = vector.broadcast %and3A_3122 : i32 to vector<16xi32>
    %and3A_3124 = arith.andi %shift_right_logical3A_3112, %and3A_3123 : vector<16xi32>
    %convert_element_type3A_3125 = arith.sitofp %and3A_3124 : vector<16xi32> to vector<16xf32>
    %eq3A_3126 = arith.constant 0 : i32
    %eq3A_3127 = vector.broadcast %eq3A_3126 : i32 to vector<16xi32>
    %eq3A_3128 = arith.cmpi eq, %and3A_3121, %eq3A_3127 : vector<16xi32>
    %mul3A_3129 = arith.constant 1.562500e-02 : f32
    %mul3A_3130 = vector.broadcast %mul3A_3129 : f32 to vector<16xf32>
    %mul3A_3131 = arith.mulf %convert_element_type3A_3125, %mul3A_3130 : vector<16xf32>
    %mul3A_3132 = arith.constant 7.812500e-03 : f32
    %mul3A_3133 = vector.broadcast %mul3A_3132 : f32 to vector<16xf32>
    %mul3A_3134 = arith.mulf %convert_element_type3A_3125, %mul3A_3133 : vector<16xf32>
    %add3A_3135 = arith.constant 1.000000e+00 : f32
    %add3A_3136 = vector.broadcast %add3A_3135 : f32 to vector<16xf32>
    %add3A_3137 = arith.addf %mul3A_3134, %add3A_3136 : vector<16xf32>
    %select_n3A_3138 = arith.select %eq3A_3128, %mul3A_3131, %add3A_3137 : vector<16xi1>, vector<16xf32>
    %sub3A_3139 = arith.constant 127 : i32
    %sub3A_3140 = vector.broadcast %sub3A_3139 : i32 to vector<16xi32>
    %sub3A_3141 = arith.subi %and3A_3121, %sub3A_3140 : vector<16xi32>
    %convert_element_type3A_3142 = arith.sitofp %sub3A_3141 : vector<16xi32> to vector<16xf32>
    %mul3A_3143 = arith.constant 0.693147182 : f32
    %mul3A_3144 = vector.broadcast %mul3A_3143 : f32 to vector<16xf32>
    %mul3A_3145 = arith.mulf %convert_element_type3A_3142, %mul3A_3144 : vector<16xf32>
    %exp3A_3146 = math.exp %mul3A_3145 : vector<16xf32>
    %mul3A_3147 = arith.mulf %select_n3A_3138, %exp3A_3146 : vector<16xf32>
    %eq3A_3148 = arith.constant 1 : i32
    %eq3A_3149 = vector.broadcast %eq3A_3148 : i32 to vector<16xi32>
    %eq3A_3150 = arith.cmpi eq, %shift_right_logical3A_3115, %eq3A_3149 : vector<16xi32>
    %neg3A_3151 = arith.constant 0.000000e+00 : f32
    %neg3A_3152 = vector.broadcast %neg3A_3151 : f32 to vector<16xf32>
    %neg3A_3153 = arith.subf %neg3A_3152, %mul3A_3147 : vector<16xf32>
    %select_n3A_3154 = arith.select %eq3A_3150, %neg3A_3153, %mul3A_3147 : vector<16xi1>, vector<16xf32>
    %and3A_3155 = arith.constant 65535 : i32
    %and3A_3156 = vector.broadcast %and3A_3155 : i32 to vector<16xi32>
    %and3A_3157 = arith.andi %get3A_3109, %and3A_3156 : vector<16xi32>
    %shift_right_logical3A_3158 = arith.constant 15 : i32
    %shift_right_logical3A_3159 = vector.broadcast %shift_right_logical3A_3158 : i32 to vector<16xi32>
    %shift_right_logical3A_3160 = arith.shrui %and3A_3157, %shift_right_logical3A_3159 : vector<16xi32>
    %shift_right_logical3A_3161 = arith.constant 7 : i32
    %shift_right_logical3A_3162 = vector.broadcast %shift_right_logical3A_3161 : i32 to vector<16xi32>
    %shift_right_logical3A_3163 = arith.shrui %and3A_3157, %shift_right_logical3A_3162 : vector<16xi32>
    %and3A_3164 = arith.constant 255 : i32
    %and3A_3165 = vector.broadcast %and3A_3164 : i32 to vector<16xi32>
    %and3A_3166 = arith.andi %shift_right_logical3A_3163, %and3A_3165 : vector<16xi32>
    %and3A_3167 = arith.constant 127 : i32
    %and3A_3168 = vector.broadcast %and3A_3167 : i32 to vector<16xi32>
    %and3A_3169 = arith.andi %and3A_3157, %and3A_3168 : vector<16xi32>
    %convert_element_type3A_3170 = arith.sitofp %and3A_3169 : vector<16xi32> to vector<16xf32>
    %eq3A_3171 = arith.constant 0 : i32
    %eq3A_3172 = vector.broadcast %eq3A_3171 : i32 to vector<16xi32>
    %eq3A_3173 = arith.cmpi eq, %and3A_3166, %eq3A_3172 : vector<16xi32>
    %mul3A_3174 = arith.constant 1.562500e-02 : f32
    %mul3A_3175 = vector.broadcast %mul3A_3174 : f32 to vector<16xf32>
    %mul3A_3176 = arith.mulf %convert_element_type3A_3170, %mul3A_3175 : vector<16xf32>
    %mul3A_3177 = arith.constant 7.812500e-03 : f32
    %mul3A_3178 = vector.broadcast %mul3A_3177 : f32 to vector<16xf32>
    %mul3A_3179 = arith.mulf %convert_element_type3A_3170, %mul3A_3178 : vector<16xf32>
    %add3A_3180 = arith.constant 1.000000e+00 : f32
    %add3A_3181 = vector.broadcast %add3A_3180 : f32 to vector<16xf32>
    %add3A_3182 = arith.addf %mul3A_3179, %add3A_3181 : vector<16xf32>
    %select_n3A_3183 = arith.select %eq3A_3173, %mul3A_3176, %add3A_3182 : vector<16xi1>, vector<16xf32>
    %sub3A_3184 = arith.constant 127 : i32
    %sub3A_3185 = vector.broadcast %sub3A_3184 : i32 to vector<16xi32>
    %sub3A_3186 = arith.subi %and3A_3166, %sub3A_3185 : vector<16xi32>
    %convert_element_type3A_3187 = arith.sitofp %sub3A_3186 : vector<16xi32> to vector<16xf32>
    %mul3A_3188 = arith.constant 0.693147182 : f32
    %mul3A_3189 = vector.broadcast %mul3A_3188 : f32 to vector<16xf32>
    %mul3A_3190 = arith.mulf %convert_element_type3A_3187, %mul3A_3189 : vector<16xf32>
    %exp3A_3191 = math.exp %mul3A_3190 : vector<16xf32>
    %mul3A_3192 = arith.mulf %select_n3A_3183, %exp3A_3191 : vector<16xf32>
    %eq3A_3193 = arith.constant 1 : i32
    %eq3A_3194 = vector.broadcast %eq3A_3193 : i32 to vector<16xi32>
    %eq3A_3195 = arith.cmpi eq, %shift_right_logical3A_3160, %eq3A_3194 : vector<16xi32>
    %neg3A_3196 = arith.constant 0.000000e+00 : f32
    %neg3A_3197 = vector.broadcast %neg3A_3196 : f32 to vector<16xf32>
    %neg3A_3198 = arith.subf %neg3A_3197, %mul3A_3192 : vector<16xf32>
    %select_n3A_3199 = arith.select %eq3A_3195, %neg3A_3198, %mul3A_3192 : vector<16xi1>, vector<16xf32>
    %get3A_3200 = arith.constant 368 : index
    %get3A_3201 = tpu.vector_load %arg12[%get3A_3200] {strides = array<i32>} : memref<512xf32, #tpu.memory_space<vmem>>, vector<16xf32>,
    %get3A_3202 = vector.shape_cast %get3A_3201 : vector<16xf32> to vector<16xf32>
    %get3A_3203 = arith.constant 368 : index
    %get3A_3204 = tpu.vector_load %arg13[%get3A_3203] {strides = array<i32>} : memref<512xf32, #tpu.memory_space<vmem>>, vector<16xf32>,
    %get3A_3205 = vector.shape_cast %get3A_3204 : vector<16xf32> to vector<16xf32>
    %get3A_3206 = arith.constant 368 : index
    %get3A_3207 = tpu.vector_load %arg14[%get3A_3206] {strides = array<i32>} : memref<512xf32, #tpu.memory_space<vmem>>, vector<16xf32>,
    %get3A_3208 = vector.shape_cast %get3A_3207 : vector<16xf32> to vector<16xf32>
    %ne3A_3209 = arith.constant 0.000000e+00 : f32
    %ne3A_3210 = vector.broadcast %ne3A_3209 : f32 to vector<16xf32>
    %ne3A_3211 = arith.cmpf one, %get3A_3202, %ne3A_3210 : vector<16xf32>
    %mul3A_3212 = arith.mulf %select_n3A_3154, %get3A_3202 : vector<16xf32>
    %sub3A_3213 = arith.constant 1.000000e+00 : f32
    %sub3A_3214 = vector.broadcast %sub3A_3213 : f32 to vector<16xf32>
    %sub3A_3215 = arith.subf %sub3A_3214, %select_n3A_3154 : vector<16xf32>
    %mul3A_3216 = arith.mulf %sub3A_3215, %get3A_3205 : vector<16xf32>
    %add3A_3217 = arith.addf %mul3A_3212, %mul3A_3216 : vector<16xf32>
    %select_n3A_3218 = arith.select %ne3A_3211, %add3A_3217, %get3A_3205 : vector<16xi1>, vector<16xf32>
    %jit3A_3219 = arith.constant 0.000000e+00 : f32
    %broadcast_in_dim3A_3220 = vector.broadcast %jit3A_3219 : f32 to vector<16xf32>
    %select_n3A_3221 = arith.select %ne3A_3211, %select_n3A_3199, %broadcast_in_dim3A_3220 : vector<16xi1>, vector<16xf32>
    %sub3A_3222 = arith.constant 1.000000e+00 : f32
    %sub3A_3223 = vector.broadcast %sub3A_3222 : f32 to vector<16xf32>
    %sub3A_3224 = arith.subf %sub3A_3223, %select_n3A_3199 : vector<16xf32>
    %mul3A_3225 = arith.mulf %sub3A_3224, %get3A_3208 : vector<16xf32>
    %add3A_3226 = arith.addf %select_n3A_3221, %mul3A_3225 : vector<16xf32>
    %mul3A_3227 = arith.mulf %select_n3A_3218, %add3A_3226 : vector<16xf32>
    %swap3A_3228 = arith.constant 368 : index
    %swap3A_3229 = tpu.vector_load %arg15[%swap3A_3228] {strides = array<i32>} : memref<512xf32, #tpu.memory_space<vmem>>, vector<16xf32>,
    %swap3A_3230 = vector.shape_cast %swap3A_3229 : vector<16xf32> to vector<16xf32>
    %swap3A_3231 = vector.shape_cast %mul3A_3227 : vector<16xf32> to vector<16xf32>
    tpu.vector_store %arg15[%swap3A_3228], %swap3A_3231 {strides = array<i32>} : memref<512xf32, #tpu.memory_space<vmem>>, vector<16xf32>,
    %swap3A_3232 = arith.constant 368 : index
    %swap3A_3233 = tpu.vector_load %arg16[%swap3A_3232] {strides = array<i32>} : memref<512xf32, #tpu.memory_space<vmem>>, vector<16xf32>,
    %swap3A_3234 = vector.shape_cast %swap3A_3233 : vector<16xf32> to vector<16xf32>
    %swap3A_3235 = vector.shape_cast %select_n3A_3218 : vector<16xf32> to vector<16xf32>
    tpu.vector_store %arg16[%swap3A_3232], %swap3A_3235 {strides = array<i32>} : memref<512xf32, #tpu.memory_space<vmem>>, vector<16xf32>,
    %swap3A_3236 = arith.constant 368 : index
    %swap3A_3237 = tpu.vector_load %arg17[%swap3A_3236] {strides = array<i32>} : memref<512xf32, #tpu.memory_space<vmem>>, vector<16xf32>,
    %swap3A_3238 = vector.shape_cast %swap3A_3237 : vector<16xf32> to vector<16xf32>
    %swap3A_3239 = vector.shape_cast %add3A_3226 : vector<16xf32> to vector<16xf32>
    tpu.vector_store %arg17[%swap3A_3236], %swap3A_3239 {strides = array<i32>} : memref<512xf32, #tpu.memory_space<vmem>>, vector<16xf32>,
    %get3A_3240 = arith.constant 384 : index
    %get3A_3241 = tpu.vector_load %arg11[%get3A_3240] {strides = array<i32>} : memref<512xi32, #tpu.memory_space<vmem>>, vector<16xi32>,
    %get3A_3242 = vector.shape_cast %get3A_3241 : vector<16xi32> to vector<16xi32>
    %shift_right_logical3A_3243 = arith.constant 16 : i32
    %shift_right_logical3A_3244 = vector.broadcast %shift_right_logical3A_3243 : i32 to vector<16xi32>
    %shift_right_logical3A_3245 = arith.shrui %get3A_3242, %shift_right_logical3A_3244 : vector<16xi32>
    %shift_right_logical3A_3246 = arith.constant 15 : i32
    %shift_right_logical3A_3247 = vector.broadcast %shift_right_logical3A_3246 : i32 to vector<16xi32>
    %shift_right_logical3A_3248 = arith.shrui %shift_right_logical3A_3245, %shift_right_logical3A_3247 : vector<16xi32>
    %shift_right_logical3A_3249 = arith.constant 7 : i32
    %shift_right_logical3A_3250 = vector.broadcast %shift_right_logical3A_3249 : i32 to vector<16xi32>
    %shift_right_logical3A_3251 = arith.shrui %shift_right_logical3A_3245, %shift_right_logical3A_3250 : vector<16xi32>
    %and3A_3252 = arith.constant 255 : i32
    %and3A_3253 = vector.broadcast %and3A_3252 : i32 to vector<16xi32>
    %and3A_3254 = arith.andi %shift_right_logical3A_3251, %and3A_3253 : vector<16xi32>
    %and3A_3255 = arith.constant 127 : i32
    %and3A_3256 = vector.broadcast %and3A_3255 : i32 to vector<16xi32>
    %and3A_3257 = arith.andi %shift_right_logical3A_3245, %and3A_3256 : vector<16xi32>
    %convert_element_type3A_3258 = arith.sitofp %and3A_3257 : vector<16xi32> to vector<16xf32>
    %eq3A_3259 = arith.constant 0 : i32
    %eq3A_3260 = vector.broadcast %eq3A_3259 : i32 to vector<16xi32>
    %eq3A_3261 = arith.cmpi eq, %and3A_3254, %eq3A_3260 : vector<16xi32>
    %mul3A_3262 = arith.constant 1.562500e-02 : f32
    %mul3A_3263 = vector.broadcast %mul3A_3262 : f32 to vector<16xf32>
    %mul3A_3264 = arith.mulf %convert_element_type3A_3258, %mul3A_3263 : vector<16xf32>
    %mul3A_3265 = arith.constant 7.812500e-03 : f32
    %mul3A_3266 = vector.broadcast %mul3A_3265 : f32 to vector<16xf32>
    %mul3A_3267 = arith.mulf %convert_element_type3A_3258, %mul3A_3266 : vector<16xf32>
    %add3A_3268 = arith.constant 1.000000e+00 : f32
    %add3A_3269 = vector.broadcast %add3A_3268 : f32 to vector<16xf32>
    %add3A_3270 = arith.addf %mul3A_3267, %add3A_3269 : vector<16xf32>
    %select_n3A_3271 = arith.select %eq3A_3261, %mul3A_3264, %add3A_3270 : vector<16xi1>, vector<16xf32>
    %sub3A_3272 = arith.constant 127 : i32
    %sub3A_3273 = vector.broadcast %sub3A_3272 : i32 to vector<16xi32>
    %sub3A_3274 = arith.subi %and3A_3254, %sub3A_3273 : vector<16xi32>
    %convert_element_type3A_3275 = arith.sitofp %sub3A_3274 : vector<16xi32> to vector<16xf32>
    %mul3A_3276 = arith.constant 0.693147182 : f32
    %mul3A_3277 = vector.broadcast %mul3A_3276 : f32 to vector<16xf32>
    %mul3A_3278 = arith.mulf %convert_element_type3A_3275, %mul3A_3277 : vector<16xf32>
    %exp3A_3279 = math.exp %mul3A_3278 : vector<16xf32>
    %mul3A_3280 = arith.mulf %select_n3A_3271, %exp3A_3279 : vector<16xf32>
    %eq3A_3281 = arith.constant 1 : i32
    %eq3A_3282 = vector.broadcast %eq3A_3281 : i32 to vector<16xi32>
    %eq3A_3283 = arith.cmpi eq, %shift_right_logical3A_3248, %eq3A_3282 : vector<16xi32>
    %neg3A_3284 = arith.constant 0.000000e+00 : f32
    %neg3A_3285 = vector.broadcast %neg3A_3284 : f32 to vector<16xf32>
    %neg3A_3286 = arith.subf %neg3A_3285, %mul3A_3280 : vector<16xf32>
    %select_n3A_3287 = arith.select %eq3A_3283, %neg3A_3286, %mul3A_3280 : vector<16xi1>, vector<16xf32>
    %and3A_3288 = arith.constant 65535 : i32
    %and3A_3289 = vector.broadcast %and3A_3288 : i32 to vector<16xi32>
    %and3A_3290 = arith.andi %get3A_3242, %and3A_3289 : vector<16xi32>
    %shift_right_logical3A_3291 = arith.constant 15 : i32
    %shift_right_logical3A_3292 = vector.broadcast %shift_right_logical3A_3291 : i32 to vector<16xi32>
    %shift_right_logical3A_3293 = arith.shrui %and3A_3290, %shift_right_logical3A_3292 : vector<16xi32>
    %shift_right_logical3A_3294 = arith.constant 7 : i32
    %shift_right_logical3A_3295 = vector.broadcast %shift_right_logical3A_3294 : i32 to vector<16xi32>
    %shift_right_logical3A_3296 = arith.shrui %and3A_3290, %shift_right_logical3A_3295 : vector<16xi32>
    %and3A_3297 = arith.constant 255 : i32
    %and3A_3298 = vector.broadcast %and3A_3297 : i32 to vector<16xi32>
    %and3A_3299 = arith.andi %shift_right_logical3A_3296, %and3A_3298 : vector<16xi32>
    %and3A_3300 = arith.constant 127 : i32
    %and3A_3301 = vector.broadcast %and3A_3300 : i32 to vector<16xi32>
    %and3A_3302 = arith.andi %and3A_3290, %and3A_3301 : vector<16xi32>
    %convert_element_type3A_3303 = arith.sitofp %and3A_3302 : vector<16xi32> to vector<16xf32>
    %eq3A_3304 = arith.constant 0 : i32
    %eq3A_3305 = vector.broadcast %eq3A_3304 : i32 to vector<16xi32>
    %eq3A_3306 = arith.cmpi eq, %and3A_3299, %eq3A_3305 : vector<16xi32>
    %mul3A_3307 = arith.constant 1.562500e-02 : f32
    %mul3A_3308 = vector.broadcast %mul3A_3307 : f32 to vector<16xf32>
    %mul3A_3309 = arith.mulf %convert_element_type3A_3303, %mul3A_3308 : vector<16xf32>
    %mul3A_3310 = arith.constant 7.812500e-03 : f32
    %mul3A_3311 = vector.broadcast %mul3A_3310 : f32 to vector<16xf32>
    %mul3A_3312 = arith.mulf %convert_element_type3A_3303, %mul3A_3311 : vector<16xf32>
    %add3A_3313 = arith.constant 1.000000e+00 : f32
    %add3A_3314 = vector.broadcast %add3A_3313 : f32 to vector<16xf32>
    %add3A_3315 = arith.addf %mul3A_3312, %add3A_3314 : vector<16xf32>
    %select_n3A_3316 = arith.select %eq3A_3306, %mul3A_3309, %add3A_3315 : vector<16xi1>, vector<16xf32>
    %sub3A_3317 = arith.constant 127 : i32
    %sub3A_3318 = vector.broadcast %sub3A_3317 : i32 to vector<16xi32>
    %sub3A_3319 = arith.subi %and3A_3299, %sub3A_3318 : vector<16xi32>
    %convert_element_type3A_3320 = arith.sitofp %sub3A_3319 : vector<16xi32> to vector<16xf32>
    %mul3A_3321 = arith.constant 0.693147182 : f32
    %mul3A_3322 = vector.broadcast %mul3A_3321 : f32 to vector<16xf32>
    %mul3A_3323 = arith.mulf %convert_element_type3A_3320, %mul3A_3322 : vector<16xf32>
    %exp3A_3324 = math.exp %mul3A_3323 : vector<16xf32>
    %mul3A_3325 = arith.mulf %select_n3A_3316, %exp3A_3324 : vector<16xf32>
    %eq3A_3326 = arith.constant 1 : i32
    %eq3A_3327 = vector.broadcast %eq3A_3326 : i32 to vector<16xi32>
    %eq3A_3328 = arith.cmpi eq, %shift_right_logical3A_3293, %eq3A_3327 : vector<16xi32>
    %neg3A_3329 = arith.constant 0.000000e+00 : f32
    %neg3A_3330 = vector.broadcast %neg3A_3329 : f32 to vector<16xf32>
    %neg3A_3331 = arith.subf %neg3A_3330, %mul3A_3325 : vector<16xf32>
    %select_n3A_3332 = arith.select %eq3A_3328, %neg3A_3331, %mul3A_3325 : vector<16xi1>, vector<16xf32>
    %get3A_3333 = arith.constant 384 : index
    %get3A_3334 = tpu.vector_load %arg12[%get3A_3333] {strides = array<i32>} : memref<512xf32, #tpu.memory_space<vmem>>, vector<16xf32>,
    %get3A_3335 = vector.shape_cast %get3A_3334 : vector<16xf32> to vector<16xf32>
    %get3A_3336 = arith.constant 384 : index
    %get3A_3337 = tpu.vector_load %arg13[%get3A_3336] {strides = array<i32>} : memref<512xf32, #tpu.memory_space<vmem>>, vector<16xf32>,
    %get3A_3338 = vector.shape_cast %get3A_3337 : vector<16xf32> to vector<16xf32>
    %get3A_3339 = arith.constant 384 : index
    %get3A_3340 = tpu.vector_load %arg14[%get3A_3339] {strides = array<i32>} : memref<512xf32, #tpu.memory_space<vmem>>, vector<16xf32>,
    %get3A_3341 = vector.shape_cast %get3A_3340 : vector<16xf32> to vector<16xf32>
    %ne3A_3342 = arith.constant 0.000000e+00 : f32
    %ne3A_3343 = vector.broadcast %ne3A_3342 : f32 to vector<16xf32>
    %ne3A_3344 = arith.cmpf one, %get3A_3335, %ne3A_3343 : vector<16xf32>
    %mul3A_3345 = arith.mulf %select_n3A_3287, %get3A_3335 : vector<16xf32>
    %sub3A_3346 = arith.constant 1.000000e+00 : f32
    %sub3A_3347 = vector.broadcast %sub3A_3346 : f32 to vector<16xf32>
    %sub3A_3348 = arith.subf %sub3A_3347, %select_n3A_3287 : vector<16xf32>
    %mul3A_3349 = arith.mulf %sub3A_3348, %get3A_3338 : vector<16xf32>
    %add3A_3350 = arith.addf %mul3A_3345, %mul3A_3349 : vector<16xf32>
    %select_n3A_3351 = arith.select %ne3A_3344, %add3A_3350, %get3A_3338 : vector<16xi1>, vector<16xf32>
    %jit3A_3352 = arith.constant 0.000000e+00 : f32
    %broadcast_in_dim3A_3353 = vector.broadcast %jit3A_3352 : f32 to vector<16xf32>
    %select_n3A_3354 = arith.select %ne3A_3344, %select_n3A_3332, %broadcast_in_dim3A_3353 : vector<16xi1>, vector<16xf32>
    %sub3A_3355 = arith.constant 1.000000e+00 : f32
    %sub3A_3356 = vector.broadcast %sub3A_3355 : f32 to vector<16xf32>
    %sub3A_3357 = arith.subf %sub3A_3356, %select_n3A_3332 : vector<16xf32>
    %mul3A_3358 = arith.mulf %sub3A_3357, %get3A_3341 : vector<16xf32>
    %add3A_3359 = arith.addf %select_n3A_3354, %mul3A_3358 : vector<16xf32>
    %mul3A_3360 = arith.mulf %select_n3A_3351, %add3A_3359 : vector<16xf32>
    %swap3A_3361 = arith.constant 384 : index
    %swap3A_3362 = tpu.vector_load %arg15[%swap3A_3361] {strides = array<i32>} : memref<512xf32, #tpu.memory_space<vmem>>, vector<16xf32>,
    %swap3A_3363 = vector.shape_cast %swap3A_3362 : vector<16xf32> to vector<16xf32>
    %swap3A_3364 = vector.shape_cast %mul3A_3360 : vector<16xf32> to vector<16xf32>
    tpu.vector_store %arg15[%swap3A_3361], %swap3A_3364 {strides = array<i32>} : memref<512xf32, #tpu.memory_space<vmem>>, vector<16xf32>,
    %swap3A_3365 = arith.constant 384 : index
    %swap3A_3366 = tpu.vector_load %arg16[%swap3A_3365] {strides = array<i32>} : memref<512xf32, #tpu.memory_space<vmem>>, vector<16xf32>,
    %swap3A_3367 = vector.shape_cast %swap3A_3366 : vector<16xf32> to vector<16xf32>
    %swap3A_3368 = vector.shape_cast %select_n3A_3351 : vector<16xf32> to vector<16xf32>
    tpu.vector_store %arg16[%swap3A_3365], %swap3A_3368 {strides = array<i32>} : memref<512xf32, #tpu.memory_space<vmem>>, vector<16xf32>,
    %swap3A_3369 = arith.constant 384 : index
    %swap3A_3370 = tpu.vector_load %arg17[%swap3A_3369] {strides = array<i32>} : memref<512xf32, #tpu.memory_space<vmem>>, vector<16xf32>,
    %swap3A_3371 = vector.shape_cast %swap3A_3370 : vector<16xf32> to vector<16xf32>
    %swap3A_3372 = vector.shape_cast %add3A_3359 : vector<16xf32> to vector<16xf32>
    tpu.vector_store %arg17[%swap3A_3369], %swap3A_3372 {strides = array<i32>} : memref<512xf32, #tpu.memory_space<vmem>>, vector<16xf32>,
    %get3A_3373 = arith.constant 400 : index
    %get3A_3374 = tpu.vector_load %arg11[%get3A_3373] {strides = array<i32>} : memref<512xi32, #tpu.memory_space<vmem>>, vector<16xi32>,
    %get3A_3375 = vector.shape_cast %get3A_3374 : vector<16xi32> to vector<16xi32>
    %shift_right_logical3A_3376 = arith.constant 16 : i32
    %shift_right_logical3A_3377 = vector.broadcast %shift_right_logical3A_3376 : i32 to vector<16xi32>
    %shift_right_logical3A_3378 = arith.shrui %get3A_3375, %shift_right_logical3A_3377 : vector<16xi32>
    %shift_right_logical3A_3379 = arith.constant 15 : i32
    %shift_right_logical3A_3380 = vector.broadcast %shift_right_logical3A_3379 : i32 to vector<16xi32>
    %shift_right_logical3A_3381 = arith.shrui %shift_right_logical3A_3378, %shift_right_logical3A_3380 : vector<16xi32>
    %shift_right_logical3A_3382 = arith.constant 7 : i32
    %shift_right_logical3A_3383 = vector.broadcast %shift_right_logical3A_3382 : i32 to vector<16xi32>
    %shift_right_logical3A_3384 = arith.shrui %shift_right_logical3A_3378, %shift_right_logical3A_3383 : vector<16xi32>
    %and3A_3385 = arith.constant 255 : i32
    %and3A_3386 = vector.broadcast %and3A_3385 : i32 to vector<16xi32>
    %and3A_3387 = arith.andi %shift_right_logical3A_3384, %and3A_3386 : vector<16xi32>
    %and3A_3388 = arith.constant 127 : i32
    %and3A_3389 = vector.broadcast %and3A_3388 : i32 to vector<16xi32>
    %and3A_3390 = arith.andi %shift_right_logical3A_3378, %and3A_3389 : vector<16xi32>
    %convert_element_type3A_3391 = arith.sitofp %and3A_3390 : vector<16xi32> to vector<16xf32>
    %eq3A_3392 = arith.constant 0 : i32
    %eq3A_3393 = vector.broadcast %eq3A_3392 : i32 to vector<16xi32>
    %eq3A_3394 = arith.cmpi eq, %and3A_3387, %eq3A_3393 : vector<16xi32>
    %mul3A_3395 = arith.constant 1.562500e-02 : f32
    %mul3A_3396 = vector.broadcast %mul3A_3395 : f32 to vector<16xf32>
    %mul3A_3397 = arith.mulf %convert_element_type3A_3391, %mul3A_3396 : vector<16xf32>
    %mul3A_3398 = arith.constant 7.812500e-03 : f32
    %mul3A_3399 = vector.broadcast %mul3A_3398 : f32 to vector<16xf32>
    %mul3A_3400 = arith.mulf %convert_element_type3A_3391, %mul3A_3399 : vector<16xf32>
    %add3A_3401 = arith.constant 1.000000e+00 : f32
    %add3A_3402 = vector.broadcast %add3A_3401 : f32 to vector<16xf32>
    %add3A_3403 = arith.addf %mul3A_3400, %add3A_3402 : vector<16xf32>
    %select_n3A_3404 = arith.select %eq3A_3394, %mul3A_3397, %add3A_3403 : vector<16xi1>, vector<16xf32>
    %sub3A_3405 = arith.constant 127 : i32
    %sub3A_3406 = vector.broadcast %sub3A_3405 : i32 to vector<16xi32>
    %sub3A_3407 = arith.subi %and3A_3387, %sub3A_3406 : vector<16xi32>
    %convert_element_type3A_3408 = arith.sitofp %sub3A_3407 : vector<16xi32> to vector<16xf32>
    %mul3A_3409 = arith.constant 0.693147182 : f32
    %mul3A_3410 = vector.broadcast %mul3A_3409 : f32 to vector<16xf32>
    %mul3A_3411 = arith.mulf %convert_element_type3A_3408, %mul3A_3410 : vector<16xf32>
    %exp3A_3412 = math.exp %mul3A_3411 : vector<16xf32>
    %mul3A_3413 = arith.mulf %select_n3A_3404, %exp3A_3412 : vector<16xf32>
    %eq3A_3414 = arith.constant 1 : i32
    %eq3A_3415 = vector.broadcast %eq3A_3414 : i32 to vector<16xi32>
    %eq3A_3416 = arith.cmpi eq, %shift_right_logical3A_3381, %eq3A_3415 : vector<16xi32>
    %neg3A_3417 = arith.constant 0.000000e+00 : f32
    %neg3A_3418 = vector.broadcast %neg3A_3417 : f32 to vector<16xf32>
    %neg3A_3419 = arith.subf %neg3A_3418, %mul3A_3413 : vector<16xf32>
    %select_n3A_3420 = arith.select %eq3A_3416, %neg3A_3419, %mul3A_3413 : vector<16xi1>, vector<16xf32>
    %and3A_3421 = arith.constant 65535 : i32
    %and3A_3422 = vector.broadcast %and3A_3421 : i32 to vector<16xi32>
    %and3A_3423 = arith.andi %get3A_3375, %and3A_3422 : vector<16xi32>
    %shift_right_logical3A_3424 = arith.constant 15 : i32
    %shift_right_logical3A_3425 = vector.broadcast %shift_right_logical3A_3424 : i32 to vector<16xi32>
    %shift_right_logical3A_3426 = arith.shrui %and3A_3423, %shift_right_logical3A_3425 : vector<16xi32>
    %shift_right_logical3A_3427 = arith.constant 7 : i32
    %shift_right_logical3A_3428 = vector.broadcast %shift_right_logical3A_3427 : i32 to vector<16xi32>
    %shift_right_logical3A_3429 = arith.shrui %and3A_3423, %shift_right_logical3A_3428 : vector<16xi32>
    %and3A_3430 = arith.constant 255 : i32
    %and3A_3431 = vector.broadcast %and3A_3430 : i32 to vector<16xi32>
    %and3A_3432 = arith.andi %shift_right_logical3A_3429, %and3A_3431 : vector<16xi32>
    %and3A_3433 = arith.constant 127 : i32
    %and3A_3434 = vector.broadcast %and3A_3433 : i32 to vector<16xi32>
    %and3A_3435 = arith.andi %and3A_3423, %and3A_3434 : vector<16xi32>
    %convert_element_type3A_3436 = arith.sitofp %and3A_3435 : vector<16xi32> to vector<16xf32>
    %eq3A_3437 = arith.constant 0 : i32
    %eq3A_3438 = vector.broadcast %eq3A_3437 : i32 to vector<16xi32>
    %eq3A_3439 = arith.cmpi eq, %and3A_3432, %eq3A_3438 : vector<16xi32>
    %mul3A_3440 = arith.constant 1.562500e-02 : f32
    %mul3A_3441 = vector.broadcast %mul3A_3440 : f32 to vector<16xf32>
    %mul3A_3442 = arith.mulf %convert_element_type3A_3436, %mul3A_3441 : vector<16xf32>
    %mul3A_3443 = arith.constant 7.812500e-03 : f32
    %mul3A_3444 = vector.broadcast %mul3A_3443 : f32 to vector<16xf32>
    %mul3A_3445 = arith.mulf %convert_element_type3A_3436, %mul3A_3444 : vector<16xf32>
    %add3A_3446 = arith.constant 1.000000e+00 : f32
    %add3A_3447 = vector.broadcast %add3A_3446 : f32 to vector<16xf32>
    %add3A_3448 = arith.addf %mul3A_3445, %add3A_3447 : vector<16xf32>
    %select_n3A_3449 = arith.select %eq3A_3439, %mul3A_3442, %add3A_3448 : vector<16xi1>, vector<16xf32>
    %sub3A_3450 = arith.constant 127 : i32
    %sub3A_3451 = vector.broadcast %sub3A_3450 : i32 to vector<16xi32>
    %sub3A_3452 = arith.subi %and3A_3432, %sub3A_3451 : vector<16xi32>
    %convert_element_type3A_3453 = arith.sitofp %sub3A_3452 : vector<16xi32> to vector<16xf32>
    %mul3A_3454 = arith.constant 0.693147182 : f32
    %mul3A_3455 = vector.broadcast %mul3A_3454 : f32 to vector<16xf32>
    %mul3A_3456 = arith.mulf %convert_element_type3A_3453, %mul3A_3455 : vector<16xf32>
    %exp3A_3457 = math.exp %mul3A_3456 : vector<16xf32>
    %mul3A_3458 = arith.mulf %select_n3A_3449, %exp3A_3457 : vector<16xf32>
    %eq3A_3459 = arith.constant 1 : i32
    %eq3A_3460 = vector.broadcast %eq3A_3459 : i32 to vector<16xi32>
    %eq3A_3461 = arith.cmpi eq, %shift_right_logical3A_3426, %eq3A_3460 : vector<16xi32>
    %neg3A_3462 = arith.constant 0.000000e+00 : f32
    %neg3A_3463 = vector.broadcast %neg3A_3462 : f32 to vector<16xf32>
    %neg3A_3464 = arith.subf %neg3A_3463, %mul3A_3458 : vector<16xf32>
    %select_n3A_3465 = arith.select %eq3A_3461, %neg3A_3464, %mul3A_3458 : vector<16xi1>, vector<16xf32>
    %get3A_3466 = arith.constant 400 : index
    %get3A_3467 = tpu.vector_load %arg12[%get3A_3466] {strides = array<i32>} : memref<512xf32, #tpu.memory_space<vmem>>, vector<16xf32>,
    %get3A_3468 = vector.shape_cast %get3A_3467 : vector<16xf32> to vector<16xf32>
    %get3A_3469 = arith.constant 400 : index
    %get3A_3470 = tpu.vector_load %arg13[%get3A_3469] {strides = array<i32>} : memref<512xf32, #tpu.memory_space<vmem>>, vector<16xf32>,
    %get3A_3471 = vector.shape_cast %get3A_3470 : vector<16xf32> to vector<16xf32>
    %get3A_3472 = arith.constant 400 : index
    %get3A_3473 = tpu.vector_load %arg14[%get3A_3472] {strides = array<i32>} : memref<512xf32, #tpu.memory_space<vmem>>, vector<16xf32>,
    %get3A_3474 = vector.shape_cast %get3A_3473 : vector<16xf32> to vector<16xf32>
    %ne3A_3475 = arith.constant 0.000000e+00 : f32
    %ne3A_3476 = vector.broadcast %ne3A_3475 : f32 to vector<16xf32>
    %ne3A_3477 = arith.cmpf one, %get3A_3468, %ne3A_3476 : vector<16xf32>
    %mul3A_3478 = arith.mulf %select_n3A_3420, %get3A_3468 : vector<16xf32>
    %sub3A_3479 = arith.constant 1.000000e+00 : f32
    %sub3A_3480 = vector.broadcast %sub3A_3479 : f32 to vector<16xf32>
    %sub3A_3481 = arith.subf %sub3A_3480, %select_n3A_3420 : vector<16xf32>
    %mul3A_3482 = arith.mulf %sub3A_3481, %get3A_3471 : vector<16xf32>
    %add3A_3483 = arith.addf %mul3A_3478, %mul3A_3482 : vector<16xf32>
    %select_n3A_3484 = arith.select %ne3A_3477, %add3A_3483, %get3A_3471 : vector<16xi1>, vector<16xf32>
    %jit3A_3485 = arith.constant 0.000000e+00 : f32
    %broadcast_in_dim3A_3486 = vector.broadcast %jit3A_3485 : f32 to vector<16xf32>
    %select_n3A_3487 = arith.select %ne3A_3477, %select_n3A_3465, %broadcast_in_dim3A_3486 : vector<16xi1>, vector<16xf32>
    %sub3A_3488 = arith.constant 1.000000e+00 : f32
    %sub3A_3489 = vector.broadcast %sub3A_3488 : f32 to vector<16xf32>
    %sub3A_3490 = arith.subf %sub3A_3489, %select_n3A_3465 : vector<16xf32>
    %mul3A_3491 = arith.mulf %sub3A_3490, %get3A_3474 : vector<16xf32>
    %add3A_3492 = arith.addf %select_n3A_3487, %mul3A_3491 : vector<16xf32>
    %mul3A_3493 = arith.mulf %select_n3A_3484, %add3A_3492 : vector<16xf32>
    %swap3A_3494 = arith.constant 400 : index
    %swap3A_3495 = tpu.vector_load %arg15[%swap3A_3494] {strides = array<i32>} : memref<512xf32, #tpu.memory_space<vmem>>, vector<16xf32>,
    %swap3A_3496 = vector.shape_cast %swap3A_3495 : vector<16xf32> to vector<16xf32>
    %swap3A_3497 = vector.shape_cast %mul3A_3493 : vector<16xf32> to vector<16xf32>
    tpu.vector_store %arg15[%swap3A_3494], %swap3A_3497 {strides = array<i32>} : memref<512xf32, #tpu.memory_space<vmem>>, vector<16xf32>,
    %swap3A_3498 = arith.constant 400 : index
    %swap3A_3499 = tpu.vector_load %arg16[%swap3A_3498] {strides = array<i32>} : memref<512xf32, #tpu.memory_space<vmem>>, vector<16xf32>,
    %swap3A_3500 = vector.shape_cast %swap3A_3499 : vector<16xf32> to vector<16xf32>
    %swap3A_3501 = vector.shape_cast %select_n3A_3484 : vector<16xf32> to vector<16xf32>
    tpu.vector_store %arg16[%swap3A_3498], %swap3A_3501 {strides = array<i32>} : memref<512xf32, #tpu.memory_space<vmem>>, vector<16xf32>,
    %swap3A_3502 = arith.constant 400 : index
    %swap3A_3503 = tpu.vector_load %arg17[%swap3A_3502] {strides = array<i32>} : memref<512xf32, #tpu.memory_space<vmem>>, vector<16xf32>,
    %swap3A_3504 = vector.shape_cast %swap3A_3503 : vector<16xf32> to vector<16xf32>
    %swap3A_3505 = vector.shape_cast %add3A_3492 : vector<16xf32> to vector<16xf32>
    tpu.vector_store %arg17[%swap3A_3502], %swap3A_3505 {strides = array<i32>} : memref<512xf32, #tpu.memory_space<vmem>>, vector<16xf32>,
    %get3A_3506 = arith.constant 416 : index
    %get3A_3507 = tpu.vector_load %arg11[%get3A_3506] {strides = array<i32>} : memref<512xi32, #tpu.memory_space<vmem>>, vector<16xi32>,
    %get3A_3508 = vector.shape_cast %get3A_3507 : vector<16xi32> to vector<16xi32>
    %shift_right_logical3A_3509 = arith.constant 16 : i32
    %shift_right_logical3A_3510 = vector.broadcast %shift_right_logical3A_3509 : i32 to vector<16xi32>
    %shift_right_logical3A_3511 = arith.shrui %get3A_3508, %shift_right_logical3A_3510 : vector<16xi32>
    %shift_right_logical3A_3512 = arith.constant 15 : i32
    %shift_right_logical3A_3513 = vector.broadcast %shift_right_logical3A_3512 : i32 to vector<16xi32>
    %shift_right_logical3A_3514 = arith.shrui %shift_right_logical3A_3511, %shift_right_logical3A_3513 : vector<16xi32>
    %shift_right_logical3A_3515 = arith.constant 7 : i32
    %shift_right_logical3A_3516 = vector.broadcast %shift_right_logical3A_3515 : i32 to vector<16xi32>
    %shift_right_logical3A_3517 = arith.shrui %shift_right_logical3A_3511, %shift_right_logical3A_3516 : vector<16xi32>
    %and3A_3518 = arith.constant 255 : i32
    %and3A_3519 = vector.broadcast %and3A_3518 : i32 to vector<16xi32>
    %and3A_3520 = arith.andi %shift_right_logical3A_3517, %and3A_3519 : vector<16xi32>
    %and3A_3521 = arith.constant 127 : i32
    %and3A_3522 = vector.broadcast %and3A_3521 : i32 to vector<16xi32>
    %and3A_3523 = arith.andi %shift_right_logical3A_3511, %and3A_3522 : vector<16xi32>
    %convert_element_type3A_3524 = arith.sitofp %and3A_3523 : vector<16xi32> to vector<16xf32>
    %eq3A_3525 = arith.constant 0 : i32
    %eq3A_3526 = vector.broadcast %eq3A_3525 : i32 to vector<16xi32>
    %eq3A_3527 = arith.cmpi eq, %and3A_3520, %eq3A_3526 : vector<16xi32>
    %mul3A_3528 = arith.constant 1.562500e-02 : f32
    %mul3A_3529 = vector.broadcast %mul3A_3528 : f32 to vector<16xf32>
    %mul3A_3530 = arith.mulf %convert_element_type3A_3524, %mul3A_3529 : vector<16xf32>
    %mul3A_3531 = arith.constant 7.812500e-03 : f32
    %mul3A_3532 = vector.broadcast %mul3A_3531 : f32 to vector<16xf32>
    %mul3A_3533 = arith.mulf %convert_element_type3A_3524, %mul3A_3532 : vector<16xf32>
    %add3A_3534 = arith.constant 1.000000e+00 : f32
    %add3A_3535 = vector.broadcast %add3A_3534 : f32 to vector<16xf32>
    %add3A_3536 = arith.addf %mul3A_3533, %add3A_3535 : vector<16xf32>
    %select_n3A_3537 = arith.select %eq3A_3527, %mul3A_3530, %add3A_3536 : vector<16xi1>, vector<16xf32>
    %sub3A_3538 = arith.constant 127 : i32
    %sub3A_3539 = vector.broadcast %sub3A_3538 : i32 to vector<16xi32>
    %sub3A_3540 = arith.subi %and3A_3520, %sub3A_3539 : vector<16xi32>
    %convert_element_type3A_3541 = arith.sitofp %sub3A_3540 : vector<16xi32> to vector<16xf32>
    %mul3A_3542 = arith.constant 0.693147182 : f32
    %mul3A_3543 = vector.broadcast %mul3A_3542 : f32 to vector<16xf32>
    %mul3A_3544 = arith.mulf %convert_element_type3A_3541, %mul3A_3543 : vector<16xf32>
    %exp3A_3545 = math.exp %mul3A_3544 : vector<16xf32>
    %mul3A_3546 = arith.mulf %select_n3A_3537, %exp3A_3545 : vector<16xf32>
    %eq3A_3547 = arith.constant 1 : i32
    %eq3A_3548 = vector.broadcast %eq3A_3547 : i32 to vector<16xi32>
    %eq3A_3549 = arith.cmpi eq, %shift_right_logical3A_3514, %eq3A_3548 : vector<16xi32>
    %neg3A_3550 = arith.constant 0.000000e+00 : f32
    %neg3A_3551 = vector.broadcast %neg3A_3550 : f32 to vector<16xf32>
    %neg3A_3552 = arith.subf %neg3A_3551, %mul3A_3546 : vector<16xf32>
    %select_n3A_3553 = arith.select %eq3A_3549, %neg3A_3552, %mul3A_3546 : vector<16xi1>, vector<16xf32>
    %and3A_3554 = arith.constant 65535 : i32
    %and3A_3555 = vector.broadcast %and3A_3554 : i32 to vector<16xi32>
    %and3A_3556 = arith.andi %get3A_3508, %and3A_3555 : vector<16xi32>
    %shift_right_logical3A_3557 = arith.constant 15 : i32
    %shift_right_logical3A_3558 = vector.broadcast %shift_right_logical3A_3557 : i32 to vector<16xi32>
    %shift_right_logical3A_3559 = arith.shrui %and3A_3556, %shift_right_logical3A_3558 : vector<16xi32>
    %shift_right_logical3A_3560 = arith.constant 7 : i32
    %shift_right_logical3A_3561 = vector.broadcast %shift_right_logical3A_3560 : i32 to vector<16xi32>
    %shift_right_logical3A_3562 = arith.shrui %and3A_3556, %shift_right_logical3A_3561 : vector<16xi32>
    %and3A_3563 = arith.constant 255 : i32
    %and3A_3564 = vector.broadcast %and3A_3563 : i32 to vector<16xi32>
    %and3A_3565 = arith.andi %shift_right_logical3A_3562, %and3A_3564 : vector<16xi32>
    %and3A_3566 = arith.constant 127 : i32
    %and3A_3567 = vector.broadcast %and3A_3566 : i32 to vector<16xi32>
    %and3A_3568 = arith.andi %and3A_3556, %and3A_3567 : vector<16xi32>
    %convert_element_type3A_3569 = arith.sitofp %and3A_3568 : vector<16xi32> to vector<16xf32>
    %eq3A_3570 = arith.constant 0 : i32
    %eq3A_3571 = vector.broadcast %eq3A_3570 : i32 to vector<16xi32>
    %eq3A_3572 = arith.cmpi eq, %and3A_3565, %eq3A_3571 : vector<16xi32>
    %mul3A_3573 = arith.constant 1.562500e-02 : f32
    %mul3A_3574 = vector.broadcast %mul3A_3573 : f32 to vector<16xf32>
    %mul3A_3575 = arith.mulf %convert_element_type3A_3569, %mul3A_3574 : vector<16xf32>
    %mul3A_3576 = arith.constant 7.812500e-03 : f32
    %mul3A_3577 = vector.broadcast %mul3A_3576 : f32 to vector<16xf32>
    %mul3A_3578 = arith.mulf %convert_element_type3A_3569, %mul3A_3577 : vector<16xf32>
    %add3A_3579 = arith.constant 1.000000e+00 : f32
    %add3A_3580 = vector.broadcast %add3A_3579 : f32 to vector<16xf32>
    %add3A_3581 = arith.addf %mul3A_3578, %add3A_3580 : vector<16xf32>
    %select_n3A_3582 = arith.select %eq3A_3572, %mul3A_3575, %add3A_3581 : vector<16xi1>, vector<16xf32>
    %sub3A_3583 = arith.constant 127 : i32
    %sub3A_3584 = vector.broadcast %sub3A_3583 : i32 to vector<16xi32>
    %sub3A_3585 = arith.subi %and3A_3565, %sub3A_3584 : vector<16xi32>
    %convert_element_type3A_3586 = arith.sitofp %sub3A_3585 : vector<16xi32> to vector<16xf32>
    %mul3A_3587 = arith.constant 0.693147182 : f32
    %mul3A_3588 = vector.broadcast %mul3A_3587 : f32 to vector<16xf32>
    %mul3A_3589 = arith.mulf %convert_element_type3A_3586, %mul3A_3588 : vector<16xf32>
    %exp3A_3590 = math.exp %mul3A_3589 : vector<16xf32>
    %mul3A_3591 = arith.mulf %select_n3A_3582, %exp3A_3590 : vector<16xf32>
    %eq3A_3592 = arith.constant 1 : i32
    %eq3A_3593 = vector.broadcast %eq3A_3592 : i32 to vector<16xi32>
    %eq3A_3594 = arith.cmpi eq, %shift_right_logical3A_3559, %eq3A_3593 : vector<16xi32>
    %neg3A_3595 = arith.constant 0.000000e+00 : f32
    %neg3A_3596 = vector.broadcast %neg3A_3595 : f32 to vector<16xf32>
    %neg3A_3597 = arith.subf %neg3A_3596, %mul3A_3591 : vector<16xf32>
    %select_n3A_3598 = arith.select %eq3A_3594, %neg3A_3597, %mul3A_3591 : vector<16xi1>, vector<16xf32>
    %get3A_3599 = arith.constant 416 : index
    %get3A_3600 = tpu.vector_load %arg12[%get3A_3599] {strides = array<i32>} : memref<512xf32, #tpu.memory_space<vmem>>, vector<16xf32>,
    %get3A_3601 = vector.shape_cast %get3A_3600 : vector<16xf32> to vector<16xf32>
    %get3A_3602 = arith.constant 416 : index
    %get3A_3603 = tpu.vector_load %arg13[%get3A_3602] {strides = array<i32>} : memref<512xf32, #tpu.memory_space<vmem>>, vector<16xf32>,
    %get3A_3604 = vector.shape_cast %get3A_3603 : vector<16xf32> to vector<16xf32>
    %get3A_3605 = arith.constant 416 : index
    %get3A_3606 = tpu.vector_load %arg14[%get3A_3605] {strides = array<i32>} : memref<512xf32, #tpu.memory_space<vmem>>, vector<16xf32>,
    %get3A_3607 = vector.shape_cast %get3A_3606 : vector<16xf32> to vector<16xf32>
    %ne3A_3608 = arith.constant 0.000000e+00 : f32
    %ne3A_3609 = vector.broadcast %ne3A_3608 : f32 to vector<16xf32>
    %ne3A_3610 = arith.cmpf one, %get3A_3601, %ne3A_3609 : vector<16xf32>
    %mul3A_3611 = arith.mulf %select_n3A_3553, %get3A_3601 : vector<16xf32>
    %sub3A_3612 = arith.constant 1.000000e+00 : f32
    %sub3A_3613 = vector.broadcast %sub3A_3612 : f32 to vector<16xf32>
    %sub3A_3614 = arith.subf %sub3A_3613, %select_n3A_3553 : vector<16xf32>
    %mul3A_3615 = arith.mulf %sub3A_3614, %get3A_3604 : vector<16xf32>
    %add3A_3616 = arith.addf %mul3A_3611, %mul3A_3615 : vector<16xf32>
    %select_n3A_3617 = arith.select %ne3A_3610, %add3A_3616, %get3A_3604 : vector<16xi1>, vector<16xf32>
    %jit3A_3618 = arith.constant 0.000000e+00 : f32
    %broadcast_in_dim3A_3619 = vector.broadcast %jit3A_3618 : f32 to vector<16xf32>
    %select_n3A_3620 = arith.select %ne3A_3610, %select_n3A_3598, %broadcast_in_dim3A_3619 : vector<16xi1>, vector<16xf32>
    %sub3A_3621 = arith.constant 1.000000e+00 : f32
    %sub3A_3622 = vector.broadcast %sub3A_3621 : f32 to vector<16xf32>
    %sub3A_3623 = arith.subf %sub3A_3622, %select_n3A_3598 : vector<16xf32>
    %mul3A_3624 = arith.mulf %sub3A_3623, %get3A_3607 : vector<16xf32>
    %add3A_3625 = arith.addf %select_n3A_3620, %mul3A_3624 : vector<16xf32>
    %mul3A_3626 = arith.mulf %select_n3A_3617, %add3A_3625 : vector<16xf32>
    %swap3A_3627 = arith.constant 416 : index
    %swap3A_3628 = tpu.vector_load %arg15[%swap3A_3627] {strides = array<i32>} : memref<512xf32, #tpu.memory_space<vmem>>, vector<16xf32>,
    %swap3A_3629 = vector.shape_cast %swap3A_3628 : vector<16xf32> to vector<16xf32>
    %swap3A_3630 = vector.shape_cast %mul3A_3626 : vector<16xf32> to vector<16xf32>
    tpu.vector_store %arg15[%swap3A_3627], %swap3A_3630 {strides = array<i32>} : memref<512xf32, #tpu.memory_space<vmem>>, vector<16xf32>,
    %swap3A_3631 = arith.constant 416 : index
    %swap3A_3632 = tpu.vector_load %arg16[%swap3A_3631] {strides = array<i32>} : memref<512xf32, #tpu.memory_space<vmem>>, vector<16xf32>,
    %swap3A_3633 = vector.shape_cast %swap3A_3632 : vector<16xf32> to vector<16xf32>
    %swap3A_3634 = vector.shape_cast %select_n3A_3617 : vector<16xf32> to vector<16xf32>
    tpu.vector_store %arg16[%swap3A_3631], %swap3A_3634 {strides = array<i32>} : memref<512xf32, #tpu.memory_space<vmem>>, vector<16xf32>,
    %swap3A_3635 = arith.constant 416 : index
    %swap3A_3636 = tpu.vector_load %arg17[%swap3A_3635] {strides = array<i32>} : memref<512xf32, #tpu.memory_space<vmem>>, vector<16xf32>,
    %swap3A_3637 = vector.shape_cast %swap3A_3636 : vector<16xf32> to vector<16xf32>
    %swap3A_3638 = vector.shape_cast %add3A_3625 : vector<16xf32> to vector<16xf32>
    tpu.vector_store %arg17[%swap3A_3635], %swap3A_3638 {strides = array<i32>} : memref<512xf32, #tpu.memory_space<vmem>>, vector<16xf32>,
    %get3A_3639 = arith.constant 432 : index
    %get3A_3640 = tpu.vector_load %arg11[%get3A_3639] {strides = array<i32>} : memref<512xi32, #tpu.memory_space<vmem>>, vector<16xi32>,
    %get3A_3641 = vector.shape_cast %get3A_3640 : vector<16xi32> to vector<16xi32>
    %shift_right_logical3A_3642 = arith.constant 16 : i32
    %shift_right_logical3A_3643 = vector.broadcast %shift_right_logical3A_3642 : i32 to vector<16xi32>
    %shift_right_logical3A_3644 = arith.shrui %get3A_3641, %shift_right_logical3A_3643 : vector<16xi32>
    %shift_right_logical3A_3645 = arith.constant 15 : i32
    %shift_right_logical3A_3646 = vector.broadcast %shift_right_logical3A_3645 : i32 to vector<16xi32>
    %shift_right_logical3A_3647 = arith.shrui %shift_right_logical3A_3644, %shift_right_logical3A_3646 : vector<16xi32>
    %shift_right_logical3A_3648 = arith.constant 7 : i32
    %shift_right_logical3A_3649 = vector.broadcast %shift_right_logical3A_3648 : i32 to vector<16xi32>
    %shift_right_logical3A_3650 = arith.shrui %shift_right_logical3A_3644, %shift_right_logical3A_3649 : vector<16xi32>
    %and3A_3651 = arith.constant 255 : i32
    %and3A_3652 = vector.broadcast %and3A_3651 : i32 to vector<16xi32>
    %and3A_3653 = arith.andi %shift_right_logical3A_3650, %and3A_3652 : vector<16xi32>
    %and3A_3654 = arith.constant 127 : i32
    %and3A_3655 = vector.broadcast %and3A_3654 : i32 to vector<16xi32>
    %and3A_3656 = arith.andi %shift_right_logical3A_3644, %and3A_3655 : vector<16xi32>
    %convert_element_type3A_3657 = arith.sitofp %and3A_3656 : vector<16xi32> to vector<16xf32>
    %eq3A_3658 = arith.constant 0 : i32
    %eq3A_3659 = vector.broadcast %eq3A_3658 : i32 to vector<16xi32>
    %eq3A_3660 = arith.cmpi eq, %and3A_3653, %eq3A_3659 : vector<16xi32>
    %mul3A_3661 = arith.constant 1.562500e-02 : f32
    %mul3A_3662 = vector.broadcast %mul3A_3661 : f32 to vector<16xf32>
    %mul3A_3663 = arith.mulf %convert_element_type3A_3657, %mul3A_3662 : vector<16xf32>
    %mul3A_3664 = arith.constant 7.812500e-03 : f32
    %mul3A_3665 = vector.broadcast %mul3A_3664 : f32 to vector<16xf32>
    %mul3A_3666 = arith.mulf %convert_element_type3A_3657, %mul3A_3665 : vector<16xf32>
    %add3A_3667 = arith.constant 1.000000e+00 : f32
    %add3A_3668 = vector.broadcast %add3A_3667 : f32 to vector<16xf32>
    %add3A_3669 = arith.addf %mul3A_3666, %add3A_3668 : vector<16xf32>
    %select_n3A_3670 = arith.select %eq3A_3660, %mul3A_3663, %add3A_3669 : vector<16xi1>, vector<16xf32>
    %sub3A_3671 = arith.constant 127 : i32
    %sub3A_3672 = vector.broadcast %sub3A_3671 : i32 to vector<16xi32>
    %sub3A_3673 = arith.subi %and3A_3653, %sub3A_3672 : vector<16xi32>
    %convert_element_type3A_3674 = arith.sitofp %sub3A_3673 : vector<16xi32> to vector<16xf32>
    %mul3A_3675 = arith.constant 0.693147182 : f32
    %mul3A_3676 = vector.broadcast %mul3A_3675 : f32 to vector<16xf32>
    %mul3A_3677 = arith.mulf %convert_element_type3A_3674, %mul3A_3676 : vector<16xf32>
    %exp3A_3678 = math.exp %mul3A_3677 : vector<16xf32>
    %mul3A_3679 = arith.mulf %select_n3A_3670, %exp3A_3678 : vector<16xf32>
    %eq3A_3680 = arith.constant 1 : i32
    %eq3A_3681 = vector.broadcast %eq3A_3680 : i32 to vector<16xi32>
    %eq3A_3682 = arith.cmpi eq, %shift_right_logical3A_3647, %eq3A_3681 : vector<16xi32>
    %neg3A_3683 = arith.constant 0.000000e+00 : f32
    %neg3A_3684 = vector.broadcast %neg3A_3683 : f32 to vector<16xf32>
    %neg3A_3685 = arith.subf %neg3A_3684, %mul3A_3679 : vector<16xf32>
    %select_n3A_3686 = arith.select %eq3A_3682, %neg3A_3685, %mul3A_3679 : vector<16xi1>, vector<16xf32>
    %and3A_3687 = arith.constant 65535 : i32
    %and3A_3688 = vector.broadcast %and3A_3687 : i32 to vector<16xi32>
    %and3A_3689 = arith.andi %get3A_3641, %and3A_3688 : vector<16xi32>
    %shift_right_logical3A_3690 = arith.constant 15 : i32
    %shift_right_logical3A_3691 = vector.broadcast %shift_right_logical3A_3690 : i32 to vector<16xi32>
    %shift_right_logical3A_3692 = arith.shrui %and3A_3689, %shift_right_logical3A_3691 : vector<16xi32>
    %shift_right_logical3A_3693 = arith.constant 7 : i32
    %shift_right_logical3A_3694 = vector.broadcast %shift_right_logical3A_3693 : i32 to vector<16xi32>
    %shift_right_logical3A_3695 = arith.shrui %and3A_3689, %shift_right_logical3A_3694 : vector<16xi32>
    %and3A_3696 = arith.constant 255 : i32
    %and3A_3697 = vector.broadcast %and3A_3696 : i32 to vector<16xi32>
    %and3A_3698 = arith.andi %shift_right_logical3A_3695, %and3A_3697 : vector<16xi32>
    %and3A_3699 = arith.constant 127 : i32
    %and3A_3700 = vector.broadcast %and3A_3699 : i32 to vector<16xi32>
    %and3A_3701 = arith.andi %and3A_3689, %and3A_3700 : vector<16xi32>
    %convert_element_type3A_3702 = arith.sitofp %and3A_3701 : vector<16xi32> to vector<16xf32>
    %eq3A_3703 = arith.constant 0 : i32
    %eq3A_3704 = vector.broadcast %eq3A_3703 : i32 to vector<16xi32>
    %eq3A_3705 = arith.cmpi eq, %and3A_3698, %eq3A_3704 : vector<16xi32>
    %mul3A_3706 = arith.constant 1.562500e-02 : f32
    %mul3A_3707 = vector.broadcast %mul3A_3706 : f32 to vector<16xf32>
    %mul3A_3708 = arith.mulf %convert_element_type3A_3702, %mul3A_3707 : vector<16xf32>
    %mul3A_3709 = arith.constant 7.812500e-03 : f32
    %mul3A_3710 = vector.broadcast %mul3A_3709 : f32 to vector<16xf32>
    %mul3A_3711 = arith.mulf %convert_element_type3A_3702, %mul3A_3710 : vector<16xf32>
    %add3A_3712 = arith.constant 1.000000e+00 : f32
    %add3A_3713 = vector.broadcast %add3A_3712 : f32 to vector<16xf32>
    %add3A_3714 = arith.addf %mul3A_3711, %add3A_3713 : vector<16xf32>
    %select_n3A_3715 = arith.select %eq3A_3705, %mul3A_3708, %add3A_3714 : vector<16xi1>, vector<16xf32>
    %sub3A_3716 = arith.constant 127 : i32
    %sub3A_3717 = vector.broadcast %sub3A_3716 : i32 to vector<16xi32>
    %sub3A_3718 = arith.subi %and3A_3698, %sub3A_3717 : vector<16xi32>
    %convert_element_type3A_3719 = arith.sitofp %sub3A_3718 : vector<16xi32> to vector<16xf32>
    %mul3A_3720 = arith.constant 0.693147182 : f32
    %mul3A_3721 = vector.broadcast %mul3A_3720 : f32 to vector<16xf32>
    %mul3A_3722 = arith.mulf %convert_element_type3A_3719, %mul3A_3721 : vector<16xf32>
    %exp3A_3723 = math.exp %mul3A_3722 : vector<16xf32>
    %mul3A_3724 = arith.mulf %select_n3A_3715, %exp3A_3723 : vector<16xf32>
    %eq3A_3725 = arith.constant 1 : i32
    %eq3A_3726 = vector.broadcast %eq3A_3725 : i32 to vector<16xi32>
    %eq3A_3727 = arith.cmpi eq, %shift_right_logical3A_3692, %eq3A_3726 : vector<16xi32>
    %neg3A_3728 = arith.constant 0.000000e+00 : f32
    %neg3A_3729 = vector.broadcast %neg3A_3728 : f32 to vector<16xf32>
    %neg3A_3730 = arith.subf %neg3A_3729, %mul3A_3724 : vector<16xf32>
    %select_n3A_3731 = arith.select %eq3A_3727, %neg3A_3730, %mul3A_3724 : vector<16xi1>, vector<16xf32>
    %get3A_3732 = arith.constant 432 : index
    %get3A_3733 = tpu.vector_load %arg12[%get3A_3732] {strides = array<i32>} : memref<512xf32, #tpu.memory_space<vmem>>, vector<16xf32>,
    %get3A_3734 = vector.shape_cast %get3A_3733 : vector<16xf32> to vector<16xf32>
    %get3A_3735 = arith.constant 432 : index
    %get3A_3736 = tpu.vector_load %arg13[%get3A_3735] {strides = array<i32>} : memref<512xf32, #tpu.memory_space<vmem>>, vector<16xf32>,
    %get3A_3737 = vector.shape_cast %get3A_3736 : vector<16xf32> to vector<16xf32>
    %get3A_3738 = arith.constant 432 : index
    %get3A_3739 = tpu.vector_load %arg14[%get3A_3738] {strides = array<i32>} : memref<512xf32, #tpu.memory_space<vmem>>, vector<16xf32>,
    %get3A_3740 = vector.shape_cast %get3A_3739 : vector<16xf32> to vector<16xf32>
    %ne3A_3741 = arith.constant 0.000000e+00 : f32
    %ne3A_3742 = vector.broadcast %ne3A_3741 : f32 to vector<16xf32>
    %ne3A_3743 = arith.cmpf one, %get3A_3734, %ne3A_3742 : vector<16xf32>
    %mul3A_3744 = arith.mulf %select_n3A_3686, %get3A_3734 : vector<16xf32>
    %sub3A_3745 = arith.constant 1.000000e+00 : f32
    %sub3A_3746 = vector.broadcast %sub3A_3745 : f32 to vector<16xf32>
    %sub3A_3747 = arith.subf %sub3A_3746, %select_n3A_3686 : vector<16xf32>
    %mul3A_3748 = arith.mulf %sub3A_3747, %get3A_3737 : vector<16xf32>
    %add3A_3749 = arith.addf %mul3A_3744, %mul3A_3748 : vector<16xf32>
    %select_n3A_3750 = arith.select %ne3A_3743, %add3A_3749, %get3A_3737 : vector<16xi1>, vector<16xf32>
    %jit3A_3751 = arith.constant 0.000000e+00 : f32
    %broadcast_in_dim3A_3752 = vector.broadcast %jit3A_3751 : f32 to vector<16xf32>
    %select_n3A_3753 = arith.select %ne3A_3743, %select_n3A_3731, %broadcast_in_dim3A_3752 : vector<16xi1>, vector<16xf32>
    %sub3A_3754 = arith.constant 1.000000e+00 : f32
    %sub3A_3755 = vector.broadcast %sub3A_3754 : f32 to vector<16xf32>
    %sub3A_3756 = arith.subf %sub3A_3755, %select_n3A_3731 : vector<16xf32>
    %mul3A_3757 = arith.mulf %sub3A_3756, %get3A_3740 : vector<16xf32>
    %add3A_3758 = arith.addf %select_n3A_3753, %mul3A_3757 : vector<16xf32>
    %mul3A_3759 = arith.mulf %select_n3A_3750, %add3A_3758 : vector<16xf32>
    %swap3A_3760 = arith.constant 432 : index
    %swap3A_3761 = tpu.vector_load %arg15[%swap3A_3760] {strides = array<i32>} : memref<512xf32, #tpu.memory_space<vmem>>, vector<16xf32>,
    %swap3A_3762 = vector.shape_cast %swap3A_3761 : vector<16xf32> to vector<16xf32>
    %swap3A_3763 = vector.shape_cast %mul3A_3759 : vector<16xf32> to vector<16xf32>
    tpu.vector_store %arg15[%swap3A_3760], %swap3A_3763 {strides = array<i32>} : memref<512xf32, #tpu.memory_space<vmem>>, vector<16xf32>,
    %swap3A_3764 = arith.constant 432 : index
    %swap3A_3765 = tpu.vector_load %arg16[%swap3A_3764] {strides = array<i32>} : memref<512xf32, #tpu.memory_space<vmem>>, vector<16xf32>,
    %swap3A_3766 = vector.shape_cast %swap3A_3765 : vector<16xf32> to vector<16xf32>
    %swap3A_3767 = vector.shape_cast %select_n3A_3750 : vector<16xf32> to vector<16xf32>
    tpu.vector_store %arg16[%swap3A_3764], %swap3A_3767 {strides = array<i32>} : memref<512xf32, #tpu.memory_space<vmem>>, vector<16xf32>,
    %swap3A_3768 = arith.constant 432 : index
    %swap3A_3769 = tpu.vector_load %arg17[%swap3A_3768] {strides = array<i32>} : memref<512xf32, #tpu.memory_space<vmem>>, vector<16xf32>,
    %swap3A_3770 = vector.shape_cast %swap3A_3769 : vector<16xf32> to vector<16xf32>
    %swap3A_3771 = vector.shape_cast %add3A_3758 : vector<16xf32> to vector<16xf32>
    tpu.vector_store %arg17[%swap3A_3768], %swap3A_3771 {strides = array<i32>} : memref<512xf32, #tpu.memory_space<vmem>>, vector<16xf32>,
    %get3A_3772 = arith.constant 448 : index
    %get3A_3773 = tpu.vector_load %arg11[%get3A_3772] {strides = array<i32>} : memref<512xi32, #tpu.memory_space<vmem>>, vector<16xi32>,
    %get3A_3774 = vector.shape_cast %get3A_3773 : vector<16xi32> to vector<16xi32>
    %shift_right_logical3A_3775 = arith.constant 16 : i32
    %shift_right_logical3A_3776 = vector.broadcast %shift_right_logical3A_3775 : i32 to vector<16xi32>
    %shift_right_logical3A_3777 = arith.shrui %get3A_3774, %shift_right_logical3A_3776 : vector<16xi32>
    %shift_right_logical3A_3778 = arith.constant 15 : i32
    %shift_right_logical3A_3779 = vector.broadcast %shift_right_logical3A_3778 : i32 to vector<16xi32>
    %shift_right_logical3A_3780 = arith.shrui %shift_right_logical3A_3777, %shift_right_logical3A_3779 : vector<16xi32>
    %shift_right_logical3A_3781 = arith.constant 7 : i32
    %shift_right_logical3A_3782 = vector.broadcast %shift_right_logical3A_3781 : i32 to vector<16xi32>
    %shift_right_logical3A_3783 = arith.shrui %shift_right_logical3A_3777, %shift_right_logical3A_3782 : vector<16xi32>
    %and3A_3784 = arith.constant 255 : i32
    %and3A_3785 = vector.broadcast %and3A_3784 : i32 to vector<16xi32>
    %and3A_3786 = arith.andi %shift_right_logical3A_3783, %and3A_3785 : vector<16xi32>
    %and3A_3787 = arith.constant 127 : i32
    %and3A_3788 = vector.broadcast %and3A_3787 : i32 to vector<16xi32>
    %and3A_3789 = arith.andi %shift_right_logical3A_3777, %and3A_3788 : vector<16xi32>
    %convert_element_type3A_3790 = arith.sitofp %and3A_3789 : vector<16xi32> to vector<16xf32>
    %eq3A_3791 = arith.constant 0 : i32
    %eq3A_3792 = vector.broadcast %eq3A_3791 : i32 to vector<16xi32>
    %eq3A_3793 = arith.cmpi eq, %and3A_3786, %eq3A_3792 : vector<16xi32>
    %mul3A_3794 = arith.constant 1.562500e-02 : f32
    %mul3A_3795 = vector.broadcast %mul3A_3794 : f32 to vector<16xf32>
    %mul3A_3796 = arith.mulf %convert_element_type3A_3790, %mul3A_3795 : vector<16xf32>
    %mul3A_3797 = arith.constant 7.812500e-03 : f32
    %mul3A_3798 = vector.broadcast %mul3A_3797 : f32 to vector<16xf32>
    %mul3A_3799 = arith.mulf %convert_element_type3A_3790, %mul3A_3798 : vector<16xf32>
    %add3A_3800 = arith.constant 1.000000e+00 : f32
    %add3A_3801 = vector.broadcast %add3A_3800 : f32 to vector<16xf32>
    %add3A_3802 = arith.addf %mul3A_3799, %add3A_3801 : vector<16xf32>
    %select_n3A_3803 = arith.select %eq3A_3793, %mul3A_3796, %add3A_3802 : vector<16xi1>, vector<16xf32>
    %sub3A_3804 = arith.constant 127 : i32
    %sub3A_3805 = vector.broadcast %sub3A_3804 : i32 to vector<16xi32>
    %sub3A_3806 = arith.subi %and3A_3786, %sub3A_3805 : vector<16xi32>
    %convert_element_type3A_3807 = arith.sitofp %sub3A_3806 : vector<16xi32> to vector<16xf32>
    %mul3A_3808 = arith.constant 0.693147182 : f32
    %mul3A_3809 = vector.broadcast %mul3A_3808 : f32 to vector<16xf32>
    %mul3A_3810 = arith.mulf %convert_element_type3A_3807, %mul3A_3809 : vector<16xf32>
    %exp3A_3811 = math.exp %mul3A_3810 : vector<16xf32>
    %mul3A_3812 = arith.mulf %select_n3A_3803, %exp3A_3811 : vector<16xf32>
    %eq3A_3813 = arith.constant 1 : i32
    %eq3A_3814 = vector.broadcast %eq3A_3813 : i32 to vector<16xi32>
    %eq3A_3815 = arith.cmpi eq, %shift_right_logical3A_3780, %eq3A_3814 : vector<16xi32>
    %neg3A_3816 = arith.constant 0.000000e+00 : f32
    %neg3A_3817 = vector.broadcast %neg3A_3816 : f32 to vector<16xf32>
    %neg3A_3818 = arith.subf %neg3A_3817, %mul3A_3812 : vector<16xf32>
    %select_n3A_3819 = arith.select %eq3A_3815, %neg3A_3818, %mul3A_3812 : vector<16xi1>, vector<16xf32>
    %and3A_3820 = arith.constant 65535 : i32
    %and3A_3821 = vector.broadcast %and3A_3820 : i32 to vector<16xi32>
    %and3A_3822 = arith.andi %get3A_3774, %and3A_3821 : vector<16xi32>
    %shift_right_logical3A_3823 = arith.constant 15 : i32
    %shift_right_logical3A_3824 = vector.broadcast %shift_right_logical3A_3823 : i32 to vector<16xi32>
    %shift_right_logical3A_3825 = arith.shrui %and3A_3822, %shift_right_logical3A_3824 : vector<16xi32>
    %shift_right_logical3A_3826 = arith.constant 7 : i32
    %shift_right_logical3A_3827 = vector.broadcast %shift_right_logical3A_3826 : i32 to vector<16xi32>
    %shift_right_logical3A_3828 = arith.shrui %and3A_3822, %shift_right_logical3A_3827 : vector<16xi32>
    %and3A_3829 = arith.constant 255 : i32
    %and3A_3830 = vector.broadcast %and3A_3829 : i32 to vector<16xi32>
    %and3A_3831 = arith.andi %shift_right_logical3A_3828, %and3A_3830 : vector<16xi32>
    %and3A_3832 = arith.constant 127 : i32
    %and3A_3833 = vector.broadcast %and3A_3832 : i32 to vector<16xi32>
    %and3A_3834 = arith.andi %and3A_3822, %and3A_3833 : vector<16xi32>
    %convert_element_type3A_3835 = arith.sitofp %and3A_3834 : vector<16xi32> to vector<16xf32>
    %eq3A_3836 = arith.constant 0 : i32
    %eq3A_3837 = vector.broadcast %eq3A_3836 : i32 to vector<16xi32>
    %eq3A_3838 = arith.cmpi eq, %and3A_3831, %eq3A_3837 : vector<16xi32>
    %mul3A_3839 = arith.constant 1.562500e-02 : f32
    %mul3A_3840 = vector.broadcast %mul3A_3839 : f32 to vector<16xf32>
    %mul3A_3841 = arith.mulf %convert_element_type3A_3835, %mul3A_3840 : vector<16xf32>
    %mul3A_3842 = arith.constant 7.812500e-03 : f32
    %mul3A_3843 = vector.broadcast %mul3A_3842 : f32 to vector<16xf32>
    %mul3A_3844 = arith.mulf %convert_element_type3A_3835, %mul3A_3843 : vector<16xf32>
    %add3A_3845 = arith.constant 1.000000e+00 : f32
    %add3A_3846 = vector.broadcast %add3A_3845 : f32 to vector<16xf32>
    %add3A_3847 = arith.addf %mul3A_3844, %add3A_3846 : vector<16xf32>
    %select_n3A_3848 = arith.select %eq3A_3838, %mul3A_3841, %add3A_3847 : vector<16xi1>, vector<16xf32>
    %sub3A_3849 = arith.constant 127 : i32
    %sub3A_3850 = vector.broadcast %sub3A_3849 : i32 to vector<16xi32>
    %sub3A_3851 = arith.subi %and3A_3831, %sub3A_3850 : vector<16xi32>
    %convert_element_type3A_3852 = arith.sitofp %sub3A_3851 : vector<16xi32> to vector<16xf32>
    %mul3A_3853 = arith.constant 0.693147182 : f32
    %mul3A_3854 = vector.broadcast %mul3A_3853 : f32 to vector<16xf32>
    %mul3A_3855 = arith.mulf %convert_element_type3A_3852, %mul3A_3854 : vector<16xf32>
    %exp3A_3856 = math.exp %mul3A_3855 : vector<16xf32>
    %mul3A_3857 = arith.mulf %select_n3A_3848, %exp3A_3856 : vector<16xf32>
    %eq3A_3858 = arith.constant 1 : i32
    %eq3A_3859 = vector.broadcast %eq3A_3858 : i32 to vector<16xi32>
    %eq3A_3860 = arith.cmpi eq, %shift_right_logical3A_3825, %eq3A_3859 : vector<16xi32>
    %neg3A_3861 = arith.constant 0.000000e+00 : f32
    %neg3A_3862 = vector.broadcast %neg3A_3861 : f32 to vector<16xf32>
    %neg3A_3863 = arith.subf %neg3A_3862, %mul3A_3857 : vector<16xf32>
    %select_n3A_3864 = arith.select %eq3A_3860, %neg3A_3863, %mul3A_3857 : vector<16xi1>, vector<16xf32>
    %get3A_3865 = arith.constant 448 : index
    %get3A_3866 = tpu.vector_load %arg12[%get3A_3865] {strides = array<i32>} : memref<512xf32, #tpu.memory_space<vmem>>, vector<16xf32>,
    %get3A_3867 = vector.shape_cast %get3A_3866 : vector<16xf32> to vector<16xf32>
    %get3A_3868 = arith.constant 448 : index
    %get3A_3869 = tpu.vector_load %arg13[%get3A_3868] {strides = array<i32>} : memref<512xf32, #tpu.memory_space<vmem>>, vector<16xf32>,
    %get3A_3870 = vector.shape_cast %get3A_3869 : vector<16xf32> to vector<16xf32>
    %get3A_3871 = arith.constant 448 : index
    %get3A_3872 = tpu.vector_load %arg14[%get3A_3871] {strides = array<i32>} : memref<512xf32, #tpu.memory_space<vmem>>, vector<16xf32>,
    %get3A_3873 = vector.shape_cast %get3A_3872 : vector<16xf32> to vector<16xf32>
    %ne3A_3874 = arith.constant 0.000000e+00 : f32
    %ne3A_3875 = vector.broadcast %ne3A_3874 : f32 to vector<16xf32>
    %ne3A_3876 = arith.cmpf one, %get3A_3867, %ne3A_3875 : vector<16xf32>
    %mul3A_3877 = arith.mulf %select_n3A_3819, %get3A_3867 : vector<16xf32>
    %sub3A_3878 = arith.constant 1.000000e+00 : f32
    %sub3A_3879 = vector.broadcast %sub3A_3878 : f32 to vector<16xf32>
    %sub3A_3880 = arith.subf %sub3A_3879, %select_n3A_3819 : vector<16xf32>
    %mul3A_3881 = arith.mulf %sub3A_3880, %get3A_3870 : vector<16xf32>
    %add3A_3882 = arith.addf %mul3A_3877, %mul3A_3881 : vector<16xf32>
    %select_n3A_3883 = arith.select %ne3A_3876, %add3A_3882, %get3A_3870 : vector<16xi1>, vector<16xf32>
    %jit3A_3884 = arith.constant 0.000000e+00 : f32
    %broadcast_in_dim3A_3885 = vector.broadcast %jit3A_3884 : f32 to vector<16xf32>
    %select_n3A_3886 = arith.select %ne3A_3876, %select_n3A_3864, %broadcast_in_dim3A_3885 : vector<16xi1>, vector<16xf32>
    %sub3A_3887 = arith.constant 1.000000e+00 : f32
    %sub3A_3888 = vector.broadcast %sub3A_3887 : f32 to vector<16xf32>
    %sub3A_3889 = arith.subf %sub3A_3888, %select_n3A_3864 : vector<16xf32>
    %mul3A_3890 = arith.mulf %sub3A_3889, %get3A_3873 : vector<16xf32>
    %add3A_3891 = arith.addf %select_n3A_3886, %mul3A_3890 : vector<16xf32>
    %mul3A_3892 = arith.mulf %select_n3A_3883, %add3A_3891 : vector<16xf32>
    %swap3A_3893 = arith.constant 448 : index
    %swap3A_3894 = tpu.vector_load %arg15[%swap3A_3893] {strides = array<i32>} : memref<512xf32, #tpu.memory_space<vmem>>, vector<16xf32>,
    %swap3A_3895 = vector.shape_cast %swap3A_3894 : vector<16xf32> to vector<16xf32>
    %swap3A_3896 = vector.shape_cast %mul3A_3892 : vector<16xf32> to vector<16xf32>
    tpu.vector_store %arg15[%swap3A_3893], %swap3A_3896 {strides = array<i32>} : memref<512xf32, #tpu.memory_space<vmem>>, vector<16xf32>,
    %swap3A_3897 = arith.constant 448 : index
    %swap3A_3898 = tpu.vector_load %arg16[%swap3A_3897] {strides = array<i32>} : memref<512xf32, #tpu.memory_space<vmem>>, vector<16xf32>,
    %swap3A_3899 = vector.shape_cast %swap3A_3898 : vector<16xf32> to vector<16xf32>
    %swap3A_3900 = vector.shape_cast %select_n3A_3883 : vector<16xf32> to vector<16xf32>
    tpu.vector_store %arg16[%swap3A_3897], %swap3A_3900 {strides = array<i32>} : memref<512xf32, #tpu.memory_space<vmem>>, vector<16xf32>,
    %swap3A_3901 = arith.constant 448 : index
    %swap3A_3902 = tpu.vector_load %arg17[%swap3A_3901] {strides = array<i32>} : memref<512xf32, #tpu.memory_space<vmem>>, vector<16xf32>,
    %swap3A_3903 = vector.shape_cast %swap3A_3902 : vector<16xf32> to vector<16xf32>
    %swap3A_3904 = vector.shape_cast %add3A_3891 : vector<16xf32> to vector<16xf32>
    tpu.vector_store %arg17[%swap3A_3901], %swap3A_3904 {strides = array<i32>} : memref<512xf32, #tpu.memory_space<vmem>>, vector<16xf32>,
    %get3A_3905 = arith.constant 464 : index
    %get3A_3906 = tpu.vector_load %arg11[%get3A_3905] {strides = array<i32>} : memref<512xi32, #tpu.memory_space<vmem>>, vector<16xi32>,
    %get3A_3907 = vector.shape_cast %get3A_3906 : vector<16xi32> to vector<16xi32>
    %shift_right_logical3A_3908 = arith.constant 16 : i32
    %shift_right_logical3A_3909 = vector.broadcast %shift_right_logical3A_3908 : i32 to vector<16xi32>
    %shift_right_logical3A_3910 = arith.shrui %get3A_3907, %shift_right_logical3A_3909 : vector<16xi32>
    %shift_right_logical3A_3911 = arith.constant 15 : i32
    %shift_right_logical3A_3912 = vector.broadcast %shift_right_logical3A_3911 : i32 to vector<16xi32>
    %shift_right_logical3A_3913 = arith.shrui %shift_right_logical3A_3910, %shift_right_logical3A_3912 : vector<16xi32>
    %shift_right_logical3A_3914 = arith.constant 7 : i32
    %shift_right_logical3A_3915 = vector.broadcast %shift_right_logical3A_3914 : i32 to vector<16xi32>
    %shift_right_logical3A_3916 = arith.shrui %shift_right_logical3A_3910, %shift_right_logical3A_3915 : vector<16xi32>
    %and3A_3917 = arith.constant 255 : i32
    %and3A_3918 = vector.broadcast %and3A_3917 : i32 to vector<16xi32>
    %and3A_3919 = arith.andi %shift_right_logical3A_3916, %and3A_3918 : vector<16xi32>
    %and3A_3920 = arith.constant 127 : i32
    %and3A_3921 = vector.broadcast %and3A_3920 : i32 to vector<16xi32>
    %and3A_3922 = arith.andi %shift_right_logical3A_3910, %and3A_3921 : vector<16xi32>
    %convert_element_type3A_3923 = arith.sitofp %and3A_3922 : vector<16xi32> to vector<16xf32>
    %eq3A_3924 = arith.constant 0 : i32
    %eq3A_3925 = vector.broadcast %eq3A_3924 : i32 to vector<16xi32>
    %eq3A_3926 = arith.cmpi eq, %and3A_3919, %eq3A_3925 : vector<16xi32>
    %mul3A_3927 = arith.constant 1.562500e-02 : f32
    %mul3A_3928 = vector.broadcast %mul3A_3927 : f32 to vector<16xf32>
    %mul3A_3929 = arith.mulf %convert_element_type3A_3923, %mul3A_3928 : vector<16xf32>
    %mul3A_3930 = arith.constant 7.812500e-03 : f32
    %mul3A_3931 = vector.broadcast %mul3A_3930 : f32 to vector<16xf32>
    %mul3A_3932 = arith.mulf %convert_element_type3A_3923, %mul3A_3931 : vector<16xf32>
    %add3A_3933 = arith.constant 1.000000e+00 : f32
    %add3A_3934 = vector.broadcast %add3A_3933 : f32 to vector<16xf32>
    %add3A_3935 = arith.addf %mul3A_3932, %add3A_3934 : vector<16xf32>
    %select_n3A_3936 = arith.select %eq3A_3926, %mul3A_3929, %add3A_3935 : vector<16xi1>, vector<16xf32>
    %sub3A_3937 = arith.constant 127 : i32
    %sub3A_3938 = vector.broadcast %sub3A_3937 : i32 to vector<16xi32>
    %sub3A_3939 = arith.subi %and3A_3919, %sub3A_3938 : vector<16xi32>
    %convert_element_type3A_3940 = arith.sitofp %sub3A_3939 : vector<16xi32> to vector<16xf32>
    %mul3A_3941 = arith.constant 0.693147182 : f32
    %mul3A_3942 = vector.broadcast %mul3A_3941 : f32 to vector<16xf32>
    %mul3A_3943 = arith.mulf %convert_element_type3A_3940, %mul3A_3942 : vector<16xf32>
    %exp3A_3944 = math.exp %mul3A_3943 : vector<16xf32>
    %mul3A_3945 = arith.mulf %select_n3A_3936, %exp3A_3944 : vector<16xf32>
    %eq3A_3946 = arith.constant 1 : i32
    %eq3A_3947 = vector.broadcast %eq3A_3946 : i32 to vector<16xi32>
    %eq3A_3948 = arith.cmpi eq, %shift_right_logical3A_3913, %eq3A_3947 : vector<16xi32>
    %neg3A_3949 = arith.constant 0.000000e+00 : f32
    %neg3A_3950 = vector.broadcast %neg3A_3949 : f32 to vector<16xf32>
    %neg3A_3951 = arith.subf %neg3A_3950, %mul3A_3945 : vector<16xf32>
    %select_n3A_3952 = arith.select %eq3A_3948, %neg3A_3951, %mul3A_3945 : vector<16xi1>, vector<16xf32>
    %and3A_3953 = arith.constant 65535 : i32
    %and3A_3954 = vector.broadcast %and3A_3953 : i32 to vector<16xi32>
    %and3A_3955 = arith.andi %get3A_3907, %and3A_3954 : vector<16xi32>
    %shift_right_logical3A_3956 = arith.constant 15 : i32
    %shift_right_logical3A_3957 = vector.broadcast %shift_right_logical3A_3956 : i32 to vector<16xi32>
    %shift_right_logical3A_3958 = arith.shrui %and3A_3955, %shift_right_logical3A_3957 : vector<16xi32>
    %shift_right_logical3A_3959 = arith.constant 7 : i32
    %shift_right_logical3A_3960 = vector.broadcast %shift_right_logical3A_3959 : i32 to vector<16xi32>
    %shift_right_logical3A_3961 = arith.shrui %and3A_3955, %shift_right_logical3A_3960 : vector<16xi32>
    %and3A_3962 = arith.constant 255 : i32
    %and3A_3963 = vector.broadcast %and3A_3962 : i32 to vector<16xi32>
    %and3A_3964 = arith.andi %shift_right_logical3A_3961, %and3A_3963 : vector<16xi32>
    %and3A_3965 = arith.constant 127 : i32
    %and3A_3966 = vector.broadcast %and3A_3965 : i32 to vector<16xi32>
    %and3A_3967 = arith.andi %and3A_3955, %and3A_3966 : vector<16xi32>
    %convert_element_type3A_3968 = arith.sitofp %and3A_3967 : vector<16xi32> to vector<16xf32>
    %eq3A_3969 = arith.constant 0 : i32
    %eq3A_3970 = vector.broadcast %eq3A_3969 : i32 to vector<16xi32>
    %eq3A_3971 = arith.cmpi eq, %and3A_3964, %eq3A_3970 : vector<16xi32>
    %mul3A_3972 = arith.constant 1.562500e-02 : f32
    %mul3A_3973 = vector.broadcast %mul3A_3972 : f32 to vector<16xf32>
    %mul3A_3974 = arith.mulf %convert_element_type3A_3968, %mul3A_3973 : vector<16xf32>
    %mul3A_3975 = arith.constant 7.812500e-03 : f32
    %mul3A_3976 = vector.broadcast %mul3A_3975 : f32 to vector<16xf32>
    %mul3A_3977 = arith.mulf %convert_element_type3A_3968, %mul3A_3976 : vector<16xf32>
    %add3A_3978 = arith.constant 1.000000e+00 : f32
    %add3A_3979 = vector.broadcast %add3A_3978 : f32 to vector<16xf32>
    %add3A_3980 = arith.addf %mul3A_3977, %add3A_3979 : vector<16xf32>
    %select_n3A_3981 = arith.select %eq3A_3971, %mul3A_3974, %add3A_3980 : vector<16xi1>, vector<16xf32>
    %sub3A_3982 = arith.constant 127 : i32
    %sub3A_3983 = vector.broadcast %sub3A_3982 : i32 to vector<16xi32>
    %sub3A_3984 = arith.subi %and3A_3964, %sub3A_3983 : vector<16xi32>
    %convert_element_type3A_3985 = arith.sitofp %sub3A_3984 : vector<16xi32> to vector<16xf32>
    %mul3A_3986 = arith.constant 0.693147182 : f32
    %mul3A_3987 = vector.broadcast %mul3A_3986 : f32 to vector<16xf32>
    %mul3A_3988 = arith.mulf %convert_element_type3A_3985, %mul3A_3987 : vector<16xf32>
    %exp3A_3989 = math.exp %mul3A_3988 : vector<16xf32>
    %mul3A_3990 = arith.mulf %select_n3A_3981, %exp3A_3989 : vector<16xf32>
    %eq3A_3991 = arith.constant 1 : i32
    %eq3A_3992 = vector.broadcast %eq3A_3991 : i32 to vector<16xi32>
    %eq3A_3993 = arith.cmpi eq, %shift_right_logical3A_3958, %eq3A_3992 : vector<16xi32>
    %neg3A_3994 = arith.constant 0.000000e+00 : f32
    %neg3A_3995 = vector.broadcast %neg3A_3994 : f32 to vector<16xf32>
    %neg3A_3996 = arith.subf %neg3A_3995, %mul3A_3990 : vector<16xf32>
    %select_n3A_3997 = arith.select %eq3A_3993, %neg3A_3996, %mul3A_3990 : vector<16xi1>, vector<16xf32>
    %get3A_3998 = arith.constant 464 : index
    %get3A_3999 = tpu.vector_load %arg12[%get3A_3998] {strides = array<i32>} : memref<512xf32, #tpu.memory_space<vmem>>, vector<16xf32>,
    %get3A_4000 = vector.shape_cast %get3A_3999 : vector<16xf32> to vector<16xf32>
    %get3A_4001 = arith.constant 464 : index
    %get3A_4002 = tpu.vector_load %arg13[%get3A_4001] {strides = array<i32>} : memref<512xf32, #tpu.memory_space<vmem>>, vector<16xf32>,
    %get3A_4003 = vector.shape_cast %get3A_4002 : vector<16xf32> to vector<16xf32>
    %get3A_4004 = arith.constant 464 : index
    %get3A_4005 = tpu.vector_load %arg14[%get3A_4004] {strides = array<i32>} : memref<512xf32, #tpu.memory_space<vmem>>, vector<16xf32>,
    %get3A_4006 = vector.shape_cast %get3A_4005 : vector<16xf32> to vector<16xf32>
    %ne3A_4007 = arith.constant 0.000000e+00 : f32
    %ne3A_4008 = vector.broadcast %ne3A_4007 : f32 to vector<16xf32>
    %ne3A_4009 = arith.cmpf one, %get3A_4000, %ne3A_4008 : vector<16xf32>
    %mul3A_4010 = arith.mulf %select_n3A_3952, %get3A_4000 : vector<16xf32>
    %sub3A_4011 = arith.constant 1.000000e+00 : f32
    %sub3A_4012 = vector.broadcast %sub3A_4011 : f32 to vector<16xf32>
    %sub3A_4013 = arith.subf %sub3A_4012, %select_n3A_3952 : vector<16xf32>
    %mul3A_4014 = arith.mulf %sub3A_4013, %get3A_4003 : vector<16xf32>
    %add3A_4015 = arith.addf %mul3A_4010, %mul3A_4014 : vector<16xf32>
    %select_n3A_4016 = arith.select %ne3A_4009, %add3A_4015, %get3A_4003 : vector<16xi1>, vector<16xf32>
    %jit3A_4017 = arith.constant 0.000000e+00 : f32
    %broadcast_in_dim3A_4018 = vector.broadcast %jit3A_4017 : f32 to vector<16xf32>
    %select_n3A_4019 = arith.select %ne3A_4009, %select_n3A_3997, %broadcast_in_dim3A_4018 : vector<16xi1>, vector<16xf32>
    %sub3A_4020 = arith.constant 1.000000e+00 : f32
    %sub3A_4021 = vector.broadcast %sub3A_4020 : f32 to vector<16xf32>
    %sub3A_4022 = arith.subf %sub3A_4021, %select_n3A_3997 : vector<16xf32>
    %mul3A_4023 = arith.mulf %sub3A_4022, %get3A_4006 : vector<16xf32>
    %add3A_4024 = arith.addf %select_n3A_4019, %mul3A_4023 : vector<16xf32>
    %mul3A_4025 = arith.mulf %select_n3A_4016, %add3A_4024 : vector<16xf32>
    %swap3A_4026 = arith.constant 464 : index
    %swap3A_4027 = tpu.vector_load %arg15[%swap3A_4026] {strides = array<i32>} : memref<512xf32, #tpu.memory_space<vmem>>, vector<16xf32>,
    %swap3A_4028 = vector.shape_cast %swap3A_4027 : vector<16xf32> to vector<16xf32>
    %swap3A_4029 = vector.shape_cast %mul3A_4025 : vector<16xf32> to vector<16xf32>
    tpu.vector_store %arg15[%swap3A_4026], %swap3A_4029 {strides = array<i32>} : memref<512xf32, #tpu.memory_space<vmem>>, vector<16xf32>,
    %swap3A_4030 = arith.constant 464 : index
    %swap3A_4031 = tpu.vector_load %arg16[%swap3A_4030] {strides = array<i32>} : memref<512xf32, #tpu.memory_space<vmem>>, vector<16xf32>,
    %swap3A_4032 = vector.shape_cast %swap3A_4031 : vector<16xf32> to vector<16xf32>
    %swap3A_4033 = vector.shape_cast %select_n3A_4016 : vector<16xf32> to vector<16xf32>
    tpu.vector_store %arg16[%swap3A_4030], %swap3A_4033 {strides = array<i32>} : memref<512xf32, #tpu.memory_space<vmem>>, vector<16xf32>,
    %swap3A_4034 = arith.constant 464 : index
    %swap3A_4035 = tpu.vector_load %arg17[%swap3A_4034] {strides = array<i32>} : memref<512xf32, #tpu.memory_space<vmem>>, vector<16xf32>,
    %swap3A_4036 = vector.shape_cast %swap3A_4035 : vector<16xf32> to vector<16xf32>
    %swap3A_4037 = vector.shape_cast %add3A_4024 : vector<16xf32> to vector<16xf32>
    tpu.vector_store %arg17[%swap3A_4034], %swap3A_4037 {strides = array<i32>} : memref<512xf32, #tpu.memory_space<vmem>>, vector<16xf32>,
    %get3A_4038 = arith.constant 480 : index
    %get3A_4039 = tpu.vector_load %arg11[%get3A_4038] {strides = array<i32>} : memref<512xi32, #tpu.memory_space<vmem>>, vector<16xi32>,
    %get3A_4040 = vector.shape_cast %get3A_4039 : vector<16xi32> to vector<16xi32>
    %shift_right_logical3A_4041 = arith.constant 16 : i32
    %shift_right_logical3A_4042 = vector.broadcast %shift_right_logical3A_4041 : i32 to vector<16xi32>
    %shift_right_logical3A_4043 = arith.shrui %get3A_4040, %shift_right_logical3A_4042 : vector<16xi32>
    %shift_right_logical3A_4044 = arith.constant 15 : i32
    %shift_right_logical3A_4045 = vector.broadcast %shift_right_logical3A_4044 : i32 to vector<16xi32>
    %shift_right_logical3A_4046 = arith.shrui %shift_right_logical3A_4043, %shift_right_logical3A_4045 : vector<16xi32>
    %shift_right_logical3A_4047 = arith.constant 7 : i32
    %shift_right_logical3A_4048 = vector.broadcast %shift_right_logical3A_4047 : i32 to vector<16xi32>
    %shift_right_logical3A_4049 = arith.shrui %shift_right_logical3A_4043, %shift_right_logical3A_4048 : vector<16xi32>
    %and3A_4050 = arith.constant 255 : i32
    %and3A_4051 = vector.broadcast %and3A_4050 : i32 to vector<16xi32>
    %and3A_4052 = arith.andi %shift_right_logical3A_4049, %and3A_4051 : vector<16xi32>
    %and3A_4053 = arith.constant 127 : i32
    %and3A_4054 = vector.broadcast %and3A_4053 : i32 to vector<16xi32>
    %and3A_4055 = arith.andi %shift_right_logical3A_4043, %and3A_4054 : vector<16xi32>
    %convert_element_type3A_4056 = arith.sitofp %and3A_4055 : vector<16xi32> to vector<16xf32>
    %eq3A_4057 = arith.constant 0 : i32
    %eq3A_4058 = vector.broadcast %eq3A_4057 : i32 to vector<16xi32>
    %eq3A_4059 = arith.cmpi eq, %and3A_4052, %eq3A_4058 : vector<16xi32>
    %mul3A_4060 = arith.constant 1.562500e-02 : f32
    %mul3A_4061 = vector.broadcast %mul3A_4060 : f32 to vector<16xf32>
    %mul3A_4062 = arith.mulf %convert_element_type3A_4056, %mul3A_4061 : vector<16xf32>
    %mul3A_4063 = arith.constant 7.812500e-03 : f32
    %mul3A_4064 = vector.broadcast %mul3A_4063 : f32 to vector<16xf32>
    %mul3A_4065 = arith.mulf %convert_element_type3A_4056, %mul3A_4064 : vector<16xf32>
    %add3A_4066 = arith.constant 1.000000e+00 : f32
    %add3A_4067 = vector.broadcast %add3A_4066 : f32 to vector<16xf32>
    %add3A_4068 = arith.addf %mul3A_4065, %add3A_4067 : vector<16xf32>
    %select_n3A_4069 = arith.select %eq3A_4059, %mul3A_4062, %add3A_4068 : vector<16xi1>, vector<16xf32>
    %sub3A_4070 = arith.constant 127 : i32
    %sub3A_4071 = vector.broadcast %sub3A_4070 : i32 to vector<16xi32>
    %sub3A_4072 = arith.subi %and3A_4052, %sub3A_4071 : vector<16xi32>
    %convert_element_type3A_4073 = arith.sitofp %sub3A_4072 : vector<16xi32> to vector<16xf32>
    %mul3A_4074 = arith.constant 0.693147182 : f32
    %mul3A_4075 = vector.broadcast %mul3A_4074 : f32 to vector<16xf32>
    %mul3A_4076 = arith.mulf %convert_element_type3A_4073, %mul3A_4075 : vector<16xf32>
    %exp3A_4077 = math.exp %mul3A_4076 : vector<16xf32>
    %mul3A_4078 = arith.mulf %select_n3A_4069, %exp3A_4077 : vector<16xf32>
    %eq3A_4079 = arith.constant 1 : i32
    %eq3A_4080 = vector.broadcast %eq3A_4079 : i32 to vector<16xi32>
    %eq3A_4081 = arith.cmpi eq, %shift_right_logical3A_4046, %eq3A_4080 : vector<16xi32>
    %neg3A_4082 = arith.constant 0.000000e+00 : f32
    %neg3A_4083 = vector.broadcast %neg3A_4082 : f32 to vector<16xf32>
    %neg3A_4084 = arith.subf %neg3A_4083, %mul3A_4078 : vector<16xf32>
    %select_n3A_4085 = arith.select %eq3A_4081, %neg3A_4084, %mul3A_4078 : vector<16xi1>, vector<16xf32>
    %and3A_4086 = arith.constant 65535 : i32
    %and3A_4087 = vector.broadcast %and3A_4086 : i32 to vector<16xi32>
    %and3A_4088 = arith.andi %get3A_4040, %and3A_4087 : vector<16xi32>
    %shift_right_logical3A_4089 = arith.constant 15 : i32
    %shift_right_logical3A_4090 = vector.broadcast %shift_right_logical3A_4089 : i32 to vector<16xi32>
    %shift_right_logical3A_4091 = arith.shrui %and3A_4088, %shift_right_logical3A_4090 : vector<16xi32>
    %shift_right_logical3A_4092 = arith.constant 7 : i32
    %shift_right_logical3A_4093 = vector.broadcast %shift_right_logical3A_4092 : i32 to vector<16xi32>
    %shift_right_logical3A_4094 = arith.shrui %and3A_4088, %shift_right_logical3A_4093 : vector<16xi32>
    %and3A_4095 = arith.constant 255 : i32
    %and3A_4096 = vector.broadcast %and3A_4095 : i32 to vector<16xi32>
    %and3A_4097 = arith.andi %shift_right_logical3A_4094, %and3A_4096 : vector<16xi32>
    %and3A_4098 = arith.constant 127 : i32
    %and3A_4099 = vector.broadcast %and3A_4098 : i32 to vector<16xi32>
    %and3A_4100 = arith.andi %and3A_4088, %and3A_4099 : vector<16xi32>
    %convert_element_type3A_4101 = arith.sitofp %and3A_4100 : vector<16xi32> to vector<16xf32>
    %eq3A_4102 = arith.constant 0 : i32
    %eq3A_4103 = vector.broadcast %eq3A_4102 : i32 to vector<16xi32>
    %eq3A_4104 = arith.cmpi eq, %and3A_4097, %eq3A_4103 : vector<16xi32>
    %mul3A_4105 = arith.constant 1.562500e-02 : f32
    %mul3A_4106 = vector.broadcast %mul3A_4105 : f32 to vector<16xf32>
    %mul3A_4107 = arith.mulf %convert_element_type3A_4101, %mul3A_4106 : vector<16xf32>
    %mul3A_4108 = arith.constant 7.812500e-03 : f32
    %mul3A_4109 = vector.broadcast %mul3A_4108 : f32 to vector<16xf32>
    %mul3A_4110 = arith.mulf %convert_element_type3A_4101, %mul3A_4109 : vector<16xf32>
    %add3A_4111 = arith.constant 1.000000e+00 : f32
    %add3A_4112 = vector.broadcast %add3A_4111 : f32 to vector<16xf32>
    %add3A_4113 = arith.addf %mul3A_4110, %add3A_4112 : vector<16xf32>
    %select_n3A_4114 = arith.select %eq3A_4104, %mul3A_4107, %add3A_4113 : vector<16xi1>, vector<16xf32>
    %sub3A_4115 = arith.constant 127 : i32
    %sub3A_4116 = vector.broadcast %sub3A_4115 : i32 to vector<16xi32>
    %sub3A_4117 = arith.subi %and3A_4097, %sub3A_4116 : vector<16xi32>
    %convert_element_type3A_4118 = arith.sitofp %sub3A_4117 : vector<16xi32> to vector<16xf32>
    %mul3A_4119 = arith.constant 0.693147182 : f32
    %mul3A_4120 = vector.broadcast %mul3A_4119 : f32 to vector<16xf32>
    %mul3A_4121 = arith.mulf %convert_element_type3A_4118, %mul3A_4120 : vector<16xf32>
    %exp3A_4122 = math.exp %mul3A_4121 : vector<16xf32>
    %mul3A_4123 = arith.mulf %select_n3A_4114, %exp3A_4122 : vector<16xf32>
    %eq3A_4124 = arith.constant 1 : i32
    %eq3A_4125 = vector.broadcast %eq3A_4124 : i32 to vector<16xi32>
    %eq3A_4126 = arith.cmpi eq, %shift_right_logical3A_4091, %eq3A_4125 : vector<16xi32>
    %neg3A_4127 = arith.constant 0.000000e+00 : f32
    %neg3A_4128 = vector.broadcast %neg3A_4127 : f32 to vector<16xf32>
    %neg3A_4129 = arith.subf %neg3A_4128, %mul3A_4123 : vector<16xf32>
    %select_n3A_4130 = arith.select %eq3A_4126, %neg3A_4129, %mul3A_4123 : vector<16xi1>, vector<16xf32>
    %get3A_4131 = arith.constant 480 : index
    %get3A_4132 = tpu.vector_load %arg12[%get3A_4131] {strides = array<i32>} : memref<512xf32, #tpu.memory_space<vmem>>, vector<16xf32>,
    %get3A_4133 = vector.shape_cast %get3A_4132 : vector<16xf32> to vector<16xf32>
    %get3A_4134 = arith.constant 480 : index
    %get3A_4135 = tpu.vector_load %arg13[%get3A_4134] {strides = array<i32>} : memref<512xf32, #tpu.memory_space<vmem>>, vector<16xf32>,
    %get3A_4136 = vector.shape_cast %get3A_4135 : vector<16xf32> to vector<16xf32>
    %get3A_4137 = arith.constant 480 : index
    %get3A_4138 = tpu.vector_load %arg14[%get3A_4137] {strides = array<i32>} : memref<512xf32, #tpu.memory_space<vmem>>, vector<16xf32>,
    %get3A_4139 = vector.shape_cast %get3A_4138 : vector<16xf32> to vector<16xf32>
    %ne3A_4140 = arith.constant 0.000000e+00 : f32
    %ne3A_4141 = vector.broadcast %ne3A_4140 : f32 to vector<16xf32>
    %ne3A_4142 = arith.cmpf one, %get3A_4133, %ne3A_4141 : vector<16xf32>
    %mul3A_4143 = arith.mulf %select_n3A_4085, %get3A_4133 : vector<16xf32>
    %sub3A_4144 = arith.constant 1.000000e+00 : f32
    %sub3A_4145 = vector.broadcast %sub3A_4144 : f32 to vector<16xf32>
    %sub3A_4146 = arith.subf %sub3A_4145, %select_n3A_4085 : vector<16xf32>
    %mul3A_4147 = arith.mulf %sub3A_4146, %get3A_4136 : vector<16xf32>
    %add3A_4148 = arith.addf %mul3A_4143, %mul3A_4147 : vector<16xf32>
    %select_n3A_4149 = arith.select %ne3A_4142, %add3A_4148, %get3A_4136 : vector<16xi1>, vector<16xf32>
    %jit3A_4150 = arith.constant 0.000000e+00 : f32
    %broadcast_in_dim3A_4151 = vector.broadcast %jit3A_4150 : f32 to vector<16xf32>
    %select_n3A_4152 = arith.select %ne3A_4142, %select_n3A_4130, %broadcast_in_dim3A_4151 : vector<16xi1>, vector<16xf32>
    %sub3A_4153 = arith.constant 1.000000e+00 : f32
    %sub3A_4154 = vector.broadcast %sub3A_4153 : f32 to vector<16xf32>
    %sub3A_4155 = arith.subf %sub3A_4154, %select_n3A_4130 : vector<16xf32>
    %mul3A_4156 = arith.mulf %sub3A_4155, %get3A_4139 : vector<16xf32>
    %add3A_4157 = arith.addf %select_n3A_4152, %mul3A_4156 : vector<16xf32>
    %mul3A_4158 = arith.mulf %select_n3A_4149, %add3A_4157 : vector<16xf32>
    %swap3A_4159 = arith.constant 480 : index
    %swap3A_4160 = tpu.vector_load %arg15[%swap3A_4159] {strides = array<i32>} : memref<512xf32, #tpu.memory_space<vmem>>, vector<16xf32>,
    %swap3A_4161 = vector.shape_cast %swap3A_4160 : vector<16xf32> to vector<16xf32>
    %swap3A_4162 = vector.shape_cast %mul3A_4158 : vector<16xf32> to vector<16xf32>
    tpu.vector_store %arg15[%swap3A_4159], %swap3A_4162 {strides = array<i32>} : memref<512xf32, #tpu.memory_space<vmem>>, vector<16xf32>,
    %swap3A_4163 = arith.constant 480 : index
    %swap3A_4164 = tpu.vector_load %arg16[%swap3A_4163] {strides = array<i32>} : memref<512xf32, #tpu.memory_space<vmem>>, vector<16xf32>,
    %swap3A_4165 = vector.shape_cast %swap3A_4164 : vector<16xf32> to vector<16xf32>
    %swap3A_4166 = vector.shape_cast %select_n3A_4149 : vector<16xf32> to vector<16xf32>
    tpu.vector_store %arg16[%swap3A_4163], %swap3A_4166 {strides = array<i32>} : memref<512xf32, #tpu.memory_space<vmem>>, vector<16xf32>,
    %swap3A_4167 = arith.constant 480 : index
    %swap3A_4168 = tpu.vector_load %arg17[%swap3A_4167] {strides = array<i32>} : memref<512xf32, #tpu.memory_space<vmem>>, vector<16xf32>,
    %swap3A_4169 = vector.shape_cast %swap3A_4168 : vector<16xf32> to vector<16xf32>
    %swap3A_4170 = vector.shape_cast %add3A_4157 : vector<16xf32> to vector<16xf32>
    tpu.vector_store %arg17[%swap3A_4167], %swap3A_4170 {strides = array<i32>} : memref<512xf32, #tpu.memory_space<vmem>>, vector<16xf32>,
    %get3A_4171 = arith.constant 496 : index
    %get3A_4172 = tpu.vector_load %arg11[%get3A_4171] {strides = array<i32>} : memref<512xi32, #tpu.memory_space<vmem>>, vector<16xi32>,
    %get3A_4173 = vector.shape_cast %get3A_4172 : vector<16xi32> to vector<16xi32>
    %shift_right_logical3A_4174 = arith.constant 16 : i32
    %shift_right_logical3A_4175 = vector.broadcast %shift_right_logical3A_4174 : i32 to vector<16xi32>
    %shift_right_logical3A_4176 = arith.shrui %get3A_4173, %shift_right_logical3A_4175 : vector<16xi32>
    %shift_right_logical3A_4177 = arith.constant 15 : i32
    %shift_right_logical3A_4178 = vector.broadcast %shift_right_logical3A_4177 : i32 to vector<16xi32>
    %shift_right_logical3A_4179 = arith.shrui %shift_right_logical3A_4176, %shift_right_logical3A_4178 : vector<16xi32>
    %shift_right_logical3A_4180 = arith.constant 7 : i32
    %shift_right_logical3A_4181 = vector.broadcast %shift_right_logical3A_4180 : i32 to vector<16xi32>
    %shift_right_logical3A_4182 = arith.shrui %shift_right_logical3A_4176, %shift_right_logical3A_4181 : vector<16xi32>
    %and3A_4183 = arith.constant 255 : i32
    %and3A_4184 = vector.broadcast %and3A_4183 : i32 to vector<16xi32>
    %and3A_4185 = arith.andi %shift_right_logical3A_4182, %and3A_4184 : vector<16xi32>
    %and3A_4186 = arith.constant 127 : i32
    %and3A_4187 = vector.broadcast %and3A_4186 : i32 to vector<16xi32>
    %and3A_4188 = arith.andi %shift_right_logical3A_4176, %and3A_4187 : vector<16xi32>
    %convert_element_type3A_4189 = arith.sitofp %and3A_4188 : vector<16xi32> to vector<16xf32>
    %eq3A_4190 = arith.constant 0 : i32
    %eq3A_4191 = vector.broadcast %eq3A_4190 : i32 to vector<16xi32>
    %eq3A_4192 = arith.cmpi eq, %and3A_4185, %eq3A_4191 : vector<16xi32>
    %mul3A_4193 = arith.constant 1.562500e-02 : f32
    %mul3A_4194 = vector.broadcast %mul3A_4193 : f32 to vector<16xf32>
    %mul3A_4195 = arith.mulf %convert_element_type3A_4189, %mul3A_4194 : vector<16xf32>
    %mul3A_4196 = arith.constant 7.812500e-03 : f32
    %mul3A_4197 = vector.broadcast %mul3A_4196 : f32 to vector<16xf32>
    %mul3A_4198 = arith.mulf %convert_element_type3A_4189, %mul3A_4197 : vector<16xf32>
    %add3A_4199 = arith.constant 1.000000e+00 : f32
    %add3A_4200 = vector.broadcast %add3A_4199 : f32 to vector<16xf32>
    %add3A_4201 = arith.addf %mul3A_4198, %add3A_4200 : vector<16xf32>
    %select_n3A_4202 = arith.select %eq3A_4192, %mul3A_4195, %add3A_4201 : vector<16xi1>, vector<16xf32>
    %sub3A_4203 = arith.constant 127 : i32
    %sub3A_4204 = vector.broadcast %sub3A_4203 : i32 to vector<16xi32>
    %sub3A_4205 = arith.subi %and3A_4185, %sub3A_4204 : vector<16xi32>
    %convert_element_type3A_4206 = arith.sitofp %sub3A_4205 : vector<16xi32> to vector<16xf32>
    %mul3A_4207 = arith.constant 0.693147182 : f32
    %mul3A_4208 = vector.broadcast %mul3A_4207 : f32 to vector<16xf32>
    %mul3A_4209 = arith.mulf %convert_element_type3A_4206, %mul3A_4208 : vector<16xf32>
    %exp3A_4210 = math.exp %mul3A_4209 : vector<16xf32>
    %mul3A_4211 = arith.mulf %select_n3A_4202, %exp3A_4210 : vector<16xf32>
    %eq3A_4212 = arith.constant 1 : i32
    %eq3A_4213 = vector.broadcast %eq3A_4212 : i32 to vector<16xi32>
    %eq3A_4214 = arith.cmpi eq, %shift_right_logical3A_4179, %eq3A_4213 : vector<16xi32>
    %neg3A_4215 = arith.constant 0.000000e+00 : f32
    %neg3A_4216 = vector.broadcast %neg3A_4215 : f32 to vector<16xf32>
    %neg3A_4217 = arith.subf %neg3A_4216, %mul3A_4211 : vector<16xf32>
    %select_n3A_4218 = arith.select %eq3A_4214, %neg3A_4217, %mul3A_4211 : vector<16xi1>, vector<16xf32>
    %and3A_4219 = arith.constant 65535 : i32
    %and3A_4220 = vector.broadcast %and3A_4219 : i32 to vector<16xi32>
    %and3A_4221 = arith.andi %get3A_4173, %and3A_4220 : vector<16xi32>
    %shift_right_logical3A_4222 = arith.constant 15 : i32
    %shift_right_logical3A_4223 = vector.broadcast %shift_right_logical3A_4222 : i32 to vector<16xi32>
    %shift_right_logical3A_4224 = arith.shrui %and3A_4221, %shift_right_logical3A_4223 : vector<16xi32>
    %shift_right_logical3A_4225 = arith.constant 7 : i32
    %shift_right_logical3A_4226 = vector.broadcast %shift_right_logical3A_4225 : i32 to vector<16xi32>
    %shift_right_logical3A_4227 = arith.shrui %and3A_4221, %shift_right_logical3A_4226 : vector<16xi32>
    %and3A_4228 = arith.constant 255 : i32
    %and3A_4229 = vector.broadcast %and3A_4228 : i32 to vector<16xi32>
    %and3A_4230 = arith.andi %shift_right_logical3A_4227, %and3A_4229 : vector<16xi32>
    %and3A_4231 = arith.constant 127 : i32
    %and3A_4232 = vector.broadcast %and3A_4231 : i32 to vector<16xi32>
    %and3A_4233 = arith.andi %and3A_4221, %and3A_4232 : vector<16xi32>
    %convert_element_type3A_4234 = arith.sitofp %and3A_4233 : vector<16xi32> to vector<16xf32>
    %eq3A_4235 = arith.constant 0 : i32
    %eq3A_4236 = vector.broadcast %eq3A_4235 : i32 to vector<16xi32>
    %eq3A_4237 = arith.cmpi eq, %and3A_4230, %eq3A_4236 : vector<16xi32>
    %mul3A_4238 = arith.constant 1.562500e-02 : f32
    %mul3A_4239 = vector.broadcast %mul3A_4238 : f32 to vector<16xf32>
    %mul3A_4240 = arith.mulf %convert_element_type3A_4234, %mul3A_4239 : vector<16xf32>
    %mul3A_4241 = arith.constant 7.812500e-03 : f32
    %mul3A_4242 = vector.broadcast %mul3A_4241 : f32 to vector<16xf32>
    %mul3A_4243 = arith.mulf %convert_element_type3A_4234, %mul3A_4242 : vector<16xf32>
    %add3A_4244 = arith.constant 1.000000e+00 : f32
    %add3A_4245 = vector.broadcast %add3A_4244 : f32 to vector<16xf32>
    %add3A_4246 = arith.addf %mul3A_4243, %add3A_4245 : vector<16xf32>
    %select_n3A_4247 = arith.select %eq3A_4237, %mul3A_4240, %add3A_4246 : vector<16xi1>, vector<16xf32>
    %sub3A_4248 = arith.constant 127 : i32
    %sub3A_4249 = vector.broadcast %sub3A_4248 : i32 to vector<16xi32>
    %sub3A_4250 = arith.subi %and3A_4230, %sub3A_4249 : vector<16xi32>
    %convert_element_type3A_4251 = arith.sitofp %sub3A_4250 : vector<16xi32> to vector<16xf32>
    %mul3A_4252 = arith.constant 0.693147182 : f32
    %mul3A_4253 = vector.broadcast %mul3A_4252 : f32 to vector<16xf32>
    %mul3A_4254 = arith.mulf %convert_element_type3A_4251, %mul3A_4253 : vector<16xf32>
    %exp3A_4255 = math.exp %mul3A_4254 : vector<16xf32>
    %mul3A_4256 = arith.mulf %select_n3A_4247, %exp3A_4255 : vector<16xf32>
    %eq3A_4257 = arith.constant 1 : i32
    %eq3A_4258 = vector.broadcast %eq3A_4257 : i32 to vector<16xi32>
    %eq3A_4259 = arith.cmpi eq, %shift_right_logical3A_4224, %eq3A_4258 : vector<16xi32>
    %neg3A_4260 = arith.constant 0.000000e+00 : f32
    %neg3A_4261 = vector.broadcast %neg3A_4260 : f32 to vector<16xf32>
    %neg3A_4262 = arith.subf %neg3A_4261, %mul3A_4256 : vector<16xf32>
    %select_n3A_4263 = arith.select %eq3A_4259, %neg3A_4262, %mul3A_4256 : vector<16xi1>, vector<16xf32>
    %get3A_4264 = arith.constant 496 : index
    %get3A_4265 = tpu.vector_load %arg12[%get3A_4264] {strides = array<i32>} : memref<512xf32, #tpu.memory_space<vmem>>, vector<16xf32>,
    %get3A_4266 = vector.shape_cast %get3A_4265 : vector<16xf32> to vector<16xf32>
    %get3A_4267 = arith.constant 496 : index
    %get3A_4268 = tpu.vector_load %arg13[%get3A_4267] {strides = array<i32>} : memref<512xf32, #tpu.memory_space<vmem>>, vector<16xf32>,
    %get3A_4269 = vector.shape_cast %get3A_4268 : vector<16xf32> to vector<16xf32>
    %get3A_4270 = arith.constant 496 : index
    %get3A_4271 = tpu.vector_load %arg14[%get3A_4270] {strides = array<i32>} : memref<512xf32, #tpu.memory_space<vmem>>, vector<16xf32>,
    %get3A_4272 = vector.shape_cast %get3A_4271 : vector<16xf32> to vector<16xf32>
    %ne3A_4273 = arith.constant 0.000000e+00 : f32
    %ne3A_4274 = vector.broadcast %ne3A_4273 : f32 to vector<16xf32>
    %ne3A_4275 = arith.cmpf one, %get3A_4266, %ne3A_4274 : vector<16xf32>
    %mul3A_4276 = arith.mulf %select_n3A_4218, %get3A_4266 : vector<16xf32>
    %sub3A_4277 = arith.constant 1.000000e+00 : f32
    %sub3A_4278 = vector.broadcast %sub3A_4277 : f32 to vector<16xf32>
    %sub3A_4279 = arith.subf %sub3A_4278, %select_n3A_4218 : vector<16xf32>
    %mul3A_4280 = arith.mulf %sub3A_4279, %get3A_4269 : vector<16xf32>
    %add3A_4281 = arith.addf %mul3A_4276, %mul3A_4280 : vector<16xf32>
    %select_n3A_4282 = arith.select %ne3A_4275, %add3A_4281, %get3A_4269 : vector<16xi1>, vector<16xf32>
    %jit3A_4283 = arith.constant 0.000000e+00 : f32
    %broadcast_in_dim3A_4284 = vector.broadcast %jit3A_4283 : f32 to vector<16xf32>
    %select_n3A_4285 = arith.select %ne3A_4275, %select_n3A_4263, %broadcast_in_dim3A_4284 : vector<16xi1>, vector<16xf32>
    %sub3A_4286 = arith.constant 1.000000e+00 : f32
    %sub3A_4287 = vector.broadcast %sub3A_4286 : f32 to vector<16xf32>
    %sub3A_4288 = arith.subf %sub3A_4287, %select_n3A_4263 : vector<16xf32>
    %mul3A_4289 = arith.mulf %sub3A_4288, %get3A_4272 : vector<16xf32>
    %add3A_4290 = arith.addf %select_n3A_4285, %mul3A_4289 : vector<16xf32>
    %mul3A_4291 = arith.mulf %select_n3A_4282, %add3A_4290 : vector<16xf32>
    %swap3A_4292 = arith.constant 496 : index
    %swap3A_4293 = tpu.vector_load %arg15[%swap3A_4292] {strides = array<i32>} : memref<512xf32, #tpu.memory_space<vmem>>, vector<16xf32>,
    %swap3A_4294 = vector.shape_cast %swap3A_4293 : vector<16xf32> to vector<16xf32>
    %swap3A_4295 = vector.shape_cast %mul3A_4291 : vector<16xf32> to vector<16xf32>
    tpu.vector_store %arg15[%swap3A_4292], %swap3A_4295 {strides = array<i32>} : memref<512xf32, #tpu.memory_space<vmem>>, vector<16xf32>,
    %swap3A_4296 = arith.constant 496 : index
    %swap3A_4297 = tpu.vector_load %arg16[%swap3A_4296] {strides = array<i32>} : memref<512xf32, #tpu.memory_space<vmem>>, vector<16xf32>,
    %swap3A_4298 = vector.shape_cast %swap3A_4297 : vector<16xf32> to vector<16xf32>
    %swap3A_4299 = vector.shape_cast %select_n3A_4282 : vector<16xf32> to vector<16xf32>
    tpu.vector_store %arg16[%swap3A_4296], %swap3A_4299 {strides = array<i32>} : memref<512xf32, #tpu.memory_space<vmem>>, vector<16xf32>,
    %swap3A_4300 = arith.constant 496 : index
    %swap3A_4301 = tpu.vector_load %arg17[%swap3A_4300] {strides = array<i32>} : memref<512xf32, #tpu.memory_space<vmem>>, vector<16xf32>,
    %swap3A_4302 = vector.shape_cast %swap3A_4301 : vector<16xf32> to vector<16xf32>
    %swap3A_4303 = vector.shape_cast %add3A_4290 : vector<16xf32> to vector<16xf32>
    tpu.vector_store %arg17[%swap3A_4300], %swap3A_4303 {strides = array<i32>} : memref<512xf32, #tpu.memory_space<vmem>>, vector<16xf32>,
    %dma_start3A_4304 = tpu.memref_slice %arg7[%mul3A_2] : memref<16384xf32, #tpu.memory_space<hbm>> -> memref<512xf32, #tpu.memory_space<hbm>>
    %dma_start3A_4305 = tpu.memref_slice %arg7[%mul3A_2] : memref<16384xf32, #tpu.memory_space<hbm>> -> memref<512xf32, #tpu.memory_space<hbm>>
    tpu.enqueue_dma source(%arg15 : memref<512xf32, #tpu.memory_space<vmem>>) target(%dma_start3A_4305 : memref<512xf32, #tpu.memory_space<hbm>>) target_semaphore(%arg20 : memref<!tpu.dma_semaphore, #tpu.memory_space<semaphore_mem>>)
    %dma_start3A_4306 = tpu.memref_slice %arg8[%mul3A_2] : memref<16384xf32, #tpu.memory_space<hbm>> -> memref<512xf32, #tpu.memory_space<hbm>>
    %dma_start3A_4307 = tpu.memref_slice %arg8[%mul3A_2] : memref<16384xf32, #tpu.memory_space<hbm>> -> memref<512xf32, #tpu.memory_space<hbm>>
    tpu.enqueue_dma source(%arg16 : memref<512xf32, #tpu.memory_space<vmem>>) target(%dma_start3A_4307 : memref<512xf32, #tpu.memory_space<hbm>>) target_semaphore(%arg20 : memref<!tpu.dma_semaphore, #tpu.memory_space<semaphore_mem>>)
    %dma_start3A_4308 = tpu.memref_slice %arg9[%mul3A_2] : memref<16384xf32, #tpu.memory_space<hbm>> -> memref<512xf32, #tpu.memory_space<hbm>>
    %dma_start3A_4309 = tpu.memref_slice %arg9[%mul3A_2] : memref<16384xf32, #tpu.memory_space<hbm>> -> memref<512xf32, #tpu.memory_space<hbm>>
    tpu.enqueue_dma source(%arg17 : memref<512xf32, #tpu.memory_space<vmem>>) target(%dma_start3A_4309 : memref<512xf32, #tpu.memory_space<hbm>>) target_semaphore(%arg20 : memref<!tpu.dma_semaphore, #tpu.memory_space<semaphore_mem>>)
    %dma_wait3A_4310 = tpu.memref_slice %arg7[%mul3A_2] : memref<16384xf32, #tpu.memory_space<hbm>> -> memref<512xf32, #tpu.memory_space<hbm>>
    %dma_wait3A_4311 = tpu.memref_slice %arg7[%mul3A_2] : memref<16384xf32, #tpu.memory_space<hbm>> -> memref<512xf32, #tpu.memory_space<hbm>>
    tpu.wait_dma2 semaphore(%arg20 : memref<!tpu.dma_semaphore, #tpu.memory_space<semaphore_mem>>) src(%arg15 : memref<512xf32, #tpu.memory_space<vmem>>) dst(%dma_wait3A_4311 : memref<512xf32, #tpu.memory_space<hbm>>)
    %dma_wait3A_4312 = tpu.memref_slice %arg8[%mul3A_2] : memref<16384xf32, #tpu.memory_space<hbm>> -> memref<512xf32, #tpu.memory_space<hbm>>
    %dma_wait3A_4313 = tpu.memref_slice %arg8[%mul3A_2] : memref<16384xf32, #tpu.memory_space<hbm>> -> memref<512xf32, #tpu.memory_space<hbm>>
    tpu.wait_dma2 semaphore(%arg20 : memref<!tpu.dma_semaphore, #tpu.memory_space<semaphore_mem>>) src(%arg16 : memref<512xf32, #tpu.memory_space<vmem>>) dst(%dma_wait3A_4313 : memref<512xf32, #tpu.memory_space<hbm>>)
    %dma_wait3A_4314 = tpu.memref_slice %arg9[%mul3A_2] : memref<16384xf32, #tpu.memory_space<hbm>> -> memref<512xf32, #tpu.memory_space<hbm>>
    %dma_wait3A_4315 = tpu.memref_slice %arg9[%mul3A_2] : memref<16384xf32, #tpu.memory_space<hbm>> -> memref<512xf32, #tpu.memory_space<hbm>>
    tpu.wait_dma2 semaphore(%arg20 : memref<!tpu.dma_semaphore, #tpu.memory_space<semaphore_mem>>) src(%arg17 : memref<512xf32, #tpu.memory_space<vmem>>) dst(%dma_wait3A_4315 : memref<512xf32, #tpu.memory_space<hbm>>)
    return
  }
}

</mosaic_0001>

<sc_bundles>
// kernel: _tsbrnn.3.cloned.1.call-start
scs
__scs_entry_jumppad:
0x0: {  	(pc) =	sbr.rel $0x88, $3  }
0x1: {  	(tag) =	ssettag $0x0;
	lr =	simm.s32 $0x1  }
0x2: {  	[smem:$0x3F9C] =	sst lr;
	_ =	strace $0xD0000000  }
0x3: {  	_ = 	snop  }
0x4: {  	_ = 	snop  }
0x5: {  	_ = 	snop  }
0x6: {  	_ = 	snop  }
0x7: {  	_ = 	snop  }
__scs_overlays_trampoline_lowered:
0x8: {  	[smem:$0x3FAB] =	sst s0  }
0x9: {  	[smem:$0x3FAC] =	sst s1  }
0xa: {  	[smem:$0x3FAD] =	sst s2  }
0xb: {  	[smem:$0x3FAE] =	sst s3  }
0xc: {  	[smem:$0x3FAF] =	sst s4  }
0xd: {  	[smem:$0x3FB0] =	sst s5  }
0xe: {  	[smem:$0x3FB1] =	sst s6  }
0xf: {  	[smem:$0x3FB2] =	sst s7  }
0x10: {  	[smem:$0x3FB3] =	sst s8  }
0x11: {  	[smem:$0x3FB4] =	sst s9;
	s0 =	simm.s32 @!p0 $0x0  }
0x12: {  	s1 =	sld [smem:$0x3F9A];
	s0 =	simm.s32 @p0 $0x1  }
0x13: {  	[smem:$0x3FB5] =	sst s0;
	s0 =	simm.s32 @!p1 $0x0  }
0x14: {  	s2 =	sld [smem:$0x3F99];
	s0 =	simm.s32 @p1 $0x1  }
0x15: {  	[smem:$0x3FB6] =	sst s0;
	s0 =	simm.s32 @!p2 $0x0  }
0x16: {  	s3 =	sld [smem:$0x3FDB];
	s0 =	simm.s32 @p2 $0x1  }
0x17: {  	s4 =	simm.s32 $0x1BF5;
	[smem:$0x3FB8] =	sst s0  }
0x18: {  	s0 =	sld [smem:$0x3F9B];
	_ =	swait.ge [sflag:s4], $0x0  }
0x19: {  	s7 =	sld [smem:$0x3F9C]  }
0x1a: {  	s8 =	sadd.s32 $0xFFFFE003, lr  }
0x1b: {  	s9 =	sadd.s32 $0xFFFFFEF7, lr;
	s5 =	simm.s32 $0xFFFFFFFF;
	p2 =	slt.u32 s8, $0xFFFFF086  }
0x1c: {  	p1 =	slt.u32 s9, $0xF7A;
	s5 =	simm.s32 @!p2 $0x0  }
0x1d: {  	s5 =	simm.s32 @p1 $0x1;
	p0 =	seq.s32 s7, s2  }
0x1e: {  	s7 =	smul.u32 @!p0 $0xF7A, s2;
	p2 =	seq.s32 @!p0 s5, $0x0  }
0x1f: {  	s9 =	smul.u32 $0xF7A, s1;
	s8 =	simm.s32 @!p0 $0x1BF5;
	p2 =	por !p2, p0  }
0x20: {  	[sflag:s8] =	ssyncset.s32 @!p0 $0xFFFFF086;
	s6 =	sadd.s32 @!p0 s3, s7;
	s7 =	simm.s32 @!p0 $0x108  }
0x21: {  	s3 =	sadd.s32 s3, s9;
	s6 =	sadd.s32 @!p0 $0x88, s6;
	s7 =	simm.s32 @p2 $0x1082  }
0x22: {  	[simem:s7], [sflag:s8] =	dma.local @!p0 [hbm:s6], $0xF7A  }
0x23: {  	s9 =	sor.u32 $0xD0000000, s2;
	s6 =	simm.s32 $0x108;
	_ =	swait.ge @!p0 [sflag:s8], $0x0  }
0x24: {  	s3 =	sadd.s32 $0x88, s3;
	s6 =	simm.s32 @!p1 $0x1082;
	[sflag:s4] =	ssyncset.s32 $0xFFFFF086  }
0x25: {  	[simem:s6], [sflag:s4] =	dma.local [hbm:s3], $0xF7A  }
0x26: {  	[smem:$0x3F9C] =	sst s1;
	(tag) =	ssettag s2;
	_ =	strace s9  }
0x27: {  	s1 =	sld [smem:$0x3FAC]  }
0x28: {  	s2 =	sld [smem:$0x3FAD]  }
0x29: {  	s4 =	sld [smem:$0x3FAF]  }
0x2a: {  	p0 =	seq.s32 s5, $0x0;
	s5 =	sld [smem:$0x3FB0]  }
0x2b: {  	s6 =	sld [smem:$0x3FB1]  }
0x2c: {  	s7 =	sld [smem:$0x3FB2]  }
0x2d: {  	s3 =	simm.s32 $0x108;
	s8 =	sld [smem:$0x3FB3]  }
0x2e: {  	s3 =	simm.s32 @!p0 $0x1082;
	s9 =	sld [smem:$0x3FB4]  }
0x2f: {  	lr =	sadd.s32 s0, s3;
	s0 =	sld [smem:$0x3FAB]  }
0x30: {  	s3 =	sld [smem:$0x3FAE]  }
0x31: {  	[smem:$0x3FB7] =	sst s10  }
0x32: {  	s10 =	sld [smem:$0x3FB5];
	_ =	sdelay $0x3  }
0x33: {  	p0 =	seq.s32 s10, $0x1;
	s10 =	sld [smem:$0x3FB7];
	_ =	sdelay $0x3  }
0x34: {  	[smem:$0x3FB7] =	sst s10  }
0x35: {  	s10 =	sld [smem:$0x3FB6];
	_ =	sdelay $0x3  }
0x36: {  	p1 =	seq.s32 s10, $0x1;
	s10 =	sld [smem:$0x3FB7];
	_ =	sdelay $0x3  }
0x37: {  	[smem:$0x3FB7] =	sst s10  }
0x38: {  	s10 =	sld [smem:$0x3FB8]  }
0x39: {  	_ = 	snop;
	(pc) =	sbr.ind lr, $3  }
0x3a: {  	_ = 	snop  }
0x3b: {  	_ = 	snop  }
0x3c: {  	p2 =	seq.s32 s10, $0x1;
	s10 =	sld [smem:$0x3FB7]  }
0x3d: {  	_ =	shalt  }
0x3e: {  	_ =	shalt  }
0x3f: {  	_ =	shalt  }
0x40: {  	_ =	shalt  }
0x41: {  	_ =	shalt  }
0x42: {  	_ =	shalt  }
0x43: {  	_ =	shalt  }
0x44: {  	_ =	shalt  }
0x45: {  	_ =	shalt  }
0x46: {  	_ =	shalt  }
0x47: {  	_ =	shalt  }
0x48: {  	_ =	shalt  }
0x49: {  	_ =	shalt  }
0x4a: {  	_ =	shalt  }
0x4b: {  	_ =	shalt  }
0x4c: {  	_ =	shalt  }
0x4d: {  	_ =	shalt  }
0x4e: {  	_ =	shalt  }
0x4f: {  	_ =	shalt  }
0x50: {  	_ =	shalt  }
0x51: {  	_ =	shalt  }
0x52: {  	_ =	shalt  }
0x53: {  	_ =	shalt  }
0x54: {  	_ =	shalt  }
0x55: {  	_ =	shalt  }
0x56: {  	_ =	shalt  }
0x57: {  	_ =	shalt  }
0x58: {  	_ =	shalt  }
0x59: {  	_ =	shalt  }
0x5a: {  	_ =	shalt  }
0x5b: {  	_ =	shalt  }
0x5c: {  	_ =	shalt  }
0x5d: {  	_ =	shalt  }
0x5e: {  	_ =	shalt  }
0x5f: {  	_ =	shalt  }
0x60: {  	_ =	shalt  }
0x61: {  	_ =	shalt  }
0x62: {  	_ =	shalt  }
0x63: {  	_ =	shalt  }
0x64: {  	_ =	shalt  }
0x65: {  	_ =	shalt  }
0x66: {  	_ =	shalt  }
0x67: {  	_ =	shalt  }
0x68: {  	_ =	shalt  }
0x69: {  	_ =	shalt  }
0x6a: {  	_ =	shalt  }
0x6b: {  	_ =	shalt  }
0x6c: {  	_ =	shalt  }
0x6d: {  	_ =	shalt  }
0x6e: {  	_ =	shalt  }
0x6f: {  	_ =	shalt  }
0x70: {  	_ =	shalt  }
0x71: {  	_ =	shalt  }
0x72: {  	_ =	shalt  }
0x73: {  	_ =	shalt  }
0x74: {  	_ =	shalt  }
0x75: {  	_ =	shalt  }
0x76: {  	_ =	shalt  }
0x77: {  	_ =	shalt  }
0x78: {  	_ =	shalt  }
0x79: {  	_ =	shalt  }
0x7a: {  	_ =	shalt  }
0x7b: {  	_ =	shalt  }
0x7c: {  	_ =	shalt  }
0x7d: {  	_ =	shalt  }
0x7e: {  	_ =	shalt  }
0x7f: {  	_ =	shalt  }
0x80: {  	_ =	shalt  }
0x81: {  	_ =	shalt  }
0x82: {  	_ =	shalt  }
0x83: {  	_ =	shalt  }
0x84: {  	_ =	shalt  }
0x85: {  	_ =	shalt  }
0x86: {  	_ =	shalt  }
0x87: {  	_ =	shalt  }
.Lfunc_end0:
.L_simem_size_0:
called_computation_lowered:
.L_overlay_start_0:
0x88: {  	s2 =	sld [smem:$0x3FD9]  }
0x89: {  	s3 =	sld [smem:$0x3FFE];
	_ =	sdelay $0x1  }
0x8a: {  	s1 =	srdreg.scid  }
0x8b: {  	s0 =	sand.u32 $0x1, s1  }
0x8c: {  	s15 =	sshll.u32 s0, $0xA;
	s2 =	sadd.s32 s3, s2  }
0x8d: {  	s2 =	sadd.s32 s2, s15  }
0x8e: {  	[smem:$0x3FC3] =	sst s2  }
0x8f: {  	_ = 	snop  }
0x90: {  	s2 =	sld [smem:$0x3FC9]  }
0x91: {  	s16 =	sld [smem:$0x3FC8]  }
0x92: {  	s4 =	sld [smem:$0x3FD0]  }
0x93: {  	s5 =	sld [smem:$0x3FC7]  }
0x94: {  	s6 =	sld [smem:$0x3FC6]  }
0x95: {  	s8 =	simm.s32 $0xA;
	s9 =	simm.s32 $0x10;
	s7 =	sld [smem:$0x3FC5]  }
0x96: {  	[smem:s9], [sflag:s8] =	dma.local [hbm:s4], $0x1  }
0x97: {  	_ =	swait.eq [sflag:s8], $0x1  }
0x98: {  	s17 =	sld [smem:$0x10];
	[sflag:s8] =	ssyncset.done $0x0  }
0x99: {  	s18 =	sld [smem:$0x11];
	[sflag:s8] =	ssyncadd.s32 $0xFFFFFFFF  }
0x9a: {  	s19 =	sld [smem:$0x12];
	(tm) =	ssettm $0x1  }
0x9b: {  	s10 =	sld [smem:$0x3FFB];
	_ =	sdelay $0x3  }
0x9c: {  	_ =	strace s10  }
0x9d: {  	s10 =	sld [smem:$0x3FFC];
	_ =	sdelay $0x3  }
0x9e: {  	_ =	strace s10  }
0x9f: {  	s10 =	sld [smem:$0x3FFD];
	_ =	sdelay $0x3  }
0xa0: {  	_ =	strace s10  }
0xa1: {  	_ =	strace $0x8FFFFFFF  }
0xa2: {  	s20 =	sld [smem:$0x3FDB];
	_ =	sdelay $0x1  }
0xa3: {  	s11 =	simm.s32 $_scs_section_size  }
0xa4: {  	s12 =	simm.s32 $_size__tile_overlayer_lowered;
	s13 =	simm.s32 $_tile_overlayer_lowered  }
0xa5: {  	s23 =	simm.s32 $0x1BFF;
	s22 =	sshll.u32 s13, $0x1;
	s10 =	sadd.s32 s11, s20  }
0xa6: {  	s14 =	simm.s32 $0x0;
	s21 =	sshll.u32 s12, $0x1;
	s12 =	sadd.s32 s22, s10  }
0xa7: {  	[timem:s14], [sflag:s23] =	dma.local [hbm:s12], s21  }
0xa8: {  	_ =	swait.ge [sflag:s23], s21  }
0xa9: {  	s11 =	ssub.s32 $0x0, s21;
	[sflag:s23] =	ssyncset.done $0x0  }
0xaa: {  	[sflag:s23] =	ssyncadd.s32 s11;
	_ =	sdelay $0x1  }
0xab: {  	s24 =	simm.s32 $0x1B8B  }
0xac: {  	_ =	swait.ge [sflag:s24], $0x1  }
0xad: {  	[sflag:s24] =	ssyncset.done $0x0  }
0xae: {  	s25 =	simm.s32 $0x1B8E;
	[sflag:s24] =	ssyncadd.s32 $0xFFFFFFFF  }
0xaf: {  	s26 =	simm.s32 $execute0_lowered;
	[smem:$0x3FD2] =	sst s25  }
0xb0: {  	s11 =	sshll.u32 s26, $0x1;
	_ =	strace $0x80000046;
	[dreg:$0x1] =	wrdreg $0xFFFFFFFF  }
0xb1: {  	s28 =	simm.s32 $_size_execute0_lowered;
	s10 =	sadd.s32 s10, s11;
	[dreg:$0x0] =	wrdreg $0x0  }
0xb2: {  	s11 =	sshll.u32 s28, $0x1;
	[dreg:$0x2] =	wrdreg s10  }
0xb3: {  	[dreg:$0x3] =	wrdreg s11  }
0xb4: {  	[dreg:$0x4] =	wrdreg $0xC0  }
0xb5: {  	_ =	task [dreg:s14], $0x5FFFF  }
0xb6: {  	[dreg:$0x1] =	wrdreg $0xFFFFFFFF  }
0xb7: {  	[dreg:$0x0] =	wrdreg $0x60  }
0xb8: {  	[dreg:$0x2] =	wrdreg s2  }
0xb9: {  	[dreg:$0x3] =	wrdreg s16  }
0xba: {  	[dreg:$0x4] =	wrdreg s5  }
0xbb: {  	[dreg:$0x5] =	wrdreg s6  }
0xbc: {  	[dreg:$0x6] =	wrdreg s7  }
0xbd: {  	[dreg:$0x7] =	wrdreg s17  }
0xbe: {  	[dreg:$0x8] =	wrdreg s18  }
0xbf: {  	[dreg:$0x9] =	wrdreg s19  }
0xc0: {  	[dreg:$0xa] =	wrdreg $0x9  }
0xc1: {  	_ =	task.clear_ibuf [dreg:s14], $0xBFFFF;
	_ =	strace $0x90000046  }
0xc2: {  	s29 =	simm.s32 $0x9;
	_ =	strace $0x80000048  }
0xc3: {  	_ =	swait.ge [sflag:s29], $0x1  }
0xc4: {  	[sflag:s29] =	ssyncadd.s32 $0xFFFFFFFF  }
0xc5: {  	_ =	strace $0x90000048  }
0xc6: {  	_ =	sfence  }
0xc7: {  	s30 =	sld [smem:$0x0];
	_ =	sdelay $0x2  }
0xc8: {  	s31 =	sshll.u32 s1, $0xD;
	s1 =	sshrl.u32 s1, $0x2  }
0xc9: {  	s3 =	sand.u32 $0x4000, s31;
	s1 =	sadd.s32 s1, s30  }
0xca: {  	s0 =	sor.u32 s3, s0;
	s1 =	sshll.u32 s1, $0x11  }
0xcb: {  	s0 =	sor.u32 s1, s0  }
0xcc: {  	s0 =	sadd.s32 $0x8F2B, s0  }
0xcd: {  	[sflag:s0] =	ssyncadd.remote.s32 $0x1  }
0xce: {  	_ =	sfence.sel $0xFFFF  }
0xcf: {  	[dreg:$0x0] =	wrdreg $0xFFFFFFFF;
	(pc) =	sbr.abs _section_cstart, $3  }
0xd0: {  	[dreg:$0x1] =	wrdreg $0xFFFFFFFF  }
0xd1: {  	_ =	task.clear_ibuf [dreg:s14], $0x2FFFF;
	_ =	strace $0x9FFFFFFF  }
0xd2: {  	(tm) =	ssettm $0x7FFFFFFF  }
0xd3: {  	_ =	shalt  }
tec
execute0_lowered:
.L_overlay_start_1:
0x0: {  	(tag) =	ssettag $0x1  }
0x1: {  	s5 =	rddreg [dreg:$0x0]  }
0x2: {  	s4 =	rddreg [dreg:$0x1]  }
0x3: {  	s6 =	rddreg [dreg:$0x2]  }
0x4: {  	s7 =	rddreg [dreg:$0x3]  }
0x5: {  	s1 =	rddreg [dreg:$0x4]  }
0x6: {  	s8 =	rddreg [dreg:$0x5]  }
0x7: {  	s9 =	rddreg [dreg:$0x6]  }
0x8: {  	s10 =	rddreg [dreg:$0x7]  }
0x9: {  	s0 =	rddreg [dreg:$0x8];
	s11 =	srdreg.scid  }
0xa: {  	s3 =	simm.s32 $0x0;
	s2 =	stileid.u32;
	s15 =	simm.s32 $0x280  }
0xb: {  	s16 =	simm.s32 $0x100;
	s17 =	simm.s32 $0x300;
	s18 =	simm.s32 $0x180  }
0xc: {  	s19 =	simm.s32 $0x380;
	s20 =	simm.s32 $0x400;
	s21 =	simm.s32 $0x600  }
0xd: {  	s22 =	simm.s32 $0x800;
	s23 =	simm.s32 $0x2;
	s24 =	simm.s32 $0x1  }
0xe: {  	s25 =	simm.s32 $0xA00;
	s26 =	simm.s32 $0xC00;
	s28 =	simm.s32 $0xE00  }
0xf: {  	s29 =	simm.s32 $0x3;
	s11 =	sand.u32 $0x1, s11;
	s13 =	sshll.u32 s2, $0x7  }
0x10: {  	[smem:$0x7FF] =	sst s3;
	s12 =	ssub.s32 $0x2, s11;
	s11 =	sshll.u32 s11, $0x6  }
0x11: {  	_ =	strace $0x80000047;
	s14 =	sshrl.u32 s12, $0x1;
	s11 =	sor.u32 s11, s13  }
0x12: {  	s13 =	simm.s32 $0x80;
	s12 =	ssub.s32 s12, s14;
	s4 =	sadd.s32 s4, s11  }
0x13: {  	s5 =	sadd.s32 s5, s11;
	s6 =	sadd.s32 s6, s11;
	s7 =	sadd.s32 s7, s11  }
0x14: {  	s8 =	sadd.s32 s8, s11;
	s9 =	sadd.s32 s9, s11;
	s10 =	sadd.s32 s10, s11  }
0x15: {  	s14 =	simm.s32 $0x200;
	s11 =	smax.u32 s12, $0x1;
	s12 =	simm.s32 $0x4  }
.LBB2_1:
0x16: {  	[tilespmem:s3], [sflag:$0x4] =	stream.linear.gather [hbm4b:s4+s3], $0x200, $0x38;
	[tilespmem:$0x1000] =	vst v63  }
0x17: {  	_ =	swait.ge [sflag:s12], $0x200  }
0x18: {  	[sflag:s12] =	ssyncset.done $0x0  }
0x19: {  	[sflag:s12] =	ssyncadd.s32 $0xFFFFFE00  }
0x1a: {  	[tilespmem:s14], [sflag:$0x1] =	stream.indirect.gather [hbm4b:s1+s13], $0x1, s3, s13, $0xb8;
	[tilespmem:$0x1000] =	vst v63  }
0x1b: {  	_ = 	snop  }
0x1c: {  	[tilespmem:s15], [sflag:$0x1] =	stream.indirect.gather [hbm4b:s1+s13], $0x1, s13, s13, $0xb8;
	[tilespmem:$0x1000] =	vst v63  }
0x1d: {  	_ = 	snop  }
0x1e: {  	[tilespmem:s17], [sflag:$0x1] =	stream.indirect.gather [hbm4b:s1+s13], $0x1, s16, s13, $0xb8;
	[tilespmem:$0x1000] =	vst v63  }
0x1f: {  	_ = 	snop  }
0x20: {  	[tilespmem:s19], [sflag:$0x1] =	stream.indirect.gather [hbm4b:s1+s13], $0x1, s18, s13, $0xb8;
	[tilespmem:$0x1000] =	vst v63  }
0x21: {  	_ = 	snop  }
0x22: {  	[tilespmem:s20], [sflag:$0x2] =	stream.linear.gather [hbm4b:s5+s3], $0x200, $0x38;
	[tilespmem:$0x1000] =	vst v63  }
0x23: {  	_ = 	snop  }
0x24: {  	[tilespmem:s21], [sflag:$0x2] =	stream.linear.gather [hbm4b:s6+s3], $0x200, $0x38;
	[tilespmem:$0x1000] =	vst v63  }
0x25: {  	_ = 	snop  }
0x26: {  	[tilespmem:s22], [sflag:$0x2] =	stream.linear.gather [hbm4b:s7+s3], $0x200, $0x38;
	[tilespmem:$0x1000] =	vst v63  }
0x27: {  	_ =	swait.ge [sflag:s23], $0x200  }
0x28: {  	[sflag:s23] =	ssyncset.done $0x0  }
0x29: {  	[sflag:s23] =	ssyncadd.s32 $0xFFFFFE00  }
0x2a: {  	_ =	swait.ge [sflag:s23], $0x200  }
0x2b: {  	[sflag:s23] =	ssyncset.done $0x0  }
0x2c: {  	[sflag:s23] =	ssyncadd.s32 $0xFFFFFE00  }
0x2d: {  	_ =	swait.ge [sflag:s23], $0x200  }
0x2e: {  	[sflag:s23] =	ssyncset.done $0x0  }
0x2f: {  	[sflag:s23] =	ssyncadd.s32 $0xFFFFFE00  }
0x30: {  	_ =	swait.ge [sflag:s24], $0x80  }
0x31: {  	[sflag:s24] =	ssyncset.done $0x0  }
0x32: {  	[sflag:s24] =	ssyncadd.s32 $0xFFFFFF80  }
0x33: {  	_ =	swait.ge [sflag:s24], $0x80  }
0x34: {  	[sflag:s24] =	ssyncset.done $0x0  }
0x35: {  	[sflag:s24] =	ssyncadd.s32 $0xFFFFFF80  }
0x36: {  	_ =	swait.ge [sflag:s24], $0x80  }
0x37: {  	[sflag:s24] =	ssyncset.done $0x0  }
0x38: {  	[sflag:s24] =	ssyncadd.s32 $0xFFFFFF80  }
0x39: {  	_ =	swait.ge [sflag:s24], $0x80  }
0x3a: {  	[sflag:s24] =	ssyncset.done $0x0  }
0x3b: {  	[sflag:s24] =	ssyncadd.s32 $0xFFFFFF80  }
0x3c: {  	v0 =	vld [tilespmem:$0x200]  }
0x3d: {  	v5 =	vld [tilespmem:$0x210];
	_ =	sdelay $0x1  }
0x3e: {  	v10 =	vld [tilespmem:$0x400]  }
0x3f: {  	v42 =	vld [tilespmem:$0x220]  }
0x40: {  	v1 =	vshrl.u32 v0, $0x17;
	v3 =	vshrl.u32 v0, $0x7  }
0x41: {  	v54 =	vld [tilespmem:$0x410];
	v28 =	vshrl.u32 v0, $0x10;
	v31 =	vand.u32 $0x7F, v0;
	v32 =	vshrl.u32 v5, $0x17  }
0x42: {  	v9 =	vshrl.u32 v5, $0x7;
	vm12 =	vlt.s32 v0, $0x0;
	v0 =	vand.u32 $0x8000, v0  }
0x43: {  	v63 =	vld [tilespmem:$0x230];
	v40 =	vshrl.u32 v5, $0x10;
	vm14 =	vlt.f32 v10, $0.0e+00;
	vm2 =	vgt.f32 v10, $0.0e+00  }
0x44: {  	v46 =	vand.u32 $0x7F, v5;
	v47 =	vshrl.u32 v42, $0x17;
	v12 =	vshrl.u32 v42, $0x7  }
0x45: {  	vm6 =	vlt.s32 v5, $0x0;
	v57 =	vand.u32 $0x8000, v5;
	v1 =	vand.u32 $0xFF, v1  }
0x46: {  	v61 =	vshrl.u32 v42, $0x10;
	vm7 =	vlt.f32 v54, $0.0e+00;
	v2 =	vadd.s32 $0xFFFFFF81, v1  }
0x47: {  	vm8 =	vgt.f32 v54, $0.0e+00;
	v21 =	vand.u32 $0x7F, v42;
	v2 =	vcvt.s32.f32 v2  }
0x48: {  	v22 =	vshrl.u32 v63, $0x17;
	v3 =	vand.u32 $0xFF, v3;
	v9 =	vand.u32 $0xFF, v9  }
0x49: {  	vm13 =	veq.s32 v0, $0x0;
	vm15 =	vmor vm2, vm14;
	v2 =	vmul.f32 $6.931471820e-01, v2  }
0x4a: {  	v12 =	vand.u32 $0xFF, v12;
	v4 =	vadd.s32 $0xFFFFFF81, v3;
	vm0 =	veq.s32 v1, $0x0  }
0x4b: {  	v1 =	vcvt.s32.f32 v31;
	v11 =	vadd.s32 $0xFFFFFF81, v9;
	v2 =	vmul.f32 $1.442695020e+00, v2  }
0x4c: {  	vm5 =	veq.s32 v9, $0x0;
	v9 =	vcvt.s32.f32 v21;
	v27 =	vcvt.s32.f32 v4  }
0x4d: {  	v4 =	vand.u32 $0x7F, v28;
	v11 =	vcvt.s32.f32 v11;
	(erf) = vpow2.f32 v2  }
0x4e: {  	vm9 =	veq.s32 v57, $0x0;
	v4 =	vcvt.s32.f32 v4;
	v2 =	vmul.f32 $6.931471820e-01, v27  }
0x4f: {  	vm1 =	veq.s32 v3, $0x0;
	v7 =	vmul.f32 $7.812500000e-03, v1;
	v1 =	vmul.f32 $1.562500000e-02, v1  }
0x50: {  	v56 =	vadd.s32 $0xFFFFFF81, v12;
	v24 =	vmul.f32 $7.812500000e-03, v9;
	v2 =	vmul.f32 $1.442695020e+00, v2  }
0x51: {  	vm11 =	veq.s32 v12, $0x0;
	v38 =	vmul.f32 $6.931471820e-01, v11;
	v6 =	vmul.f32 $7.812500000e-03, v4  }
0x52: {  	v11 =	vand.u32 $0x8000, v42;
	v7 =	vadd.f32 $1.000000000e+00, v7;
	(erf) = vpow2.f32 v2  }
0x53: {  	v29 =	vmul.f32 $1.562500000e-02, v4;
	v30 =	vadd.f32 $1.000000000e+00, v6;
	v6 =	vand.u32 $0xFF, v32  }
0x54: {  	v28 =	vadd.f32 $1.000000000e+00, v24;
	v1 =	vsel vm1, v1, v7;
	v34 =	vadd.s32 $0xFFFFFF81, v6  }
0x55: {  	v32 =	vld [tilespmem:$0x420];
	vm4 =	veq.s32 v6, $0x0;
	v6 =	vand.u32 $0xFF, v47;
	v4 =	vcvt.s32.f32 v34  }
0x56: {  	v50 =	vadd.s32 $0xFFFFFF81, v6;
	vm10 =	veq.s32 v6, $0x0;
	v2 =	vsel vm0, v29, v30;
	v33 =	vpop (erf)  }
0x57: {  	v6 =	vand.u32 $0xFF, v22;
	v4 =	vmul.f32 $6.931471820e-01, v4;
	v2 =	vmul.f32 v33, v2  }
0x58: {  	v27 =	vmul.f32 $1.562500000e-02, v9;
	v26 =	vadd.s32 $0xFFFFFF81, v6;
	v30 =	vshrl.u32 v63, $0x7  }
0x59: {  	v4 =	vmul.f32 $1.442695020e+00, v4;
	v12 =	vand.u32 $0xFF, v30;
	v8 =	vsub.f32 $0.0e+00, v2  }
0x5a: {  	vm0 =	vmor vm8, vm7;
	vm14 =	vlt.f32 v32, $0.0e+00;
	v34 =	vadd.s32 $0xFFFFFF81, v12  }
0x5b: {  	v36 =	vpop (erf);
	(erf) = vpow2.f32 v4;
	v4 =	vmul.f32 $1.442695020e+00, v38;
	v2 =	vsel vm12, v8, v2  }
0x5c: {  	v35 =	vld [tilespmem:$0x600];
	v1 =	vmul.f32 v36, v1;
	v8 =	vcvt.s32.f32 v46;
	v37 =	vsub.f32 $1.000000000e+00, v2  }
0x5d: {  	v39 =	vmul.f32 v2, v10;
	v2 =	vand.u32 $0x7F, v40;
	(erf) = vpow2.f32 v4  }
0x5e: {  	v38 =	vshrl.u32 v63, $0x10;
	v4 =	vcvt.s32.f32 v50;
	v2 =	vcvt.s32.f32 v2  }
0x5f: {  	v10 =	vand.u32 $0x7F, v38;
	v49 =	vmul.f32 $7.812500000e-03, v8;
	v51 =	vmul.f32 $1.562500000e-02, v8  }
0x60: {  	v41 =	vsub.f32 $0.0e+00, v1;
	v8 =	vcvt.s32.f32 v56;
	v10 =	vcvt.s32.f32 v10  }
0x61: {  	vm12 =	vlt.s32 v42, $0x0;
	v7 =	vmul.f32 v37, v35;
	v4 =	vmul.f32 $6.931471820e-01, v4  }
0x62: {  	v1 =	vsel vm13, v1, v41;
	v44 =	vmul.f32 $7.812500000e-03, v2;
	v2 =	vmul.f32 $1.562500000e-02, v2  }
0x63: {  	v43 =	vld [tilespmem:$0x800];
	v52 =	vadd.f32 $1.000000000e+00, v49;
	v60 =	vmul.f32 $6.931471820e-01, v8;
	v8 =	vand.u32 $0x7F, v61  }
0x64: {  	vm13 =	veq.s32 v11, $0x0;
	v42 =	vmul.f32 $7.812500000e-03, v10;
	v10 =	vmul.f32 $1.562500000e-02, v10  }
0x65: {  	v0 =	vadd.f32 v7, v39;
	v45 =	vnsel vm15, $0x0, v1;
	v1 =	vsub.f32 $1.000000000e+00, v1  }
0x66: {  	v4 =	vmul.f32 $1.442695020e+00, v4;
	v62 =	vcvt.s32.f32 v8;
	v8 =	vand.u32 $0x8000, v63  }
0x67: {  	v39 =	vld [tilespmem:$0x240];
	v7 =	vadd.f32 $1.000000000e+00, v44;
	vm7 =	veq.s32 v8, $0x0;
	v0 =	vsel vm15, v0, v35  }
0x68: {  	v1 =	vmul.f32 v1, v43;
	v20 =	vmul.f32 $7.812500000e-03, v62;
	vm15 =	vgt.f32 v32, $0.0e+00  }
0x69: {  	v43 =	vand.u32 $0x7F, v63;
	v2 =	vsel vm4, v2, v7;
	v7 =	vsel vm5, v51, v52  }
0x6a: {  	v48 =	vpop (erf);
	(erf) = vpow2.f32 v4;
	v4 =	vmul.f32 $1.442695020e+00, v60;
	vm4 =	veq.s32 v6, $0x0  }
0x6b: {  	vm5 =	veq.s32 v12, $0x0;
	v2 =	vmul.f32 v48, v2;
	v1 =	vadd.f32 v1, v45  }
0x6c: {  	v55 =	vpop (erf);
	(erf) = vpow2.f32 v4;
	v4 =	vadd.f32 $1.000000000e+00, v20;
	v16 =	vshrl.u32 v39, $0x17  }
0x6d: {  	v13 =	vld [tilespmem:$0x610];
	v53 =	vsub.f32 $0.0e+00, v2;
	v7 =	vmul.f32 v55, v7;
	v16 =	vand.u32 $0xFF, v16  }
0x6e: {  	v60 =	vshrl.u32 v39, $0x10;
	v21 =	vand.u32 $0x7F, v39;
	v44 =	vadd.s32 $0xFFFFFF81, v16  }
0x6f: {  	v55 =	vld [tilespmem:$0x430];
	v2 =	vsel vm6, v53, v2;
	v59 =	vsub.f32 $0.0e+00, v7;
	v17 =	vcvt.s32.f32 v44  }
0x70: {  	v14 =	vld [tilespmem:$0x810];
	v53 =	vshrl.u32 v39, $0x7;
	vm6 =	vlt.s32 v63, $0x0;
	v58 =	vsub.f32 $1.000000000e+00, v2  }
0x71: {  	v63 =	vld [tilespmem:$0x250];
	v2 =	vmul.f32 v2, v54;
	v12 =	vand.u32 $0xFF, v53;
	v3 =	vsel vm9, v7, v59  }
0x72: {  	v51 =	vmul.f32 $6.931471820e-01, v17;
	v57 =	vadd.s32 $0xFFFFFF81, v12;
	v5 =	vmul.f32 v58, v13  }
0x73: {  	v7 =	vnsel vm0, $0x0, v3;
	v3 =	vsub.f32 $1.000000000e+00, v3;
	v58 =	vcvt.s32.f32 v57  }
0x74: {  	vm8 =	vlt.f32 v55, $0.0e+00;
	v2 =	vadd.f32 v5, v2;
	v5 =	vmul.f32 $1.562500000e-02, v62  }
0x75: {  	vm9 =	vgt.f32 v55, $0.0e+00;
	v3 =	vmul.f32 v3, v14;
	v14 =	vcvt.s32.f32 v34  }
0x76: {  	v30 =	vld [tilespmem:$0x440];
	v22 =	vshrl.u32 v63, $0x17;
	v38 =	vshrl.u32 v63, $0x10;
	v19 =	vsel vm0, v2, v13  }
0x77: {  	v4 =	vsel vm10, v5, v4;
	v25 =	vadd.f32 v3, v7;
	v5 =	vcvt.s32.f32 v26  }
0x78: {  	v7 =	vsel vm11, v27, v28;
	v37 =	vmul.f32 $6.931471820e-01, v14;
	vm0 =	vmor vm15, vm14  }
0x79: {  	v23 =	vpop (erf);
	v13 =	vcvt.s32.f32 v43;
	vm10 =	veq.s32 v16, $0x0;
	v16 =	vand.u32 $0xFF, v22  }
0x7a: {  	v31 =	vpop (erf);
	vm11 =	vlt.s32 v39, $0x0;
	v14 =	vand.u32 $0x7F, v38;
	v4 =	vmul.f32 v23, v4  }
0x7b: {  	vm14 =	vgt.f32 v30, $0.0e+00;
	v7 =	vmul.f32 v31, v7;
	v14 =	vcvt.s32.f32 v14  }
0x7c: {  	v24 =	vadd.s32 $0xFFFFFF81, v16;
	v5 =	vmul.f32 $6.931471820e-01, v5;
	v46 =	vmul.f32 $7.812500000e-03, v13  }
0x7d: {  	v49 =	vmul.f32 $1.562500000e-02, v13;
	v13 =	vcvt.s32.f32 v21;
	v29 =	vsub.f32 $0.0e+00, v4  }
0x7e: {  	v35 =	vsub.f32 $0.0e+00, v7;
	v5 =	vmul.f32 $1.442695020e+00, v5;
	v50 =	vadd.f32 $1.000000000e+00, v46  }
0x7f: {  	v18 =	vmul.f32 $7.812500000e-03, v13;
	v28 =	vmul.f32 $1.562500000e-02, v13;
	v4 =	vsel vm12, v29, v4  }
0x80: {  	v33 =	vld [tilespmem:$0x620];
	v7 =	vsel vm13, v7, v35;
	vm12 =	veq.s32 v12, $0x0;
	vm13 =	vlt.f32 v30, $0.0e+00  }
0x81: {  	v15 =	vld [tilespmem:$0x820];
	v36 =	vsub.f32 $1.000000000e+00, v4;
	(erf) = vpow2.f32 v5;
	v4 =	vmul.f32 v4, v32  }
0x82: {  	v5 =	vmul.f32 $1.442695020e+00, v37;
	v40 =	vnsel vm0, $0x0, v7;
	v41 =	vsub.f32 $1.000000000e+00, v7  }
0x83: {  	v7 =	vadd.f32 $1.000000000e+00, v42;
	v29 =	vadd.f32 $1.000000000e+00, v18;
	v32 =	vshrl.u32 v63, $0x7  }
0x84: {  	v37 =	vand.u32 $0x8000, v39;
	v39 =	vmul.f32 $7.812500000e-03, v14;
	v42 =	vand.u32 $0x7F, v63  }
0x85: {  	v18 =	vand.u32 $0xFF, v32;
	v12 =	vcvt.s32.f32 v42;
	v11 =	vmul.f32 v36, v33  }
0x86: {  	vm15 =	veq.s32 v37, $0x0;
	(erf) = vpow2.f32 v5;
	v15 =	vmul.f32 v41, v15  }
0x87: {  	v6 =	vsel vm4, v10, v7;
	v7 =	vsel vm5, v49, v50;
	v10 =	vmul.f32 $1.442695020e+00, v51  }
0x88: {  	v35 =	vadd.s32 $0xFFFFFF81, v18;
	v48 =	vadd.f32 v15, v40;
	v15 =	vand.u32 $0x7F, v60  }
0x89: {  	v41 =	vmul.f32 $1.562500000e-02, v14;
	vm4 =	veq.s32 v16, $0x0;
	v62 =	vcvt.s32.f32 v15  }
0x8a: {  	vm5 =	vlt.s32 v63, $0x0;
	v46 =	vmul.f32 $7.812500000e-03, v12;
	v12 =	vmul.f32 $1.562500000e-02, v12  }
0x8b: {  	v50 =	vld [tilespmem:$0x450];
	v4 =	vadd.f32 v11, v4;
	v11 =	vcvt.s32.f32 v24;
	v3 =	vmul.f32 $7.812500000e-03, v62  }
0x8c: {  	v15 =	vand.u32 $0x8000, v63;
	v8 =	vmul.f32 $1.562500000e-02, v62;
	v45 =	vpop (erf);
	(erf) = vpow2.f32 v10  }
0x8d: {  	v10 =	vmul.f32 $6.931471820e-01, v58;
	v20 =	vadd.f32 $1.000000000e+00, v3;
	v58 =	vld [tilespmem:$0x270];
	v6 =	vmul.f32 v45, v6  }
0x8e: {  	v47 =	vsel vm0, v4, v33;
	vm0 =	vmor vm9, vm8;
	v11 =	vmul.f32 $6.931471820e-01, v11  }
0x8f: {  	v54 =	vpop (erf);
	v10 =	vmul.f32 $1.442695020e+00, v10;
	v8 =	vsel vm10, v8, v20;
	v20 =	vld [tilespmem:$0x260];
	v52 =	vsub.f32 $0.0e+00, v6  }
0x90: {  	v56 =	vld [tilespmem:$0x630];
	vm8 =	vlt.f32 v50, $0.0e+00;
	vm9 =	vgt.f32 v50, $0.0e+00;
	v7 =	vmul.f32 v54, v7  }
0x91: {  	v11 =	vmul.f32 $1.442695020e+00, v11;
	(erf) = vpow2.f32 v10;
	v6 =	vsel vm6, v52, v6  }
0x92: {  	v59 =	vsub.f32 $0.0e+00, v7;
	vm6 =	veq.s32 v18, $0x0;
	v24 =	vshrl.u32 v58, $0x7  }
0x93: {  	v38 =	vand.u32 $0x7F, v58;
	v61 =	vsub.f32 $1.000000000e+00, v6;
	v6 =	vmul.f32 v6, v55  }
0x94: {  	v2 =	vld [tilespmem:$0x830];
	v7 =	vsel vm7, v7, v59;
	v43 =	vshrl.u32 v20, $0x17;
	v52 =	vshrl.u32 v20, $0x7  }
0x95: {  	[tilespmem:$0x1FFA0] =	vst v0;
	vm7 =	veq.s32 v15, $0x0;
	v21 =	vshrl.u32 v20, $0x10;
	v0 =	vmul.f32 v61, v56  }
0x96: {  	[tilespmem:$0x1FFC0] =	vst v25;
	v5 =	vsub.f32 $1.000000000e+00, v7;
	v25 =	vnsel vm0, $0x0, v7;
	v14 =	vand.u32 $0xFF, v43  }
0x97: {  	v17 =	vand.u32 $0xFF, v52;
	v21 =	vand.u32 $0x7F, v21;
	v23 =	vpop (erf);
	(erf) = vpow2.f32 v11  }
0x98: {  	[tilespmem:$0x1FFE0] =	vst v47;
	v11 =	vadd.f32 $1.000000000e+00, v39;
	v47 =	vadd.s32 $0xFFFFFF81, v14;
	v54 =	vadd.s32 $0xFFFFFF81, v17  }
0x99: {  	v57 =	vcvt.s32.f32 v21;
	vm10 =	veq.s32 v14, $0x0;
	v10 =	vmul.f32 v5, v2  }
0x9a: {  	[tilespmem:$0x1FFD0] =	vst v48;
	v6 =	vadd.f32 v0, v6;
	v8 =	vmul.f32 v23, v8;
	v48 =	vcvt.s32.f32 v47  }
0x9b: {  	v15 =	vcvt.s32.f32 v54;
	v0 =	vand.u32 $0x7F, v20;
	v23 =	vmul.f32 $7.812500000e-03, v57  }
0x9c: {  	v2 =	vshrl.u32 v58, $0x17;
	v62 =	vmul.f32 $1.562500000e-02, v57;
	v14 =	vcvt.s32.f32 v0  }
0x9d: {  	v7 =	vsel vm0, v6, v56;
	v26 =	vadd.f32 v10, v25;
	v27 =	vsub.f32 $0.0e+00, v8  }
0x9e: {  	v10 =	vsel vm12, v28, v29;
	vm0 =	vmor vm14, vm13;
	v16 =	vmul.f32 $6.931471820e-01, v48  }
0x9f: {  	v31 =	vld [tilespmem:$0x640];
	v15 =	vmul.f32 $6.931471820e-01, v15;
	vm12 =	veq.s32 v17, $0x0;
	v29 =	vand.u32 $0x8000, v20  }
0xa0: {  	v25 =	vld [tilespmem:$0x460];
	v17 =	vcvt.s32.f32 v38;
	v48 =	vand.u32 $0x8000, v58;
	v63 =	vadd.f32 $1.000000000e+00, v23  }
0xa1: {  	v33 =	vpop (erf);
	v5 =	vmul.f32 $7.812500000e-03, v14;
	v14 =	vmul.f32 $1.562500000e-02, v14;
	vm13 =	veq.s32 v29, $0x0  }
0xa2: {  	v8 =	vsel vm11, v27, v8;
	v34 =	vmul.f32 v33, v10;
	v10 =	vcvt.s32.f32 v35  }
0xa3: {  	v16 =	vmul.f32 $1.442695020e+00, v16;
	v15 =	vmul.f32 $1.442695020e+00, v15;
	v33 =	vld [tilespmem:$0x280];
	v36 =	vsub.f32 $1.000000000e+00, v8  }
0xa4: {  	[tilespmem:$0x1FFB0] =	vst v19;
	vm11 =	vlt.s32 v20, $0x0;
	v10 =	vmul.f32 $6.931471820e-01, v10;
	v19 =	vsub.f32 $0.0e+00, v34  }
0xa5: {  	v8 =	vmul.f32 v8, v30;
	v13 =	vmul.f32 v36, v31;
	vm14 =	vlt.f32 v25, $0.0e+00  }
0xa6: {  	v40 =	vld [tilespmem:$0x840];
	v10 =	vmul.f32 $1.442695020e+00, v10;
	v9 =	vsel vm15, v34, v19;
	vm15 =	vgt.f32 v25, $0.0e+00  }
0xa7: {  	v8 =	vadd.f32 v13, v8;
	v44 =	vsub.f32 $1.000000000e+00, v9;
	v9 =	vnsel vm0, $0x0, v9  }
0xa8: {  	v39 =	vshrl.u32 v33, $0x17;
	(erf) = vpow2.f32 v10;
	v10 =	vsel vm4, v41, v11  }
0xa9: {  	v45 =	vpop (erf);
	v11 =	vadd.f32 $1.000000000e+00, v46;
	vm4 =	vmor vm15, vm14;
	v41 =	vmul.f32 $7.812500000e-03, v17  }
0xaa: {  	v17 =	vmul.f32 $1.562500000e-02, v17;
	v8 =	vsel vm0, v8, v31;
	v10 =	vmul.f32 v45, v10  }
0xab: {  	v13 =	vmul.f32 v44, v40;
	(erf) = vpow2.f32 v16;
	vm0 =	vmor vm9, vm8  }
0xac: {  	v16 =	vand.u32 $0xFF, v2;
	v45 =	vld [tilespmem:$0x470];
	v11 =	vsel vm6, v12, v11;
	v12 =	vadd.f32 $1.000000000e+00, v5  }
0xad: {  	v51 =	vld [tilespmem:$0x650];
	v31 =	vshrl.u32 v58, $0x10;
	v4 =	vadd.s32 $0xFFFFFF81, v16;
	v49 =	vsub.f32 $0.0e+00, v10  }
0xae: {  	v43 =	vadd.f32 $1.000000000e+00, v41;
	v5 =	vld [tilespmem:$0x480];
	v12 =	vsel vm12, v14, v12;
	v14 =	vand.u32 $0x7F, v31  }
0xaf: {  	v10 =	vsel vm5, v49, v10;
	v14 =	vcvt.s32.f32 v14;
	vm5 =	veq.s32 v16, $0x0  }
0xb0: {  	v16 =	vand.u32 $0xFF, v39;
	v55 =	vsub.f32 $1.000000000e+00, v10;
	v10 =	vmul.f32 v10, v50  }
0xb1: {  	v42 =	vadd.s32 $0xFFFFFF81, v16;
	vm8 =	vlt.f32 v45, $0.0e+00;
	v36 =	vmul.f32 $7.812500000e-03, v14  }
0xb2: {  	vm9 =	vgt.f32 v45, $0.0e+00;
	v14 =	vmul.f32 $1.562500000e-02, v14;
	v19 =	vmul.f32 v55, v51  }
0xb3: {  	vm15 =	vlt.f32 v5, $0.0e+00;
	v53 =	vpop (erf);
	(erf) = vpow2.f32 v15;
	v15 =	vcvt.s32.f32 v4  }
0xb4: {  	v20 =	vadd.f32 $1.000000000e+00, v36;
	v11 =	vmul.f32 v53, v11;
	v59 =	vadd.f32 v19, v10  }
0xb5: {  	v10 =	vadd.f32 v13, v9;
	v13 =	vsel vm10, v62, v63;
	v19 =	vand.u32 $0xFF, v24  }
0xb6: {  	v3 =	vpop (erf);
	v24 =	vshrl.u32 v33, $0x7;
	v53 =	vshrl.u32 v33, $0x10;
	vm10 =	veq.s32 v48, $0x0  }
0xb7: {  	v55 =	vld [tilespmem:$0x290];
	v13 =	vmul.f32 v3, v13;
	v15 =	vmul.f32 $6.931471820e-01, v15;
	v27 =	vadd.s32 $0xFFFFFF81, v19  }
0xb8: {  	v14 =	vsel vm5, v14, v20;
	vm6 =	veq.s32 v19, $0x0;
	v24 =	vand.u32 $0xFF, v24  }
0xb9: {  	v21 =	vand.u32 $0x7F, v53;
	v56 =	vsub.f32 $0.0e+00, v11;
	v9 =	vsel vm0, v59, v51  }
0xba: {  	v23 =	vcvt.s32.f32 v27;
	v17 =	vsel vm6, v17, v43;
	v47 =	vadd.s32 $0xFFFFFF81, v24  }
0xbb: {  	v54 =	vcvt.s32.f32 v21;
	vm12 =	veq.s32 v24, $0x0;
	v6 =	vsub.f32 $0.0e+00, v13  }
0xbc: {  	v15 =	vmul.f32 $1.442695020e+00, v15;
	v20 =	vcvt.s32.f32 v47;
	v59 =	vshrl.u32 v55, $0x17  }
0xbd: {  	v3 =	vshrl.u32 v55, $0x7;
	v11 =	vsel vm7, v11, v56;
	v30 =	vmul.f32 $6.931471820e-01, v23  }
0xbe: {  	vm7 =	vlt.s32 v58, $0x0;
	v56 =	vmul.f32 $7.812500000e-03, v54;
	v58 =	vand.u32 $0x7F, v33  }
0xbf: {  	v22 =	vld [tilespmem:$0x850];
	v19 =	vmul.f32 $1.562500000e-02, v54;
	v24 =	vand.u32 $0xFF, v3;
	v23 =	vand.u32 $0x8000, v33  }
0xc0: {  	[tilespmem:$0x1FFF0] =	vst v26;
	v26 =	vld [tilespmem:$0x660];
	v60 =	vsub.f32 $1.000000000e+00, v11;
	v11 =	vnsel vm0, $0x0, v11;
	v13 =	vsel vm11, v6, v13  }
0xc1: {  	(erf) = vpow2.f32 v15;
	v51 =	vmul.f32 $6.931471820e-01, v20;
	vm0 =	vmor vm9, vm8  }
0xc2: {  	v21 =	vcvt.s32.f32 v58;
	vm11 =	veq.s32 v16, $0x0;
	v16 =	vand.u32 $0xFF, v59  }
0xc3: {  	v29 =	vadd.s32 $0xFFFFFF81, v24;
	vm14 =	veq.s32 v23, $0x0;
	v18 =	vsub.f32 $1.000000000e+00, v13  }
0xc4: {  	v47 =	vld [tilespmem:$0x490];
	vm6 =	veq.s32 v24, $0x0;
	v13 =	vmul.f32 v13, v25;
	v15 =	vmul.f32 $1.442695020e+00, v30  }
0xc5: {  	v20 =	vand.u32 $0x8000, v55;
	v61 =	vmul.f32 v60, v22;
	v28 =	vpop (erf);
	v18 =	vmul.f32 v18, v26  }
0xc6: {  	v62 =	vadd.s32 $0xFFFFFF81, v16;
	(erf) = vpow2.f32 v15;
	v12 =	vmul.f32 v28, v12  }
0xc7: {  	vm5 =	veq.s32 v16, $0x0;
	v11 =	vadd.f32 v61, v11;
	v61 =	vmul.f32 $7.812500000e-03, v21  }
0xc8: {  	v13 =	vadd.f32 v18, v13;
	v18 =	vcvt.s32.f32 v42;
	v32 =	vsub.f32 $0.0e+00, v12  }
0xc9: {  	v35 =	vld [tilespmem:$0x860];
	vm8 =	veq.s32 v20, $0x0;
	v63 =	vmul.f32 $1.562500000e-02, v21;
	vm9 =	vlt.f32 v47, $0.0e+00  }
0xca: {  	v0 =	vadd.f32 $1.000000000e+00, v61;
	v18 =	vmul.f32 $6.931471820e-01, v18;
	v34 =	vsel vm13, v12, v32  }
0xcb: {  	v12 =	vsel vm4, v13, v26;
	vm13 =	vlt.s32 v33, $0x0;
	v33 =	vshrl.u32 v55, $0x10  }
0xcc: {  	v15 =	vsub.f32 $1.000000000e+00, v34;
	v40 =	vpop (erf);
	v18 =	vmul.f32 $1.442695020e+00, v18;
	v22 =	vand.u32 $0x7F, v33  }
0xcd: {  	v37 =	vnsel vm4, $0x0, v34;
	v34 =	vld [tilespmem:$0x2A0];
	v14 =	vmul.f32 v40, v14;
	v22 =	vcvt.s32.f32 v22  }
0xce: {  	vm4 =	vgt.f32 v5, $0.0e+00;
	v15 =	vmul.f32 v15, v35;
	(erf) = vpow2.f32 v18  }
0xcf: {  	v18 =	vmul.f32 $1.442695020e+00, v51;
	v44 =	vsub.f32 $0.0e+00, v14;
	v46 =	vpop (erf);
	v36 =	vmul.f32 $7.812500000e-03, v22  }
0xd0: {  	v25 =	vld [tilespmem:$0x670];
	v22 =	vmul.f32 $1.562500000e-02, v22;
	v17 =	vmul.f32 v46, v17;
	v13 =	vadd.f32 v15, v37  }
0xd1: {  	(erf) = vpow2.f32 v18;
	v18 =	vcvt.s32.f32 v62;
	v37 =	vand.u32 $0x7F, v55  }
0xd2: {  	v14 =	vsel vm7, v44, v14;
	v28 =	vshrl.u32 v34, $0x17;
	vm7 =	vlt.s32 v55, $0x0  }
0xd3: {  	v49 =	vsub.f32 $1.000000000e+00, v14;
	v50 =	vsub.f32 $0.0e+00, v17;
	v14 =	vmul.f32 v14, v45  }
0xd4: {  	v18 =	vmul.f32 $6.931471820e-01, v18;
	v28 =	vand.u32 $0xFF, v28;
	v45 =	vshrl.u32 v34, $0x7  }
0xd5: {  	v26 =	vld [tilespmem:$0x870];
	v38 =	vadd.s32 $0xFFFFFF81, v28;
	v24 =	vand.u32 $0xFF, v45;
	v52 =	vmul.f32 v49, v25  }
0xd6: {  	v15 =	vsel vm10, v17, v50;
	v17 =	vadd.f32 $1.000000000e+00, v56;
	v18 =	vmul.f32 $1.442695020e+00, v18  }
0xd7: {  	v49 =	vadd.s32 $0xFFFFFF81, v24;
	vm10 =	vgt.f32 v47, $0.0e+00;
	v57 =	vnsel vm0, $0x0, v15  }
0xd8: {  	v15 =	vsub.f32 $1.000000000e+00, v15;
	v50 =	vcvt.s32.f32 v49;
	v14 =	vadd.f32 v52, v14  }
0xd9: {  	v17 =	vsel vm11, v19, v17;
	v19 =	vsel vm12, v63, v0;
	v52 =	vshrl.u32 v34, $0x10  }
0xda: {  	vm11 =	veq.s32 v28, $0x0;
	v15 =	vmul.f32 v15, v26;
	v26 =	vcvt.s32.f32 v29  }
0xdb: {  	vm12 =	vlt.s32 v34, $0x0;
	v60 =	vpop (erf);
	(erf) = vpow2.f32 v18;
	v29 =	vcvt.s32.f32 v38  }
0xdc: {  	v14 =	vsel vm0, v14, v25;
	v17 =	vmul.f32 v60, v17;
	v25 =	vcvt.s32.f32 v37  }
0xdd: {  	vm0 =	vmor vm4, vm15;
	v60 =	vand.u32 $0x7F, v34;
	v4 =	vpop (erf);
	v32 =	vmul.f32 $6.931471820e-01, v26  }
0xde: {  	v6 =	vld [tilespmem:$0x680];
	v2 =	vsub.f32 $0.0e+00, v17;
	v19 =	vmul.f32 v4, v19;
	v40 =	vmul.f32 $7.812500000e-03, v25  }
0xdf: {  	v15 =	vadd.f32 v15, v57;
	v42 =	vmul.f32 $1.562500000e-02, v25;
	v25 =	vcvt.s32.f32 v60  }
0xe0: {  	v44 =	vmul.f32 $6.931471820e-01, v29;
	v18 =	vmul.f32 $1.442695020e+00, v32;
	v32 =	vld [tilespmem:$0x2C0];
	v17 =	vsel vm13, v2, v17  }
0xe1: {  	v27 =	vld [tilespmem:$0x880];
	v30 =	vsub.f32 $0.0e+00, v19;
	v3 =	vmul.f32 $1.562500000e-02, v25;
	v31 =	vsub.f32 $1.000000000e+00, v17  }
0xe2: {  	v43 =	vadd.f32 $1.000000000e+00, v40;
	v17 =	vmul.f32 v17, v5;
	(erf) = vpow2.f32 v18;
	v5 =	vld [tilespmem:$0x4A0]  }
0xe3: {  	v19 =	vsel vm14, v19, v30;
	v30 =	vmul.f32 $7.812500000e-03, v25;
	v23 =	vmul.f32 v31, v6  }
0xe4: {  	vm13 =	veq.s32 v24, $0x0;
	v35 =	vnsel vm0, $0x0, v19;
	v19 =	vsub.f32 $1.000000000e+00, v19  }
0xe5: {  	v4 =	vadd.f32 $1.000000000e+00, v30;
	v33 =	vshrl.u32 v32, $0x10;
	v17 =	vadd.f32 v23, v17  }
0xe6: {  	v23 =	vadd.f32 $1.000000000e+00, v36;
	v19 =	vmul.f32 v19, v27;
	v27 =	vand.u32 $0x7F, v52  }
0xe7: {  	v33 =	vand.u32 $0x7F, v33;
	v54 =	vcvt.s32.f32 v27;
	vm14 =	vlt.f32 v5, $0.0e+00  }
0xe8: {  	v39 =	vpop (erf);
	v27 =	vld [tilespmem:$0x2B0];
	vm15 =	vgt.f32 v5, $0.0e+00;
	v22 =	vsel vm5, v22, v23;
	v17 =	vsel vm0, v17, v6  }
0xe9: {  	v16 =	vadd.f32 v19, v35;
	v41 =	vmul.f32 v39, v22;
	v22 =	vmul.f32 $1.442695020e+00, v44  }
0xea: {  	v19 =	vsel vm6, v42, v43;
	vm0 =	vmor vm10, vm9;
	v57 =	vmul.f32 $7.812500000e-03, v54  }
0xeb: {  	v20 =	vmul.f32 $1.562500000e-02, v54;
	v23 =	vsub.f32 $0.0e+00, v41;
	v46 =	vpop (erf);
	(erf) = vpow2.f32 v22  }
0xec: {  	v22 =	vmul.f32 $6.931471820e-01, v50;
	v59 =	vadd.f32 $1.000000000e+00, v57;
	v19 =	vmul.f32 v46, v19  }
0xed: {  	v61 =	vshrl.u32 v27, $0x17;
	v36 =	vshrl.u32 v27, $0x7;
	v42 =	vshrl.u32 v27, $0x10  }
0xee: {  	v46 =	vand.u32 $0x7F, v27;
	vm6 =	vlt.s32 v27, $0x0;
	v27 =	vand.u32 $0x8000, v27  }
0xef: {  	v18 =	vsel vm7, v23, v41;
	v22 =	vmul.f32 $1.442695020e+00, v22;
	v20 =	vsel vm11, v20, v59  }
0xf0: {  	v28 =	vand.u32 $0xFF, v61;
	v30 =	vand.u32 $0xFF, v36;
	v41 =	vand.u32 $0x8000, v34  }
0xf1: {  	v54 =	vld [tilespmem:$0x4B0];
	v26 =	vand.u32 $0x7F, v42;
	v24 =	vcvt.s32.f32 v46;
	v61 =	vcvt.s32.f32 v33  }
0xf2: {  	v48 =	vld [tilespmem:$0x690];
	v51 =	vsub.f32 $0.0e+00, v19;
	v53 =	vsub.f32 $1.000000000e+00, v18;
	v18 =	vmul.f32 v18, v47  }
0xf3: {  	v63 =	vadd.s32 $0xFFFFFF81, v28;
	v39 =	vadd.s32 $0xFFFFFF81, v30;
	v26 =	vcvt.s32.f32 v26  }
0xf4: {  	vm4 =	veq.s32 v41, $0x0;
	vm5 =	veq.s32 v28, $0x0;
	v47 =	vshrl.u32 v32, $0x17  }
0xf5: {  	vm7 =	veq.s32 v30, $0x0;
	(erf) = vpow2.f32 v22;
	v23 =	vcvt.s32.f32 v63  }
0xf6: {  	vm9 =	vlt.f32 v54, $0.0e+00;
	v50 =	vmul.f32 $7.812500000e-03, v24;
	v24 =	vmul.f32 $1.562500000e-02, v24  }
0xf7: {  	v56 =	vld [tilespmem:$0x890];
	vm10 =	vgt.f32 v54, $0.0e+00;
	v35 =	vmul.f32 $7.812500000e-03, v61;
	v55 =	vmul.f32 v53, v48  }
0xf8: {  	v19 =	vsel vm8, v19, v51;
	v43 =	vmul.f32 $7.812500000e-03, v26;
	v45 =	vmul.f32 $1.562500000e-02, v26  }
0xf9: {  	v26 =	vand.u32 $0xFF, v47;
	vm8 =	veq.s32 v27, $0x0;
	v58 =	vsub.f32 $1.000000000e+00, v19  }
0xfa: {  	v0 =	vnsel vm0, $0x0, v19;
	v23 =	vmul.f32 $6.931471820e-01, v23;
	v51 =	vadd.s32 $0xFFFFFF81, v26  }
0xfb: {  	vm11 =	veq.s32 v26, $0x0;
	v18 =	vadd.f32 v55, v18;
	v52 =	vcvt.s32.f32 v51  }
0xfc: {  	v22 =	vmul.f32 v58, v56;
	v23 =	vmul.f32 $1.442695020e+00, v23;
	v56 =	vshrl.u32 v32, $0x7  }
0xfd: {  	v62 =	vpop (erf);
	v19 =	vsel vm0, v18, v48;
	vm0 =	vmor vm15, vm14;
	v28 =	vmul.f32 $6.931471820e-01, v52  }
0xfe: {  	v29 =	vand.u32 $0xFF, v56;
	v20 =	vmul.f32 v62, v20;
	v18 =	vadd.f32 v22, v0  }
0xff: {  	v22 =	vsel vm13, v3, v4;
	(erf) = vpow2.f32 v23;
	v23 =	vadd.f32 $1.000000000e+00, v43  }
0x100: {  	v58 =	vadd.s32 $0xFFFFFF81, v29;
	v3 =	vmul.f32 $1.562500000e-02, v61;
	v4 =	vadd.f32 $1.000000000e+00, v35  }
0x101: {  	v62 =	vld [tilespmem:$0x2D0];
	v43 =	vand.u32 $0x8000, v32;
	v27 =	vcvt.s32.f32 v58;
	v2 =	vsub.f32 $0.0e+00, v20  }
0x102: {  	vm13 =	veq.s32 v29, $0x0;
	v28 =	vmul.f32 $1.442695020e+00, v28;
	vm14 =	veq.s32 v43, $0x0;
	v37 =	vpop (erf)  }
0x103: {  	v6 =	vld [tilespmem:$0x6A0];
	v27 =	vmul.f32 $6.931471820e-01, v27;
	v20 =	vsel vm12, v2, v20;
	v38 =	vmul.f32 v37, v22  }
0x104: {  	v22 =	vcvt.s32.f32 v39;
	vm12 =	vlt.s32 v32, $0x0;
	v40 =	vsub.f32 $1.000000000e+00, v20  }
0x105: {  	v20 =	vmul.f32 v20, v5;
	v27 =	vmul.f32 $1.442695020e+00, v27;
	v5 =	vand.u32 $0x7F, v32  }
0x106: {  	v39 =	vld [tilespmem:$0x4C0];
	v51 =	vand.u32 $0x7F, v62;
	v22 =	vmul.f32 $6.931471820e-01, v22;
	v31 =	vsub.f32 $0.0e+00, v38  }
0x107: {  	v61 =	vand.u32 $0x8000, v62;
	v26 =	vcvt.s32.f32 v5;
	v29 =	vcvt.s32.f32 v51  }
0x108: {  	v25 =	vmul.f32 v40, v6;
	v22 =	vmul.f32 $1.442695020e+00, v22;
	v21 =	vsel vm4, v38, v31  }
0x109: {  	v44 =	vld [tilespmem:$0x8A0];
	v36 =	vmul.f32 $7.812500000e-03, v26;
	v26 =	vmul.f32 $1.562500000e-02, v26;
	v38 =	vshrl.u32 v62, $0x7  }
0x10a: {  	v20 =	vadd.f32 v25, v20;
	v48 =	vsub.f32 $1.000000000e+00, v21;
	v21 =	vnsel vm0, $0x0, v21  }
0x10b: {  	v58 =	vld [tilespmem:$0x4D0];
	vm15 =	vlt.f32 v39, $0.0e+00;
	vm4 =	vgt.f32 v39, $0.0e+00;
	(erf) = vpow2.f32 v22  }
0x10c: {  	v49 =	vpop (erf);
	v22 =	vsel vm5, v45, v23;
	v23 =	vadd.f32 $1.000000000e+00, v50;
	v45 =	vshrl.u32 v62, $0x10  }
0x10d: {  	vm5 =	vmor vm4, vm15;
	v20 =	vsel vm0, v20, v6;
	v22 =	vmul.f32 v49, v22  }
0x10e: {  	v25 =	vmul.f32 v48, v44;
	(erf) = vpow2.f32 v28;
	vm0 =	vmor vm10, vm9  }
0x10f: {  	v23 =	vsel vm7, v24, v23;
	v24 =	vadd.f32 $1.000000000e+00, v36;
	v53 =	vsub.f32 $0.0e+00, v22  }
0x110: {  	v55 =	vld [tilespmem:$0x6B0];
	v6 =	vshrl.u32 v62, $0x17;
	vm9 =	vlt.f32 v58, $0.0e+00;
	vm10 =	vgt.f32 v58, $0.0e+00  }
0x111: {  	v24 =	vsel vm13, v26, v24;
	v26 =	vand.u32 $0x7F, v45;
	v22 =	vsel vm6, v53, v22  }
0x112: {  	v26 =	vcvt.s32.f32 v26;
	v59 =	vsub.f32 $1.000000000e+00, v22;
	v22 =	vmul.f32 v22, v54  }
0x113: {  	v28 =	vand.u32 $0xFF, v6;
	v54 =	vmul.f32 $7.812500000e-03, v29;
	v29 =	vmul.f32 $1.562500000e-02, v29  }
0x114: {  	v35 =	vadd.s32 $0xFFFFFF81, v28;
	v49 =	vmul.f32 $7.812500000e-03, v26;
	v26 =	vmul.f32 $1.562500000e-02, v26  }
0x115: {  	vm6 =	veq.s32 v28, $0x0;
	v31 =	vmul.f32 v59, v55;
	v57 =	vpop (erf);
	(erf) = vpow2.f32 v27  }
0x116: {  	v56 =	vadd.f32 $1.000000000e+00, v54;
	v27 =	vcvt.s32.f32 v35;
	v23 =	vmul.f32 v57, v23  }
0x117: {  	v32 =	vadd.f32 $1.000000000e+00, v49;
	v63 =	vadd.f32 v31, v22;
	v31 =	vand.u32 $0xFF, v38  }
0x118: {  	v34 =	vld [tilespmem:$0x8B0];
	v22 =	vadd.f32 v25, v21;
	v41 =	vadd.s32 $0xFFFFFF81, v31;
	v60 =	vsub.f32 $0.0e+00, v23  }
0x119: {  	v25 =	vsel vm11, v3, v4;
	vm11 =	veq.s32 v61, $0x0;
	v35 =	vcvt.s32.f32 v41  }
0x11a: {  	v27 =	vmul.f32 $6.931471820e-01, v27;
	v26 =	vsel vm6, v26, v32;
	v23 =	vsel vm8, v23, v60  }
0x11b: {  	vm7 =	veq.s32 v31, $0x0;
	v44 =	vmul.f32 $6.931471820e-01, v35;
	v35 =	vld [tilespmem:$0x2E0];
	v0 =	vsub.f32 $1.000000000e+00, v23  }
0x11c: {  	v21 =	vsel vm0, v63, v55;
	v29 =	vsel vm7, v29, v56;
	v27 =	vmul.f32 $1.442695020e+00, v27  }
0x11d: {  	vm8 =	vlt.s32 v62, $0x0;
	v23 =	vnsel vm0, $0x0, v23;
	v2 =	vmul.f32 v0, v34;
	v34 =	vpop (erf)  }
0x11e: {  	vm0 =	vmor vm10, vm9;
	(erf) = vpow2.f32 v27;
	v27 =	vmul.f32 $1.442695020e+00, v44;
	v42 =	vpop (erf)  }
0x11f: {  	v25 =	vmul.f32 v34, v25;
	v23 =	vadd.f32 v2, v23;
	v24 =	vmul.f32 v42, v24  }
0x120: {  	(erf) = vpow2.f32 v27;
	v52 =	vshrl.u32 v35, $0x17;
	v36 =	vshrl.u32 v35, $0x7  }
0x121: {  	v40 =	vld [tilespmem:$0x6C0];
	v3 =	vshrl.u32 v35, $0x10;
	v37 =	vsub.f32 $0.0e+00, v25;
	v28 =	vand.u32 $0xFF, v52  }
0x122: {  	v36 =	vand.u32 $0xFF, v36;
	v33 =	vand.u32 $0x7F, v3;
	v46 =	vsub.f32 $0.0e+00, v24  }
0x123: {  	v55 =	vadd.s32 $0xFFFFFF81, v28;
	v60 =	vadd.s32 $0xFFFFFF81, v36;
	v25 =	vsel vm12, v37, v25  }
0x124: {  	v48 =	vld [tilespmem:$0x8C0];
	v4 =	vcvt.s32.f32 v33;
	v32 =	vcvt.s32.f32 v60;
	v30 =	vsub.f32 $1.000000000e+00, v25  }
0x125: {  	v3 =	vld [tilespmem:$0x4F0];
	vm13 =	veq.s32 v36, $0x0;
	vm12 =	veq.s32 v28, $0x0;
	v25 =	vmul.f32 v25, v39  }
0x126: {  	v47 =	vsel vm14, v24, v46;
	v0 =	vmul.f32 $6.931471820e-01, v32;
	v32 =	vld [tilespmem:$0x2F0];
	v30 =	vmul.f32 v30, v40  }
0x127: {  	v5 =	vmul.f32 $7.812500000e-03, v4;
	v50 =	vnsel vm5, $0x0, v47;
	v27 =	vsub.f32 $1.000000000e+00, v47;
	v47 =	vld [tilespmem:$0x4E0];
	v53 =	vpop (erf)  }
0x128: {  	v31 =	vmul.f32 $1.562500000e-02, v4;
	v25 =	vadd.f32 v30, v25;
	v26 =	vmul.f32 v53, v26  }
0x129: {  	vm14 =	vlt.s32 v35, $0x0;
	v27 =	vmul.f32 v27, v48;
	v30 =	vcvt.s32.f32 v55  }
0x12a: {  	vm10 =	vlt.f32 v3, $0.0e+00;
	v59 =	vpop (erf);
	v24 =	vsel vm5, v25, v40;
	v57 =	vsub.f32 $0.0e+00, v26  }
0x12b: {  	v30 =	vmul.f32 $6.931471820e-01, v30;
	v29 =	vmul.f32 v59, v29;
	v25 =	vadd.f32 v27, v50  }
0x12c: {  	v45 =	vshrl.u32 v32, $0x7;
	v53 =	vshrl.u32 v32, $0x10;
	vm4 =	vlt.f32 v47, $0.0e+00  }
0x12d: {  	vm5 =	vgt.f32 v47, $0.0e+00;
	v56 =	vand.u32 $0x7F, v32;
	v36 =	vand.u32 $0xFF, v45  }
0x12e: {  	v37 =	vld [tilespmem:$0x6D0];
	v34 =	vand.u32 $0x7F, v53;
	v26 =	vsel vm8, v57, v26;
	v30 =	vmul.f32 $1.442695020e+00, v30  }
0x12f: {  	v63 =	vsub.f32 $0.0e+00, v29;
	v49 =	vadd.s32 $0xFFFFFF81, v36;
	v34 =	vcvt.s32.f32 v34  }
0x130: {  	v38 =	vld [tilespmem:$0x8D0];
	vm7 =	veq.s32 v36, $0x0;
	v62 =	vsub.f32 $1.000000000e+00, v26;
	v26 =	vmul.f32 v26, v58  }
0x131: {  	vm8 =	vlt.s32 v32, $0x0;
	(erf) = vpow2.f32 v30;
	v30 =	vmul.f32 $1.442695020e+00, v0  }
0x132: {  	v27 =	vsel vm11, v29, v63;
	v29 =	vadd.f32 $1.000000000e+00, v5;
	v55 =	vmul.f32 $7.812500000e-03, v34  }
0x133: {  	v2 =	vmul.f32 v62, v37;
	v6 =	vnsel vm0, $0x0, v27;
	v27 =	vsub.f32 $1.000000000e+00, v27  }
0x134: {  	v34 =	vmul.f32 $1.562500000e-02, v34;
	vm11 =	vgt.f32 v3, $0.0e+00;
	(erf) = vpow2.f32 v30  }
0x135: {  	v26 =	vadd.f32 v2, v26;
	v27 =	vmul.f32 v27, v38;
	v38 =	vshrl.u32 v32, $0x17  }
0x136: {  	v29 =	vsel vm12, v31, v29;
	v32 =	vand.u32 $0x8000, v32;
	v28 =	vand.u32 $0xFF, v38  }
0x137: {  	v38 =	vcvt.s32.f32 v49;
	vm9 =	veq.s32 v32, $0x0;
	v26 =	vsel vm0, v26, v37  }
0x138: {  	v37 =	vand.u32 $0x7F, v35;
	v27 =	vadd.f32 v27, v6;
	v41 =	vadd.s32 $0xFFFFFF81, v28  }
0x139: {  	v35 =	vand.u32 $0x8000, v35;
	v33 =	vcvt.s32.f32 v37;
	v52 =	vmul.f32 $6.931471820e-01, v38;
	v38 =	vld [tilespmem:$0x300]  }
0x13a: {  	vm0 =	vmor vm5, vm4;
	v30 =	vcvt.s32.f32 v41;
	v37 =	vcvt.s32.f32 v56  }
0x13b: {  	vm6 =	veq.s32 v28, $0x0;
	v40 =	vmul.f32 $7.812500000e-03, v33;
	v42 =	vmul.f32 $1.562500000e-02, v33  }
0x13c: {  	vm15 =	veq.s32 v35, $0x0;
	v30 =	vmul.f32 $6.931471820e-01, v30;
	v59 =	vmul.f32 $7.812500000e-03, v37;
	v39 =	vpop (erf)  }
0x13d: {  	v61 =	vmul.f32 $1.562500000e-02, v37;
	v29 =	vmul.f32 v39, v29;
	v43 =	vadd.f32 $1.000000000e+00, v40  }
0x13e: {  	v30 =	vmul.f32 $1.442695020e+00, v30;
	v62 =	vadd.f32 $1.000000000e+00, v59;
	v40 =	vshrl.u32 v38, $0x17  }
0x13f: {  	v0 =	vshrl.u32 v38, $0x7;
	v45 =	vshrl.u32 v38, $0x10;
	v53 =	vand.u32 $0x7F, v38  }
0x140: {  	v44 =	vsub.f32 $0.0e+00, v29;
	v31 =	vsel vm13, v42, v43;
	(erf) = vpow2.f32 v30  }
0x141: {  	v46 =	vpop (erf);
	v30 =	vmul.f32 $1.442695020e+00, v52;
	v40 =	vand.u32 $0xFF, v40;
	v36 =	vand.u32 $0xFF, v0  }
0x142: {  	v48 =	vld [tilespmem:$0x6E0];
	v37 =	vcvt.s32.f32 v53;
	vm13 =	vlt.s32 v38, $0x0;
	v31 =	vmul.f32 v46, v31  }
0x143: {  	v57 =	vadd.s32 $0xFFFFFF81, v40;
	v5 =	vadd.s32 $0xFFFFFF81, v36;
	(erf) = vpow2.f32 v30  }
0x144: {  	v39 =	vld [tilespmem:$0x8E0];
	vm12 =	veq.s32 v40, $0x0;
	v29 =	vsel vm14, v44, v29;
	v50 =	vsub.f32 $0.0e+00, v31  }
0x145: {  	v41 =	vcvt.s32.f32 v57;
	v6 =	vcvt.s32.f32 v5;
	v51 =	vsub.f32 $1.000000000e+00, v29  }
0x146: {  	v42 =	vmul.f32 $7.812500000e-03, v37;
	v29 =	vmul.f32 v29, v47;
	v31 =	vsel vm15, v31, v50  }
0x147: {  	v35 =	vmul.f32 v51, v48;
	v54 =	vnsel vm0, $0x0, v31;
	v31 =	vsub.f32 $1.000000000e+00, v31  }
0x148: {  	v59 =	vmul.f32 $1.562500000e-02, v37;
	vm14 =	veq.s32 v36, $0x0;
	v5 =	vand.u32 $0x8000, v38  }
0x149: {  	v29 =	vadd.f32 v35, v29;
	v35 =	vadd.f32 $1.000000000e+00, v55;
	v31 =	vmul.f32 v31, v39  }
0x14a: {  	vm5 =	veq.s32 v5, $0x0;
	v63 =	vmul.f32 $6.931471820e-01, v41;
	v39 =	vand.u32 $0x7F, v45  }
0x14b: {  	v34 =	vsel vm6, v34, v35;
	v58 =	vpop (erf);
	v47 =	vcvt.s32.f32 v39;
	v28 =	vadd.f32 v31, v54  }
0x14c: {  	v39 =	vld [tilespmem:$0x310];
	v60 =	vmul.f32 v58, v34;
	v31 =	vsel vm7, v61, v62;
	v34 =	vmul.f32 $1.442695020e+00, v63;
	v2 =	vpop (erf)  }
0x14d: {  	v29 =	vsel vm0, v29, v48;
	v50 =	vmul.f32 $7.812500000e-03, v47;
	v31 =	vmul.f32 v2, v31  }
0x14e: {  	v35 =	vsub.f32 $0.0e+00, v60;
	(erf) = vpow2.f32 v34;
	v34 =	vmul.f32 $6.931471820e-01, v6  }
0x14f: {  	vm0 =	vmor vm11, vm10;
	v32 =	vmul.f32 $1.562500000e-02, v47;
	v52 =	vadd.f32 $1.000000000e+00, v50  }
0x150: {  	v61 =	vld [tilespmem:$0x500];
	v30 =	vsel vm8, v35, v60;
	v44 =	vsub.f32 $0.0e+00, v31;
	v34 =	vmul.f32 $1.442695020e+00, v34  }
0x151: {  	v54 =	vshrl.u32 v39, $0x17;
	v60 =	vadd.f32 $1.000000000e+00, v42;
	v63 =	vshrl.u32 v39, $0x7  }
0x152: {  	v6 =	vshrl.u32 v39, $0x10;
	v47 =	vand.u32 $0x7F, v39;
	vm7 =	vlt.s32 v39, $0x0  }
0x153: {  	v4 =	vld [tilespmem:$0x6F0];
	v39 =	vand.u32 $0x8000, v39;
	v46 =	vsub.f32 $1.000000000e+00, v30;
	v30 =	vmul.f32 v30, v3  }
0x154: {  	v32 =	vsel vm12, v32, v52;
	v40 =	vand.u32 $0xFF, v54;
	v42 =	vand.u32 $0xFF, v63  }
0x155: {  	v38 =	vand.u32 $0x7F, v6;
	vm15 =	vlt.f32 v61, $0.0e+00;
	vm4 =	vgt.f32 v61, $0.0e+00  }
0x156: {  	v49 =	vld [tilespmem:$0x8F0];
	v36 =	vcvt.s32.f32 v47;
	v31 =	vsel vm9, v31, v44;
	(erf) = vpow2.f32 v34  }
0x157: {  	v56 =	vadd.s32 $0xFFFFFF81, v40;
	v3 =	vadd.s32 $0xFFFFFF81, v42;
	v38 =	vcvt.s32.f32 v38  }
0x158: {  	vm6 =	veq.s32 v40, $0x0;
	vm8 =	veq.s32 v42, $0x0;
	v48 =	vmul.f32 v46, v4  }
0x159: {  	v44 =	vld [tilespmem:$0x320];
	vm9 =	veq.s32 v39, $0x0;
	v51 =	vsub.f32 $1.000000000e+00, v31;
	v35 =	vcvt.s32.f32 v56  }
0x15a: {  	v41 =	vmul.f32 $7.812500000e-03, v38;
	v46 =	vmul.f32 $1.562500000e-02, v38;
	v30 =	vadd.f32 v48, v30  }
0x15b: {  	v57 =	vnsel vm0, $0x0, v31;
	v34 =	vmul.f32 v51, v49;
	v35 =	vmul.f32 $6.931471820e-01, v35  }
0x15c: {  	v51 =	vmul.f32 $7.812500000e-03, v36;
	v36 =	vmul.f32 $1.562500000e-02, v36;
	v31 =	vsel vm0, v30, v4  }
0x15d: {  	v30 =	vadd.f32 v34, v57;
	v34 =	vsel vm14, v59, v60;
	v35 =	vmul.f32 $1.442695020e+00, v35  }
0x15e: {  	v55 =	vpop (erf);
	vm0 =	vmor vm4, vm15;
	v48 =	vshrl.u32 v44, $0x17;
	v57 =	vshrl.u32 v44, $0x7  }
0x15f: {  	v5 =	vand.u32 $0x7F, v44;
	v32 =	vmul.f32 v55, v32;
	v38 =	vand.u32 $0xFF, v48  }
0x160: {  	(erf) = vpow2.f32 v35;
	v35 =	vadd.f32 $1.000000000e+00, v41;
	v52 =	vadd.s32 $0xFFFFFF81, v38  }
0x161: {  	v41 =	vand.u32 $0xFF, v57;
	vm12 =	veq.s32 v38, $0x0;
	v38 =	vcvt.s32.f32 v5  }
0x162: {  	v55 =	vld [tilespmem:$0x510];
	v58 =	vsub.f32 $0.0e+00, v32;
	v53 =	vcvt.s32.f32 v52;
	v59 =	vadd.s32 $0xFFFFFF81, v41  }
0x163: {  	v62 =	vld [tilespmem:$0x700];
	vm14 =	veq.s32 v41, $0x0;
	v0 =	vpop (erf);
	v39 =	vcvt.s32.f32 v59;
	v48 =	vmul.f32 $7.812500000e-03, v38  }
0x164: {  	v38 =	vmul.f32 $1.562500000e-02, v38;
	v32 =	vsel vm13, v58, v32;
	v2 =	vmul.f32 v0, v34  }
0x165: {  	v34 =	vcvt.s32.f32 v3;
	v40 =	vmul.f32 $6.931471820e-01, v53;
	vm13 =	vlt.s32 v44, $0x0  }
0x166: {  	v4 =	vsub.f32 $1.000000000e+00, v32;
	v32 =	vmul.f32 v32, v61;
	v39 =	vmul.f32 $6.931471820e-01, v39  }
0x167: {  	v45 =	vld [tilespmem:$0x900];
	vm10 =	vlt.f32 v55, $0.0e+00;
	v34 =	vmul.f32 $6.931471820e-01, v34;
	v43 =	vsub.f32 $0.0e+00, v2  }
0x168: {  	vm11 =	vgt.f32 v55, $0.0e+00;
	v40 =	vmul.f32 $1.442695020e+00, v40;
	v37 =	vmul.f32 v4, v62  }
0x169: {  	v39 =	vmul.f32 $1.442695020e+00, v39;
	v34 =	vmul.f32 $1.442695020e+00, v34;
	v33 =	vsel vm5, v2, v43  }
0x16a: {  	v32 =	vadd.f32 v37, v32;
	v49 =	vsub.f32 $1.000000000e+00, v33;
	v33 =	vnsel vm0, $0x0, v33  }
0x16b: {  	(erf) = vpow2.f32 v34;
	v34 =	vsel vm6, v46, v35;
	v50 =	vpop (erf);
	v35 =	vadd.f32 $1.000000000e+00, v51  }
0x16c: {  	v51 =	vld [tilespmem:$0x520];
	v34 =	vmul.f32 v50, v34;
	v37 =	vmul.f32 v49, v45;
	v45 =	vshrl.u32 v44, $0x10  }
0x16d: {  	v35 =	vsel vm8, v36, v35;
	v45 =	vand.u32 $0x7F, v45;
	v36 =	vadd.f32 $1.000000000e+00, v48  }
0x16e: {  	v56 =	vld [tilespmem:$0x710];
	v32 =	vsel vm0, v32, v62;
	v54 =	vsub.f32 $0.0e+00, v34;
	v62 =	vcvt.s32.f32 v45  }
0x16f: {  	(erf) = vpow2.f32 v40;
	vm0 =	vmor vm11, vm10;
	v45 =	vld [tilespmem:$0x330];
	v36 =	vsel vm14, v38, v36  }
0x170: {  	v34 =	vsel vm7, v54, v34;
	v47 =	vmul.f32 $7.812500000e-03, v62;
	v3 =	vmul.f32 $1.562500000e-02, v62  }
0x171: {  	vm4 =	vlt.f32 v51, $0.0e+00;
	vm5 =	vgt.f32 v51, $0.0e+00;
	v60 =	vsub.f32 $1.000000000e+00, v34  }
0x172: {  	v34 =	vmul.f32 v34, v55;
	v55 =	vand.u32 $0x8000, v44;
	vm6 =	vmor vm5, vm4  }
0x173: {  	v4 =	vadd.f32 $1.000000000e+00, v47;
	vm15 =	veq.s32 v55, $0x0;
	v43 =	vmul.f32 v60, v56  }
0x174: {  	v6 =	vshrl.u32 v45, $0x17;
	v50 =	vshrl.u32 v45, $0x7;
	v57 =	vshrl.u32 v45, $0x10  }
0x175: {  	v55 =	vand.u32 $0x8000, v45;
	v58 =	vpop (erf);
	(erf) = vpow2.f32 v39;
	v40 =	vand.u32 $0xFF, v6  }
0x176: {  	v38 =	vand.u32 $0x7F, v57;
	v35 =	vmul.f32 v58, v35;
	v63 =	vadd.f32 v43, v34  }
0x177: {  	v34 =	vadd.f32 v37, v33;
	v37 =	vsel vm12, v3, v4;
	v47 =	vadd.s32 $0xFFFFFF81, v40  }
0x178: {  	v43 =	vand.u32 $0xFF, v50;
	v38 =	vcvt.s32.f32 v38;
	vm7 =	veq.s32 v40, $0x0  }
0x179: {  	vm12 =	veq.s32 v55, $0x0;
	v39 =	vcvt.s32.f32 v47;
	v53 =	vadd.s32 $0xFFFFFF81, v43  }
0x17a: {  	v46 =	vld [tilespmem:$0x910];
	vm8 =	veq.s32 v43, $0x0;
	v61 =	vsub.f32 $0.0e+00, v35;
	v47 =	vcvt.s32.f32 v53  }
0x17b: {  	v33 =	vsel vm0, v63, v56;
	v63 =	vand.u32 $0x7F, v45;
	v39 =	vmul.f32 $6.931471820e-01, v39  }
0x17c: {  	v41 =	vcvt.s32.f32 v63;
	v35 =	vsel vm9, v35, v61;
	v56 =	vmul.f32 $6.931471820e-01, v47  }
0x17d: {  	v61 =	vmul.f32 $7.812500000e-03, v38;
	v38 =	vmul.f32 $1.562500000e-02, v38;
	v0 =	vsub.f32 $1.000000000e+00, v35  }
0x17e: {  	v47 =	vld [tilespmem:$0x340];
	vm9 =	vlt.s32 v45, $0x0;
	v39 =	vmul.f32 $1.442695020e+00, v39;
	v3 =	vmul.f32 $7.812500000e-03, v41  }
0x17f: {  	v41 =	vmul.f32 $1.562500000e-02, v41;
	v44 =	vadd.f32 $1.000000000e+00, v61;
	v2 =	vmul.f32 v0, v46  }
0x180: {  	v35 =	vnsel vm0, $0x0, v35;
	v46 =	vpop (erf);
	(erf) = vpow2.f32 v39;
	v39 =	vmul.f32 $1.442695020e+00, v56  }
0x181: {  	v5 =	vadd.f32 $1.000000000e+00, v3;
	v37 =	vmul.f32 v46, v37;
	v54 =	vpop (erf);
	v38 =	vsel vm7, v38, v44  }
0x182: {  	v35 =	vadd.f32 v2, v35;
	v36 =	vmul.f32 v54, v36;
	(erf) = vpow2.f32 v39  }
0x183: {  	v0 =	vshrl.u32 v47, $0x17;
	v48 =	vshrl.u32 v47, $0x7;
	v41 =	vsel vm8, v41, v5  }
0x184: {  	v52 =	vld [tilespmem:$0x720];
	v49 =	vsub.f32 $0.0e+00, v37;
	v40 =	vand.u32 $0xFF, v0;
	v48 =	vand.u32 $0xFF, v48  }
0x185: {  	v60 =	vld [tilespmem:$0x920];
	v0 =	vand.u32 $0x7F, v47;
	v58 =	vsub.f32 $0.0e+00, v36;
	v4 =	vadd.s32 $0xFFFFFF81, v40  }
0x186: {  	v54 =	vadd.s32 $0xFFFFFF81, v48;
	vm14 =	veq.s32 v48, $0x0;
	v37 =	vsel vm13, v49, v37  }
0x187: {  	v44 =	vcvt.s32.f32 v54;
	v42 =	vsub.f32 $1.000000000e+00, v37;
	v59 =	vsel vm15, v36, v58  }
0x188: {  	vm13 =	veq.s32 v40, $0x0;
	v37 =	vmul.f32 v37, v51;
	v39 =	vsub.f32 $1.000000000e+00, v59  }
0x189: {  	vm15 =	vlt.s32 v47, $0x0;
	v62 =	vnsel vm6, $0x0, v59;
	v42 =	vmul.f32 v42, v52  }
0x18a: {  	v58 =	vmul.f32 $6.931471820e-01, v44;
	v44 =	vld [tilespmem:$0x350];
	v2 =	vpop (erf);
	v39 =	vmul.f32 v39, v60;
	v60 =	vshrl.u32 v47, $0x10  }
0x18b: {  	v47 =	vand.u32 $0x8000, v47;
	v37 =	vadd.f32 v42, v37;
	v38 =	vmul.f32 v2, v38  }
0x18c: {  	v42 =	vcvt.s32.f32 v4;
	v45 =	vand.u32 $0x7F, v60;
	vm4 =	veq.s32 v47, $0x0  }
0x18d: {  	v53 =	vpop (erf);
	v61 =	vcvt.s32.f32 v45;
	v45 =	vcvt.s32.f32 v0;
	v36 =	vsel vm6, v37, v52  }
0x18e: {  	v6 =	vsub.f32 $0.0e+00, v38;
	v42 =	vmul.f32 $6.931471820e-01, v42;
	v41 =	vmul.f32 v53, v41  }
0x18f: {  	v37 =	vadd.f32 v39, v62;
	v2 =	vshrl.u32 v44, $0x17;
	v62 =	vmul.f32 $7.812500000e-03, v61  }
0x190: {  	v54 =	vshrl.u32 v44, $0x7;
	v43 =	vmul.f32 $1.562500000e-02, v61;
	v4 =	vmul.f32 $7.812500000e-03, v45  }
0x191: {  	v40 =	vand.u32 $0xFF, v2;
	v48 =	vand.u32 $0xFF, v54;
	v2 =	vand.u32 $0x7F, v44  }
0x192: {  	v52 =	vld [tilespmem:$0x530];
	v38 =	vsel vm9, v6, v38;
	v42 =	vmul.f32 $1.442695020e+00, v42;
	v57 =	vsub.f32 $0.0e+00, v41  }
0x193: {  	v49 =	vld [tilespmem:$0x730];
	v5 =	vadd.s32 $0xFFFFFF81, v40;
	v6 =	vmul.f32 $1.562500000e-02, v45;
	vm7 =	veq.s32 v40, $0x0  }
0x194: {  	vm8 =	veq.s32 v48, $0x0;
	vm9 =	vlt.s32 v44, $0x0;
	v56 =	vsub.f32 $1.000000000e+00, v38  }
0x195: {  	(erf) = vpow2.f32 v42;
	v42 =	vmul.f32 $1.442695020e+00, v58;
	v39 =	vsel vm12, v41, v57  }
0x196: {  	v41 =	vadd.f32 $1.000000000e+00, v62;
	v58 =	vadd.s32 $0xFFFFFF81, v48;
	v62 =	vshrl.u32 v44, $0x10  }
0x197: {  	v50 =	vld [tilespmem:$0x930];
	v44 =	vand.u32 $0x8000, v44;
	v38 =	vmul.f32 v38, v52;
	(erf) = vpow2.f32 v42  }
0x198: {  	v59 =	vmul.f32 v56, v49;
	vm10 =	vlt.f32 v52, $0.0e+00;
	vm11 =	vgt.f32 v52, $0.0e+00  }
0x199: {  	v52 =	vadd.f32 $1.000000000e+00, v4;
	vm0 =	vmor vm11, vm10;
	v42 =	vcvt.s32.f32 v5  }
0x19a: {  	v46 =	vand.u32 $0x7F, v62;
	v63 =	vnsel vm0, $0x0, v39;
	v39 =	vsub.f32 $1.000000000e+00, v39  }
0x19b: {  	v56 =	vld [tilespmem:$0x540];
	v41 =	vsel vm13, v43, v41;
	v46 =	vcvt.s32.f32 v46;
	v42 =	vmul.f32 $6.931471820e-01, v42  }
0x19c: {  	vm10 =	veq.s32 v44, $0x0;
	v39 =	vmul.f32 v39, v50;
	v50 =	vcvt.s32.f32 v58  }
0x19d: {  	v38 =	vadd.f32 v59, v38;
	v0 =	vmul.f32 $7.812500000e-03, v46;
	v46 =	vmul.f32 $1.562500000e-02, v46  }
0x19e: {  	v43 =	vsel vm14, v6, v52;
	v42 =	vmul.f32 $1.442695020e+00, v42;
	v61 =	vmul.f32 $6.931471820e-01, v50;
	v50 =	vld [tilespmem:$0x360];
	v3 =	vpop (erf)  }
0x19f: {  	v38 =	vsel vm0, v38, v49;
	v49 =	vcvt.s32.f32 v2;
	v41 =	vmul.f32 v3, v41  }
0x1a0: {  	vm5 =	vlt.f32 v56, $0.0e+00;
	(erf) = vpow2.f32 v42;
	v42 =	vmul.f32 $1.442695020e+00, v61;
	v55 =	vpop (erf)  }
0x1a1: {  	v57 =	vld [tilespmem:$0x740];
	vm6 =	vgt.f32 v56, $0.0e+00;
	v53 =	vsub.f32 $0.0e+00, v41;
	v43 =	vmul.f32 v55, v43  }
0x1a2: {  	v39 =	vadd.f32 v39, v63;
	vm0 =	vmor vm6, vm5;
	(erf) = vpow2.f32 v42  }
0x1a3: {  	v51 =	vld [tilespmem:$0x940];
	v52 =	vshrl.u32 v50, $0x17;
	v41 =	vsel vm15, v53, v41;
	v59 =	vsub.f32 $0.0e+00, v43  }
0x1a4: {  	v5 =	vmul.f32 $7.812500000e-03, v49;
	v52 =	vand.u32 $0xFF, v52;
	v60 =	vsub.f32 $1.000000000e+00, v41  }
0x1a5: {  	v3 =	vadd.s32 $0xFFFFFF81, v52;
	v41 =	vmul.f32 v41, v56;
	v43 =	vsel vm4, v43, v59  }
0x1a6: {  	v47 =	vmul.f32 v60, v57;
	v63 =	vnsel vm0, $0x0, v43;
	v43 =	vsub.f32 $1.000000000e+00, v43  }
0x1a7: {  	v54 =	vmul.f32 $1.562500000e-02, v49;
	v55 =	vadd.f32 $1.000000000e+00, v5;
	v53 =	vcvt.s32.f32 v3;
	v59 =	vld [tilespmem:$0x550]  }
0x1a8: {  	v41 =	vadd.f32 v47, v41;
	v47 =	vadd.f32 $1.000000000e+00, v0;
	v43 =	vmul.f32 v43, v51  }
0x1a9: {  	vm14 =	vlt.s32 v50, $0x0;
	vm13 =	veq.s32 v52, $0x0;
	v56 =	vmul.f32 $6.931471820e-01, v53  }
0x1aa: {  	v46 =	vsel vm7, v46, v47;
	v41 =	vsel vm0, v41, v57;
	v40 =	vadd.f32 v43, v63  }
0x1ab: {  	v4 =	vpop (erf);
	v57 =	vshrl.u32 v50, $0x7;
	v43 =	vsel vm8, v54, v55;
	v63 =	vshrl.u32 v50, $0x10  }
0x1ac: {  	v58 =	vpop (erf);
	vm11 =	vlt.f32 v59, $0.0e+00;
	vm12 =	vgt.f32 v59, $0.0e+00;
	v6 =	vmul.f32 v4, v46  }
0x1ad: {  	v46 =	vmul.f32 $1.442695020e+00, v56;
	v48 =	vand.u32 $0xFF, v57;
	v43 =	vmul.f32 v58, v43  }
0x1ae: {  	v51 =	vand.u32 $0x7F, v63;
	vm0 =	vmor vm12, vm11;
	v57 =	vand.u32 $0x7F, v50  }
0x1af: {  	v60 =	vadd.s32 $0xFFFFFF81, v48;
	v2 =	vcvt.s32.f32 v51;
	v49 =	vcvt.s32.f32 v57  }
0x1b0: {  	v51 =	vld [tilespmem:$0x370];
	v47 =	vsub.f32 $0.0e+00, v6;
	(erf) = vpow2.f32 v46;
	v61 =	vcvt.s32.f32 v60  }
0x1b1: {  	v57 =	vld [tilespmem:$0x570];
	v62 =	vsub.f32 $0.0e+00, v43;
	v5 =	vmul.f32 $7.812500000e-03, v2;
	v44 =	vmul.f32 $1.562500000e-02, v2  }
0x1b2: {  	v45 =	vld [tilespmem:$0x750];
	vm15 =	veq.s32 v48, $0x0;
	v54 =	vmul.f32 $7.812500000e-03, v49;
	v63 =	vmul.f32 $1.562500000e-02, v49  }
0x1b3: {  	v42 =	vsel vm9, v47, v6;
	v46 =	vmul.f32 $6.931471820e-01, v61;
	v43 =	vsel vm10, v43, v62  }
0x1b4: {  	v4 =	vld [tilespmem:$0x950];
	v0 =	vsub.f32 $1.000000000e+00, v42;
	v42 =	vmul.f32 v42, v59;
	v6 =	vsub.f32 $1.000000000e+00, v43  }
0x1b5: {  	v2 =	vld [tilespmem:$0x560];
	v56 =	vadd.f32 $1.000000000e+00, v5;
	v61 =	vnsel vm0, $0x0, v43;
	v46 =	vmul.f32 $1.442695020e+00, v46  }
0x1b6: {  	v58 =	vshrl.u32 v51, $0x17;
	vm8 =	vlt.s32 v51, $0x0;
	vm11 =	vlt.f32 v57, $0.0e+00  }
0x1b7: {  	vm12 =	vgt.f32 v57, $0.0e+00;
	v3 =	vmul.f32 v0, v45;
	v44 =	vsel vm13, v44, v56  }
0x1b8: {  	v52 =	vand.u32 $0xFF, v58;
	v0 =	vadd.f32 $1.000000000e+00, v54;
	vm13 =	vmor vm12, vm11  }
0x1b9: {  	(erf) = vpow2.f32 v46;
	v46 =	vmul.f32 v6, v4;
	v60 =	vadd.s32 $0xFFFFFF81, v52  }
0x1ba: {  	v4 =	vshrl.u32 v51, $0x7;
	vm4 =	vlt.f32 v2, $0.0e+00;
	v47 =	vcvt.s32.f32 v60  }
0x1bb: {  	vm5 =	vgt.f32 v2, $0.0e+00;
	vm7 =	veq.s32 v52, $0x0;
	v42 =	vadd.f32 v3, v42  }
0x1bc: {  	v56 =	vld [tilespmem:$0x380];
	v54 =	vand.u32 $0xFF, v4;
	v60 =	vand.u32 $0x8000, v50;
	v59 =	vpop (erf);
	v47 =	vmul.f32 $6.931471820e-01, v47  }
0x1bd: {  	v58 =	vadd.s32 $0xFFFFFF81, v54;
	vm6 =	veq.s32 v60, $0x0;
	v44 =	vmul.f32 v59, v44  }
0x1be: {  	vm9 =	veq.s32 v54, $0x0;
	v43 =	vsel vm0, v42, v45;
	v47 =	vmul.f32 $1.442695020e+00, v47  }
0x1bf: {  	v3 =	vld [tilespmem:$0x760];
	v42 =	vadd.f32 v46, v61;
	v46 =	vsel vm15, v63, v0;
	v62 =	vsub.f32 $0.0e+00, v44  }
0x1c0: {  	v61 =	vshrl.u32 v51, $0x10;
	vm0 =	vmor vm5, vm4;
	(erf) = vpow2.f32 v47  }
0x1c1: {  	v50 =	vand.u32 $0x7F, v61;
	v4 =	vshrl.u32 v56, $0x17;
	v44 =	vsel vm14, v62, v44  }
0x1c2: {  	vm4 =	vlt.s32 v56, $0x0;
	v50 =	vcvt.s32.f32 v50;
	v5 =	vpop (erf);
	v59 =	vsub.f32 $1.000000000e+00, v44  }
0x1c3: {  	v52 =	vand.u32 $0xFF, v4;
	v6 =	vmul.f32 v5, v46;
	v46 =	vcvt.s32.f32 v58  }
0x1c4: {  	v60 =	vadd.s32 $0xFFFFFF81, v52;
	v44 =	vmul.f32 v44, v2;
	v49 =	vmul.f32 v59, v3  }
0x1c5: {  	v63 =	vmul.f32 $7.812500000e-03, v50;
	vm14 =	veq.s32 v52, $0x0;
	v46 =	vmul.f32 $6.931471820e-01, v46  }
0x1c6: {  	v2 =	vmul.f32 $1.562500000e-02, v50;
	v55 =	vsub.f32 $0.0e+00, v6;
	v44 =	vadd.f32 v49, v44  }
0x1c7: {  	v62 =	vld [tilespmem:$0x960];
	v59 =	vshrl.u32 v56, $0x10;
	v49 =	vadd.f32 $1.000000000e+00, v63;
	v46 =	vmul.f32 $1.442695020e+00, v46  }
0x1c8: {  	v63 =	vshrl.u32 v56, $0x7;
	v45 =	vsel vm6, v6, v55;
	v44 =	vsel vm0, v44, v3  }
0x1c9: {  	v0 =	vsub.f32 $1.000000000e+00, v45;
	v48 =	vsel vm7, v2, v49;
	(erf) = vpow2.f32 v46;
	v5 =	vpop (erf)  }
0x1ca: {  	v3 =	vand.u32 $0x7F, v51;
	v6 =	vmul.f32 v5, v48;
	v48 =	vcvt.s32.f32 v60  }
0x1cb: {  	v55 =	vand.u32 $0xFF, v63;
	v63 =	vand.u32 $0x7F, v56;
	v50 =	vcvt.s32.f32 v3  }
0x1cc: {  	v46 =	vmul.f32 v0, v62;
	v0 =	vadd.s32 $0xFFFFFF81, v55;
	v48 =	vmul.f32 $6.931471820e-01, v48  }
0x1cd: {  	v5 =	vand.u32 $0x8000, v51;
	v54 =	vcvt.s32.f32 v0;
	v62 =	vsub.f32 $0.0e+00, v6  }
0x1ce: {  	v51 =	vand.u32 $0x7F, v59;
	v61 =	vmul.f32 $7.812500000e-03, v50;
	v48 =	vmul.f32 $1.442695020e+00, v48  }
0x1cf: {  	v50 =	vmul.f32 $1.562500000e-02, v50;
	v3 =	vsel vm8, v62, v6;
	v6 =	vmul.f32 $6.931471820e-01, v54;
	v54 =	vld [tilespmem:$0x390]  }
0x1d0: {  	v51 =	vcvt.s32.f32 v51;
	v49 =	vadd.f32 $1.000000000e+00, v61;
	(erf) = vpow2.f32 v48  }
0x1d1: {  	v45 =	vnsel vm0, $0x0, v45;
	vm15 =	veq.s32 v55, $0x0;
	v48 =	vmul.f32 $1.442695020e+00, v6  }
0x1d2: {  	vm10 =	veq.s32 v5, $0x0;
	v61 =	vmul.f32 $7.812500000e-03, v51;
	v49 =	vsel vm9, v50, v49;
	v2 =	vpop (erf)  }
0x1d3: {  	v45 =	vadd.f32 v46, v45;
	(erf) = vpow2.f32 v48;
	v4 =	vmul.f32 v2, v49;
	v49 =	vld [tilespmem:$0x770]  }
0x1d4: {  	v51 =	vmul.f32 $1.562500000e-02, v51;
	v53 =	vsub.f32 $1.000000000e+00, v3;
	v0 =	vshrl.u32 v54, $0x17  }
0x1d5: {  	v46 =	vmul.f32 v3, v57;
	v50 =	vadd.f32 $1.000000000e+00, v61;
	v52 =	vand.u32 $0xFF, v0  }
0x1d6: {  	v60 =	vld [tilespmem:$0x970];
	v57 =	vcvt.s32.f32 v63;
	v58 =	vsub.f32 $0.0e+00, v4;
	v3 =	vadd.s32 $0xFFFFFF81, v52  }
0x1d7: {  	v50 =	vsel vm14, v51, v50;
	v59 =	vcvt.s32.f32 v3;
	v3 =	vshrl.u32 v54, $0x7  }
0x1d8: {  	v47 =	vsel vm10, v4, v58;
	v58 =	vmul.f32 $7.812500000e-03, v57;
	v53 =	vmul.f32 v53, v49  }
0x1d9: {  	v62 =	vnsel vm13, $0x0, v47;
	v47 =	vsub.f32 $1.000000000e+00, v47;
	v61 =	vmul.f32 $6.931471820e-01, v59;
	v2 =	vpop (erf)  }
0x1da: {  	v4 =	vmul.f32 $1.562500000e-02, v57;
	v5 =	vadd.f32 $1.000000000e+00, v58;
	v58 =	vld [tilespmem:$0x580];
	v50 =	vmul.f32 v2, v50  }
0x1db: {  	v46 =	vadd.f32 v53, v46;
	v48 =	vmul.f32 v47, v60;
	v63 =	vmul.f32 $1.442695020e+00, v61  }
0x1dc: {  	v53 =	vld [tilespmem:$0x780];
	v2 =	vshrl.u32 v54, $0x10;
	v57 =	vsel vm15, v4, v5;
	v60 =	vpop (erf);
	v6 =	vsub.f32 $0.0e+00, v50  }
0x1dd: {  	v47 =	vsel vm13, v46, v49;
	v46 =	vadd.f32 v48, v62;
	v49 =	vmul.f32 v60, v57  }
0x1de: {  	v59 =	vld [tilespmem:$0x3A0];
	v62 =	vand.u32 $0x8000, v56;
	(erf) = vpow2.f32 v63;
	v48 =	vsel vm4, v6, v50  }
0x1df: {  	v56 =	vand.u32 $0x7F, v2;
	v0 =	vmul.f32 v48, v58;
	v48 =	vsub.f32 $1.000000000e+00, v48  }
0x1e0: {  	v57 =	vand.u32 $0xFF, v3;
	vm5 =	veq.s32 v62, $0x0;
	v4 =	vcvt.s32.f32 v56  }
0x1e1: {  	v5 =	vadd.s32 $0xFFFFFF81, v57;
	v51 =	vsub.f32 $0.0e+00, v49;
	v48 =	vmul.f32 v48, v53  }
0x1e2: {  	v60 =	vld [tilespmem:$0x980];
	vm6 =	vlt.f32 v58, $0.0e+00;
	vm7 =	vgt.f32 v58, $0.0e+00;
	v6 =	vcvt.s32.f32 v5  }
0x1e3: {  	v63 =	vshrl.u32 v59, $0x17;
	vm8 =	vmor vm7, vm6;
	v48 =	vadd.f32 v48, v0  }
0x1e4: {  	v58 =	vmul.f32 $7.812500000e-03, v4;
	v56 =	vsel vm5, v49, v51;
	v61 =	vmul.f32 $6.931471820e-01, v6  }
0x1e5: {  	v51 =	vsub.f32 $1.000000000e+00, v56;
	v48 =	vsel vm8, v48, v53;
	v53 =	vand.u32 $0xFF, v63  }
0x1e6: {  	v0 =	vmul.f32 $1.442695020e+00, v61;
	v2 =	vadd.s32 $0xFFFFFF81, v53  }
0x1e7: {  	v50 =	vld [tilespmem:$0x3B0];
	v49 =	vadd.f32 $1.000000000e+00, v58;
	v58 =	vmul.f32 v51, v60;
	v51 =	vcvt.s32.f32 v2  }
0x1e8: {  	vm11 =	vlt.s32 v54, $0x0;
	v5 =	vand.u32 $0x7F, v54;
	v62 =	vmul.f32 $1.562500000e-02, v4  }
0x1e9: {  	v4 =	vshrl.u32 v59, $0x7;
	(erf) = vpow2.f32 v0;
	v51 =	vmul.f32 $6.931471820e-01, v51  }
0x1ea: {  	vm9 =	veq.s32 v52, $0x0;
	v55 =	vcvt.s32.f32 v5;
	v52 =	vand.u32 $0xFF, v4  }
0x1eb: {  	v4 =	vshrl.u32 v59, $0x10;
	v6 =	vadd.s32 $0xFFFFFF81, v52;
	v51 =	vmul.f32 $1.442695020e+00, v51  }
0x1ec: {  	v61 =	vmul.f32 $1.562500000e-02, v55;
	v55 =	vmul.f32 $7.812500000e-03, v55;
	v2 =	vshrl.u32 v50, $0x17  }
0x1ed: {  	v49 =	vsel vm9, v62, v49;
	v3 =	vpop (erf);
	v60 =	vand.u32 $0xFF, v2;
	(erf) = vpow2.f32 v51  }
0x1ee: {  	v0 =	vcvt.s32.f32 v6;
	v55 =	vadd.f32 $1.000000000e+00, v55;
	v62 =	vadd.s32 $0xFFFFFF81, v60  }
0x1ef: {  	v49 =	vmul.f32 v3, v49;
	v3 =	vcvt.s32.f32 v62;
	v62 =	vand.u32 $0x7F, v4  }
0x1f0: {  	vm10 =	veq.s32 v57, $0x0;
	vm13 =	veq.s32 v53, $0x0;
	v62 =	vcvt.s32.f32 v62  }
0x1f1: {  	v57 =	vmul.f32 $6.931471820e-01, v0;
	v55 =	vsel vm10, v61, v55;
	v0 =	vand.u32 $0x8000, v54  }
0x1f2: {  	v63 =	vsub.f32 $0.0e+00, v49;
	v51 =	vmul.f32 $6.931471820e-01, v3;
	v2 =	vmul.f32 $7.812500000e-03, v62;
	v5 =	vpop (erf)  }
0x1f3: {  	v57 =	vmul.f32 $1.442695020e+00, v57;
	v3 =	vand.u32 $0x7F, v59;
	v55 =	vmul.f32 v5, v55  }
0x1f4: {  	v6 =	vmul.f32 $1.442695020e+00, v51;
	v5 =	vmul.f32 $1.562500000e-02, v62;
	v54 =	vadd.f32 $1.000000000e+00, v2  }
0x1f5: {  	(erf) = vpow2.f32 v57;
	v57 =	vsel vm11, v63, v49;
	v4 =	vcvt.s32.f32 v3  }
0x1f6: {  	(erf) = vpow2.f32 v6;
	v6 =	vshrl.u32 v50, $0x10;
	v49 =	vsel vm13, v5, v54;
	v3 =	vpop (erf)  }
0x1f7: {  	v61 =	vand.u32 $0x7F, v6;
	v54 =	vmul.f32 v3, v49;
	v49 =	vld [tilespmem:$0x3C0]  }
0x1f8: {  	v61 =	vcvt.s32.f32 v61  }
0x1f9: {  	vm12 =	veq.s32 v0, $0x0;
	v0 =	vmul.f32 $7.812500000e-03, v4  }
0x1fa: {  	v51 =	vmul.f32 $1.562500000e-02, v4;
	v4 =	vmul.f32 $7.812500000e-03, v61  }
0x1fb: {  	vm14 =	veq.s32 v52, $0x0;
	vm4 =	veq.s32 v60, $0x0  }
0x1fc: {  	v6 =	vmul.f32 $1.562500000e-02, v61;
	v52 =	vadd.f32 $1.000000000e+00, v4;
	v3 =	vshrl.u32 v49, $0x17  }
0x1fd: {  	v53 =	vadd.f32 $1.000000000e+00, v0;
	v0 =	vshrl.u32 v50, $0x7;
	v61 =	vand.u32 $0xFF, v3  }
0x1fe: {  	v60 =	vand.u32 $0xFF, v0;
	v52 =	vsel vm4, v6, v52;
	v6 =	vadd.s32 $0xFFFFFF81, v61  }
0x1ff: {  	v4 =	vadd.s32 $0xFFFFFF81, v60;
	v0 =	vcvt.s32.f32 v6  }
0x200: {  	vm15 =	vlt.s32 v59, $0x0;
	v51 =	vsel vm14, v51, v53;
	v53 =	vcvt.s32.f32 v4  }
0x201: {  	v2 =	vsub.f32 $0.0e+00, v55;
	v5 =	vpop (erf);
	v62 =	vsub.f32 $0.0e+00, v54;
	v0 =	vmul.f32 $6.931471820e-01, v0  }
0x202: {  	v51 =	vmul.f32 v5, v51;
	v4 =	vand.u32 $0x7F, v50;
	v53 =	vmul.f32 $6.931471820e-01, v53  }
0x203: {  	v54 =	vsel vm15, v62, v54;
	v62 =	vcvt.s32.f32 v4;
	v4 =	vmul.f32 $1.442695020e+00, v0;
	v0 =	vld [tilespmem:$0x1FFA0]  }
0x204: {  	v59 =	vand.u32 $0x8000, v59;
	v5 =	vsub.f32 $0.0e+00, v51  }
0x205: {  	vm5 =	veq.s32 v59, $0x0;
	v55 =	vsel vm12, v55, v2;
	v2 =	vpop (erf);
	v53 =	vmul.f32 $1.442695020e+00, v53  }
0x206: {  	v52 =	vmul.f32 v2, v52;
	v2 =	vld [tilespmem:$0x1FFC0];
	v51 =	vsel vm5, v51, v5;
	v5 =	vshrl.u32 v49, $0x10  }
0x207: {  	v63 =	vand.u32 $0x7F, v5;
	v3 =	vld [tilespmem:$0x590];
	(erf) = vpow2.f32 v53  }
0x208: {  	v53 =	vcvt.s32.f32 v63;
	v6 =	vmul.f32 v0, v1;
	[tilespmem:$0xC00] =	vst v0;
	v0 =	vld [tilespmem:$0x1FFB0]  }
0x209: {  	v59 =	vsub.f32 $0.0e+00, v52  }
0x20a: {  	vm6 =	vlt.s32 v50, $0x0;
	vm7 =	veq.s32 v60, $0x0;
	v60 =	vmul.f32 $7.812500000e-03, v53  }
0x20b: {  	[tilespmem:$0xE00] =	vst v1;
	v63 =	vmul.f32 $7.812500000e-03, v62;
	v62 =	vmul.f32 $1.562500000e-02, v62;
	v52 =	vsel vm6, v59, v52  }
0x20c: {  	[tilespmem:$0xC30] =	vst v7;
	v59 =	vld [tilespmem:$0x790];
	v5 =	vmul.f32 $1.562500000e-02, v53;
	v53 =	vadd.f32 $1.000000000e+00, v60;
	vm9 =	vlt.f32 v3, $0.0e+00  }
0x20d: {  	[tilespmem:$0xC40] =	vst v8;
	vm10 =	vgt.f32 v3, $0.0e+00;
	(erf) = vpow2.f32 v4;
	v1 =	vld [tilespmem:$0x1FFE0];
	v4 =	vmul.f32 v0, v2  }
0x20e: {  	[tilespmem:$0xA00] =	vst v6;
	v6 =	vadd.f32 $1.000000000e+00, v63;
	v63 =	vsub.f32 $1.000000000e+00, v57;
	v57 =	vmul.f32 v57, v3;
	v3 =	vld [tilespmem:$0x1FFF0]  }
0x20f: {  	v56 =	vnsel vm8, $0x0, v56;
	vm8 =	veq.s32 v61, $0x0;
	[tilespmem:$0xA10] =	vst v4;
	v4 =	vld [tilespmem:$0x1FFD0]  }
0x210: {  	[tilespmem:$0xE10] =	vst v2;
	v2 =	vsel vm7, v62, v6;
	v62 =	vsel vm8, v5, v53;
	v53 =	vadd.f32 v58, v56;
	v56 =	vld [tilespmem:$0x5A0]  }
0x211: {  	[tilespmem:$0xC60] =	vst v12;
	v61 =	vld [tilespmem:$0x990];
	v63 =	vmul.f32 v63, v59  }
0x212: {  	[tilespmem:$0xC70] =	vst v14;
	vm14 =	vlt.s32 v49, $0x0;
	v5 =	vmul.f32 v12, v13;
	v6 =	vld [tilespmem:$0x3D0]  }
0x213: {  	[tilespmem:$0xC10] =	vst v0;
	v12 =	vmul.f32 v21, v23;
	v0 =	vadd.f32 v63, v57;
	v57 =	vld [tilespmem:$0x7A0];
	v63 =	vmul.f32 v7, v3  }
0x214: {  	[tilespmem:$0xE70] =	vst v15;
	vm0 =	vmor vm10, vm9;
	v7 =	vmul.f32 v14, v15;
	v60 =	vmul.f32 v1, v4  }
0x215: {  	v14 =	vld [tilespmem:$0x5B0];
	v15 =	vmul.f32 v24, v25;
	[tilespmem:$0xA30] =	vst v63;
	v63 =	vsub.f32 $1.000000000e+00, v54;
	vm11 =	vlt.f32 v56, $0.0e+00  }
0x216: {  	vm12 =	vgt.f32 v56, $0.0e+00;
	v54 =	vmul.f32 v54, v56;
	[tilespmem:$0xA20] =	vst v60;
	v60 =	vsub.f32 $1.000000000e+00, v55  }
0x217: {  	v56 =	vand.u32 $0x8000, v50;
	vm6 =	vlt.s32 v6, $0x0;
	[tilespmem:$0xE20] =	vst v4;
	v4 =	vmul.f32 v8, v10  }
0x218: {  	[tilespmem:$0xE40] =	vst v10;
	vm13 =	veq.s32 v56, $0x0;
	v58 =	vmul.f32 v60, v61;
	v60 =	vmul.f32 v63, v57  }
0x219: {  	[tilespmem:$0xC20] =	vst v1;
	v1 =	vsel vm0, v0, v59;
	v0 =	vmul.f32 v9, v11;
	v59 =	vmul.f32 v19, v18;
	v61 =	vpop (erf)  }
0x21a: {  	[tilespmem:$0xE80] =	vst v16;
	vm8 =	vlt.f32 v14, $0.0e+00;
	vm10 =	vgt.f32 v14, $0.0e+00;
	v63 =	vmul.f32 v61, v2  }
0x21b: {  	v55 =	vnsel vm0, $0x0, v55;
	[tilespmem:$0xA40] =	vst v4;
	vm0 =	vmor vm12, vm11;
	v4 =	vmul.f32 v17, v16  }
0x21c: {  	[tilespmem:$0xA50] =	vst v0;
	v0 =	vmul.f32 v20, v22;
	v54 =	vadd.f32 v60, v54;
	v61 =	vsub.f32 $0.0e+00, v63;
	v60 =	vpop (erf)  }
0x21d: {  	[tilespmem:$0xA90] =	vst v59;
	v59 =	vsub.f32 $1.000000000e+00, v51;
	v16 =	vmul.f32 v26, v27;
	v2 =	vmul.f32 v60, v62  }
0x21e: {  	[tilespmem:$0xC50] =	vst v9;
	v62 =	vshrl.u32 v49, $0x7;
	v8 =	vsel vm13, v63, v61;
	v60 =	vand.u32 $0x7F, v49  }
0x21f: {  	[tilespmem:$0xE50] =	vst v11;
	v61 =	vshrl.u32 v6, $0x17;
	v50 =	vand.u32 $0xFF, v62;
	v62 =	vcvt.s32.f32 v60  }
0x220: {  	[tilespmem:$0xE60] =	vst v13;
	v10 =	vand.u32 $0xFF, v61;
	v61 =	vshrl.u32 v6, $0x10;
	v63 =	vsub.f32 $0.0e+00, v2  }
0x221: {  	[tilespmem:$0xC80] =	vst v17;
	v56 =	vadd.s32 $0xFFFFFF81, v50;
	vm15 =	veq.s32 v50, $0x0;
	vm4 =	veq.s32 v10, $0x0  }
0x222: {  	[tilespmem:$0xE30] =	vst v3;
	v9 =	vcvt.s32.f32 v56;
	v56 =	vadd.s32 $0xFFFFFF81, v10;
	v60 =	vmul.f32 $7.812500000e-03, v62  }
0x223: {  	[tilespmem:$0xA60] =	vst v5;
	v5 =	vmul.f32 $1.562500000e-02, v62;
	v62 =	vand.u32 $0x7F, v61;
	v61 =	vshrl.u32 v6, $0x7  }
0x224: {  	[tilespmem:$0xA70] =	vst v7;
	v11 =	vsel vm14, v63, v2;
	v3 =	vcvt.s32.f32 v56;
	v7 =	vcvt.s32.f32 v62  }
0x225: {  	[tilespmem:$0xE90] =	vst v18;
	v18 =	vand.u32 $0xFF, v61;
	v62 =	vmul.f32 v52, v14;
	v63 =	vmul.f32 $6.931471820e-01, v9  }
0x226: {  	[tilespmem:$0xC90] =	vst v19;
	v9 =	vadd.f32 $1.000000000e+00, v60;
	v60 =	vsub.f32 $1.000000000e+00, v52;
	v52 =	vadd.s32 $0xFFFFFF81, v18  }
0x227: {  	[tilespmem:$0xCA0] =	vst v20;
	v17 =	vld [tilespmem:$0x7B0];
	vm7 =	veq.s32 v18, $0x0;
	v3 =	vmul.f32 $6.931471820e-01, v3;
	v50 =	vmul.f32 $7.812500000e-03, v7  }
0x228: {  	[tilespmem:$0xEA0] =	vst v22;
	v7 =	vmul.f32 $1.562500000e-02, v7;
	v2 =	vmul.f32 $1.442695020e+00, v63;
	v63 =	vld [tilespmem:$0x9A0];
	v9 =	vsel vm15, v5, v9  }
0x229: {  	[tilespmem:$0xA80] =	vst v4;
	v5 =	vld [tilespmem:$0x3E0];
	v56 =	vmul.f32 $1.442695020e+00, v3;
	v3 =	vadd.f32 v58, v55;
	v4 =	vadd.f32 $1.000000000e+00, v50  }
0x22a: {  	[tilespmem:$0xCB0] =	vst v21;
	(erf) = vpow2.f32 v2;
	v2 =	vsel vm0, v54, v57;
	v54 =	vcvt.s32.f32 v52  }
0x22b: {  	[tilespmem:$0xEB0] =	vst v23;
	v58 =	vnsel vm0, $0x0, v51;
	v52 =	vmul.f32 v31, v30;
	(erf) = vpow2.f32 v56  }
0x22c: {  	[tilespmem:$0xEE0] =	vst v28;
	vm0 =	vmor vm10, vm8;
	v56 =	vmul.f32 v29, v28;
	v28 =	vmul.f32 v43, v42  }
0x22d: {  	[tilespmem:$0xCC0] =	vst v24;
	v7 =	vsel vm4, v7, v4;
	v10 =	vmul.f32 $6.931471820e-01, v54;
	v13 =	vmul.f32 v59, v63  }
0x22e: {  	[tilespmem:$0xEC0] =	vst v25;
	v63 =	vmul.f32 v60, v17;
	v55 =	vshrl.u32 v5, $0x17;
	v59 =	vand.u32 $0x8000, v49  }
0x22f: {  	[tilespmem:$0xCF0] =	vst v31;
	v60 =	vand.u32 $0x7F, v6;
	v6 =	vand.u32 $0x8000, v6;
	vm14 =	vlt.s32 v5, $0x0  }
0x230: {  	v31 =	vshrl.u32 v5, $0x7;
	[tilespmem:$0xB50] =	vst v28;
	v28 =	vmul.f32 v1, v3;
	vm5 =	veq.s32 v59, $0x0  }
0x231: {  	[tilespmem:$0xCD0] =	vst v26;
	v21 =	vcvt.s32.f32 v60;
	v4 =	vadd.f32 v13, v58;
	v13 =	vand.u32 $0xFF, v55  }
0x232: {  	[tilespmem:$0xAB0] =	vst v12;
	v50 =	vld [tilespmem:$0x9B0];
	v10 =	vmul.f32 $1.442695020e+00, v10;
	v60 =	vmul.f32 v36, v37;
	v58 =	vadd.s32 $0xFFFFFF81, v13  }
0x233: {  	[tilespmem:$0xAA0] =	vst v0;
	v54 =	vld [tilespmem:$0x5C0];
	vm13 =	veq.s32 v6, $0x0;
	v0 =	vadd.f32 v63, v62;
	v12 =	vcvt.s32.f32 v58  }
0x234: {  	[tilespmem:$0xAE0] =	vst v56;
	v56 =	vld [tilespmem:$0x7C0];
	v62 =	vshrl.u32 v5, $0x10;
	v55 =	vsub.f32 $1.000000000e+00, v8;
	v8 =	vnsel vm0, $0x0, v8  }
0x235: {  	[tilespmem:$0xAC0] =	vst v15;
	v63 =	vmul.f32 $7.812500000e-03, v21;
	v15 =	vand.u32 $0x7F, v62;
	v12 =	vmul.f32 $6.931471820e-01, v12  }
0x236: {  	[tilespmem:$0xED0] =	vst v27;
	v21 =	vmul.f32 $1.562500000e-02, v21;
	vm9 =	veq.s32 v13, $0x0;
	v15 =	vcvt.s32.f32 v15  }
0x237: {  	[tilespmem:$0xCE0] =	vst v29;
	v62 =	vsub.f32 $1.000000000e+00, v11;
	v58 =	vmul.f32 v33, v35;
	v12 =	vmul.f32 $1.442695020e+00, v12  }
0x238: {  	[tilespmem:$0xEF0] =	vst v30;
	v59 =	vmul.f32 v55, v50;
	vm11 =	vlt.f32 v54, $0.0e+00;
	v57 =	vpop (erf);
	(erf) = vpow2.f32 v10  }
0x239: {  	[tilespmem:$0xD00] =	vst v32;
	vm12 =	vgt.f32 v54, $0.0e+00;
	v18 =	vmul.f32 v62, v56;
	v61 =	vpop (erf);
	(erf) = vpow2.f32 v12  }
0x23a: {  	[tilespmem:$0xF00] =	vst v34;
	v10 =	vadd.f32 $1.000000000e+00, v63;
	v49 =	vmul.f32 $7.812500000e-03, v15;
	v51 =	vmul.f32 $1.562500000e-02, v15  }
0x23b: {  	[tilespmem:$0xD10] =	vst v33;
	v63 =	vmul.f32 v41, v40;
	v8 =	vadd.f32 v59, v8;
	v59 =	vmul.f32 v44, v45  }
0x23c: {  	[tilespmem:$0xF10] =	vst v35;
	v9 =	vmul.f32 v57, v9;
	v57 =	vmul.f32 v32, v34;
	v32 =	vand.u32 $0x7F, v5  }
0x23d: {  	[tilespmem:$0xD20] =	vst v36;
	v5 =	vand.u32 $0x8000, v5;
	v7 =	vmul.f32 v61, v7;
	v10 =	vsel vm7, v21, v10  }
0x23e: {  	[tilespmem:$0xF20] =	vst v37;
	v61 =	vmul.f32 v38, v39;
	v14 =	vcvt.s32.f32 v32;
	v24 =	vsub.f32 $0.0e+00, v9  }
0x23f: {  	[tilespmem:$0xB40] =	vst v63;
	v63 =	vmul.f32 v47, v46;
	v25 =	vsub.f32 $0.0e+00, v7;
	v12 =	vadd.f32 $1.000000000e+00, v49  }
0x240: {  	[tilespmem:$0xAD0] =	vst v16;
	vm8 =	veq.s32 v5, $0x0;
	v49 =	vmul.f32 $7.812500000e-03, v14;
	v14 =	vmul.f32 $1.562500000e-02, v14  }
0x241: {  	[tilespmem:$0xB00] =	vst v57;
	v57 =	vld [tilespmem:$0x7D0];
	v9 =	vsel vm5, v9, v24;
	v16 =	vsel vm6, v25, v7;
	v12 =	vsel vm9, v51, v12;
	v26 =	vpop (erf)  }
0x242: {  	[tilespmem:$0xD30] =	vst v38;
	v36 =	vld [tilespmem:$0x9C0];
	v7 =	vsel vm0, v0, v17;
	v25 =	vmul.f32 v11, v54;
	v51 =	vsub.f32 $1.000000000e+00, v9;
	v27 =	vpop (erf)  }
0x243: {  	[tilespmem:$0xAF0] =	vst v52;
	v52 =	vadd.f32 $1.000000000e+00, v49;
	v10 =	vmul.f32 v26, v10;
	v11 =	vmul.f32 v27, v12;
	v12 =	vld [tilespmem:$0x3F0]  }
0x244: {  	[tilespmem:$0xB30] =	vst v61;
	vm0 =	vmor vm12, vm11;
	v61 =	vsub.f32 $1.000000000e+00, v16;
	v0 =	vadd.f32 v18, v25  }
0x245: {  	[tilespmem:$0xF30] =	vst v39;
	v54 =	vld [tilespmem:$0x5D0];
	v9 =	vnsel vm0, $0x0, v9;
	v29 =	vsub.f32 $0.0e+00, v10;
	v30 =	vsub.f32 $0.0e+00, v11  }
0x246: {  	[tilespmem:$0xD40] =	vst v41;
	v25 =	vmul.f32 v48, v53;
	v13 =	vmul.f32 v61, v57;
	v6 =	vsel vm0, v0, v56  }
0x247: {  	[tilespmem:$0xF40] =	vst v40;
	v0 =	vsel vm13, v10, v29;
	v10 =	vsel vm14, v30, v11;
	v11 =	vand.u32 $0xFF, v31  }
0x248: {  	[tilespmem:$0xD50] =	vst v43;
	v56 =	vmul.f32 v51, v36;
	v33 =	vshrl.u32 v12, $0x17;
	v34 =	vadd.s32 $0xFFFFFF81, v11  }
0x249: {  	[tilespmem:$0xF50] =	vst v42;
	v35 =	vshrl.u32 v12, $0x7;
	v18 =	vand.u32 $0xFF, v33;
	v19 =	vcvt.s32.f32 v34  }
0x24a: {  	[tilespmem:$0xD60] =	vst v44;
	vm4 =	vlt.f32 v54, $0.0e+00;
	v20 =	vand.u32 $0xFF, v35;
	v37 =	vadd.s32 $0xFFFFFF81, v18  }
0x24b: {  	[tilespmem:$0xF70] =	vst v46;
	v46 =	vld [tilespmem:$0x5F0];
	v50 =	vadd.s32 $0xFFFFFF81, v20;
	v21 =	vcvt.s32.f32 v37;
	v19 =	vmul.f32 $6.931471820e-01, v19  }
0x24c: {  	[tilespmem:$0xF60] =	vst v45;
	v16 =	vmul.f32 v16, v54;
	v9 =	vadd.f32 v56, v9;
	v23 =	vcvt.s32.f32 v50  }
0x24d: {  	[tilespmem:$0xD70] =	vst v47;
	vm5 =	vgt.f32 v54, $0.0e+00;
	v21 =	vmul.f32 $6.931471820e-01, v21;
	v19 =	vmul.f32 $1.442695020e+00, v19  }
0x24e: {  	[tilespmem:$0xD80] =	vst v48;
	v36 =	vld [tilespmem:$0x5E0];
	v13 =	vadd.f32 v13, v16;
	v38 =	vmul.f32 v6, v9;
	v55 =	vmul.f32 $6.931471820e-01, v23  }
0x24f: {  	[tilespmem:$0xF80] =	vst v53;
	v24 =	vld [tilespmem:$0x9D0];
	vm0 =	vmor vm5, vm4;
	v21 =	vmul.f32 $1.442695020e+00, v21;
	(erf) = vpow2.f32 v19  }
0x250: {  	[tilespmem:$0xB10] =	vst v58;
	vm13 =	vlt.f32 v46, $0.0e+00;
	v13 =	vsel vm0, v13, v57;
	v58 =	vmul.f32 $1.442695020e+00, v55  }
0x251: {  	[tilespmem:$0xB20] =	vst v60;
	v27 =	vsub.f32 $1.000000000e+00, v0;
	v60 =	vshrl.u32 v12, $0x10;
	(erf) = vpow2.f32 v21  }
0x252: {  	[tilespmem:$0xD90] =	vst v1;
	v0 =	vnsel vm0, $0x0, v0;
	v21 =	vand.u32 $0x7F, v60;
	(erf) = vpow2.f32 v58  }
0x253: {  	[tilespmem:$0xF90] =	vst v3;
	vm11 =	vlt.f32 v36, $0.0e+00;
	vm12 =	vgt.f32 v36, $0.0e+00;
	v62 =	vcvt.s32.f32 v21  }
0x254: {  	[tilespmem:$0xDA0] =	vst v2;
	v15 =	vmul.f32 v27, v24;
	v31 =	vmul.f32 v2, v4;
	v26 =	vand.u32 $0x7F, v12  }
0x255: {  	[tilespmem:$0xB90] =	vst v28;
	vm0 =	vmor vm12, vm11;
	v16 =	vcvt.s32.f32 v26;
	v21 =	vmul.f32 $7.812500000e-03, v62  }
0x256: {  	[tilespmem:$0xFA0] =	vst v4;
	vm14 =	vgt.f32 v46, $0.0e+00;
	vm15 =	veq.s32 v11, $0x0;
	v0 =	vadd.f32 v15, v0  }
0x257: {  	[tilespmem:$0xB60] =	vst v59;
	v29 =	vmul.f32 $7.812500000e-03, v16;
	v19 =	vmul.f32 $1.562500000e-02, v62;
	v21 =	vadd.f32 $1.000000000e+00, v21  }
0x258: {  	[tilespmem:$0xFB0] =	vst v8;
	v14 =	vsel vm15, v14, v52;
	vm6 =	veq.s32 v18, $0x0;
	v16 =	vmul.f32 $1.562500000e-02, v16;
	v30 =	vpop (erf)  }
0x259: {  	[tilespmem:$0xB70] =	vst v63;
	v18 =	vsel vm6, v19, v21;
	v19 =	vadd.f32 $1.000000000e+00, v29;
	v14 =	vmul.f32 v30, v14  }
0x25a: {  	v39 =	vld [tilespmem:$0x7E0];
	[tilespmem:$0xDB0] =	vst v7;
	vm9 =	vlt.s32 v12, $0x0;
	v42 =	vand.u32 $0x8000, v12;
	vm7 =	veq.s32 v20, $0x0;
	v32 =	vpop (erf)  }
0x25b: {  	v40 =	vld [tilespmem:$0x9E0];
	[tilespmem:$0xB80] =	vst v25;
	v34 =	vsel vm7, v16, v19;
	v35 =	vsub.f32 $0.0e+00, v14;
	v18 =	vmul.f32 v32, v18;
	v37 =	vpop (erf)  }
0x25c: {  	[tilespmem:$0xDC0] =	vst v6;
	v45 =	vsub.f32 $1.000000000e+00, v10;
	v49 =	vmul.f32 v10, v36;
	v1 =	vmul.f32 v37, v34  }
0x25d: {  	v48 =	vld [tilespmem:$0x7F0];
	[tilespmem:$0xFC0] =	vst v9;
	v33 =	vmul.f32 v7, v8;
	v14 =	vsel vm8, v14, v35;
	v41 =	vsub.f32 $0.0e+00, v18  }
0x25e: {  	v51 =	vld [tilespmem:$0x9F0];
	[tilespmem:$0xBC0] =	vst v38;
	vm10 =	veq.s32 v42, $0x0;
	v43 =	vsub.f32 $0.0e+00, v1;
	v47 =	vsub.f32 $1.000000000e+00, v14  }
0x25f: {  	[tilespmem:$0xDD0] =	vst v13;
	v53 =	vmul.f32 v13, v0;
	v50 =	vmul.f32 v45, v39;
	v44 =	vsel vm9, v41, v18  }
0x260: {  	[tilespmem:$0xBA0] =	vst v31;
	v1 =	vsel vm10, v1, v43;
	v52 =	vmul.f32 v47, v40;
	v56 =	vsub.f32 $1.000000000e+00, v44  }
0x261: {  	[tilespmem:$0xFD0] =	vst v0;
	v54 =	vadd.f32 v50, v49;
	v55 =	vnsel vm0, $0x0, v14;
	v58 =	vsub.f32 $1.000000000e+00, v1  }
0x262: {  	[tilespmem:$0xBB0] =	vst v33;
	v2 =	vmul.f32 v44, v46;
	v57 =	vadd.f32 v52, v55;
	v59 =	vmul.f32 v56, v48  }
0x263: {  	vm15 =	vmor vm14, vm13;
	[tilespmem:$0xBD0] =	vst v53;
	v3 =	vsel vm0, v54, v39;
	v60 =	vmul.f32 v58, v51  }
0x264: {  	[tilespmem:$0xDE0] =	vst v3;
	v1 =	vnsel vm15, $0x0, v1;
	v2 =	vadd.f32 v59, v2;
	v61 =	vmul.f32 v3, v57  }
0x265: {  	[tilespmem:$0xFE0] =	vst v57;
	v62 =	vadd.f32 v60, v1  }
0x266: {  	[tilespmem:$0xBE0] =	vst v61;
	v63 =	vsel vm15, v2, v48  }
0x267: {  	v2 =	vmul.f32 v63, v62;
	[tilespmem:$0xDF0] =	vst v63  }
0x268: {  	[tilespmem:$0xFF0] =	vst v62  }
0x269: {  	[tilespmem:$0xBF0] =	vst v2  }
0x26a: {  	[hbm4b:s8+s3] =	stream.linear.scatter [tilespmem:s25], [sflag:$0x3], $0x200, $0x38;
	[tilespmem:$0x1000] =	vst v63  }
0x26b: {  	_ = 	snop  }
0x26c: {  	[hbm4b:s9+s3] =	stream.linear.scatter [tilespmem:s26], [sflag:$0x3], $0x200, $0x38;
	[tilespmem:$0x1000] =	vst v63  }
0x26d: {  	_ = 	snop  }
0x26e: {  	[hbm4b:s10+s3] =	stream.linear.scatter [tilespmem:s28], [sflag:$0x3], $0x200, $0x38;
	[tilespmem:$0x1000] =	vst v63  }
0x26f: {  	_ =	swait.ge [sflag:s29], $0x200  }
0x270: {  	[sflag:s29] =	ssyncset.done $0x0  }
0x271: {  	[sflag:s29] =	ssyncadd.s32 $0xFFFFFE00  }
0x272: {  	p0 =	sne.s32 s11, $0x1;
	_ =	swait.ge [sflag:s29], $0x200  }
.Ltmp0:
0x273: {  	[sflag:s29] =	ssyncset.done $0x0;
	(pc) =	sbr.rel @p0 .LBB2_1-.Ltmp0, $4  }
0x274: {  	[sflag:s29] =	ssyncadd.s32 $0xFFFFFE00  }
0x275: {  	_ =	swait.ge [sflag:s29], $0x200  }
0x276: {  	[sflag:s29] =	ssyncset.done $0x0  }
0x277: {  	s11 =	sadd.s32 $0xFFFFFFFF, s11;
	[sflag:s29] =	ssyncadd.s32 $0xFFFFFE00  }
0x278: {  	_ =	sfence.sel $0x180000  }
0x279: {  	[bflag:$0x0] =	sbarrier.arrive $0xFFFF  }
0x27a: {  	p0 =	sne.s32 s2, $0x0;
	_ =	strace $0x90000047  }
0x27b: {  	s0 =	sadd.s32 @!p0 $0x100000, s0;
	[bflag:$0x2] =	sbarrier.arrive $0xFFFF  }
0x27c: {  	[sflag:s0] =	ssyncadd.tile.s32 @!p0 $0x1;
	_ =	shalt  }
.Lfunc_end2:
_tile_overlayer_lowered:
.L_overlay_start_2:
0x27d: {  	(tag) =	ssettag $0x2  }
0x27e: {  	s0 =	rddreg [dreg:$0x0];
	s2 =	stileid.u32  }
0x27f: {  	s1 =	rddreg [dreg:$0x1];
	p0 =	sne.s32 s2, $0x0  }
0x280: {  	s3 =	rddreg [dreg:$0x2];
	[bflag:$0x3] =	sbarrier.arrive $0xFFFF;
	s2 =	simm.s32 @!p0 $0x1C04  }
0x281: {  	[timem:s3], [sflag:s2] =	dma.local @!p0 [hbm:s0], s1  }
0x282: {  	s0 =	simm.s32 @!p0 $0x4  }
0x283: {  	_ =	swait.ge @!p0 [sflag:s0], s1  }
0x284: {  	s1 =	ssub.s32 @!p0 $0x0, s1;
	[sflag:s0] =	ssyncset.done @!p0 $0x0  }
0x285: {  	[sflag:s0] =	ssyncadd.s32 @!p0 s1  }
0x286: {  	[bflag:$0x3] =	sbarrier.arrive $0xFFFF  }
0x287: {  	_ =	shalt  }

</sc_bundles>
